<compile_context>
chip_gen: v7x
topology: tpu7x:2x2x1
jax: 0.10.2.dev20260603
libtpu: 0.0.44.dev20260713+nightly
codegen_flags: <defaults>
</compile_context>

<pallas_src>
import functools

import jax
import jax.numpy as jnp
from jax import lax
from jax.experimental import pallas as pl
from jax.experimental.pallas import tpu as pltpu
from jax.experimental.pallas import tpu_sc as plsc

D = 128
D3 = D * D * D
KV = 27
CIN = 32
COUT = 32
NC = 2
NS = 16
NW = NC * NS
L = 16

_SC_PARAMS = dict(
    compiler_params=pltpu.CompilerParams(
        use_tc_tiling_on_sc=False, needs_layout_passes=False
    ),
)


def _mesh():
    return plsc.VectorSubcoreMesh(
        core_axis_name="c", subcore_axis_name="s", num_cores=NC, num_subcores=NS
    )


def _build_table(keys_pad, n_real):
    npad = keys_pad.shape[0]
    kchunk = 2048
    assert npad % kchunk == 0
    nchunks = npad // kchunk
    SL = D3 // NW
    SW = SL // 32

    @functools.partial(
        pl.kernel,
        out_type=[
            jax.ShapeDtypeStruct((D3,), jnp.int32),
            jax.ShapeDtypeStruct((D3 // 32,), jnp.int32),
        ],
        mesh=_mesh(),
        scratch_types=[
            pltpu.VMEM((SL + L,), jnp.int32),
            pltpu.VMEM((kchunk,), jnp.int32),
            pltpu.VMEM((SW,), jnp.int32),
        ],
        **_SC_PARAMS,
    )
    def k(keys_hbm, table_hbm, bmp_hbm, tbl_v, kbuf, bmp_v):
        wid = lax.axis_index("s") * NC + lax.axis_index("c")
        base = wid * SL
        nfill = jnp.full((L,), n_real, jnp.int32)

        @pl.loop(0, SL, step=L)
        def _(i):
            tbl_v[pl.ds(i, L)] = nfill

        iot = lax.iota(jnp.int32, L)

        @pl.loop(0, nchunks)
        def _(c):
            pltpu.sync_copy(keys_hbm.at[pl.ds(c * kchunk, kchunk)], kbuf)

            @pl.loop(0, kchunk, step=L)
            def _(g):
                k16 = kbuf[pl.ds(g, L)]
                loc = k16 - base
                m = (loc >= 0) & (loc < SL)
                loc = jnp.where(m, loc, SL)
                ids = c * kchunk + g + iot
                plsc.store_scatter(tbl_v, [loc], ids)

        iot32 = iot * 32

        @pl.loop(0, SW, step=L)
        def _(w0):
            acc = jnp.zeros((L,), jnp.int32)
            for b in range(32):
                occ = plsc.load_gather(tbl_v, [w0 * 32 + iot32 + b])
                bitc = (1 << b) if b < 31 else -(1 << 31)
                acc = acc | jnp.where(occ != n_real, bitc, 0)
            bmp_v[pl.ds(w0, L)] = acc

        pltpu.sync_copy(tbl_v.at[pl.ds(0, SL)], table_hbm.at[pl.ds(base, SL)])
        pltpu.sync_copy(bmp_v, bmp_hbm.at[pl.ds(wid * SW, SW)])

    return k(keys_pad)


def _matmul(x, wflat, w13, bias2d):
    m = x.shape[0]
    bm = 512
    assert m % bm == 0

    def body(x_ref, w_ref, w13_ref, b_ref, y_ref, z_ref):
        xv = x_ref[...]
        y_ref[...] = jnp.dot(xv, w_ref[...], preferred_element_type=jnp.float32)
        z_ref[...] = (
            jnp.dot(xv, w13_ref[...], preferred_element_type=jnp.float32)
            + b_ref[...]
        )

    return pl.pallas_call(
        body,
        grid=(m // bm,),
        in_specs=[
            pl.BlockSpec((bm, CIN), lambda i: (i, 0)),
            pl.BlockSpec((CIN, KV * COUT), lambda i: (0, 0)),
            pl.BlockSpec((CIN, COUT), lambda i: (0, 0)),
            pl.BlockSpec((1, COUT), lambda i: (0, 0)),
        ],
        out_specs=[
            pl.BlockSpec((bm, KV * COUT), lambda i: (i, 0)),
            pl.BlockSpec((bm, COUT), lambda i: (i, 0)),
        ],
        out_shape=[
            jax.ShapeDtypeStruct((m, KV * COUT), jnp.float32),
            jax.ShapeDtypeStruct((m, COUT), jnp.float32),
        ],
    )(x, wflat, w13, bias2d)


def _gather_sum(keys_pad, table, bmp, y2, z, n_real):
    npad = keys_pad.shape[0]
    PW = npad // NW
    C = 128
    assert PW % C == 0
    nch = PW // C
    CAPR = 26 * C
    DUMP = CAPR + 128
    CAP = DUMP + L
    NBMAX = (CAPR + 127) // 128
    BW = D3 // 32

    @functools.partial(
        pl.kernel,
        out_type=[
            jax.ShapeDtypeStruct((npad, COUT), jnp.float32),
            jax.ShapeDtypeStruct((NW, nch, CAP), jnp.int32),
            jax.ShapeDtypeStruct((NW, nch, CAP), jnp.int32),
        ],
        mesh=_mesh(),
        scratch_types=[
            pltpu.VMEM((PW,), jnp.int32),
            pltpu.VMEM((BW,), jnp.int32),
            pltpu.VMEM((CAP,), jnp.int32),
            pltpu.VMEM((CAP,), jnp.int32),
            pltpu.VMEM((128,), jnp.int32),
            pltpu.VMEM((128, COUT), jnp.float32),
            pltpu.VMEM((C + 1, COUT), jnp.float32),
            pltpu.SMEM((32,), jnp.int32),
            pltpu.SemaphoreType.DMA,
        ],
        **_SC_PARAMS,
    )
    def k(keys_hbm, table_hbm, bmp_hbm, y_hbm, z_hbm,
          out_hbm, ck_hbm, ca_hbm,
          kbuf, bmp_v, cand_k, cand_a, tvb, ybuf, acc, nbuf, sem):
        wid = lax.axis_index("s") * NC + lax.axis_index("c")
        wbase = wid * PW
        pltpu.sync_copy(keys_hbm.at[pl.ds(wbase, PW)], kbuf)
        pltpu.sync_copy(bmp_hbm, bmp_v)
        iot = lax.iota(jnp.int32, L)

        @pl.loop(0, nch)
        def _(c):
            cbase = c * C

            def grp(pg, off):
                key16 = kbuf[pl.ds(cbase + pg * L, L)]
                x = key16 & (D - 1)
                y = (key16 >> 7) & (D - 1)
                zz = key16 >> 14
                pab = (pg * L + iot) * 32
                mxm = x >= 1
                mxp = x <= D - 2
                mym = y >= 1
                myp = y <= D - 2
                mzm = zz >= 1
                mzp = zz <= D - 2
                for kk in range(KV):
                    if kk == KV // 2:
                        continue
                    dz = kk // 9 - 1
                    dy = (kk // 3) % 3 - 1
                    dx = kk % 3 - 1
                    delta = (dz * D + dy) * D + dx
                    m = None
                    for cond, neg, pos in (
                        (dx, mxm, mxp), (dy, mym, myp), (dz, mzm, mzp)
                    ):
                        if cond < 0:
                            m = neg if m is None else (m & neg)
                        elif cond > 0:
                            m = pos if m is None else (m & pos)
                    nkey = jnp.where(m, key16 + delta, 0)
                    wvec = plsc.load_gather(bmp_v, [nkey >> 5])
                    bit = (wvec >> (nkey & 31)) & 1
                    found = m & (bit != 0)
                    fi = jnp.where(found, 1, 0)
                    cum = plsc.cumsum(fi)
                    tot = plsc.all_reduce_population_count(found)
                    pos_ = jnp.where(found, off + cum - 1, DUMP)
                    plsc.store_scatter(cand_k, [pos_], nkey)
                    plsc.store_scatter(cand_a, [pos_], pab + kk)
                    off = off + tot
                return off

            off = lax.fori_loop(0, C // L, grp, jnp.zeros((L,), jnp.int32))
            r_cnt = jnp.max(off)

            zpad = jnp.zeros((L,), jnp.int32)
            apad = jnp.full((L,), C * 32, jnp.int32)
            for j in range(8):
                pidx = r_cnt + j * L + iot
                plsc.store_scatter(cand_k, [pidx], zpad)
                plsc.store_scatter(cand_a, [pidx], apad)

            nbuf[c] = (r_cnt + 127) // 128
            pltpu.sync_copy(cand_k, ck_hbm.at[wid, c])
            pltpu.sync_copy(cand_a, ca_hbm.at[wid, c])

        @pl.loop(0, nch)
        def _(c):
            cbase = c * C
            pltpu.sync_copy(
                z_hbm.at[pl.ds(wbase + cbase, C)], acc.at[pl.ds(0, C)]
            )
            pltpu.sync_copy(ck_hbm.at[wid, c], cand_k)
            pltpu.sync_copy(ca_hbm.at[wid, c], cand_a)
            nb = nbuf[c]

            @pl.loop(0, NBMAX)
            def _(b):
                @pl.when(b < nb)
                def _():
                    bb = b * 128
                    descs = []
                    for cg in range(8):
                        idxv = cand_k[pl.ds(bb + cg * L, L)]
                        descs.append(pltpu.async_copy(
                            table_hbm.at[plsc.Indices(idxv)],
                            tvb.at[pl.ds(cg * L, L)], sem))
                    for d in descs:
                        d.wait()
                    descs = []
                    for cg in range(8):
                        tv = tvb[pl.ds(cg * L, L)]
                        a16 = cand_a[pl.ds(bb + cg * L, L)]
                        rowv = tv * KV + (a16 & 31)
                        descs.append(pltpu.async_copy(
                            y_hbm.at[plsc.Indices(rowv)],
                            ybuf.at[pl.ds(cg * L, L)], sem))
                    for d in descs:
                        d.wait()
                    for cg in range(8):
                        a16 = cand_a[pl.ds(bb + cg * L, L)]
                        dstp = a16 >> 5
                        rows = cg * L + iot
                        for h in range(COUT):
                            hv = jnp.full((L,), h, jnp.int32)
                            vals = plsc.load_gather(ybuf, [rows, hv])
                            plsc.addupdate_scatter(acc, [dstp, hv], vals)

            pltpu.sync_copy(
                acc.at[pl.ds(0, C)], out_hbm.at[pl.ds(wbase + cbase, C)]
            )

    return k(keys_pad, table, bmp, y2, z)[0]


def kernel(features, coords, num_frames, weight, bias):
    n = features.shape[0]
    del num_frames
    blk = NW * 128
    npad = ((n + blk) // blk) * blk
    keys = (coords[:, 1] * D + coords[:, 2]) * D + coords[:, 3]
    keys = keys.astype(jnp.int32)
    keys_tb = jnp.concatenate(
        [keys, jnp.full((npad - n,), -1, jnp.int32)])
    table, bmp = _build_table(keys_tb, n)

    feats_mm = jnp.concatenate(
        [features, jnp.zeros((npad - n, CIN), jnp.float32)])
    wflat = weight.transpose(1, 0, 2).reshape(CIN, KV * COUT)
    w13 = weight[KV // 2]
    y, z = _matmul(feats_mm, wflat, w13, bias.reshape(1, COUT))
    y2 = y.reshape(npad * KV, COUT)

    out = _gather_sum(keys_tb, table, bmp, y2, z, n)
    return out[:n]

# --- scband reference (transcript-rebuilt; emitter-appended) ---
"""Pipeline reference for scband-sparse-conv3d-4080218931334 (READ-ONLY COPY).

The authoritative reference and input builder live on the scoring server;
editing this copy changes nothing except your own understanding.
"""

import jax, jax.numpy as jnp
import numpy as np

N = 100000
C_IN = 32
C_OUT = 32
K = 3
D = 128  # spatial extent per axis (grid 128^3)


def setup_inputs(seed: int = 0) -> dict:
    rng = np.random.default_rng(0)
    lin = rng.choice(D * D * D, size=N, replace=False)
    z = (lin // (D * D)).astype(np.int32)
    y = ((lin // D) % D).astype(np.int32)
    x = (lin % D).astype(np.int32)
    coords = np.stack([np.zeros(N, np.int32), z, y, x], axis=1)  # (batch, z, y, x)
    key = jax.random.key(seed)
    k1, k2, k3 = jax.random.split(key, 3)
    features = jax.random.normal(k1, (N, C_IN), dtype=jnp.float32)
    fan_in = C_IN * K * K * K
    weight = jax.random.normal(k2, (K * K * K, C_IN, C_OUT), dtype=jnp.float32) * (1.0 / np.sqrt(fan_in))
    bias = jax.random.normal(k3, (C_OUT,), dtype=jnp.float32) * 0.01
    return {
        "features": features,
        "coords": jnp.asarray(coords),
        "num_frames": 1,
        "weight": weight,
        "bias": bias,
    }


def _subm_conv3d(features, coords, weight, bias):
    # Faithful submanifold sparse 3D conv (stride=1, padding=None path -> SubMConv3d):
    # output sites == input sites; for each kernel offset, gather the neighbor
    # feature (if active) and apply the per-offset [C_in, C_out] weight slice.
    n = features.shape[0]
    b = coords[:, 0].astype(jnp.int64)
    z = coords[:, 1].astype(jnp.int64)
    y = coords[:, 2].astype(jnp.int64)
    x = coords[:, 3].astype(jnp.int64)
    keys = ((b * D + z) * D + y) * D + x
    order = jnp.argsort(keys)
    sorted_keys = keys[order]
    feats_pad = jnp.concatenate([features, jnp.zeros((1, features.shape[1]), features.dtype)], axis=0)
    out = jnp.zeros((n, C_OUT), features.dtype)
    r = K // 2
    kidx = 0
    for dz in range(-r, r + 1):
        for dy in range(-r, r + 1):
            for dx in range(-r, r + 1):
                nz = z + dz
                ny = y + dy
                nx = x + dx
                valid = (nz >= 0) & (nz < D) & (ny >= 0) & (ny < D) & (nx >= 0) & (nx < D)
                nkey = ((b * D + nz) * D + ny) * D + nx
                pos = jnp.searchsorted(sorted_keys, nkey)
                pos_c = jnp.clip(pos, 0, n - 1)
                found = valid & (sorted_keys[pos_c] == nkey)
                src = jnp.where(found, order[pos_c], n)  # n -> padded zero row
                gathered = jnp.take(feats_pad, src, axis=0)
                out = out + gathered @ weight[kidx]
                kidx += 1
    return out + bias


def reference(features, coords, num_frames, weight, bias):
    # stride == 1 and padding is None -> SubMConv3d branch; spatial_changed is False,
    # so no coordinate re-sorting happens; output features are just the conv output.
    new_features = _subm_conv3d(features, coords, weight, bias)
    return new_features

if __name__ == "__main__":
    import jax
    _d = setup_inputs()
    print(jax.jit(kernel)(*tuple(_d.values())))

</pallas_src>

<mosaic_0001>
#map = affine_map<(d0, d1) -> (0)>
#map1 = affine_map<(d0, d1) -> (0, 0)>
#map2 = affine_map<(d0, d1) -> (0, 0, 0)>
module attributes {stable_mosaic.version = 14 : i64} {
  func.func @k(%arg0: i32, %arg1: i32, %arg2: memref<102400xi32, #tpu.memory_space<hbm>>, %arg3: memref<2097152xi32, #tpu.memory_space<hbm>>, %arg4: memref<65536xi32, #tpu.memory_space<hbm>>, %arg5: memref<2764800x32xf32, #tpu.memory_space<hbm>>, %arg6: memref<102400x32xf32, #tpu.memory_space<hbm>>, %arg7: memref<102400x32xf32, #tpu.memory_space<hbm>>, %arg8: memref<32x25x3472xi32, #tpu.memory_space<hbm>>, %arg9: memref<32x25x3472xi32, #tpu.memory_space<hbm>>, %arg10: memref<3200xi32, #tpu.memory_space<vmem>>, %arg11: memref<65536xi32, #tpu.memory_space<vmem>>, %arg12: memref<3472xi32, #tpu.memory_space<vmem>>, %arg13: memref<3472xi32, #tpu.memory_space<vmem>>, %arg14: memref<128xi32, #tpu.memory_space<vmem>>, %arg15: memref<128x32xf32, #tpu.memory_space<vmem>>, %arg16: memref<129x32xf32, #tpu.memory_space<vmem>>, %arg17: memref<32xi32, #tpu.memory_space<smem>>, %arg18: memref<!tpu.dma_semaphore, #tpu.memory_space<semaphore_mem>>) attributes {dimension_semantics = [#tpu.dimension_semantics<core_parallel>, #tpu.dimension_semantics<subcore_parallel>], iteration_bounds = array<i64: 2, 16>, scalar_prefetch = 0 : i64, scratch_operands = 9 : i64, tpu.core_type = #tpu.core_type<sc_vector_subcore>, window_params = [{transform_indices = #map}, {transform_indices = #map}, {transform_indices = #map}, {transform_indices = #map1}, {transform_indices = #map1}, {transform_indices = #map1}, {transform_indices = #map2}, {transform_indices = #map2}]} {
    %mul3A = arith.constant 2 : i32
    %mul3A_0 = arith.muli %arg1, %mul3A : i32
    %add3A = arith.addi %mul3A_0, %arg0 : i32
    %mul3A_1 = arith.constant 3200 : i32
    %mul3A_2 = arith.muli %add3A, %mul3A_1 : i32
    "tpu.region"() ({
      %run_scoped3A = tpu.sem_alloc : memref<!tpu.dma_semaphore, #tpu.memory_space<semaphore_mem>>
      %dma_start3A = tpu.memref_slice %arg2[%mul3A_2] : memref<102400xi32, #tpu.memory_space<hbm>> -> memref<3200xi32, #tpu.memory_space<hbm>>
      %dma_start3A_12 = tpu.memref_slice %arg2[%mul3A_2] : memref<102400xi32, #tpu.memory_space<hbm>> -> memref<3200xi32, #tpu.memory_space<hbm>>
      tpu.enqueue_dma source(%dma_start3A_12 : memref<3200xi32, #tpu.memory_space<hbm>>) target(%arg10 : memref<3200xi32, #tpu.memory_space<vmem>>) target_semaphore(%run_scoped3A : memref<!tpu.dma_semaphore, #tpu.memory_space<semaphore_mem>>)
      %dma_wait3A = tpu.memref_slice %arg2[%mul3A_2] : memref<102400xi32, #tpu.memory_space<hbm>> -> memref<3200xi32, #tpu.memory_space<hbm>>
      %dma_wait3A_13 = tpu.memref_slice %arg2[%mul3A_2] : memref<102400xi32, #tpu.memory_space<hbm>> -> memref<3200xi32, #tpu.memory_space<hbm>>
      tpu.wait_dma2 semaphore(%run_scoped3A : memref<!tpu.dma_semaphore, #tpu.memory_space<semaphore_mem>>) src(%dma_wait3A_13 : memref<3200xi32, #tpu.memory_space<hbm>>) dst(%arg10 : memref<3200xi32, #tpu.memory_space<vmem>>)
      tpu.yield
    }) : () -> ()
    "tpu.region"() ({
      %run_scoped3A = tpu.sem_alloc : memref<!tpu.dma_semaphore, #tpu.memory_space<semaphore_mem>>
      tpu.enqueue_dma source(%arg4 : memref<65536xi32, #tpu.memory_space<hbm>>) target(%arg11 : memref<65536xi32, #tpu.memory_space<vmem>>) target_semaphore(%run_scoped3A : memref<!tpu.dma_semaphore, #tpu.memory_space<semaphore_mem>>)
      tpu.wait_dma2 semaphore(%run_scoped3A : memref<!tpu.dma_semaphore, #tpu.memory_space<semaphore_mem>>) src(%arg4 : memref<65536xi32, #tpu.memory_space<hbm>>) dst(%arg11 : memref<65536xi32, #tpu.memory_space<vmem>>)
      tpu.yield
    }) : () -> ()
    %iota3A = tpu.iota {dimensions = array<i32: 0>} : vector<16xi32>
    %scan3A = arith.constant 0 : i32
    %scan3A_3 = arith.constant 25 : i32
    %scan3A_4 = arith.addi %scan3A, %scan3A_3 : i32
    %scan3A_5 = arith.constant 1 : i32
    scf.for %scan3A_12 = %scan3A to %scan3A_4 step %scan3A_5  : i32 {
      %mul3A_13 = arith.constant 1 : i32
      %mul3A_14 = arith.muli %scan3A_12, %mul3A_13 : i32
      %add3A_15 = arith.constant 0 : i32
      %add3A_16 = arith.addi %add3A_15, %mul3A_14 : i32
      %mul3A_17 = arith.constant 128 : i32
      %mul3A_18 = arith.muli %add3A_16, %mul3A_17 : i32
      %broadcast_in_dim3A = arith.constant 0 : i32
      %broadcast_in_dim3A_19 = vector.broadcast %broadcast_in_dim3A : i32 to vector<16xi32>
      %scan3A_20 = arith.constant 0 : i32
      %scan3A_21 = arith.constant 8 : i32
      %scan3A_22 = arith.addi %scan3A_20, %scan3A_21 : i32
      %scan3A_23 = arith.constant 1 : i32
      %scan3A_24 = scf.for %scan3A_88 = %scan3A_20 to %scan3A_22 step %scan3A_23 iter_args(%scan3A_89 = %broadcast_in_dim3A_19) -> (vector<16xi32>)  : i32 {
        %mul3A_90 = arith.constant 16 : i32
        %mul3A_91 = arith.muli %scan3A_88, %mul3A_90 : i32
        %add3A_92 = arith.addi %mul3A_18, %mul3A_91 : i32
        %get3A = arith.index_cast %add3A_92 : i32 to index
        %get3A_93 = tpu.vector_load %arg10[%get3A] {strides = array<i32>} : memref<3200xi32, #tpu.memory_space<vmem>>, vector<16xi32>,
        %and3A_94 = arith.constant 127 : i32
        %and3A_95 = vector.broadcast %and3A_94 : i32 to vector<16xi32>
        %and3A_96 = arith.andi %get3A_93, %and3A_95 : vector<16xi32>
        %shift_right_arithmetic3A = arith.constant 7 : i32
        %shift_right_arithmetic3A_97 = vector.broadcast %shift_right_arithmetic3A : i32 to vector<16xi32>
        %shift_right_arithmetic3A_98 = arith.shrsi %get3A_93, %shift_right_arithmetic3A_97 : vector<16xi32>
        %and3A_99 = arith.constant 127 : i32
        %and3A_100 = vector.broadcast %and3A_99 : i32 to vector<16xi32>
        %and3A_101 = arith.andi %shift_right_arithmetic3A_98, %and3A_100 : vector<16xi32>
        %shift_right_arithmetic3A_102 = arith.constant 14 : i32
        %shift_right_arithmetic3A_103 = vector.broadcast %shift_right_arithmetic3A_102 : i32 to vector<16xi32>
        %shift_right_arithmetic3A_104 = arith.shrsi %get3A_93, %shift_right_arithmetic3A_103 : vector<16xi32>
        %mul3A_105 = arith.constant 16 : i32
        %mul3A_106 = arith.muli %scan3A_88, %mul3A_105 : i32
        %add3A_107 = vector.broadcast %mul3A_106 : i32 to vector<16xi32>
        %add3A_108 = arith.addi %add3A_107, %iota3A : vector<16xi32>
        %mul3A_109 = arith.constant 32 : i32
        %mul3A_110 = vector.broadcast %mul3A_109 : i32 to vector<16xi32>
        %mul3A_111 = arith.muli %add3A_108, %mul3A_110 : vector<16xi32>
        %ge3A = arith.constant 1 : i32
        %ge3A_112 = vector.broadcast %ge3A : i32 to vector<16xi32>
        %ge3A_113 = arith.cmpi sge, %and3A_96, %ge3A_112 : vector<16xi32>
        %le3A = arith.constant 126 : i32
        %le3A_114 = vector.broadcast %le3A : i32 to vector<16xi32>
        %le3A_115 = arith.cmpi sle, %and3A_96, %le3A_114 : vector<16xi32>
        %ge3A_116 = arith.constant 1 : i32
        %ge3A_117 = vector.broadcast %ge3A_116 : i32 to vector<16xi32>
        %ge3A_118 = arith.cmpi sge, %and3A_101, %ge3A_117 : vector<16xi32>
        %le3A_119 = arith.constant 126 : i32
        %le3A_120 = vector.broadcast %le3A_119 : i32 to vector<16xi32>
        %le3A_121 = arith.cmpi sle, %and3A_101, %le3A_120 : vector<16xi32>
        %ge3A_122 = arith.constant 1 : i32
        %ge3A_123 = vector.broadcast %ge3A_122 : i32 to vector<16xi32>
        %ge3A_124 = arith.cmpi sge, %shift_right_arithmetic3A_104, %ge3A_123 : vector<16xi32>
        %le3A_125 = arith.constant 126 : i32
        %le3A_126 = vector.broadcast %le3A_125 : i32 to vector<16xi32>
        %le3A_127 = arith.cmpi sle, %shift_right_arithmetic3A_104, %le3A_126 : vector<16xi32>
        %and3A_128 = arith.andi %ge3A_113, %ge3A_118 : vector<16xi1>
        %and3A_129 = arith.andi %and3A_128, %ge3A_124 : vector<16xi1>
        %add3A_130 = arith.constant -16513 : i32
        %add3A_131 = vector.broadcast %add3A_130 : i32 to vector<16xi32>
        %add3A_132 = arith.addi %get3A_93, %add3A_131 : vector<16xi32>
        %jit3A_133 = arith.constant 0 : i32
        %broadcast_in_dim3A_134 = vector.broadcast %jit3A_133 : i32 to vector<16xi32>
        %select_n3A_135 = arith.select %and3A_129, %add3A_132, %broadcast_in_dim3A_134 : vector<16xi1>, vector<16xi32>
        %shift_right_arithmetic3A_136 = arith.constant 5 : i32
        %shift_right_arithmetic3A_137 = vector.broadcast %shift_right_arithmetic3A_136 : i32 to vector<16xi32>
        %shift_right_arithmetic3A_138 = arith.shrsi %select_n3A_135, %shift_right_arithmetic3A_137 : vector<16xi32>
        %gather3A = tpu.vector_load_idx %arg11[%shift_right_arithmetic3A_138] : memref<65536xi32, #tpu.memory_space<vmem>>[vector<16xi32>], vector<16xi32>,
        %and3A_139 = arith.constant 31 : i32
        %and3A_140 = vector.broadcast %and3A_139 : i32 to vector<16xi32>
        %and3A_141 = arith.andi %select_n3A_135, %and3A_140 : vector<16xi32>
        %shift_right_arithmetic3A_142 = arith.shrsi %gather3A, %and3A_141 : vector<16xi32>
        %and3A_143 = arith.constant 1 : i32
        %and3A_144 = vector.broadcast %and3A_143 : i32 to vector<16xi32>
        %and3A_145 = arith.andi %shift_right_arithmetic3A_142, %and3A_144 : vector<16xi32>
        %ne3A_146 = arith.constant 0 : i32
        %ne3A_147 = vector.broadcast %ne3A_146 : i32 to vector<16xi32>
        %ne3A_148 = arith.cmpi ne, %and3A_145, %ne3A_147 : vector<16xi32>
        %and3A_149 = arith.andi %and3A_129, %ne3A_148 : vector<16xi1>
        %jit3A_150 = arith.constant 1 : i32
        %jit3A_151 = arith.constant 0 : i32
        %broadcast_in_dim3A_152 = vector.broadcast %jit3A_150 : i32 to vector<16xi32>
        %broadcast_in_dim3A_153 = vector.broadcast %jit3A_151 : i32 to vector<16xi32>
        %select_n3A_154 = arith.select %and3A_149, %broadcast_in_dim3A_152, %broadcast_in_dim3A_153 : vector<16xi1>, vector<16xi32>
        %broadcast_in_dim3A_155 = arith.constant true
        %broadcast_in_dim3A_156 = vector.broadcast %broadcast_in_dim3A_155 : i1 to vector<16xi1>
        %masked_cumsum3A = tpu.scan <sum>, %select_n3A_154 masked %broadcast_in_dim3A_156 : vector<16xi32>, vector<16xi1> -> vector<16xi32>
        %all_reduce_population_count3A = tpu.all_reduce %and3A_149 {dim = 0 : i64, kind = #tpu.reduction_kind<sum>} : vector<16xi1> -> vector<16xi32>
        %add3A_157 = arith.addi %scan3A_89, %masked_cumsum3A : vector<16xi32>
        %sub3A_158 = arith.constant 1 : i32
        %sub3A_159 = vector.broadcast %sub3A_158 : i32 to vector<16xi32>
        %sub3A_160 = arith.subi %add3A_157, %sub3A_159 : vector<16xi32>
        %jit3A_161 = arith.constant 3456 : i32
        %broadcast_in_dim3A_162 = vector.broadcast %jit3A_161 : i32 to vector<16xi32>
        %select_n3A_163 = arith.select %and3A_149, %sub3A_160, %broadcast_in_dim3A_162 : vector<16xi1>, vector<16xi32>
        tpu.vector_store_idx %arg12[%select_n3A_163], %select_n3A_135 : memref<3472xi32, #tpu.memory_space<vmem>>[vector<16xi32>], vector<16xi32>,
        %add3A_164 = arith.constant 0 : i32
        %add3A_165 = vector.broadcast %add3A_164 : i32 to vector<16xi32>
        %add3A_166 = arith.addi %mul3A_111, %add3A_165 : vector<16xi32>
        tpu.vector_store_idx %arg13[%select_n3A_163], %add3A_166 : memref<3472xi32, #tpu.memory_space<vmem>>[vector<16xi32>], vector<16xi32>,
        %add3A_167 = arith.addi %scan3A_89, %all_reduce_population_count3A : vector<16xi32>
        %and3A_168 = arith.andi %ge3A_118, %ge3A_124 : vector<16xi1>
        %add3A_169 = arith.constant -16512 : i32
        %add3A_170 = vector.broadcast %add3A_169 : i32 to vector<16xi32>
        %add3A_171 = arith.addi %get3A_93, %add3A_170 : vector<16xi32>
        %jit3A_172 = arith.constant 0 : i32
        %broadcast_in_dim3A_173 = vector.broadcast %jit3A_172 : i32 to vector<16xi32>
        %select_n3A_174 = arith.select %and3A_168, %add3A_171, %broadcast_in_dim3A_173 : vector<16xi1>, vector<16xi32>
        %shift_right_arithmetic3A_175 = arith.constant 5 : i32
        %shift_right_arithmetic3A_176 = vector.broadcast %shift_right_arithmetic3A_175 : i32 to vector<16xi32>
        %shift_right_arithmetic3A_177 = arith.shrsi %select_n3A_174, %shift_right_arithmetic3A_176 : vector<16xi32>
        %gather3A_178 = tpu.vector_load_idx %arg11[%shift_right_arithmetic3A_177] : memref<65536xi32, #tpu.memory_space<vmem>>[vector<16xi32>], vector<16xi32>,
        %and3A_179 = arith.constant 31 : i32
        %and3A_180 = vector.broadcast %and3A_179 : i32 to vector<16xi32>
        %and3A_181 = arith.andi %select_n3A_174, %and3A_180 : vector<16xi32>
        %shift_right_arithmetic3A_182 = arith.shrsi %gather3A_178, %and3A_181 : vector<16xi32>
        %and3A_183 = arith.constant 1 : i32
        %and3A_184 = vector.broadcast %and3A_183 : i32 to vector<16xi32>
        %and3A_185 = arith.andi %shift_right_arithmetic3A_182, %and3A_184 : vector<16xi32>
        %ne3A_186 = arith.constant 0 : i32
        %ne3A_187 = vector.broadcast %ne3A_186 : i32 to vector<16xi32>
        %ne3A_188 = arith.cmpi ne, %and3A_185, %ne3A_187 : vector<16xi32>
        %and3A_189 = arith.andi %and3A_168, %ne3A_188 : vector<16xi1>
        %jit3A_190 = arith.constant 1 : i32
        %jit3A_191 = arith.constant 0 : i32
        %broadcast_in_dim3A_192 = vector.broadcast %jit3A_190 : i32 to vector<16xi32>
        %broadcast_in_dim3A_193 = vector.broadcast %jit3A_191 : i32 to vector<16xi32>
        %select_n3A_194 = arith.select %and3A_189, %broadcast_in_dim3A_192, %broadcast_in_dim3A_193 : vector<16xi1>, vector<16xi32>
        %broadcast_in_dim3A_195 = arith.constant true
        %broadcast_in_dim3A_196 = vector.broadcast %broadcast_in_dim3A_195 : i1 to vector<16xi1>
        %masked_cumsum3A_197 = tpu.scan <sum>, %select_n3A_194 masked %broadcast_in_dim3A_196 : vector<16xi32>, vector<16xi1> -> vector<16xi32>
        %all_reduce_population_count3A_198 = tpu.all_reduce %and3A_189 {dim = 0 : i64, kind = #tpu.reduction_kind<sum>} : vector<16xi1> -> vector<16xi32>
        %add3A_199 = arith.addi %add3A_167, %masked_cumsum3A_197 : vector<16xi32>
        %sub3A_200 = arith.constant 1 : i32
        %sub3A_201 = vector.broadcast %sub3A_200 : i32 to vector<16xi32>
        %sub3A_202 = arith.subi %add3A_199, %sub3A_201 : vector<16xi32>
        %jit3A_203 = arith.constant 3456 : i32
        %broadcast_in_dim3A_204 = vector.broadcast %jit3A_203 : i32 to vector<16xi32>
        %select_n3A_205 = arith.select %and3A_189, %sub3A_202, %broadcast_in_dim3A_204 : vector<16xi1>, vector<16xi32>
        tpu.vector_store_idx %arg12[%select_n3A_205], %select_n3A_174 : memref<3472xi32, #tpu.memory_space<vmem>>[vector<16xi32>], vector<16xi32>,
        %add3A_206 = arith.constant 1 : i32
        %add3A_207 = vector.broadcast %add3A_206 : i32 to vector<16xi32>
        %add3A_208 = arith.addi %mul3A_111, %add3A_207 : vector<16xi32>
        tpu.vector_store_idx %arg13[%select_n3A_205], %add3A_208 : memref<3472xi32, #tpu.memory_space<vmem>>[vector<16xi32>], vector<16xi32>,
        %add3A_209 = arith.addi %add3A_167, %all_reduce_population_count3A_198 : vector<16xi32>
        %and3A_210 = arith.andi %le3A_115, %ge3A_118 : vector<16xi1>
        %and3A_211 = arith.andi %and3A_210, %ge3A_124 : vector<16xi1>
        %add3A_212 = arith.constant -16511 : i32
        %add3A_213 = vector.broadcast %add3A_212 : i32 to vector<16xi32>
        %add3A_214 = arith.addi %get3A_93, %add3A_213 : vector<16xi32>
        %jit3A_215 = arith.constant 0 : i32
        %broadcast_in_dim3A_216 = vector.broadcast %jit3A_215 : i32 to vector<16xi32>
        %select_n3A_217 = arith.select %and3A_211, %add3A_214, %broadcast_in_dim3A_216 : vector<16xi1>, vector<16xi32>
        %shift_right_arithmetic3A_218 = arith.constant 5 : i32
        %shift_right_arithmetic3A_219 = vector.broadcast %shift_right_arithmetic3A_218 : i32 to vector<16xi32>
        %shift_right_arithmetic3A_220 = arith.shrsi %select_n3A_217, %shift_right_arithmetic3A_219 : vector<16xi32>
        %gather3A_221 = tpu.vector_load_idx %arg11[%shift_right_arithmetic3A_220] : memref<65536xi32, #tpu.memory_space<vmem>>[vector<16xi32>], vector<16xi32>,
        %and3A_222 = arith.constant 31 : i32
        %and3A_223 = vector.broadcast %and3A_222 : i32 to vector<16xi32>
        %and3A_224 = arith.andi %select_n3A_217, %and3A_223 : vector<16xi32>
        %shift_right_arithmetic3A_225 = arith.shrsi %gather3A_221, %and3A_224 : vector<16xi32>
        %and3A_226 = arith.constant 1 : i32
        %and3A_227 = vector.broadcast %and3A_226 : i32 to vector<16xi32>
        %and3A_228 = arith.andi %shift_right_arithmetic3A_225, %and3A_227 : vector<16xi32>
        %ne3A_229 = arith.constant 0 : i32
        %ne3A_230 = vector.broadcast %ne3A_229 : i32 to vector<16xi32>
        %ne3A_231 = arith.cmpi ne, %and3A_228, %ne3A_230 : vector<16xi32>
        %and3A_232 = arith.andi %and3A_211, %ne3A_231 : vector<16xi1>
        %jit3A_233 = arith.constant 1 : i32
        %jit3A_234 = arith.constant 0 : i32
        %broadcast_in_dim3A_235 = vector.broadcast %jit3A_233 : i32 to vector<16xi32>
        %broadcast_in_dim3A_236 = vector.broadcast %jit3A_234 : i32 to vector<16xi32>
        %select_n3A_237 = arith.select %and3A_232, %broadcast_in_dim3A_235, %broadcast_in_dim3A_236 : vector<16xi1>, vector<16xi32>
        %broadcast_in_dim3A_238 = arith.constant true
        %broadcast_in_dim3A_239 = vector.broadcast %broadcast_in_dim3A_238 : i1 to vector<16xi1>
        %masked_cumsum3A_240 = tpu.scan <sum>, %select_n3A_237 masked %broadcast_in_dim3A_239 : vector<16xi32>, vector<16xi1> -> vector<16xi32>
        %all_reduce_population_count3A_241 = tpu.all_reduce %and3A_232 {dim = 0 : i64, kind = #tpu.reduction_kind<sum>} : vector<16xi1> -> vector<16xi32>
        %add3A_242 = arith.addi %add3A_209, %masked_cumsum3A_240 : vector<16xi32>
        %sub3A_243 = arith.constant 1 : i32
        %sub3A_244 = vector.broadcast %sub3A_243 : i32 to vector<16xi32>
        %sub3A_245 = arith.subi %add3A_242, %sub3A_244 : vector<16xi32>
        %jit3A_246 = arith.constant 3456 : i32
        %broadcast_in_dim3A_247 = vector.broadcast %jit3A_246 : i32 to vector<16xi32>
        %select_n3A_248 = arith.select %and3A_232, %sub3A_245, %broadcast_in_dim3A_247 : vector<16xi1>, vector<16xi32>
        tpu.vector_store_idx %arg12[%select_n3A_248], %select_n3A_217 : memref<3472xi32, #tpu.memory_space<vmem>>[vector<16xi32>], vector<16xi32>,
        %add3A_249 = arith.constant 2 : i32
        %add3A_250 = vector.broadcast %add3A_249 : i32 to vector<16xi32>
        %add3A_251 = arith.addi %mul3A_111, %add3A_250 : vector<16xi32>
        tpu.vector_store_idx %arg13[%select_n3A_248], %add3A_251 : memref<3472xi32, #tpu.memory_space<vmem>>[vector<16xi32>], vector<16xi32>,
        %add3A_252 = arith.addi %add3A_209, %all_reduce_population_count3A_241 : vector<16xi32>
        %and3A_253 = arith.andi %ge3A_113, %ge3A_124 : vector<16xi1>
        %add3A_254 = arith.constant -16385 : i32
        %add3A_255 = vector.broadcast %add3A_254 : i32 to vector<16xi32>
        %add3A_256 = arith.addi %get3A_93, %add3A_255 : vector<16xi32>
        %jit3A_257 = arith.constant 0 : i32
        %broadcast_in_dim3A_258 = vector.broadcast %jit3A_257 : i32 to vector<16xi32>
        %select_n3A_259 = arith.select %and3A_253, %add3A_256, %broadcast_in_dim3A_258 : vector<16xi1>, vector<16xi32>
        %shift_right_arithmetic3A_260 = arith.constant 5 : i32
        %shift_right_arithmetic3A_261 = vector.broadcast %shift_right_arithmetic3A_260 : i32 to vector<16xi32>
        %shift_right_arithmetic3A_262 = arith.shrsi %select_n3A_259, %shift_right_arithmetic3A_261 : vector<16xi32>
        %gather3A_263 = tpu.vector_load_idx %arg11[%shift_right_arithmetic3A_262] : memref<65536xi32, #tpu.memory_space<vmem>>[vector<16xi32>], vector<16xi32>,
        %and3A_264 = arith.constant 31 : i32
        %and3A_265 = vector.broadcast %and3A_264 : i32 to vector<16xi32>
        %and3A_266 = arith.andi %select_n3A_259, %and3A_265 : vector<16xi32>
        %shift_right_arithmetic3A_267 = arith.shrsi %gather3A_263, %and3A_266 : vector<16xi32>
        %and3A_268 = arith.constant 1 : i32
        %and3A_269 = vector.broadcast %and3A_268 : i32 to vector<16xi32>
        %and3A_270 = arith.andi %shift_right_arithmetic3A_267, %and3A_269 : vector<16xi32>
        %ne3A_271 = arith.constant 0 : i32
        %ne3A_272 = vector.broadcast %ne3A_271 : i32 to vector<16xi32>
        %ne3A_273 = arith.cmpi ne, %and3A_270, %ne3A_272 : vector<16xi32>
        %and3A_274 = arith.andi %and3A_253, %ne3A_273 : vector<16xi1>
        %jit3A_275 = arith.constant 1 : i32
        %jit3A_276 = arith.constant 0 : i32
        %broadcast_in_dim3A_277 = vector.broadcast %jit3A_275 : i32 to vector<16xi32>
        %broadcast_in_dim3A_278 = vector.broadcast %jit3A_276 : i32 to vector<16xi32>
        %select_n3A_279 = arith.select %and3A_274, %broadcast_in_dim3A_277, %broadcast_in_dim3A_278 : vector<16xi1>, vector<16xi32>
        %broadcast_in_dim3A_280 = arith.constant true
        %broadcast_in_dim3A_281 = vector.broadcast %broadcast_in_dim3A_280 : i1 to vector<16xi1>
        %masked_cumsum3A_282 = tpu.scan <sum>, %select_n3A_279 masked %broadcast_in_dim3A_281 : vector<16xi32>, vector<16xi1> -> vector<16xi32>
        %all_reduce_population_count3A_283 = tpu.all_reduce %and3A_274 {dim = 0 : i64, kind = #tpu.reduction_kind<sum>} : vector<16xi1> -> vector<16xi32>
        %add3A_284 = arith.addi %add3A_252, %masked_cumsum3A_282 : vector<16xi32>
        %sub3A_285 = arith.constant 1 : i32
        %sub3A_286 = vector.broadcast %sub3A_285 : i32 to vector<16xi32>
        %sub3A_287 = arith.subi %add3A_284, %sub3A_286 : vector<16xi32>
        %jit3A_288 = arith.constant 3456 : i32
        %broadcast_in_dim3A_289 = vector.broadcast %jit3A_288 : i32 to vector<16xi32>
        %select_n3A_290 = arith.select %and3A_274, %sub3A_287, %broadcast_in_dim3A_289 : vector<16xi1>, vector<16xi32>
        tpu.vector_store_idx %arg12[%select_n3A_290], %select_n3A_259 : memref<3472xi32, #tpu.memory_space<vmem>>[vector<16xi32>], vector<16xi32>,
        %add3A_291 = arith.constant 3 : i32
        %add3A_292 = vector.broadcast %add3A_291 : i32 to vector<16xi32>
        %add3A_293 = arith.addi %mul3A_111, %add3A_292 : vector<16xi32>
        tpu.vector_store_idx %arg13[%select_n3A_290], %add3A_293 : memref<3472xi32, #tpu.memory_space<vmem>>[vector<16xi32>], vector<16xi32>,
        %add3A_294 = arith.addi %add3A_252, %all_reduce_population_count3A_283 : vector<16xi32>
        %add3A_295 = arith.constant -16384 : i32
        %add3A_296 = vector.broadcast %add3A_295 : i32 to vector<16xi32>
        %add3A_297 = arith.addi %get3A_93, %add3A_296 : vector<16xi32>
        %jit3A_298 = arith.constant 0 : i32
        %broadcast_in_dim3A_299 = vector.broadcast %jit3A_298 : i32 to vector<16xi32>
        %select_n3A_300 = arith.select %ge3A_124, %add3A_297, %broadcast_in_dim3A_299 : vector<16xi1>, vector<16xi32>
        %shift_right_arithmetic3A_301 = arith.constant 5 : i32
        %shift_right_arithmetic3A_302 = vector.broadcast %shift_right_arithmetic3A_301 : i32 to vector<16xi32>
        %shift_right_arithmetic3A_303 = arith.shrsi %select_n3A_300, %shift_right_arithmetic3A_302 : vector<16xi32>
        %gather3A_304 = tpu.vector_load_idx %arg11[%shift_right_arithmetic3A_303] : memref<65536xi32, #tpu.memory_space<vmem>>[vector<16xi32>], vector<16xi32>,
        %and3A_305 = arith.constant 31 : i32
        %and3A_306 = vector.broadcast %and3A_305 : i32 to vector<16xi32>
        %and3A_307 = arith.andi %select_n3A_300, %and3A_306 : vector<16xi32>
        %shift_right_arithmetic3A_308 = arith.shrsi %gather3A_304, %and3A_307 : vector<16xi32>
        %and3A_309 = arith.constant 1 : i32
        %and3A_310 = vector.broadcast %and3A_309 : i32 to vector<16xi32>
        %and3A_311 = arith.andi %shift_right_arithmetic3A_308, %and3A_310 : vector<16xi32>
        %ne3A_312 = arith.constant 0 : i32
        %ne3A_313 = vector.broadcast %ne3A_312 : i32 to vector<16xi32>
        %ne3A_314 = arith.cmpi ne, %and3A_311, %ne3A_313 : vector<16xi32>
        %and3A_315 = arith.andi %ge3A_124, %ne3A_314 : vector<16xi1>
        %jit3A_316 = arith.constant 1 : i32
        %jit3A_317 = arith.constant 0 : i32
        %broadcast_in_dim3A_318 = vector.broadcast %jit3A_316 : i32 to vector<16xi32>
        %broadcast_in_dim3A_319 = vector.broadcast %jit3A_317 : i32 to vector<16xi32>
        %select_n3A_320 = arith.select %and3A_315, %broadcast_in_dim3A_318, %broadcast_in_dim3A_319 : vector<16xi1>, vector<16xi32>
        %broadcast_in_dim3A_321 = arith.constant true
        %broadcast_in_dim3A_322 = vector.broadcast %broadcast_in_dim3A_321 : i1 to vector<16xi1>
        %masked_cumsum3A_323 = tpu.scan <sum>, %select_n3A_320 masked %broadcast_in_dim3A_322 : vector<16xi32>, vector<16xi1> -> vector<16xi32>
        %all_reduce_population_count3A_324 = tpu.all_reduce %and3A_315 {dim = 0 : i64, kind = #tpu.reduction_kind<sum>} : vector<16xi1> -> vector<16xi32>
        %add3A_325 = arith.addi %add3A_294, %masked_cumsum3A_323 : vector<16xi32>
        %sub3A_326 = arith.constant 1 : i32
        %sub3A_327 = vector.broadcast %sub3A_326 : i32 to vector<16xi32>
        %sub3A_328 = arith.subi %add3A_325, %sub3A_327 : vector<16xi32>
        %jit3A_329 = arith.constant 3456 : i32
        %broadcast_in_dim3A_330 = vector.broadcast %jit3A_329 : i32 to vector<16xi32>
        %select_n3A_331 = arith.select %and3A_315, %sub3A_328, %broadcast_in_dim3A_330 : vector<16xi1>, vector<16xi32>
        tpu.vector_store_idx %arg12[%select_n3A_331], %select_n3A_300 : memref<3472xi32, #tpu.memory_space<vmem>>[vector<16xi32>], vector<16xi32>,
        %add3A_332 = arith.constant 4 : i32
        %add3A_333 = vector.broadcast %add3A_332 : i32 to vector<16xi32>
        %add3A_334 = arith.addi %mul3A_111, %add3A_333 : vector<16xi32>
        tpu.vector_store_idx %arg13[%select_n3A_331], %add3A_334 : memref<3472xi32, #tpu.memory_space<vmem>>[vector<16xi32>], vector<16xi32>,
        %add3A_335 = arith.addi %add3A_294, %all_reduce_population_count3A_324 : vector<16xi32>
        %and3A_336 = arith.andi %le3A_115, %ge3A_124 : vector<16xi1>
        %add3A_337 = arith.constant -16383 : i32
        %add3A_338 = vector.broadcast %add3A_337 : i32 to vector<16xi32>
        %add3A_339 = arith.addi %get3A_93, %add3A_338 : vector<16xi32>
        %jit3A_340 = arith.constant 0 : i32
        %broadcast_in_dim3A_341 = vector.broadcast %jit3A_340 : i32 to vector<16xi32>
        %select_n3A_342 = arith.select %and3A_336, %add3A_339, %broadcast_in_dim3A_341 : vector<16xi1>, vector<16xi32>
        %shift_right_arithmetic3A_343 = arith.constant 5 : i32
        %shift_right_arithmetic3A_344 = vector.broadcast %shift_right_arithmetic3A_343 : i32 to vector<16xi32>
        %shift_right_arithmetic3A_345 = arith.shrsi %select_n3A_342, %shift_right_arithmetic3A_344 : vector<16xi32>
        %gather3A_346 = tpu.vector_load_idx %arg11[%shift_right_arithmetic3A_345] : memref<65536xi32, #tpu.memory_space<vmem>>[vector<16xi32>], vector<16xi32>,
        %and3A_347 = arith.constant 31 : i32
        %and3A_348 = vector.broadcast %and3A_347 : i32 to vector<16xi32>
        %and3A_349 = arith.andi %select_n3A_342, %and3A_348 : vector<16xi32>
        %shift_right_arithmetic3A_350 = arith.shrsi %gather3A_346, %and3A_349 : vector<16xi32>
        %and3A_351 = arith.constant 1 : i32
        %and3A_352 = vector.broadcast %and3A_351 : i32 to vector<16xi32>
        %and3A_353 = arith.andi %shift_right_arithmetic3A_350, %and3A_352 : vector<16xi32>
        %ne3A_354 = arith.constant 0 : i32
        %ne3A_355 = vector.broadcast %ne3A_354 : i32 to vector<16xi32>
        %ne3A_356 = arith.cmpi ne, %and3A_353, %ne3A_355 : vector<16xi32>
        %and3A_357 = arith.andi %and3A_336, %ne3A_356 : vector<16xi1>
        %jit3A_358 = arith.constant 1 : i32
        %jit3A_359 = arith.constant 0 : i32
        %broadcast_in_dim3A_360 = vector.broadcast %jit3A_358 : i32 to vector<16xi32>
        %broadcast_in_dim3A_361 = vector.broadcast %jit3A_359 : i32 to vector<16xi32>
        %select_n3A_362 = arith.select %and3A_357, %broadcast_in_dim3A_360, %broadcast_in_dim3A_361 : vector<16xi1>, vector<16xi32>
        %broadcast_in_dim3A_363 = arith.constant true
        %broadcast_in_dim3A_364 = vector.broadcast %broadcast_in_dim3A_363 : i1 to vector<16xi1>
        %masked_cumsum3A_365 = tpu.scan <sum>, %select_n3A_362 masked %broadcast_in_dim3A_364 : vector<16xi32>, vector<16xi1> -> vector<16xi32>
        %all_reduce_population_count3A_366 = tpu.all_reduce %and3A_357 {dim = 0 : i64, kind = #tpu.reduction_kind<sum>} : vector<16xi1> -> vector<16xi32>
        %add3A_367 = arith.addi %add3A_335, %masked_cumsum3A_365 : vector<16xi32>
        %sub3A_368 = arith.constant 1 : i32
        %sub3A_369 = vector.broadcast %sub3A_368 : i32 to vector<16xi32>
        %sub3A_370 = arith.subi %add3A_367, %sub3A_369 : vector<16xi32>
        %jit3A_371 = arith.constant 3456 : i32
        %broadcast_in_dim3A_372 = vector.broadcast %jit3A_371 : i32 to vector<16xi32>
        %select_n3A_373 = arith.select %and3A_357, %sub3A_370, %broadcast_in_dim3A_372 : vector<16xi1>, vector<16xi32>
        tpu.vector_store_idx %arg12[%select_n3A_373], %select_n3A_342 : memref<3472xi32, #tpu.memory_space<vmem>>[vector<16xi32>], vector<16xi32>,
        %add3A_374 = arith.constant 5 : i32
        %add3A_375 = vector.broadcast %add3A_374 : i32 to vector<16xi32>
        %add3A_376 = arith.addi %mul3A_111, %add3A_375 : vector<16xi32>
        tpu.vector_store_idx %arg13[%select_n3A_373], %add3A_376 : memref<3472xi32, #tpu.memory_space<vmem>>[vector<16xi32>], vector<16xi32>,
        %add3A_377 = arith.addi %add3A_335, %all_reduce_population_count3A_366 : vector<16xi32>
        %and3A_378 = arith.andi %ge3A_113, %le3A_121 : vector<16xi1>
        %and3A_379 = arith.andi %and3A_378, %ge3A_124 : vector<16xi1>
        %add3A_380 = arith.constant -16257 : i32
        %add3A_381 = vector.broadcast %add3A_380 : i32 to vector<16xi32>
        %add3A_382 = arith.addi %get3A_93, %add3A_381 : vector<16xi32>
        %jit3A_383 = arith.constant 0 : i32
        %broadcast_in_dim3A_384 = vector.broadcast %jit3A_383 : i32 to vector<16xi32>
        %select_n3A_385 = arith.select %and3A_379, %add3A_382, %broadcast_in_dim3A_384 : vector<16xi1>, vector<16xi32>
        %shift_right_arithmetic3A_386 = arith.constant 5 : i32
        %shift_right_arithmetic3A_387 = vector.broadcast %shift_right_arithmetic3A_386 : i32 to vector<16xi32>
        %shift_right_arithmetic3A_388 = arith.shrsi %select_n3A_385, %shift_right_arithmetic3A_387 : vector<16xi32>
        %gather3A_389 = tpu.vector_load_idx %arg11[%shift_right_arithmetic3A_388] : memref<65536xi32, #tpu.memory_space<vmem>>[vector<16xi32>], vector<16xi32>,
        %and3A_390 = arith.constant 31 : i32
        %and3A_391 = vector.broadcast %and3A_390 : i32 to vector<16xi32>
        %and3A_392 = arith.andi %select_n3A_385, %and3A_391 : vector<16xi32>
        %shift_right_arithmetic3A_393 = arith.shrsi %gather3A_389, %and3A_392 : vector<16xi32>
        %and3A_394 = arith.constant 1 : i32
        %and3A_395 = vector.broadcast %and3A_394 : i32 to vector<16xi32>
        %and3A_396 = arith.andi %shift_right_arithmetic3A_393, %and3A_395 : vector<16xi32>
        %ne3A_397 = arith.constant 0 : i32
        %ne3A_398 = vector.broadcast %ne3A_397 : i32 to vector<16xi32>
        %ne3A_399 = arith.cmpi ne, %and3A_396, %ne3A_398 : vector<16xi32>
        %and3A_400 = arith.andi %and3A_379, %ne3A_399 : vector<16xi1>
        %jit3A_401 = arith.constant 1 : i32
        %jit3A_402 = arith.constant 0 : i32
        %broadcast_in_dim3A_403 = vector.broadcast %jit3A_401 : i32 to vector<16xi32>
        %broadcast_in_dim3A_404 = vector.broadcast %jit3A_402 : i32 to vector<16xi32>
        %select_n3A_405 = arith.select %and3A_400, %broadcast_in_dim3A_403, %broadcast_in_dim3A_404 : vector<16xi1>, vector<16xi32>
        %broadcast_in_dim3A_406 = arith.constant true
        %broadcast_in_dim3A_407 = vector.broadcast %broadcast_in_dim3A_406 : i1 to vector<16xi1>
        %masked_cumsum3A_408 = tpu.scan <sum>, %select_n3A_405 masked %broadcast_in_dim3A_407 : vector<16xi32>, vector<16xi1> -> vector<16xi32>
        %all_reduce_population_count3A_409 = tpu.all_reduce %and3A_400 {dim = 0 : i64, kind = #tpu.reduction_kind<sum>} : vector<16xi1> -> vector<16xi32>
        %add3A_410 = arith.addi %add3A_377, %masked_cumsum3A_408 : vector<16xi32>
        %sub3A_411 = arith.constant 1 : i32
        %sub3A_412 = vector.broadcast %sub3A_411 : i32 to vector<16xi32>
        %sub3A_413 = arith.subi %add3A_410, %sub3A_412 : vector<16xi32>
        %jit3A_414 = arith.constant 3456 : i32
        %broadcast_in_dim3A_415 = vector.broadcast %jit3A_414 : i32 to vector<16xi32>
        %select_n3A_416 = arith.select %and3A_400, %sub3A_413, %broadcast_in_dim3A_415 : vector<16xi1>, vector<16xi32>
        tpu.vector_store_idx %arg12[%select_n3A_416], %select_n3A_385 : memref<3472xi32, #tpu.memory_space<vmem>>[vector<16xi32>], vector<16xi32>,
        %add3A_417 = arith.constant 6 : i32
        %add3A_418 = vector.broadcast %add3A_417 : i32 to vector<16xi32>
        %add3A_419 = arith.addi %mul3A_111, %add3A_418 : vector<16xi32>
        tpu.vector_store_idx %arg13[%select_n3A_416], %add3A_419 : memref<3472xi32, #tpu.memory_space<vmem>>[vector<16xi32>], vector<16xi32>,
        %add3A_420 = arith.addi %add3A_377, %all_reduce_population_count3A_409 : vector<16xi32>
        %and3A_421 = arith.andi %le3A_121, %ge3A_124 : vector<16xi1>
        %add3A_422 = arith.constant -16256 : i32
        %add3A_423 = vector.broadcast %add3A_422 : i32 to vector<16xi32>
        %add3A_424 = arith.addi %get3A_93, %add3A_423 : vector<16xi32>
        %jit3A_425 = arith.constant 0 : i32
        %broadcast_in_dim3A_426 = vector.broadcast %jit3A_425 : i32 to vector<16xi32>
        %select_n3A_427 = arith.select %and3A_421, %add3A_424, %broadcast_in_dim3A_426 : vector<16xi1>, vector<16xi32>
        %shift_right_arithmetic3A_428 = arith.constant 5 : i32
        %shift_right_arithmetic3A_429 = vector.broadcast %shift_right_arithmetic3A_428 : i32 to vector<16xi32>
        %shift_right_arithmetic3A_430 = arith.shrsi %select_n3A_427, %shift_right_arithmetic3A_429 : vector<16xi32>
        %gather3A_431 = tpu.vector_load_idx %arg11[%shift_right_arithmetic3A_430] : memref<65536xi32, #tpu.memory_space<vmem>>[vector<16xi32>], vector<16xi32>,
        %and3A_432 = arith.constant 31 : i32
        %and3A_433 = vector.broadcast %and3A_432 : i32 to vector<16xi32>
        %and3A_434 = arith.andi %select_n3A_427, %and3A_433 : vector<16xi32>
        %shift_right_arithmetic3A_435 = arith.shrsi %gather3A_431, %and3A_434 : vector<16xi32>
        %and3A_436 = arith.constant 1 : i32
        %and3A_437 = vector.broadcast %and3A_436 : i32 to vector<16xi32>
        %and3A_438 = arith.andi %shift_right_arithmetic3A_435, %and3A_437 : vector<16xi32>
        %ne3A_439 = arith.constant 0 : i32
        %ne3A_440 = vector.broadcast %ne3A_439 : i32 to vector<16xi32>
        %ne3A_441 = arith.cmpi ne, %and3A_438, %ne3A_440 : vector<16xi32>
        %and3A_442 = arith.andi %and3A_421, %ne3A_441 : vector<16xi1>
        %jit3A_443 = arith.constant 1 : i32
        %jit3A_444 = arith.constant 0 : i32
        %broadcast_in_dim3A_445 = vector.broadcast %jit3A_443 : i32 to vector<16xi32>
        %broadcast_in_dim3A_446 = vector.broadcast %jit3A_444 : i32 to vector<16xi32>
        %select_n3A_447 = arith.select %and3A_442, %broadcast_in_dim3A_445, %broadcast_in_dim3A_446 : vector<16xi1>, vector<16xi32>
        %broadcast_in_dim3A_448 = arith.constant true
        %broadcast_in_dim3A_449 = vector.broadcast %broadcast_in_dim3A_448 : i1 to vector<16xi1>
        %masked_cumsum3A_450 = tpu.scan <sum>, %select_n3A_447 masked %broadcast_in_dim3A_449 : vector<16xi32>, vector<16xi1> -> vector<16xi32>
        %all_reduce_population_count3A_451 = tpu.all_reduce %and3A_442 {dim = 0 : i64, kind = #tpu.reduction_kind<sum>} : vector<16xi1> -> vector<16xi32>
        %add3A_452 = arith.addi %add3A_420, %masked_cumsum3A_450 : vector<16xi32>
        %sub3A_453 = arith.constant 1 : i32
        %sub3A_454 = vector.broadcast %sub3A_453 : i32 to vector<16xi32>
        %sub3A_455 = arith.subi %add3A_452, %sub3A_454 : vector<16xi32>
        %jit3A_456 = arith.constant 3456 : i32
        %broadcast_in_dim3A_457 = vector.broadcast %jit3A_456 : i32 to vector<16xi32>
        %select_n3A_458 = arith.select %and3A_442, %sub3A_455, %broadcast_in_dim3A_457 : vector<16xi1>, vector<16xi32>
        tpu.vector_store_idx %arg12[%select_n3A_458], %select_n3A_427 : memref<3472xi32, #tpu.memory_space<vmem>>[vector<16xi32>], vector<16xi32>,
        %add3A_459 = arith.constant 7 : i32
        %add3A_460 = vector.broadcast %add3A_459 : i32 to vector<16xi32>
        %add3A_461 = arith.addi %mul3A_111, %add3A_460 : vector<16xi32>
        tpu.vector_store_idx %arg13[%select_n3A_458], %add3A_461 : memref<3472xi32, #tpu.memory_space<vmem>>[vector<16xi32>], vector<16xi32>,
        %add3A_462 = arith.addi %add3A_420, %all_reduce_population_count3A_451 : vector<16xi32>
        %and3A_463 = arith.andi %le3A_115, %le3A_121 : vector<16xi1>
        %and3A_464 = arith.andi %and3A_463, %ge3A_124 : vector<16xi1>
        %add3A_465 = arith.constant -16255 : i32
        %add3A_466 = vector.broadcast %add3A_465 : i32 to vector<16xi32>
        %add3A_467 = arith.addi %get3A_93, %add3A_466 : vector<16xi32>
        %jit3A_468 = arith.constant 0 : i32
        %broadcast_in_dim3A_469 = vector.broadcast %jit3A_468 : i32 to vector<16xi32>
        %select_n3A_470 = arith.select %and3A_464, %add3A_467, %broadcast_in_dim3A_469 : vector<16xi1>, vector<16xi32>
        %shift_right_arithmetic3A_471 = arith.constant 5 : i32
        %shift_right_arithmetic3A_472 = vector.broadcast %shift_right_arithmetic3A_471 : i32 to vector<16xi32>
        %shift_right_arithmetic3A_473 = arith.shrsi %select_n3A_470, %shift_right_arithmetic3A_472 : vector<16xi32>
        %gather3A_474 = tpu.vector_load_idx %arg11[%shift_right_arithmetic3A_473] : memref<65536xi32, #tpu.memory_space<vmem>>[vector<16xi32>], vector<16xi32>,
        %and3A_475 = arith.constant 31 : i32
        %and3A_476 = vector.broadcast %and3A_475 : i32 to vector<16xi32>
        %and3A_477 = arith.andi %select_n3A_470, %and3A_476 : vector<16xi32>
        %shift_right_arithmetic3A_478 = arith.shrsi %gather3A_474, %and3A_477 : vector<16xi32>
        %and3A_479 = arith.constant 1 : i32
        %and3A_480 = vector.broadcast %and3A_479 : i32 to vector<16xi32>
        %and3A_481 = arith.andi %shift_right_arithmetic3A_478, %and3A_480 : vector<16xi32>
        %ne3A_482 = arith.constant 0 : i32
        %ne3A_483 = vector.broadcast %ne3A_482 : i32 to vector<16xi32>
        %ne3A_484 = arith.cmpi ne, %and3A_481, %ne3A_483 : vector<16xi32>
        %and3A_485 = arith.andi %and3A_464, %ne3A_484 : vector<16xi1>
        %jit3A_486 = arith.constant 1 : i32
        %jit3A_487 = arith.constant 0 : i32
        %broadcast_in_dim3A_488 = vector.broadcast %jit3A_486 : i32 to vector<16xi32>
        %broadcast_in_dim3A_489 = vector.broadcast %jit3A_487 : i32 to vector<16xi32>
        %select_n3A_490 = arith.select %and3A_485, %broadcast_in_dim3A_488, %broadcast_in_dim3A_489 : vector<16xi1>, vector<16xi32>
        %broadcast_in_dim3A_491 = arith.constant true
        %broadcast_in_dim3A_492 = vector.broadcast %broadcast_in_dim3A_491 : i1 to vector<16xi1>
        %masked_cumsum3A_493 = tpu.scan <sum>, %select_n3A_490 masked %broadcast_in_dim3A_492 : vector<16xi32>, vector<16xi1> -> vector<16xi32>
        %all_reduce_population_count3A_494 = tpu.all_reduce %and3A_485 {dim = 0 : i64, kind = #tpu.reduction_kind<sum>} : vector<16xi1> -> vector<16xi32>
        %add3A_495 = arith.addi %add3A_462, %masked_cumsum3A_493 : vector<16xi32>
        %sub3A_496 = arith.constant 1 : i32
        %sub3A_497 = vector.broadcast %sub3A_496 : i32 to vector<16xi32>
        %sub3A_498 = arith.subi %add3A_495, %sub3A_497 : vector<16xi32>
        %jit3A_499 = arith.constant 3456 : i32
        %broadcast_in_dim3A_500 = vector.broadcast %jit3A_499 : i32 to vector<16xi32>
        %select_n3A_501 = arith.select %and3A_485, %sub3A_498, %broadcast_in_dim3A_500 : vector<16xi1>, vector<16xi32>
        tpu.vector_store_idx %arg12[%select_n3A_501], %select_n3A_470 : memref<3472xi32, #tpu.memory_space<vmem>>[vector<16xi32>], vector<16xi32>,
        %add3A_502 = arith.constant 8 : i32
        %add3A_503 = vector.broadcast %add3A_502 : i32 to vector<16xi32>
        %add3A_504 = arith.addi %mul3A_111, %add3A_503 : vector<16xi32>
        tpu.vector_store_idx %arg13[%select_n3A_501], %add3A_504 : memref<3472xi32, #tpu.memory_space<vmem>>[vector<16xi32>], vector<16xi32>,
        %add3A_505 = arith.addi %add3A_462, %all_reduce_population_count3A_494 : vector<16xi32>
        %and3A_506 = arith.andi %ge3A_113, %ge3A_118 : vector<16xi1>
        %add3A_507 = arith.constant -129 : i32
        %add3A_508 = vector.broadcast %add3A_507 : i32 to vector<16xi32>
        %add3A_509 = arith.addi %get3A_93, %add3A_508 : vector<16xi32>
        %jit3A_510 = arith.constant 0 : i32
        %broadcast_in_dim3A_511 = vector.broadcast %jit3A_510 : i32 to vector<16xi32>
        %select_n3A_512 = arith.select %and3A_506, %add3A_509, %broadcast_in_dim3A_511 : vector<16xi1>, vector<16xi32>
        %shift_right_arithmetic3A_513 = arith.constant 5 : i32
        %shift_right_arithmetic3A_514 = vector.broadcast %shift_right_arithmetic3A_513 : i32 to vector<16xi32>
        %shift_right_arithmetic3A_515 = arith.shrsi %select_n3A_512, %shift_right_arithmetic3A_514 : vector<16xi32>
        %gather3A_516 = tpu.vector_load_idx %arg11[%shift_right_arithmetic3A_515] : memref<65536xi32, #tpu.memory_space<vmem>>[vector<16xi32>], vector<16xi32>,
        %and3A_517 = arith.constant 31 : i32
        %and3A_518 = vector.broadcast %and3A_517 : i32 to vector<16xi32>
        %and3A_519 = arith.andi %select_n3A_512, %and3A_518 : vector<16xi32>
        %shift_right_arithmetic3A_520 = arith.shrsi %gather3A_516, %and3A_519 : vector<16xi32>
        %and3A_521 = arith.constant 1 : i32
        %and3A_522 = vector.broadcast %and3A_521 : i32 to vector<16xi32>
        %and3A_523 = arith.andi %shift_right_arithmetic3A_520, %and3A_522 : vector<16xi32>
        %ne3A_524 = arith.constant 0 : i32
        %ne3A_525 = vector.broadcast %ne3A_524 : i32 to vector<16xi32>
        %ne3A_526 = arith.cmpi ne, %and3A_523, %ne3A_525 : vector<16xi32>
        %and3A_527 = arith.andi %and3A_506, %ne3A_526 : vector<16xi1>
        %jit3A_528 = arith.constant 1 : i32
        %jit3A_529 = arith.constant 0 : i32
        %broadcast_in_dim3A_530 = vector.broadcast %jit3A_528 : i32 to vector<16xi32>
        %broadcast_in_dim3A_531 = vector.broadcast %jit3A_529 : i32 to vector<16xi32>
        %select_n3A_532 = arith.select %and3A_527, %broadcast_in_dim3A_530, %broadcast_in_dim3A_531 : vector<16xi1>, vector<16xi32>
        %broadcast_in_dim3A_533 = arith.constant true
        %broadcast_in_dim3A_534 = vector.broadcast %broadcast_in_dim3A_533 : i1 to vector<16xi1>
        %masked_cumsum3A_535 = tpu.scan <sum>, %select_n3A_532 masked %broadcast_in_dim3A_534 : vector<16xi32>, vector<16xi1> -> vector<16xi32>
        %all_reduce_population_count3A_536 = tpu.all_reduce %and3A_527 {dim = 0 : i64, kind = #tpu.reduction_kind<sum>} : vector<16xi1> -> vector<16xi32>
        %add3A_537 = arith.addi %add3A_505, %masked_cumsum3A_535 : vector<16xi32>
        %sub3A_538 = arith.constant 1 : i32
        %sub3A_539 = vector.broadcast %sub3A_538 : i32 to vector<16xi32>
        %sub3A_540 = arith.subi %add3A_537, %sub3A_539 : vector<16xi32>
        %jit3A_541 = arith.constant 3456 : i32
        %broadcast_in_dim3A_542 = vector.broadcast %jit3A_541 : i32 to vector<16xi32>
        %select_n3A_543 = arith.select %and3A_527, %sub3A_540, %broadcast_in_dim3A_542 : vector<16xi1>, vector<16xi32>
        tpu.vector_store_idx %arg12[%select_n3A_543], %select_n3A_512 : memref<3472xi32, #tpu.memory_space<vmem>>[vector<16xi32>], vector<16xi32>,
        %add3A_544 = arith.constant 9 : i32
        %add3A_545 = vector.broadcast %add3A_544 : i32 to vector<16xi32>
        %add3A_546 = arith.addi %mul3A_111, %add3A_545 : vector<16xi32>
        tpu.vector_store_idx %arg13[%select_n3A_543], %add3A_546 : memref<3472xi32, #tpu.memory_space<vmem>>[vector<16xi32>], vector<16xi32>,
        %add3A_547 = arith.addi %add3A_505, %all_reduce_population_count3A_536 : vector<16xi32>
        %add3A_548 = arith.constant -128 : i32
        %add3A_549 = vector.broadcast %add3A_548 : i32 to vector<16xi32>
        %add3A_550 = arith.addi %get3A_93, %add3A_549 : vector<16xi32>
        %jit3A_551 = arith.constant 0 : i32
        %broadcast_in_dim3A_552 = vector.broadcast %jit3A_551 : i32 to vector<16xi32>
        %select_n3A_553 = arith.select %ge3A_118, %add3A_550, %broadcast_in_dim3A_552 : vector<16xi1>, vector<16xi32>
        %shift_right_arithmetic3A_554 = arith.constant 5 : i32
        %shift_right_arithmetic3A_555 = vector.broadcast %shift_right_arithmetic3A_554 : i32 to vector<16xi32>
        %shift_right_arithmetic3A_556 = arith.shrsi %select_n3A_553, %shift_right_arithmetic3A_555 : vector<16xi32>
        %gather3A_557 = tpu.vector_load_idx %arg11[%shift_right_arithmetic3A_556] : memref<65536xi32, #tpu.memory_space<vmem>>[vector<16xi32>], vector<16xi32>,
        %and3A_558 = arith.constant 31 : i32
        %and3A_559 = vector.broadcast %and3A_558 : i32 to vector<16xi32>
        %and3A_560 = arith.andi %select_n3A_553, %and3A_559 : vector<16xi32>
        %shift_right_arithmetic3A_561 = arith.shrsi %gather3A_557, %and3A_560 : vector<16xi32>
        %and3A_562 = arith.constant 1 : i32
        %and3A_563 = vector.broadcast %and3A_562 : i32 to vector<16xi32>
        %and3A_564 = arith.andi %shift_right_arithmetic3A_561, %and3A_563 : vector<16xi32>
        %ne3A_565 = arith.constant 0 : i32
        %ne3A_566 = vector.broadcast %ne3A_565 : i32 to vector<16xi32>
        %ne3A_567 = arith.cmpi ne, %and3A_564, %ne3A_566 : vector<16xi32>
        %and3A_568 = arith.andi %ge3A_118, %ne3A_567 : vector<16xi1>
        %jit3A_569 = arith.constant 1 : i32
        %jit3A_570 = arith.constant 0 : i32
        %broadcast_in_dim3A_571 = vector.broadcast %jit3A_569 : i32 to vector<16xi32>
        %broadcast_in_dim3A_572 = vector.broadcast %jit3A_570 : i32 to vector<16xi32>
        %select_n3A_573 = arith.select %and3A_568, %broadcast_in_dim3A_571, %broadcast_in_dim3A_572 : vector<16xi1>, vector<16xi32>
        %broadcast_in_dim3A_574 = arith.constant true
        %broadcast_in_dim3A_575 = vector.broadcast %broadcast_in_dim3A_574 : i1 to vector<16xi1>
        %masked_cumsum3A_576 = tpu.scan <sum>, %select_n3A_573 masked %broadcast_in_dim3A_575 : vector<16xi32>, vector<16xi1> -> vector<16xi32>
        %all_reduce_population_count3A_577 = tpu.all_reduce %and3A_568 {dim = 0 : i64, kind = #tpu.reduction_kind<sum>} : vector<16xi1> -> vector<16xi32>
        %add3A_578 = arith.addi %add3A_547, %masked_cumsum3A_576 : vector<16xi32>
        %sub3A_579 = arith.constant 1 : i32
        %sub3A_580 = vector.broadcast %sub3A_579 : i32 to vector<16xi32>
        %sub3A_581 = arith.subi %add3A_578, %sub3A_580 : vector<16xi32>
        %jit3A_582 = arith.constant 3456 : i32
        %broadcast_in_dim3A_583 = vector.broadcast %jit3A_582 : i32 to vector<16xi32>
        %select_n3A_584 = arith.select %and3A_568, %sub3A_581, %broadcast_in_dim3A_583 : vector<16xi1>, vector<16xi32>
        tpu.vector_store_idx %arg12[%select_n3A_584], %select_n3A_553 : memref<3472xi32, #tpu.memory_space<vmem>>[vector<16xi32>], vector<16xi32>,
        %add3A_585 = arith.constant 10 : i32
        %add3A_586 = vector.broadcast %add3A_585 : i32 to vector<16xi32>
        %add3A_587 = arith.addi %mul3A_111, %add3A_586 : vector<16xi32>
        tpu.vector_store_idx %arg13[%select_n3A_584], %add3A_587 : memref<3472xi32, #tpu.memory_space<vmem>>[vector<16xi32>], vector<16xi32>,
        %add3A_588 = arith.addi %add3A_547, %all_reduce_population_count3A_577 : vector<16xi32>
        %and3A_589 = arith.andi %le3A_115, %ge3A_118 : vector<16xi1>
        %add3A_590 = arith.constant -127 : i32
        %add3A_591 = vector.broadcast %add3A_590 : i32 to vector<16xi32>
        %add3A_592 = arith.addi %get3A_93, %add3A_591 : vector<16xi32>
        %jit3A_593 = arith.constant 0 : i32
        %broadcast_in_dim3A_594 = vector.broadcast %jit3A_593 : i32 to vector<16xi32>
        %select_n3A_595 = arith.select %and3A_589, %add3A_592, %broadcast_in_dim3A_594 : vector<16xi1>, vector<16xi32>
        %shift_right_arithmetic3A_596 = arith.constant 5 : i32
        %shift_right_arithmetic3A_597 = vector.broadcast %shift_right_arithmetic3A_596 : i32 to vector<16xi32>
        %shift_right_arithmetic3A_598 = arith.shrsi %select_n3A_595, %shift_right_arithmetic3A_597 : vector<16xi32>
        %gather3A_599 = tpu.vector_load_idx %arg11[%shift_right_arithmetic3A_598] : memref<65536xi32, #tpu.memory_space<vmem>>[vector<16xi32>], vector<16xi32>,
        %and3A_600 = arith.constant 31 : i32
        %and3A_601 = vector.broadcast %and3A_600 : i32 to vector<16xi32>
        %and3A_602 = arith.andi %select_n3A_595, %and3A_601 : vector<16xi32>
        %shift_right_arithmetic3A_603 = arith.shrsi %gather3A_599, %and3A_602 : vector<16xi32>
        %and3A_604 = arith.constant 1 : i32
        %and3A_605 = vector.broadcast %and3A_604 : i32 to vector<16xi32>
        %and3A_606 = arith.andi %shift_right_arithmetic3A_603, %and3A_605 : vector<16xi32>
        %ne3A_607 = arith.constant 0 : i32
        %ne3A_608 = vector.broadcast %ne3A_607 : i32 to vector<16xi32>
        %ne3A_609 = arith.cmpi ne, %and3A_606, %ne3A_608 : vector<16xi32>
        %and3A_610 = arith.andi %and3A_589, %ne3A_609 : vector<16xi1>
        %jit3A_611 = arith.constant 1 : i32
        %jit3A_612 = arith.constant 0 : i32
        %broadcast_in_dim3A_613 = vector.broadcast %jit3A_611 : i32 to vector<16xi32>
        %broadcast_in_dim3A_614 = vector.broadcast %jit3A_612 : i32 to vector<16xi32>
        %select_n3A_615 = arith.select %and3A_610, %broadcast_in_dim3A_613, %broadcast_in_dim3A_614 : vector<16xi1>, vector<16xi32>
        %broadcast_in_dim3A_616 = arith.constant true
        %broadcast_in_dim3A_617 = vector.broadcast %broadcast_in_dim3A_616 : i1 to vector<16xi1>
        %masked_cumsum3A_618 = tpu.scan <sum>, %select_n3A_615 masked %broadcast_in_dim3A_617 : vector<16xi32>, vector<16xi1> -> vector<16xi32>
        %all_reduce_population_count3A_619 = tpu.all_reduce %and3A_610 {dim = 0 : i64, kind = #tpu.reduction_kind<sum>} : vector<16xi1> -> vector<16xi32>
        %add3A_620 = arith.addi %add3A_588, %masked_cumsum3A_618 : vector<16xi32>
        %sub3A_621 = arith.constant 1 : i32
        %sub3A_622 = vector.broadcast %sub3A_621 : i32 to vector<16xi32>
        %sub3A_623 = arith.subi %add3A_620, %sub3A_622 : vector<16xi32>
        %jit3A_624 = arith.constant 3456 : i32
        %broadcast_in_dim3A_625 = vector.broadcast %jit3A_624 : i32 to vector<16xi32>
        %select_n3A_626 = arith.select %and3A_610, %sub3A_623, %broadcast_in_dim3A_625 : vector<16xi1>, vector<16xi32>
        tpu.vector_store_idx %arg12[%select_n3A_626], %select_n3A_595 : memref<3472xi32, #tpu.memory_space<vmem>>[vector<16xi32>], vector<16xi32>,
        %add3A_627 = arith.constant 11 : i32
        %add3A_628 = vector.broadcast %add3A_627 : i32 to vector<16xi32>
        %add3A_629 = arith.addi %mul3A_111, %add3A_628 : vector<16xi32>
        tpu.vector_store_idx %arg13[%select_n3A_626], %add3A_629 : memref<3472xi32, #tpu.memory_space<vmem>>[vector<16xi32>], vector<16xi32>,
        %add3A_630 = arith.addi %add3A_588, %all_reduce_population_count3A_619 : vector<16xi32>
        %add3A_631 = arith.constant -1 : i32
        %add3A_632 = vector.broadcast %add3A_631 : i32 to vector<16xi32>
        %add3A_633 = arith.addi %get3A_93, %add3A_632 : vector<16xi32>
        %jit3A_634 = arith.constant 0 : i32
        %broadcast_in_dim3A_635 = vector.broadcast %jit3A_634 : i32 to vector<16xi32>
        %select_n3A_636 = arith.select %ge3A_113, %add3A_633, %broadcast_in_dim3A_635 : vector<16xi1>, vector<16xi32>
        %shift_right_arithmetic3A_637 = arith.constant 5 : i32
        %shift_right_arithmetic3A_638 = vector.broadcast %shift_right_arithmetic3A_637 : i32 to vector<16xi32>
        %shift_right_arithmetic3A_639 = arith.shrsi %select_n3A_636, %shift_right_arithmetic3A_638 : vector<16xi32>
        %gather3A_640 = tpu.vector_load_idx %arg11[%shift_right_arithmetic3A_639] : memref<65536xi32, #tpu.memory_space<vmem>>[vector<16xi32>], vector<16xi32>,
        %and3A_641 = arith.constant 31 : i32
        %and3A_642 = vector.broadcast %and3A_641 : i32 to vector<16xi32>
        %and3A_643 = arith.andi %select_n3A_636, %and3A_642 : vector<16xi32>
        %shift_right_arithmetic3A_644 = arith.shrsi %gather3A_640, %and3A_643 : vector<16xi32>
        %and3A_645 = arith.constant 1 : i32
        %and3A_646 = vector.broadcast %and3A_645 : i32 to vector<16xi32>
        %and3A_647 = arith.andi %shift_right_arithmetic3A_644, %and3A_646 : vector<16xi32>
        %ne3A_648 = arith.constant 0 : i32
        %ne3A_649 = vector.broadcast %ne3A_648 : i32 to vector<16xi32>
        %ne3A_650 = arith.cmpi ne, %and3A_647, %ne3A_649 : vector<16xi32>
        %and3A_651 = arith.andi %ge3A_113, %ne3A_650 : vector<16xi1>
        %jit3A_652 = arith.constant 1 : i32
        %jit3A_653 = arith.constant 0 : i32
        %broadcast_in_dim3A_654 = vector.broadcast %jit3A_652 : i32 to vector<16xi32>
        %broadcast_in_dim3A_655 = vector.broadcast %jit3A_653 : i32 to vector<16xi32>
        %select_n3A_656 = arith.select %and3A_651, %broadcast_in_dim3A_654, %broadcast_in_dim3A_655 : vector<16xi1>, vector<16xi32>
        %broadcast_in_dim3A_657 = arith.constant true
        %broadcast_in_dim3A_658 = vector.broadcast %broadcast_in_dim3A_657 : i1 to vector<16xi1>
        %masked_cumsum3A_659 = tpu.scan <sum>, %select_n3A_656 masked %broadcast_in_dim3A_658 : vector<16xi32>, vector<16xi1> -> vector<16xi32>
        %all_reduce_population_count3A_660 = tpu.all_reduce %and3A_651 {dim = 0 : i64, kind = #tpu.reduction_kind<sum>} : vector<16xi1> -> vector<16xi32>
        %add3A_661 = arith.addi %add3A_630, %masked_cumsum3A_659 : vector<16xi32>
        %sub3A_662 = arith.constant 1 : i32
        %sub3A_663 = vector.broadcast %sub3A_662 : i32 to vector<16xi32>
        %sub3A_664 = arith.subi %add3A_661, %sub3A_663 : vector<16xi32>
        %jit3A_665 = arith.constant 3456 : i32
        %broadcast_in_dim3A_666 = vector.broadcast %jit3A_665 : i32 to vector<16xi32>
        %select_n3A_667 = arith.select %and3A_651, %sub3A_664, %broadcast_in_dim3A_666 : vector<16xi1>, vector<16xi32>
        tpu.vector_store_idx %arg12[%select_n3A_667], %select_n3A_636 : memref<3472xi32, #tpu.memory_space<vmem>>[vector<16xi32>], vector<16xi32>,
        %add3A_668 = arith.constant 12 : i32
        %add3A_669 = vector.broadcast %add3A_668 : i32 to vector<16xi32>
        %add3A_670 = arith.addi %mul3A_111, %add3A_669 : vector<16xi32>
        tpu.vector_store_idx %arg13[%select_n3A_667], %add3A_670 : memref<3472xi32, #tpu.memory_space<vmem>>[vector<16xi32>], vector<16xi32>,
        %add3A_671 = arith.addi %add3A_630, %all_reduce_population_count3A_660 : vector<16xi32>
        %add3A_672 = arith.constant 1 : i32
        %add3A_673 = vector.broadcast %add3A_672 : i32 to vector<16xi32>
        %add3A_674 = arith.addi %get3A_93, %add3A_673 : vector<16xi32>
        %jit3A_675 = arith.constant 0 : i32
        %broadcast_in_dim3A_676 = vector.broadcast %jit3A_675 : i32 to vector<16xi32>
        %select_n3A_677 = arith.select %le3A_115, %add3A_674, %broadcast_in_dim3A_676 : vector<16xi1>, vector<16xi32>
        %shift_right_arithmetic3A_678 = arith.constant 5 : i32
        %shift_right_arithmetic3A_679 = vector.broadcast %shift_right_arithmetic3A_678 : i32 to vector<16xi32>
        %shift_right_arithmetic3A_680 = arith.shrsi %select_n3A_677, %shift_right_arithmetic3A_679 : vector<16xi32>
        %gather3A_681 = tpu.vector_load_idx %arg11[%shift_right_arithmetic3A_680] : memref<65536xi32, #tpu.memory_space<vmem>>[vector<16xi32>], vector<16xi32>,
        %and3A_682 = arith.constant 31 : i32
        %and3A_683 = vector.broadcast %and3A_682 : i32 to vector<16xi32>
        %and3A_684 = arith.andi %select_n3A_677, %and3A_683 : vector<16xi32>
        %shift_right_arithmetic3A_685 = arith.shrsi %gather3A_681, %and3A_684 : vector<16xi32>
        %and3A_686 = arith.constant 1 : i32
        %and3A_687 = vector.broadcast %and3A_686 : i32 to vector<16xi32>
        %and3A_688 = arith.andi %shift_right_arithmetic3A_685, %and3A_687 : vector<16xi32>
        %ne3A_689 = arith.constant 0 : i32
        %ne3A_690 = vector.broadcast %ne3A_689 : i32 to vector<16xi32>
        %ne3A_691 = arith.cmpi ne, %and3A_688, %ne3A_690 : vector<16xi32>
        %and3A_692 = arith.andi %le3A_115, %ne3A_691 : vector<16xi1>
        %jit3A_693 = arith.constant 1 : i32
        %jit3A_694 = arith.constant 0 : i32
        %broadcast_in_dim3A_695 = vector.broadcast %jit3A_693 : i32 to vector<16xi32>
        %broadcast_in_dim3A_696 = vector.broadcast %jit3A_694 : i32 to vector<16xi32>
        %select_n3A_697 = arith.select %and3A_692, %broadcast_in_dim3A_695, %broadcast_in_dim3A_696 : vector<16xi1>, vector<16xi32>
        %broadcast_in_dim3A_698 = arith.constant true
        %broadcast_in_dim3A_699 = vector.broadcast %broadcast_in_dim3A_698 : i1 to vector<16xi1>
        %masked_cumsum3A_700 = tpu.scan <sum>, %select_n3A_697 masked %broadcast_in_dim3A_699 : vector<16xi32>, vector<16xi1> -> vector<16xi32>
        %all_reduce_population_count3A_701 = tpu.all_reduce %and3A_692 {dim = 0 : i64, kind = #tpu.reduction_kind<sum>} : vector<16xi1> -> vector<16xi32>
        %add3A_702 = arith.addi %add3A_671, %masked_cumsum3A_700 : vector<16xi32>
        %sub3A_703 = arith.constant 1 : i32
        %sub3A_704 = vector.broadcast %sub3A_703 : i32 to vector<16xi32>
        %sub3A_705 = arith.subi %add3A_702, %sub3A_704 : vector<16xi32>
        %jit3A_706 = arith.constant 3456 : i32
        %broadcast_in_dim3A_707 = vector.broadcast %jit3A_706 : i32 to vector<16xi32>
        %select_n3A_708 = arith.select %and3A_692, %sub3A_705, %broadcast_in_dim3A_707 : vector<16xi1>, vector<16xi32>
        tpu.vector_store_idx %arg12[%select_n3A_708], %select_n3A_677 : memref<3472xi32, #tpu.memory_space<vmem>>[vector<16xi32>], vector<16xi32>,
        %add3A_709 = arith.constant 14 : i32
        %add3A_710 = vector.broadcast %add3A_709 : i32 to vector<16xi32>
        %add3A_711 = arith.addi %mul3A_111, %add3A_710 : vector<16xi32>
        tpu.vector_store_idx %arg13[%select_n3A_708], %add3A_711 : memref<3472xi32, #tpu.memory_space<vmem>>[vector<16xi32>], vector<16xi32>,
        %add3A_712 = arith.addi %add3A_671, %all_reduce_population_count3A_701 : vector<16xi32>
        %and3A_713 = arith.andi %ge3A_113, %le3A_121 : vector<16xi1>
        %add3A_714 = arith.constant 127 : i32
        %add3A_715 = vector.broadcast %add3A_714 : i32 to vector<16xi32>
        %add3A_716 = arith.addi %get3A_93, %add3A_715 : vector<16xi32>
        %jit3A_717 = arith.constant 0 : i32
        %broadcast_in_dim3A_718 = vector.broadcast %jit3A_717 : i32 to vector<16xi32>
        %select_n3A_719 = arith.select %and3A_713, %add3A_716, %broadcast_in_dim3A_718 : vector<16xi1>, vector<16xi32>
        %shift_right_arithmetic3A_720 = arith.constant 5 : i32
        %shift_right_arithmetic3A_721 = vector.broadcast %shift_right_arithmetic3A_720 : i32 to vector<16xi32>
        %shift_right_arithmetic3A_722 = arith.shrsi %select_n3A_719, %shift_right_arithmetic3A_721 : vector<16xi32>
        %gather3A_723 = tpu.vector_load_idx %arg11[%shift_right_arithmetic3A_722] : memref<65536xi32, #tpu.memory_space<vmem>>[vector<16xi32>], vector<16xi32>,
        %and3A_724 = arith.constant 31 : i32
        %and3A_725 = vector.broadcast %and3A_724 : i32 to vector<16xi32>
        %and3A_726 = arith.andi %select_n3A_719, %and3A_725 : vector<16xi32>
        %shift_right_arithmetic3A_727 = arith.shrsi %gather3A_723, %and3A_726 : vector<16xi32>
        %and3A_728 = arith.constant 1 : i32
        %and3A_729 = vector.broadcast %and3A_728 : i32 to vector<16xi32>
        %and3A_730 = arith.andi %shift_right_arithmetic3A_727, %and3A_729 : vector<16xi32>
        %ne3A_731 = arith.constant 0 : i32
        %ne3A_732 = vector.broadcast %ne3A_731 : i32 to vector<16xi32>
        %ne3A_733 = arith.cmpi ne, %and3A_730, %ne3A_732 : vector<16xi32>
        %and3A_734 = arith.andi %and3A_713, %ne3A_733 : vector<16xi1>
        %jit3A_735 = arith.constant 1 : i32
        %jit3A_736 = arith.constant 0 : i32
        %broadcast_in_dim3A_737 = vector.broadcast %jit3A_735 : i32 to vector<16xi32>
        %broadcast_in_dim3A_738 = vector.broadcast %jit3A_736 : i32 to vector<16xi32>
        %select_n3A_739 = arith.select %and3A_734, %broadcast_in_dim3A_737, %broadcast_in_dim3A_738 : vector<16xi1>, vector<16xi32>
        %broadcast_in_dim3A_740 = arith.constant true
        %broadcast_in_dim3A_741 = vector.broadcast %broadcast_in_dim3A_740 : i1 to vector<16xi1>
        %masked_cumsum3A_742 = tpu.scan <sum>, %select_n3A_739 masked %broadcast_in_dim3A_741 : vector<16xi32>, vector<16xi1> -> vector<16xi32>
        %all_reduce_population_count3A_743 = tpu.all_reduce %and3A_734 {dim = 0 : i64, kind = #tpu.reduction_kind<sum>} : vector<16xi1> -> vector<16xi32>
        %add3A_744 = arith.addi %add3A_712, %masked_cumsum3A_742 : vector<16xi32>
        %sub3A_745 = arith.constant 1 : i32
        %sub3A_746 = vector.broadcast %sub3A_745 : i32 to vector<16xi32>
        %sub3A_747 = arith.subi %add3A_744, %sub3A_746 : vector<16xi32>
        %jit3A_748 = arith.constant 3456 : i32
        %broadcast_in_dim3A_749 = vector.broadcast %jit3A_748 : i32 to vector<16xi32>
        %select_n3A_750 = arith.select %and3A_734, %sub3A_747, %broadcast_in_dim3A_749 : vector<16xi1>, vector<16xi32>
        tpu.vector_store_idx %arg12[%select_n3A_750], %select_n3A_719 : memref<3472xi32, #tpu.memory_space<vmem>>[vector<16xi32>], vector<16xi32>,
        %add3A_751 = arith.constant 15 : i32
        %add3A_752 = vector.broadcast %add3A_751 : i32 to vector<16xi32>
        %add3A_753 = arith.addi %mul3A_111, %add3A_752 : vector<16xi32>
        tpu.vector_store_idx %arg13[%select_n3A_750], %add3A_753 : memref<3472xi32, #tpu.memory_space<vmem>>[vector<16xi32>], vector<16xi32>,
        %add3A_754 = arith.addi %add3A_712, %all_reduce_population_count3A_743 : vector<16xi32>
        %add3A_755 = arith.constant 128 : i32
        %add3A_756 = vector.broadcast %add3A_755 : i32 to vector<16xi32>
        %add3A_757 = arith.addi %get3A_93, %add3A_756 : vector<16xi32>
        %jit3A_758 = arith.constant 0 : i32
        %broadcast_in_dim3A_759 = vector.broadcast %jit3A_758 : i32 to vector<16xi32>
        %select_n3A_760 = arith.select %le3A_121, %add3A_757, %broadcast_in_dim3A_759 : vector<16xi1>, vector<16xi32>
        %shift_right_arithmetic3A_761 = arith.constant 5 : i32
        %shift_right_arithmetic3A_762 = vector.broadcast %shift_right_arithmetic3A_761 : i32 to vector<16xi32>
        %shift_right_arithmetic3A_763 = arith.shrsi %select_n3A_760, %shift_right_arithmetic3A_762 : vector<16xi32>
        %gather3A_764 = tpu.vector_load_idx %arg11[%shift_right_arithmetic3A_763] : memref<65536xi32, #tpu.memory_space<vmem>>[vector<16xi32>], vector<16xi32>,
        %and3A_765 = arith.constant 31 : i32
        %and3A_766 = vector.broadcast %and3A_765 : i32 to vector<16xi32>
        %and3A_767 = arith.andi %select_n3A_760, %and3A_766 : vector<16xi32>
        %shift_right_arithmetic3A_768 = arith.shrsi %gather3A_764, %and3A_767 : vector<16xi32>
        %and3A_769 = arith.constant 1 : i32
        %and3A_770 = vector.broadcast %and3A_769 : i32 to vector<16xi32>
        %and3A_771 = arith.andi %shift_right_arithmetic3A_768, %and3A_770 : vector<16xi32>
        %ne3A_772 = arith.constant 0 : i32
        %ne3A_773 = vector.broadcast %ne3A_772 : i32 to vector<16xi32>
        %ne3A_774 = arith.cmpi ne, %and3A_771, %ne3A_773 : vector<16xi32>
        %and3A_775 = arith.andi %le3A_121, %ne3A_774 : vector<16xi1>
        %jit3A_776 = arith.constant 1 : i32
        %jit3A_777 = arith.constant 0 : i32
        %broadcast_in_dim3A_778 = vector.broadcast %jit3A_776 : i32 to vector<16xi32>
        %broadcast_in_dim3A_779 = vector.broadcast %jit3A_777 : i32 to vector<16xi32>
        %select_n3A_780 = arith.select %and3A_775, %broadcast_in_dim3A_778, %broadcast_in_dim3A_779 : vector<16xi1>, vector<16xi32>
        %broadcast_in_dim3A_781 = arith.constant true
        %broadcast_in_dim3A_782 = vector.broadcast %broadcast_in_dim3A_781 : i1 to vector<16xi1>
        %masked_cumsum3A_783 = tpu.scan <sum>, %select_n3A_780 masked %broadcast_in_dim3A_782 : vector<16xi32>, vector<16xi1> -> vector<16xi32>
        %all_reduce_population_count3A_784 = tpu.all_reduce %and3A_775 {dim = 0 : i64, kind = #tpu.reduction_kind<sum>} : vector<16xi1> -> vector<16xi32>
        %add3A_785 = arith.addi %add3A_754, %masked_cumsum3A_783 : vector<16xi32>
        %sub3A_786 = arith.constant 1 : i32
        %sub3A_787 = vector.broadcast %sub3A_786 : i32 to vector<16xi32>
        %sub3A_788 = arith.subi %add3A_785, %sub3A_787 : vector<16xi32>
        %jit3A_789 = arith.constant 3456 : i32
        %broadcast_in_dim3A_790 = vector.broadcast %jit3A_789 : i32 to vector<16xi32>
        %select_n3A_791 = arith.select %and3A_775, %sub3A_788, %broadcast_in_dim3A_790 : vector<16xi1>, vector<16xi32>
        tpu.vector_store_idx %arg12[%select_n3A_791], %select_n3A_760 : memref<3472xi32, #tpu.memory_space<vmem>>[vector<16xi32>], vector<16xi32>,
        %add3A_792 = arith.constant 16 : i32
        %add3A_793 = vector.broadcast %add3A_792 : i32 to vector<16xi32>
        %add3A_794 = arith.addi %mul3A_111, %add3A_793 : vector<16xi32>
        tpu.vector_store_idx %arg13[%select_n3A_791], %add3A_794 : memref<3472xi32, #tpu.memory_space<vmem>>[vector<16xi32>], vector<16xi32>,
        %add3A_795 = arith.addi %add3A_754, %all_reduce_population_count3A_784 : vector<16xi32>
        %and3A_796 = arith.andi %le3A_115, %le3A_121 : vector<16xi1>
        %add3A_797 = arith.constant 129 : i32
        %add3A_798 = vector.broadcast %add3A_797 : i32 to vector<16xi32>
        %add3A_799 = arith.addi %get3A_93, %add3A_798 : vector<16xi32>
        %jit3A_800 = arith.constant 0 : i32
        %broadcast_in_dim3A_801 = vector.broadcast %jit3A_800 : i32 to vector<16xi32>
        %select_n3A_802 = arith.select %and3A_796, %add3A_799, %broadcast_in_dim3A_801 : vector<16xi1>, vector<16xi32>
        %shift_right_arithmetic3A_803 = arith.constant 5 : i32
        %shift_right_arithmetic3A_804 = vector.broadcast %shift_right_arithmetic3A_803 : i32 to vector<16xi32>
        %shift_right_arithmetic3A_805 = arith.shrsi %select_n3A_802, %shift_right_arithmetic3A_804 : vector<16xi32>
        %gather3A_806 = tpu.vector_load_idx %arg11[%shift_right_arithmetic3A_805] : memref<65536xi32, #tpu.memory_space<vmem>>[vector<16xi32>], vector<16xi32>,
        %and3A_807 = arith.constant 31 : i32
        %and3A_808 = vector.broadcast %and3A_807 : i32 to vector<16xi32>
        %and3A_809 = arith.andi %select_n3A_802, %and3A_808 : vector<16xi32>
        %shift_right_arithmetic3A_810 = arith.shrsi %gather3A_806, %and3A_809 : vector<16xi32>
        %and3A_811 = arith.constant 1 : i32
        %and3A_812 = vector.broadcast %and3A_811 : i32 to vector<16xi32>
        %and3A_813 = arith.andi %shift_right_arithmetic3A_810, %and3A_812 : vector<16xi32>
        %ne3A_814 = arith.constant 0 : i32
        %ne3A_815 = vector.broadcast %ne3A_814 : i32 to vector<16xi32>
        %ne3A_816 = arith.cmpi ne, %and3A_813, %ne3A_815 : vector<16xi32>
        %and3A_817 = arith.andi %and3A_796, %ne3A_816 : vector<16xi1>
        %jit3A_818 = arith.constant 1 : i32
        %jit3A_819 = arith.constant 0 : i32
        %broadcast_in_dim3A_820 = vector.broadcast %jit3A_818 : i32 to vector<16xi32>
        %broadcast_in_dim3A_821 = vector.broadcast %jit3A_819 : i32 to vector<16xi32>
        %select_n3A_822 = arith.select %and3A_817, %broadcast_in_dim3A_820, %broadcast_in_dim3A_821 : vector<16xi1>, vector<16xi32>
        %broadcast_in_dim3A_823 = arith.constant true
        %broadcast_in_dim3A_824 = vector.broadcast %broadcast_in_dim3A_823 : i1 to vector<16xi1>
        %masked_cumsum3A_825 = tpu.scan <sum>, %select_n3A_822 masked %broadcast_in_dim3A_824 : vector<16xi32>, vector<16xi1> -> vector<16xi32>
        %all_reduce_population_count3A_826 = tpu.all_reduce %and3A_817 {dim = 0 : i64, kind = #tpu.reduction_kind<sum>} : vector<16xi1> -> vector<16xi32>
        %add3A_827 = arith.addi %add3A_795, %masked_cumsum3A_825 : vector<16xi32>
        %sub3A_828 = arith.constant 1 : i32
        %sub3A_829 = vector.broadcast %sub3A_828 : i32 to vector<16xi32>
        %sub3A_830 = arith.subi %add3A_827, %sub3A_829 : vector<16xi32>
        %jit3A_831 = arith.constant 3456 : i32
        %broadcast_in_dim3A_832 = vector.broadcast %jit3A_831 : i32 to vector<16xi32>
        %select_n3A_833 = arith.select %and3A_817, %sub3A_830, %broadcast_in_dim3A_832 : vector<16xi1>, vector<16xi32>
        tpu.vector_store_idx %arg12[%select_n3A_833], %select_n3A_802 : memref<3472xi32, #tpu.memory_space<vmem>>[vector<16xi32>], vector<16xi32>,
        %add3A_834 = arith.constant 17 : i32
        %add3A_835 = vector.broadcast %add3A_834 : i32 to vector<16xi32>
        %add3A_836 = arith.addi %mul3A_111, %add3A_835 : vector<16xi32>
        tpu.vector_store_idx %arg13[%select_n3A_833], %add3A_836 : memref<3472xi32, #tpu.memory_space<vmem>>[vector<16xi32>], vector<16xi32>,
        %add3A_837 = arith.addi %add3A_795, %all_reduce_population_count3A_826 : vector<16xi32>
        %and3A_838 = arith.andi %ge3A_113, %ge3A_118 : vector<16xi1>
        %and3A_839 = arith.andi %and3A_838, %le3A_127 : vector<16xi1>
        %add3A_840 = arith.constant 16255 : i32
        %add3A_841 = vector.broadcast %add3A_840 : i32 to vector<16xi32>
        %add3A_842 = arith.addi %get3A_93, %add3A_841 : vector<16xi32>
        %jit3A_843 = arith.constant 0 : i32
        %broadcast_in_dim3A_844 = vector.broadcast %jit3A_843 : i32 to vector<16xi32>
        %select_n3A_845 = arith.select %and3A_839, %add3A_842, %broadcast_in_dim3A_844 : vector<16xi1>, vector<16xi32>
        %shift_right_arithmetic3A_846 = arith.constant 5 : i32
        %shift_right_arithmetic3A_847 = vector.broadcast %shift_right_arithmetic3A_846 : i32 to vector<16xi32>
        %shift_right_arithmetic3A_848 = arith.shrsi %select_n3A_845, %shift_right_arithmetic3A_847 : vector<16xi32>
        %gather3A_849 = tpu.vector_load_idx %arg11[%shift_right_arithmetic3A_848] : memref<65536xi32, #tpu.memory_space<vmem>>[vector<16xi32>], vector<16xi32>,
        %and3A_850 = arith.constant 31 : i32
        %and3A_851 = vector.broadcast %and3A_850 : i32 to vector<16xi32>
        %and3A_852 = arith.andi %select_n3A_845, %and3A_851 : vector<16xi32>
        %shift_right_arithmetic3A_853 = arith.shrsi %gather3A_849, %and3A_852 : vector<16xi32>
        %and3A_854 = arith.constant 1 : i32
        %and3A_855 = vector.broadcast %and3A_854 : i32 to vector<16xi32>
        %and3A_856 = arith.andi %shift_right_arithmetic3A_853, %and3A_855 : vector<16xi32>
        %ne3A_857 = arith.constant 0 : i32
        %ne3A_858 = vector.broadcast %ne3A_857 : i32 to vector<16xi32>
        %ne3A_859 = arith.cmpi ne, %and3A_856, %ne3A_858 : vector<16xi32>
        %and3A_860 = arith.andi %and3A_839, %ne3A_859 : vector<16xi1>
        %jit3A_861 = arith.constant 1 : i32
        %jit3A_862 = arith.constant 0 : i32
        %broadcast_in_dim3A_863 = vector.broadcast %jit3A_861 : i32 to vector<16xi32>
        %broadcast_in_dim3A_864 = vector.broadcast %jit3A_862 : i32 to vector<16xi32>
        %select_n3A_865 = arith.select %and3A_860, %broadcast_in_dim3A_863, %broadcast_in_dim3A_864 : vector<16xi1>, vector<16xi32>
        %broadcast_in_dim3A_866 = arith.constant true
        %broadcast_in_dim3A_867 = vector.broadcast %broadcast_in_dim3A_866 : i1 to vector<16xi1>
        %masked_cumsum3A_868 = tpu.scan <sum>, %select_n3A_865 masked %broadcast_in_dim3A_867 : vector<16xi32>, vector<16xi1> -> vector<16xi32>
        %all_reduce_population_count3A_869 = tpu.all_reduce %and3A_860 {dim = 0 : i64, kind = #tpu.reduction_kind<sum>} : vector<16xi1> -> vector<16xi32>
        %add3A_870 = arith.addi %add3A_837, %masked_cumsum3A_868 : vector<16xi32>
        %sub3A_871 = arith.constant 1 : i32
        %sub3A_872 = vector.broadcast %sub3A_871 : i32 to vector<16xi32>
        %sub3A_873 = arith.subi %add3A_870, %sub3A_872 : vector<16xi32>
        %jit3A_874 = arith.constant 3456 : i32
        %broadcast_in_dim3A_875 = vector.broadcast %jit3A_874 : i32 to vector<16xi32>
        %select_n3A_876 = arith.select %and3A_860, %sub3A_873, %broadcast_in_dim3A_875 : vector<16xi1>, vector<16xi32>
        tpu.vector_store_idx %arg12[%select_n3A_876], %select_n3A_845 : memref<3472xi32, #tpu.memory_space<vmem>>[vector<16xi32>], vector<16xi32>,
        %add3A_877 = arith.constant 18 : i32
        %add3A_878 = vector.broadcast %add3A_877 : i32 to vector<16xi32>
        %add3A_879 = arith.addi %mul3A_111, %add3A_878 : vector<16xi32>
        tpu.vector_store_idx %arg13[%select_n3A_876], %add3A_879 : memref<3472xi32, #tpu.memory_space<vmem>>[vector<16xi32>], vector<16xi32>,
        %add3A_880 = arith.addi %add3A_837, %all_reduce_population_count3A_869 : vector<16xi32>
        %and3A_881 = arith.andi %ge3A_118, %le3A_127 : vector<16xi1>
        %add3A_882 = arith.constant 16256 : i32
        %add3A_883 = vector.broadcast %add3A_882 : i32 to vector<16xi32>
        %add3A_884 = arith.addi %get3A_93, %add3A_883 : vector<16xi32>
        %jit3A_885 = arith.constant 0 : i32
        %broadcast_in_dim3A_886 = vector.broadcast %jit3A_885 : i32 to vector<16xi32>
        %select_n3A_887 = arith.select %and3A_881, %add3A_884, %broadcast_in_dim3A_886 : vector<16xi1>, vector<16xi32>
        %shift_right_arithmetic3A_888 = arith.constant 5 : i32
        %shift_right_arithmetic3A_889 = vector.broadcast %shift_right_arithmetic3A_888 : i32 to vector<16xi32>
        %shift_right_arithmetic3A_890 = arith.shrsi %select_n3A_887, %shift_right_arithmetic3A_889 : vector<16xi32>
        %gather3A_891 = tpu.vector_load_idx %arg11[%shift_right_arithmetic3A_890] : memref<65536xi32, #tpu.memory_space<vmem>>[vector<16xi32>], vector<16xi32>,
        %and3A_892 = arith.constant 31 : i32
        %and3A_893 = vector.broadcast %and3A_892 : i32 to vector<16xi32>
        %and3A_894 = arith.andi %select_n3A_887, %and3A_893 : vector<16xi32>
        %shift_right_arithmetic3A_895 = arith.shrsi %gather3A_891, %and3A_894 : vector<16xi32>
        %and3A_896 = arith.constant 1 : i32
        %and3A_897 = vector.broadcast %and3A_896 : i32 to vector<16xi32>
        %and3A_898 = arith.andi %shift_right_arithmetic3A_895, %and3A_897 : vector<16xi32>
        %ne3A_899 = arith.constant 0 : i32
        %ne3A_900 = vector.broadcast %ne3A_899 : i32 to vector<16xi32>
        %ne3A_901 = arith.cmpi ne, %and3A_898, %ne3A_900 : vector<16xi32>
        %and3A_902 = arith.andi %and3A_881, %ne3A_901 : vector<16xi1>
        %jit3A_903 = arith.constant 1 : i32
        %jit3A_904 = arith.constant 0 : i32
        %broadcast_in_dim3A_905 = vector.broadcast %jit3A_903 : i32 to vector<16xi32>
        %broadcast_in_dim3A_906 = vector.broadcast %jit3A_904 : i32 to vector<16xi32>
        %select_n3A_907 = arith.select %and3A_902, %broadcast_in_dim3A_905, %broadcast_in_dim3A_906 : vector<16xi1>, vector<16xi32>
        %broadcast_in_dim3A_908 = arith.constant true
        %broadcast_in_dim3A_909 = vector.broadcast %broadcast_in_dim3A_908 : i1 to vector<16xi1>
        %masked_cumsum3A_910 = tpu.scan <sum>, %select_n3A_907 masked %broadcast_in_dim3A_909 : vector<16xi32>, vector<16xi1> -> vector<16xi32>
        %all_reduce_population_count3A_911 = tpu.all_reduce %and3A_902 {dim = 0 : i64, kind = #tpu.reduction_kind<sum>} : vector<16xi1> -> vector<16xi32>
        %add3A_912 = arith.addi %add3A_880, %masked_cumsum3A_910 : vector<16xi32>
        %sub3A_913 = arith.constant 1 : i32
        %sub3A_914 = vector.broadcast %sub3A_913 : i32 to vector<16xi32>
        %sub3A_915 = arith.subi %add3A_912, %sub3A_914 : vector<16xi32>
        %jit3A_916 = arith.constant 3456 : i32
        %broadcast_in_dim3A_917 = vector.broadcast %jit3A_916 : i32 to vector<16xi32>
        %select_n3A_918 = arith.select %and3A_902, %sub3A_915, %broadcast_in_dim3A_917 : vector<16xi1>, vector<16xi32>
        tpu.vector_store_idx %arg12[%select_n3A_918], %select_n3A_887 : memref<3472xi32, #tpu.memory_space<vmem>>[vector<16xi32>], vector<16xi32>,
        %add3A_919 = arith.constant 19 : i32
        %add3A_920 = vector.broadcast %add3A_919 : i32 to vector<16xi32>
        %add3A_921 = arith.addi %mul3A_111, %add3A_920 : vector<16xi32>
        tpu.vector_store_idx %arg13[%select_n3A_918], %add3A_921 : memref<3472xi32, #tpu.memory_space<vmem>>[vector<16xi32>], vector<16xi32>,
        %add3A_922 = arith.addi %add3A_880, %all_reduce_population_count3A_911 : vector<16xi32>
        %and3A_923 = arith.andi %le3A_115, %ge3A_118 : vector<16xi1>
        %and3A_924 = arith.andi %and3A_923, %le3A_127 : vector<16xi1>
        %add3A_925 = arith.constant 16257 : i32
        %add3A_926 = vector.broadcast %add3A_925 : i32 to vector<16xi32>
        %add3A_927 = arith.addi %get3A_93, %add3A_926 : vector<16xi32>
        %jit3A_928 = arith.constant 0 : i32
        %broadcast_in_dim3A_929 = vector.broadcast %jit3A_928 : i32 to vector<16xi32>
        %select_n3A_930 = arith.select %and3A_924, %add3A_927, %broadcast_in_dim3A_929 : vector<16xi1>, vector<16xi32>
        %shift_right_arithmetic3A_931 = arith.constant 5 : i32
        %shift_right_arithmetic3A_932 = vector.broadcast %shift_right_arithmetic3A_931 : i32 to vector<16xi32>
        %shift_right_arithmetic3A_933 = arith.shrsi %select_n3A_930, %shift_right_arithmetic3A_932 : vector<16xi32>
        %gather3A_934 = tpu.vector_load_idx %arg11[%shift_right_arithmetic3A_933] : memref<65536xi32, #tpu.memory_space<vmem>>[vector<16xi32>], vector<16xi32>,
        %and3A_935 = arith.constant 31 : i32
        %and3A_936 = vector.broadcast %and3A_935 : i32 to vector<16xi32>
        %and3A_937 = arith.andi %select_n3A_930, %and3A_936 : vector<16xi32>
        %shift_right_arithmetic3A_938 = arith.shrsi %gather3A_934, %and3A_937 : vector<16xi32>
        %and3A_939 = arith.constant 1 : i32
        %and3A_940 = vector.broadcast %and3A_939 : i32 to vector<16xi32>
        %and3A_941 = arith.andi %shift_right_arithmetic3A_938, %and3A_940 : vector<16xi32>
        %ne3A_942 = arith.constant 0 : i32
        %ne3A_943 = vector.broadcast %ne3A_942 : i32 to vector<16xi32>
        %ne3A_944 = arith.cmpi ne, %and3A_941, %ne3A_943 : vector<16xi32>
        %and3A_945 = arith.andi %and3A_924, %ne3A_944 : vector<16xi1>
        %jit3A_946 = arith.constant 1 : i32
        %jit3A_947 = arith.constant 0 : i32
        %broadcast_in_dim3A_948 = vector.broadcast %jit3A_946 : i32 to vector<16xi32>
        %broadcast_in_dim3A_949 = vector.broadcast %jit3A_947 : i32 to vector<16xi32>
        %select_n3A_950 = arith.select %and3A_945, %broadcast_in_dim3A_948, %broadcast_in_dim3A_949 : vector<16xi1>, vector<16xi32>
        %broadcast_in_dim3A_951 = arith.constant true
        %broadcast_in_dim3A_952 = vector.broadcast %broadcast_in_dim3A_951 : i1 to vector<16xi1>
        %masked_cumsum3A_953 = tpu.scan <sum>, %select_n3A_950 masked %broadcast_in_dim3A_952 : vector<16xi32>, vector<16xi1> -> vector<16xi32>
        %all_reduce_population_count3A_954 = tpu.all_reduce %and3A_945 {dim = 0 : i64, kind = #tpu.reduction_kind<sum>} : vector<16xi1> -> vector<16xi32>
        %add3A_955 = arith.addi %add3A_922, %masked_cumsum3A_953 : vector<16xi32>
        %sub3A_956 = arith.constant 1 : i32
        %sub3A_957 = vector.broadcast %sub3A_956 : i32 to vector<16xi32>
        %sub3A_958 = arith.subi %add3A_955, %sub3A_957 : vector<16xi32>
        %jit3A_959 = arith.constant 3456 : i32
        %broadcast_in_dim3A_960 = vector.broadcast %jit3A_959 : i32 to vector<16xi32>
        %select_n3A_961 = arith.select %and3A_945, %sub3A_958, %broadcast_in_dim3A_960 : vector<16xi1>, vector<16xi32>
        tpu.vector_store_idx %arg12[%select_n3A_961], %select_n3A_930 : memref<3472xi32, #tpu.memory_space<vmem>>[vector<16xi32>], vector<16xi32>,
        %add3A_962 = arith.constant 20 : i32
        %add3A_963 = vector.broadcast %add3A_962 : i32 to vector<16xi32>
        %add3A_964 = arith.addi %mul3A_111, %add3A_963 : vector<16xi32>
        tpu.vector_store_idx %arg13[%select_n3A_961], %add3A_964 : memref<3472xi32, #tpu.memory_space<vmem>>[vector<16xi32>], vector<16xi32>,
        %add3A_965 = arith.addi %add3A_922, %all_reduce_population_count3A_954 : vector<16xi32>
        %and3A_966 = arith.andi %ge3A_113, %le3A_127 : vector<16xi1>
        %add3A_967 = arith.constant 16383 : i32
        %add3A_968 = vector.broadcast %add3A_967 : i32 to vector<16xi32>
        %add3A_969 = arith.addi %get3A_93, %add3A_968 : vector<16xi32>
        %jit3A_970 = arith.constant 0 : i32
        %broadcast_in_dim3A_971 = vector.broadcast %jit3A_970 : i32 to vector<16xi32>
        %select_n3A_972 = arith.select %and3A_966, %add3A_969, %broadcast_in_dim3A_971 : vector<16xi1>, vector<16xi32>
        %shift_right_arithmetic3A_973 = arith.constant 5 : i32
        %shift_right_arithmetic3A_974 = vector.broadcast %shift_right_arithmetic3A_973 : i32 to vector<16xi32>
        %shift_right_arithmetic3A_975 = arith.shrsi %select_n3A_972, %shift_right_arithmetic3A_974 : vector<16xi32>
        %gather3A_976 = tpu.vector_load_idx %arg11[%shift_right_arithmetic3A_975] : memref<65536xi32, #tpu.memory_space<vmem>>[vector<16xi32>], vector<16xi32>,
        %and3A_977 = arith.constant 31 : i32
        %and3A_978 = vector.broadcast %and3A_977 : i32 to vector<16xi32>
        %and3A_979 = arith.andi %select_n3A_972, %and3A_978 : vector<16xi32>
        %shift_right_arithmetic3A_980 = arith.shrsi %gather3A_976, %and3A_979 : vector<16xi32>
        %and3A_981 = arith.constant 1 : i32
        %and3A_982 = vector.broadcast %and3A_981 : i32 to vector<16xi32>
        %and3A_983 = arith.andi %shift_right_arithmetic3A_980, %and3A_982 : vector<16xi32>
        %ne3A_984 = arith.constant 0 : i32
        %ne3A_985 = vector.broadcast %ne3A_984 : i32 to vector<16xi32>
        %ne3A_986 = arith.cmpi ne, %and3A_983, %ne3A_985 : vector<16xi32>
        %and3A_987 = arith.andi %and3A_966, %ne3A_986 : vector<16xi1>
        %jit3A_988 = arith.constant 1 : i32
        %jit3A_989 = arith.constant 0 : i32
        %broadcast_in_dim3A_990 = vector.broadcast %jit3A_988 : i32 to vector<16xi32>
        %broadcast_in_dim3A_991 = vector.broadcast %jit3A_989 : i32 to vector<16xi32>
        %select_n3A_992 = arith.select %and3A_987, %broadcast_in_dim3A_990, %broadcast_in_dim3A_991 : vector<16xi1>, vector<16xi32>
        %broadcast_in_dim3A_993 = arith.constant true
        %broadcast_in_dim3A_994 = vector.broadcast %broadcast_in_dim3A_993 : i1 to vector<16xi1>
        %masked_cumsum3A_995 = tpu.scan <sum>, %select_n3A_992 masked %broadcast_in_dim3A_994 : vector<16xi32>, vector<16xi1> -> vector<16xi32>
        %all_reduce_population_count3A_996 = tpu.all_reduce %and3A_987 {dim = 0 : i64, kind = #tpu.reduction_kind<sum>} : vector<16xi1> -> vector<16xi32>
        %add3A_997 = arith.addi %add3A_965, %masked_cumsum3A_995 : vector<16xi32>
        %sub3A_998 = arith.constant 1 : i32
        %sub3A_999 = vector.broadcast %sub3A_998 : i32 to vector<16xi32>
        %sub3A_1000 = arith.subi %add3A_997, %sub3A_999 : vector<16xi32>
        %jit3A_1001 = arith.constant 3456 : i32
        %broadcast_in_dim3A_1002 = vector.broadcast %jit3A_1001 : i32 to vector<16xi32>
        %select_n3A_1003 = arith.select %and3A_987, %sub3A_1000, %broadcast_in_dim3A_1002 : vector<16xi1>, vector<16xi32>
        tpu.vector_store_idx %arg12[%select_n3A_1003], %select_n3A_972 : memref<3472xi32, #tpu.memory_space<vmem>>[vector<16xi32>], vector<16xi32>,
        %add3A_1004 = arith.constant 21 : i32
        %add3A_1005 = vector.broadcast %add3A_1004 : i32 to vector<16xi32>
        %add3A_1006 = arith.addi %mul3A_111, %add3A_1005 : vector<16xi32>
        tpu.vector_store_idx %arg13[%select_n3A_1003], %add3A_1006 : memref<3472xi32, #tpu.memory_space<vmem>>[vector<16xi32>], vector<16xi32>,
        %add3A_1007 = arith.addi %add3A_965, %all_reduce_population_count3A_996 : vector<16xi32>
        %add3A_1008 = arith.constant 16384 : i32
        %add3A_1009 = vector.broadcast %add3A_1008 : i32 to vector<16xi32>
        %add3A_1010 = arith.addi %get3A_93, %add3A_1009 : vector<16xi32>
        %jit3A_1011 = arith.constant 0 : i32
        %broadcast_in_dim3A_1012 = vector.broadcast %jit3A_1011 : i32 to vector<16xi32>
        %select_n3A_1013 = arith.select %le3A_127, %add3A_1010, %broadcast_in_dim3A_1012 : vector<16xi1>, vector<16xi32>
        %shift_right_arithmetic3A_1014 = arith.constant 5 : i32
        %shift_right_arithmetic3A_1015 = vector.broadcast %shift_right_arithmetic3A_1014 : i32 to vector<16xi32>
        %shift_right_arithmetic3A_1016 = arith.shrsi %select_n3A_1013, %shift_right_arithmetic3A_1015 : vector<16xi32>
        %gather3A_1017 = tpu.vector_load_idx %arg11[%shift_right_arithmetic3A_1016] : memref<65536xi32, #tpu.memory_space<vmem>>[vector<16xi32>], vector<16xi32>,
        %and3A_1018 = arith.constant 31 : i32
        %and3A_1019 = vector.broadcast %and3A_1018 : i32 to vector<16xi32>
        %and3A_1020 = arith.andi %select_n3A_1013, %and3A_1019 : vector<16xi32>
        %shift_right_arithmetic3A_1021 = arith.shrsi %gather3A_1017, %and3A_1020 : vector<16xi32>
        %and3A_1022 = arith.constant 1 : i32
        %and3A_1023 = vector.broadcast %and3A_1022 : i32 to vector<16xi32>
        %and3A_1024 = arith.andi %shift_right_arithmetic3A_1021, %and3A_1023 : vector<16xi32>
        %ne3A_1025 = arith.constant 0 : i32
        %ne3A_1026 = vector.broadcast %ne3A_1025 : i32 to vector<16xi32>
        %ne3A_1027 = arith.cmpi ne, %and3A_1024, %ne3A_1026 : vector<16xi32>
        %and3A_1028 = arith.andi %le3A_127, %ne3A_1027 : vector<16xi1>
        %jit3A_1029 = arith.constant 1 : i32
        %jit3A_1030 = arith.constant 0 : i32
        %broadcast_in_dim3A_1031 = vector.broadcast %jit3A_1029 : i32 to vector<16xi32>
        %broadcast_in_dim3A_1032 = vector.broadcast %jit3A_1030 : i32 to vector<16xi32>
        %select_n3A_1033 = arith.select %and3A_1028, %broadcast_in_dim3A_1031, %broadcast_in_dim3A_1032 : vector<16xi1>, vector<16xi32>
        %broadcast_in_dim3A_1034 = arith.constant true
        %broadcast_in_dim3A_1035 = vector.broadcast %broadcast_in_dim3A_1034 : i1 to vector<16xi1>
        %masked_cumsum3A_1036 = tpu.scan <sum>, %select_n3A_1033 masked %broadcast_in_dim3A_1035 : vector<16xi32>, vector<16xi1> -> vector<16xi32>
        %all_reduce_population_count3A_1037 = tpu.all_reduce %and3A_1028 {dim = 0 : i64, kind = #tpu.reduction_kind<sum>} : vector<16xi1> -> vector<16xi32>
        %add3A_1038 = arith.addi %add3A_1007, %masked_cumsum3A_1036 : vector<16xi32>
        %sub3A_1039 = arith.constant 1 : i32
        %sub3A_1040 = vector.broadcast %sub3A_1039 : i32 to vector<16xi32>
        %sub3A_1041 = arith.subi %add3A_1038, %sub3A_1040 : vector<16xi32>
        %jit3A_1042 = arith.constant 3456 : i32
        %broadcast_in_dim3A_1043 = vector.broadcast %jit3A_1042 : i32 to vector<16xi32>
        %select_n3A_1044 = arith.select %and3A_1028, %sub3A_1041, %broadcast_in_dim3A_1043 : vector<16xi1>, vector<16xi32>
        tpu.vector_store_idx %arg12[%select_n3A_1044], %select_n3A_1013 : memref<3472xi32, #tpu.memory_space<vmem>>[vector<16xi32>], vector<16xi32>,
        %add3A_1045 = arith.constant 22 : i32
        %add3A_1046 = vector.broadcast %add3A_1045 : i32 to vector<16xi32>
        %add3A_1047 = arith.addi %mul3A_111, %add3A_1046 : vector<16xi32>
        tpu.vector_store_idx %arg13[%select_n3A_1044], %add3A_1047 : memref<3472xi32, #tpu.memory_space<vmem>>[vector<16xi32>], vector<16xi32>,
        %add3A_1048 = arith.addi %add3A_1007, %all_reduce_population_count3A_1037 : vector<16xi32>
        %and3A_1049 = arith.andi %le3A_115, %le3A_127 : vector<16xi1>
        %add3A_1050 = arith.constant 16385 : i32
        %add3A_1051 = vector.broadcast %add3A_1050 : i32 to vector<16xi32>
        %add3A_1052 = arith.addi %get3A_93, %add3A_1051 : vector<16xi32>
        %jit3A_1053 = arith.constant 0 : i32
        %broadcast_in_dim3A_1054 = vector.broadcast %jit3A_1053 : i32 to vector<16xi32>
        %select_n3A_1055 = arith.select %and3A_1049, %add3A_1052, %broadcast_in_dim3A_1054 : vector<16xi1>, vector<16xi32>
        %shift_right_arithmetic3A_1056 = arith.constant 5 : i32
        %shift_right_arithmetic3A_1057 = vector.broadcast %shift_right_arithmetic3A_1056 : i32 to vector<16xi32>
        %shift_right_arithmetic3A_1058 = arith.shrsi %select_n3A_1055, %shift_right_arithmetic3A_1057 : vector<16xi32>
        %gather3A_1059 = tpu.vector_load_idx %arg11[%shift_right_arithmetic3A_1058] : memref<65536xi32, #tpu.memory_space<vmem>>[vector<16xi32>], vector<16xi32>,
        %and3A_1060 = arith.constant 31 : i32
        %and3A_1061 = vector.broadcast %and3A_1060 : i32 to vector<16xi32>
        %and3A_1062 = arith.andi %select_n3A_1055, %and3A_1061 : vector<16xi32>
        %shift_right_arithmetic3A_1063 = arith.shrsi %gather3A_1059, %and3A_1062 : vector<16xi32>
        %and3A_1064 = arith.constant 1 : i32
        %and3A_1065 = vector.broadcast %and3A_1064 : i32 to vector<16xi32>
        %and3A_1066 = arith.andi %shift_right_arithmetic3A_1063, %and3A_1065 : vector<16xi32>
        %ne3A_1067 = arith.constant 0 : i32
        %ne3A_1068 = vector.broadcast %ne3A_1067 : i32 to vector<16xi32>
        %ne3A_1069 = arith.cmpi ne, %and3A_1066, %ne3A_1068 : vector<16xi32>
        %and3A_1070 = arith.andi %and3A_1049, %ne3A_1069 : vector<16xi1>
        %jit3A_1071 = arith.constant 1 : i32
        %jit3A_1072 = arith.constant 0 : i32
        %broadcast_in_dim3A_1073 = vector.broadcast %jit3A_1071 : i32 to vector<16xi32>
        %broadcast_in_dim3A_1074 = vector.broadcast %jit3A_1072 : i32 to vector<16xi32>
        %select_n3A_1075 = arith.select %and3A_1070, %broadcast_in_dim3A_1073, %broadcast_in_dim3A_1074 : vector<16xi1>, vector<16xi32>
        %broadcast_in_dim3A_1076 = arith.constant true
        %broadcast_in_dim3A_1077 = vector.broadcast %broadcast_in_dim3A_1076 : i1 to vector<16xi1>
        %masked_cumsum3A_1078 = tpu.scan <sum>, %select_n3A_1075 masked %broadcast_in_dim3A_1077 : vector<16xi32>, vector<16xi1> -> vector<16xi32>
        %all_reduce_population_count3A_1079 = tpu.all_reduce %and3A_1070 {dim = 0 : i64, kind = #tpu.reduction_kind<sum>} : vector<16xi1> -> vector<16xi32>
        %add3A_1080 = arith.addi %add3A_1048, %masked_cumsum3A_1078 : vector<16xi32>
        %sub3A_1081 = arith.constant 1 : i32
        %sub3A_1082 = vector.broadcast %sub3A_1081 : i32 to vector<16xi32>
        %sub3A_1083 = arith.subi %add3A_1080, %sub3A_1082 : vector<16xi32>
        %jit3A_1084 = arith.constant 3456 : i32
        %broadcast_in_dim3A_1085 = vector.broadcast %jit3A_1084 : i32 to vector<16xi32>
        %select_n3A_1086 = arith.select %and3A_1070, %sub3A_1083, %broadcast_in_dim3A_1085 : vector<16xi1>, vector<16xi32>
        tpu.vector_store_idx %arg12[%select_n3A_1086], %select_n3A_1055 : memref<3472xi32, #tpu.memory_space<vmem>>[vector<16xi32>], vector<16xi32>,
        %add3A_1087 = arith.constant 23 : i32
        %add3A_1088 = vector.broadcast %add3A_1087 : i32 to vector<16xi32>
        %add3A_1089 = arith.addi %mul3A_111, %add3A_1088 : vector<16xi32>
        tpu.vector_store_idx %arg13[%select_n3A_1086], %add3A_1089 : memref<3472xi32, #tpu.memory_space<vmem>>[vector<16xi32>], vector<16xi32>,
        %add3A_1090 = arith.addi %add3A_1048, %all_reduce_population_count3A_1079 : vector<16xi32>
        %and3A_1091 = arith.andi %ge3A_113, %le3A_121 : vector<16xi1>
        %and3A_1092 = arith.andi %and3A_1091, %le3A_127 : vector<16xi1>
        %add3A_1093 = arith.constant 16511 : i32
        %add3A_1094 = vector.broadcast %add3A_1093 : i32 to vector<16xi32>
        %add3A_1095 = arith.addi %get3A_93, %add3A_1094 : vector<16xi32>
        %jit3A_1096 = arith.constant 0 : i32
        %broadcast_in_dim3A_1097 = vector.broadcast %jit3A_1096 : i32 to vector<16xi32>
        %select_n3A_1098 = arith.select %and3A_1092, %add3A_1095, %broadcast_in_dim3A_1097 : vector<16xi1>, vector<16xi32>
        %shift_right_arithmetic3A_1099 = arith.constant 5 : i32
        %shift_right_arithmetic3A_1100 = vector.broadcast %shift_right_arithmetic3A_1099 : i32 to vector<16xi32>
        %shift_right_arithmetic3A_1101 = arith.shrsi %select_n3A_1098, %shift_right_arithmetic3A_1100 : vector<16xi32>
        %gather3A_1102 = tpu.vector_load_idx %arg11[%shift_right_arithmetic3A_1101] : memref<65536xi32, #tpu.memory_space<vmem>>[vector<16xi32>], vector<16xi32>,
        %and3A_1103 = arith.constant 31 : i32
        %and3A_1104 = vector.broadcast %and3A_1103 : i32 to vector<16xi32>
        %and3A_1105 = arith.andi %select_n3A_1098, %and3A_1104 : vector<16xi32>
        %shift_right_arithmetic3A_1106 = arith.shrsi %gather3A_1102, %and3A_1105 : vector<16xi32>
        %and3A_1107 = arith.constant 1 : i32
        %and3A_1108 = vector.broadcast %and3A_1107 : i32 to vector<16xi32>
        %and3A_1109 = arith.andi %shift_right_arithmetic3A_1106, %and3A_1108 : vector<16xi32>
        %ne3A_1110 = arith.constant 0 : i32
        %ne3A_1111 = vector.broadcast %ne3A_1110 : i32 to vector<16xi32>
        %ne3A_1112 = arith.cmpi ne, %and3A_1109, %ne3A_1111 : vector<16xi32>
        %and3A_1113 = arith.andi %and3A_1092, %ne3A_1112 : vector<16xi1>
        %jit3A_1114 = arith.constant 1 : i32
        %jit3A_1115 = arith.constant 0 : i32
        %broadcast_in_dim3A_1116 = vector.broadcast %jit3A_1114 : i32 to vector<16xi32>
        %broadcast_in_dim3A_1117 = vector.broadcast %jit3A_1115 : i32 to vector<16xi32>
        %select_n3A_1118 = arith.select %and3A_1113, %broadcast_in_dim3A_1116, %broadcast_in_dim3A_1117 : vector<16xi1>, vector<16xi32>
        %broadcast_in_dim3A_1119 = arith.constant true
        %broadcast_in_dim3A_1120 = vector.broadcast %broadcast_in_dim3A_1119 : i1 to vector<16xi1>
        %masked_cumsum3A_1121 = tpu.scan <sum>, %select_n3A_1118 masked %broadcast_in_dim3A_1120 : vector<16xi32>, vector<16xi1> -> vector<16xi32>
        %all_reduce_population_count3A_1122 = tpu.all_reduce %and3A_1113 {dim = 0 : i64, kind = #tpu.reduction_kind<sum>} : vector<16xi1> -> vector<16xi32>
        %add3A_1123 = arith.addi %add3A_1090, %masked_cumsum3A_1121 : vector<16xi32>
        %sub3A_1124 = arith.constant 1 : i32
        %sub3A_1125 = vector.broadcast %sub3A_1124 : i32 to vector<16xi32>
        %sub3A_1126 = arith.subi %add3A_1123, %sub3A_1125 : vector<16xi32>
        %jit3A_1127 = arith.constant 3456 : i32
        %broadcast_in_dim3A_1128 = vector.broadcast %jit3A_1127 : i32 to vector<16xi32>
        %select_n3A_1129 = arith.select %and3A_1113, %sub3A_1126, %broadcast_in_dim3A_1128 : vector<16xi1>, vector<16xi32>
        tpu.vector_store_idx %arg12[%select_n3A_1129], %select_n3A_1098 : memref<3472xi32, #tpu.memory_space<vmem>>[vector<16xi32>], vector<16xi32>,
        %add3A_1130 = arith.constant 24 : i32
        %add3A_1131 = vector.broadcast %add3A_1130 : i32 to vector<16xi32>
        %add3A_1132 = arith.addi %mul3A_111, %add3A_1131 : vector<16xi32>
        tpu.vector_store_idx %arg13[%select_n3A_1129], %add3A_1132 : memref<3472xi32, #tpu.memory_space<vmem>>[vector<16xi32>], vector<16xi32>,
        %add3A_1133 = arith.addi %add3A_1090, %all_reduce_population_count3A_1122 : vector<16xi32>
        %and3A_1134 = arith.andi %le3A_121, %le3A_127 : vector<16xi1>
        %add3A_1135 = arith.constant 16512 : i32
        %add3A_1136 = vector.broadcast %add3A_1135 : i32 to vector<16xi32>
        %add3A_1137 = arith.addi %get3A_93, %add3A_1136 : vector<16xi32>
        %jit3A_1138 = arith.constant 0 : i32
        %broadcast_in_dim3A_1139 = vector.broadcast %jit3A_1138 : i32 to vector<16xi32>
        %select_n3A_1140 = arith.select %and3A_1134, %add3A_1137, %broadcast_in_dim3A_1139 : vector<16xi1>, vector<16xi32>
        %shift_right_arithmetic3A_1141 = arith.constant 5 : i32
        %shift_right_arithmetic3A_1142 = vector.broadcast %shift_right_arithmetic3A_1141 : i32 to vector<16xi32>
        %shift_right_arithmetic3A_1143 = arith.shrsi %select_n3A_1140, %shift_right_arithmetic3A_1142 : vector<16xi32>
        %gather3A_1144 = tpu.vector_load_idx %arg11[%shift_right_arithmetic3A_1143] : memref<65536xi32, #tpu.memory_space<vmem>>[vector<16xi32>], vector<16xi32>,
        %and3A_1145 = arith.constant 31 : i32
        %and3A_1146 = vector.broadcast %and3A_1145 : i32 to vector<16xi32>
        %and3A_1147 = arith.andi %select_n3A_1140, %and3A_1146 : vector<16xi32>
        %shift_right_arithmetic3A_1148 = arith.shrsi %gather3A_1144, %and3A_1147 : vector<16xi32>
        %and3A_1149 = arith.constant 1 : i32
        %and3A_1150 = vector.broadcast %and3A_1149 : i32 to vector<16xi32>
        %and3A_1151 = arith.andi %shift_right_arithmetic3A_1148, %and3A_1150 : vector<16xi32>
        %ne3A_1152 = arith.constant 0 : i32
        %ne3A_1153 = vector.broadcast %ne3A_1152 : i32 to vector<16xi32>
        %ne3A_1154 = arith.cmpi ne, %and3A_1151, %ne3A_1153 : vector<16xi32>
        %and3A_1155 = arith.andi %and3A_1134, %ne3A_1154 : vector<16xi1>
        %jit3A_1156 = arith.constant 1 : i32
        %jit3A_1157 = arith.constant 0 : i32
        %broadcast_in_dim3A_1158 = vector.broadcast %jit3A_1156 : i32 to vector<16xi32>
        %broadcast_in_dim3A_1159 = vector.broadcast %jit3A_1157 : i32 to vector<16xi32>
        %select_n3A_1160 = arith.select %and3A_1155, %broadcast_in_dim3A_1158, %broadcast_in_dim3A_1159 : vector<16xi1>, vector<16xi32>
        %broadcast_in_dim3A_1161 = arith.constant true
        %broadcast_in_dim3A_1162 = vector.broadcast %broadcast_in_dim3A_1161 : i1 to vector<16xi1>
        %masked_cumsum3A_1163 = tpu.scan <sum>, %select_n3A_1160 masked %broadcast_in_dim3A_1162 : vector<16xi32>, vector<16xi1> -> vector<16xi32>
        %all_reduce_population_count3A_1164 = tpu.all_reduce %and3A_1155 {dim = 0 : i64, kind = #tpu.reduction_kind<sum>} : vector<16xi1> -> vector<16xi32>
        %add3A_1165 = arith.addi %add3A_1133, %masked_cumsum3A_1163 : vector<16xi32>
        %sub3A_1166 = arith.constant 1 : i32
        %sub3A_1167 = vector.broadcast %sub3A_1166 : i32 to vector<16xi32>
        %sub3A_1168 = arith.subi %add3A_1165, %sub3A_1167 : vector<16xi32>
        %jit3A_1169 = arith.constant 3456 : i32
        %broadcast_in_dim3A_1170 = vector.broadcast %jit3A_1169 : i32 to vector<16xi32>
        %select_n3A_1171 = arith.select %and3A_1155, %sub3A_1168, %broadcast_in_dim3A_1170 : vector<16xi1>, vector<16xi32>
        tpu.vector_store_idx %arg12[%select_n3A_1171], %select_n3A_1140 : memref<3472xi32, #tpu.memory_space<vmem>>[vector<16xi32>], vector<16xi32>,
        %add3A_1172 = arith.constant 25 : i32
        %add3A_1173 = vector.broadcast %add3A_1172 : i32 to vector<16xi32>
        %add3A_1174 = arith.addi %mul3A_111, %add3A_1173 : vector<16xi32>
        tpu.vector_store_idx %arg13[%select_n3A_1171], %add3A_1174 : memref<3472xi32, #tpu.memory_space<vmem>>[vector<16xi32>], vector<16xi32>,
        %add3A_1175 = arith.addi %add3A_1133, %all_reduce_population_count3A_1164 : vector<16xi32>
        %and3A_1176 = arith.andi %le3A_115, %le3A_121 : vector<16xi1>
        %and3A_1177 = arith.andi %and3A_1176, %le3A_127 : vector<16xi1>
        %add3A_1178 = arith.constant 16513 : i32
        %add3A_1179 = vector.broadcast %add3A_1178 : i32 to vector<16xi32>
        %add3A_1180 = arith.addi %get3A_93, %add3A_1179 : vector<16xi32>
        %jit3A_1181 = arith.constant 0 : i32
        %broadcast_in_dim3A_1182 = vector.broadcast %jit3A_1181 : i32 to vector<16xi32>
        %select_n3A_1183 = arith.select %and3A_1177, %add3A_1180, %broadcast_in_dim3A_1182 : vector<16xi1>, vector<16xi32>
        %shift_right_arithmetic3A_1184 = arith.constant 5 : i32
        %shift_right_arithmetic3A_1185 = vector.broadcast %shift_right_arithmetic3A_1184 : i32 to vector<16xi32>
        %shift_right_arithmetic3A_1186 = arith.shrsi %select_n3A_1183, %shift_right_arithmetic3A_1185 : vector<16xi32>
        %gather3A_1187 = tpu.vector_load_idx %arg11[%shift_right_arithmetic3A_1186] : memref<65536xi32, #tpu.memory_space<vmem>>[vector<16xi32>], vector<16xi32>,
        %and3A_1188 = arith.constant 31 : i32
        %and3A_1189 = vector.broadcast %and3A_1188 : i32 to vector<16xi32>
        %and3A_1190 = arith.andi %select_n3A_1183, %and3A_1189 : vector<16xi32>
        %shift_right_arithmetic3A_1191 = arith.shrsi %gather3A_1187, %and3A_1190 : vector<16xi32>
        %and3A_1192 = arith.constant 1 : i32
        %and3A_1193 = vector.broadcast %and3A_1192 : i32 to vector<16xi32>
        %and3A_1194 = arith.andi %shift_right_arithmetic3A_1191, %and3A_1193 : vector<16xi32>
        %ne3A_1195 = arith.constant 0 : i32
        %ne3A_1196 = vector.broadcast %ne3A_1195 : i32 to vector<16xi32>
        %ne3A_1197 = arith.cmpi ne, %and3A_1194, %ne3A_1196 : vector<16xi32>
        %and3A_1198 = arith.andi %and3A_1177, %ne3A_1197 : vector<16xi1>
        %jit3A_1199 = arith.constant 1 : i32
        %jit3A_1200 = arith.constant 0 : i32
        %broadcast_in_dim3A_1201 = vector.broadcast %jit3A_1199 : i32 to vector<16xi32>
        %broadcast_in_dim3A_1202 = vector.broadcast %jit3A_1200 : i32 to vector<16xi32>
        %select_n3A_1203 = arith.select %and3A_1198, %broadcast_in_dim3A_1201, %broadcast_in_dim3A_1202 : vector<16xi1>, vector<16xi32>
        %broadcast_in_dim3A_1204 = arith.constant true
        %broadcast_in_dim3A_1205 = vector.broadcast %broadcast_in_dim3A_1204 : i1 to vector<16xi1>
        %masked_cumsum3A_1206 = tpu.scan <sum>, %select_n3A_1203 masked %broadcast_in_dim3A_1205 : vector<16xi32>, vector<16xi1> -> vector<16xi32>
        %all_reduce_population_count3A_1207 = tpu.all_reduce %and3A_1198 {dim = 0 : i64, kind = #tpu.reduction_kind<sum>} : vector<16xi1> -> vector<16xi32>
        %add3A_1208 = arith.addi %add3A_1175, %masked_cumsum3A_1206 : vector<16xi32>
        %sub3A_1209 = arith.constant 1 : i32
        %sub3A_1210 = vector.broadcast %sub3A_1209 : i32 to vector<16xi32>
        %sub3A_1211 = arith.subi %add3A_1208, %sub3A_1210 : vector<16xi32>
        %jit3A_1212 = arith.constant 3456 : i32
        %broadcast_in_dim3A_1213 = vector.broadcast %jit3A_1212 : i32 to vector<16xi32>
        %select_n3A_1214 = arith.select %and3A_1198, %sub3A_1211, %broadcast_in_dim3A_1213 : vector<16xi1>, vector<16xi32>
        tpu.vector_store_idx %arg12[%select_n3A_1214], %select_n3A_1183 : memref<3472xi32, #tpu.memory_space<vmem>>[vector<16xi32>], vector<16xi32>,
        %add3A_1215 = arith.constant 26 : i32
        %add3A_1216 = vector.broadcast %add3A_1215 : i32 to vector<16xi32>
        %add3A_1217 = arith.addi %mul3A_111, %add3A_1216 : vector<16xi32>
        tpu.vector_store_idx %arg13[%select_n3A_1214], %add3A_1217 : memref<3472xi32, #tpu.memory_space<vmem>>[vector<16xi32>], vector<16xi32>,
        %add3A_1218 = arith.addi %add3A_1175, %all_reduce_population_count3A_1207 : vector<16xi32>
        scf.yield %add3A_1218 : vector<16xi32>
      }
      %scan3A_25 = arith.constant 8 : i32
      %reduce_max3A = arith.constant true
      %reduce_max3A_26 = vector.broadcast %reduce_max3A : i1 to vector<16xi1>
      %reduce_max3A_27 = arith.constant -2147483648 : i32
      %reduce_max3A_28 = vector.broadcast %reduce_max3A_27 : i32 to vector<16xi32>
      %reduce_max3A_29 = arith.xori %scan3A_24, %reduce_max3A_28 : vector<16xi32>
      %reduce_max3A_30 = tpu.scan <max>, %reduce_max3A_29 masked %reduce_max3A_26 : vector<16xi32>, vector<16xi1> -> vector<16xi32>
      %reduce_max3A_31 = arith.xori %reduce_max3A_30, %reduce_max3A_28 : vector<16xi32>
      %reduce_max3A_32 = vector.extract %reduce_max3A_31[15] : i32 from vector<16xi32>
      %broadcast_in_dim3A_33 = arith.constant 0 : i32
      %broadcast_in_dim3A_34 = vector.broadcast %broadcast_in_dim3A_33 : i32 to vector<16xi32>
      %broadcast_in_dim3A_35 = arith.constant 4096 : i32
      %broadcast_in_dim3A_36 = vector.broadcast %broadcast_in_dim3A_35 : i32 to vector<16xi32>
      %add3A_37 = arith.constant 0 : i32
      %add3A_38 = arith.addi %reduce_max3A_32, %add3A_37 : i32
      %add3A_39 = vector.broadcast %add3A_38 : i32 to vector<16xi32>
      %add3A_40 = arith.addi %add3A_39, %iota3A : vector<16xi32>
      tpu.vector_store_idx %arg12[%add3A_40], %broadcast_in_dim3A_34 : memref<3472xi32, #tpu.memory_space<vmem>>[vector<16xi32>], vector<16xi32>,
      tpu.vector_store_idx %arg13[%add3A_40], %broadcast_in_dim3A_36 : memref<3472xi32, #tpu.memory_space<vmem>>[vector<16xi32>], vector<16xi32>,
      %add3A_41 = arith.constant 16 : i32
      %add3A_42 = arith.addi %reduce_max3A_32, %add3A_41 : i32
      %add3A_43 = vector.broadcast %add3A_42 : i32 to vector<16xi32>
      %add3A_44 = arith.addi %add3A_43, %iota3A : vector<16xi32>
      tpu.vector_store_idx %arg12[%add3A_44], %broadcast_in_dim3A_34 : memref<3472xi32, #tpu.memory_space<vmem>>[vector<16xi32>], vector<16xi32>,
      tpu.vector_store_idx %arg13[%add3A_44], %broadcast_in_dim3A_36 : memref<3472xi32, #tpu.memory_space<vmem>>[vector<16xi32>], vector<16xi32>,
      %add3A_45 = arith.constant 32 : i32
      %add3A_46 = arith.addi %reduce_max3A_32, %add3A_45 : i32
      %add3A_47 = vector.broadcast %add3A_46 : i32 to vector<16xi32>
      %add3A_48 = arith.addi %add3A_47, %iota3A : vector<16xi32>
      tpu.vector_store_idx %arg12[%add3A_48], %broadcast_in_dim3A_34 : memref<3472xi32, #tpu.memory_space<vmem>>[vector<16xi32>], vector<16xi32>,
      tpu.vector_store_idx %arg13[%add3A_48], %broadcast_in_dim3A_36 : memref<3472xi32, #tpu.memory_space<vmem>>[vector<16xi32>], vector<16xi32>,
      %add3A_49 = arith.constant 48 : i32
      %add3A_50 = arith.addi %reduce_max3A_32, %add3A_49 : i32
      %add3A_51 = vector.broadcast %add3A_50 : i32 to vector<16xi32>
      %add3A_52 = arith.addi %add3A_51, %iota3A : vector<16xi32>
      tpu.vector_store_idx %arg12[%add3A_52], %broadcast_in_dim3A_34 : memref<3472xi32, #tpu.memory_space<vmem>>[vector<16xi32>], vector<16xi32>,
      tpu.vector_store_idx %arg13[%add3A_52], %broadcast_in_dim3A_36 : memref<3472xi32, #tpu.memory_space<vmem>>[vector<16xi32>], vector<16xi32>,
      %add3A_53 = arith.constant 64 : i32
      %add3A_54 = arith.addi %reduce_max3A_32, %add3A_53 : i32
      %add3A_55 = vector.broadcast %add3A_54 : i32 to vector<16xi32>
      %add3A_56 = arith.addi %add3A_55, %iota3A : vector<16xi32>
      tpu.vector_store_idx %arg12[%add3A_56], %broadcast_in_dim3A_34 : memref<3472xi32, #tpu.memory_space<vmem>>[vector<16xi32>], vector<16xi32>,
      tpu.vector_store_idx %arg13[%add3A_56], %broadcast_in_dim3A_36 : memref<3472xi32, #tpu.memory_space<vmem>>[vector<16xi32>], vector<16xi32>,
      %add3A_57 = arith.constant 80 : i32
      %add3A_58 = arith.addi %reduce_max3A_32, %add3A_57 : i32
      %add3A_59 = vector.broadcast %add3A_58 : i32 to vector<16xi32>
      %add3A_60 = arith.addi %add3A_59, %iota3A : vector<16xi32>
      tpu.vector_store_idx %arg12[%add3A_60], %broadcast_in_dim3A_34 : memref<3472xi32, #tpu.memory_space<vmem>>[vector<16xi32>], vector<16xi32>,
      tpu.vector_store_idx %arg13[%add3A_60], %broadcast_in_dim3A_36 : memref<3472xi32, #tpu.memory_space<vmem>>[vector<16xi32>], vector<16xi32>,
      %add3A_61 = arith.constant 96 : i32
      %add3A_62 = arith.addi %reduce_max3A_32, %add3A_61 : i32
      %add3A_63 = vector.broadcast %add3A_62 : i32 to vector<16xi32>
      %add3A_64 = arith.addi %add3A_63, %iota3A : vector<16xi32>
      tpu.vector_store_idx %arg12[%add3A_64], %broadcast_in_dim3A_34 : memref<3472xi32, #tpu.memory_space<vmem>>[vector<16xi32>], vector<16xi32>,
      tpu.vector_store_idx %arg13[%add3A_64], %broadcast_in_dim3A_36 : memref<3472xi32, #tpu.memory_space<vmem>>[vector<16xi32>], vector<16xi32>,
      %add3A_65 = arith.constant 112 : i32
      %add3A_66 = arith.addi %reduce_max3A_32, %add3A_65 : i32
      %add3A_67 = vector.broadcast %add3A_66 : i32 to vector<16xi32>
      %add3A_68 = arith.addi %add3A_67, %iota3A : vector<16xi32>
      tpu.vector_store_idx %arg12[%add3A_68], %broadcast_in_dim3A_34 : memref<3472xi32, #tpu.memory_space<vmem>>[vector<16xi32>], vector<16xi32>,
      tpu.vector_store_idx %arg13[%add3A_68], %broadcast_in_dim3A_36 : memref<3472xi32, #tpu.memory_space<vmem>>[vector<16xi32>], vector<16xi32>,
      %add3A_69 = arith.constant 127 : i32
      %add3A_70 = arith.addi %reduce_max3A_32, %add3A_69 : i32
      %jit3A = arith.constant 128 : i32
      %div3A = arith.divsi %add3A_70, %jit3A : i32
      %sign3A = arith.constant 0 : i32
      %sign3A_71 = arith.cmpi sgt, %add3A_70, %sign3A : i32
      %sign3A_72 = arith.extui %sign3A_71 : i1 to i32
      %sign3A_73 = arith.constant 0 : i32
      %sign3A_74 = arith.cmpi slt, %add3A_70, %sign3A_73 : i32
      %sign3A_75 = arith.extui %sign3A_74 : i1 to i32
      %sign3A_76 = arith.subi %sign3A_72, %sign3A_75 : i32
      %sign3A_77 = arith.constant 0 : i32
      %sign3A_78 = arith.cmpi sgt, %jit3A, %sign3A_77 : i32
      %sign3A_79 = arith.extui %sign3A_78 : i1 to i32
      %sign3A_80 = arith.constant 0 : i32
      %sign3A_81 = arith.cmpi slt, %jit3A, %sign3A_80 : i32
      %sign3A_82 = arith.extui %sign3A_81 : i1 to i32
      %sign3A_83 = arith.subi %sign3A_79, %sign3A_82 : i32
      %ne3A = arith.cmpi ne, %sign3A_76, %sign3A_83 : i32
      %rem3A = arith.remsi %add3A_70, %jit3A : i32
      %ne3A_84 = arith.constant 0 : i32
      %ne3A_85 = arith.cmpi ne, %rem3A, %ne3A_84 : i32
      %and3A = arith.andi %ne3A, %ne3A_85 : i1
      %sub3A = arith.constant 1 : i32
      %sub3A_86 = arith.subi %div3A, %sub3A : i32
      %select_n3A = arith.select %and3A, %sub3A_86, %div3A : i32
      %swap3A = arith.index_cast %add3A_16 : i32 to index
      %swap3A_87 = memref.load %arg17[%swap3A] : memref<32xi32, #tpu.memory_space<smem>>
      memref.store %select_n3A, %arg17[%swap3A] : memref<32xi32, #tpu.memory_space<smem>>
      "tpu.region"() ({
        %run_scoped3A = tpu.sem_alloc : memref<!tpu.dma_semaphore, #tpu.memory_space<semaphore_mem>>
        %dma_start3A = arith.constant 0 : i32
        %dma_start3A_88 = tpu.memref_slice %arg8[%add3A, %add3A_16, %dma_start3A] : memref<32x25x3472xi32, #tpu.memory_space<hbm>> -> memref<1x1x3472xi32, #tpu.memory_space<hbm>>
        %dma_start3A_89 = tpu.memref_squeeze %dma_start3A_88 : memref<1x1x3472xi32, #tpu.memory_space<hbm>> -> memref<3472xi32, #tpu.memory_space<hbm>>
        %dma_start3A_90 = arith.constant 0 : i32
        %dma_start3A_91 = tpu.memref_slice %arg8[%add3A, %add3A_16, %dma_start3A_90] : memref<32x25x3472xi32, #tpu.memory_space<hbm>> -> memref<1x1x3472xi32, #tpu.memory_space<hbm>>
        %dma_start3A_92 = tpu.memref_squeeze %dma_start3A_91 : memref<1x1x3472xi32, #tpu.memory_space<hbm>> -> memref<3472xi32, #tpu.memory_space<hbm>>
        tpu.enqueue_dma source(%arg12 : memref<3472xi32, #tpu.memory_space<vmem>>) target(%dma_start3A_92 : memref<3472xi32, #tpu.memory_space<hbm>>) target_semaphore(%run_scoped3A : memref<!tpu.dma_semaphore, #tpu.memory_space<semaphore_mem>>)
        %dma_wait3A = arith.constant 0 : i32
        %dma_wait3A_93 = tpu.memref_slice %arg8[%add3A, %add3A_16, %dma_wait3A] : memref<32x25x3472xi32, #tpu.memory_space<hbm>> -> memref<1x1x3472xi32, #tpu.memory_space<hbm>>
        %dma_wait3A_94 = tpu.memref_squeeze %dma_wait3A_93 : memref<1x1x3472xi32, #tpu.memory_space<hbm>> -> memref<3472xi32, #tpu.memory_space<hbm>>
        %dma_wait3A_95 = arith.constant 0 : i32
        %dma_wait3A_96 = tpu.memref_slice %arg8[%add3A, %add3A_16, %dma_wait3A_95] : memref<32x25x3472xi32, #tpu.memory_space<hbm>> -> memref<1x1x3472xi32, #tpu.memory_space<hbm>>
        %dma_wait3A_97 = tpu.memref_squeeze %dma_wait3A_96 : memref<1x1x3472xi32, #tpu.memory_space<hbm>> -> memref<3472xi32, #tpu.memory_space<hbm>>
        tpu.wait_dma2 semaphore(%run_scoped3A : memref<!tpu.dma_semaphore, #tpu.memory_space<semaphore_mem>>) src(%arg12 : memref<3472xi32, #tpu.memory_space<vmem>>) dst(%dma_wait3A_97 : memref<3472xi32, #tpu.memory_space<hbm>>)
        tpu.yield
      }) : () -> ()
      "tpu.region"() ({
        %run_scoped3A = tpu.sem_alloc : memref<!tpu.dma_semaphore, #tpu.memory_space<semaphore_mem>>
        %dma_start3A = arith.constant 0 : i32
        %dma_start3A_88 = tpu.memref_slice %arg9[%add3A, %add3A_16, %dma_start3A] : memref<32x25x3472xi32, #tpu.memory_space<hbm>> -> memref<1x1x3472xi32, #tpu.memory_space<hbm>>
        %dma_start3A_89 = tpu.memref_squeeze %dma_start3A_88 : memref<1x1x3472xi32, #tpu.memory_space<hbm>> -> memref<3472xi32, #tpu.memory_space<hbm>>
        %dma_start3A_90 = arith.constant 0 : i32
        %dma_start3A_91 = tpu.memref_slice %arg9[%add3A, %add3A_16, %dma_start3A_90] : memref<32x25x3472xi32, #tpu.memory_space<hbm>> -> memref<1x1x3472xi32, #tpu.memory_space<hbm>>
        %dma_start3A_92 = tpu.memref_squeeze %dma_start3A_91 : memref<1x1x3472xi32, #tpu.memory_space<hbm>> -> memref<3472xi32, #tpu.memory_space<hbm>>
        tpu.enqueue_dma source(%arg13 : memref<3472xi32, #tpu.memory_space<vmem>>) target(%dma_start3A_92 : memref<3472xi32, #tpu.memory_space<hbm>>) target_semaphore(%run_scoped3A : memref<!tpu.dma_semaphore, #tpu.memory_space<semaphore_mem>>)
        %dma_wait3A = arith.constant 0 : i32
        %dma_wait3A_93 = tpu.memref_slice %arg9[%add3A, %add3A_16, %dma_wait3A] : memref<32x25x3472xi32, #tpu.memory_space<hbm>> -> memref<1x1x3472xi32, #tpu.memory_space<hbm>>
        %dma_wait3A_94 = tpu.memref_squeeze %dma_wait3A_93 : memref<1x1x3472xi32, #tpu.memory_space<hbm>> -> memref<3472xi32, #tpu.memory_space<hbm>>
        %dma_wait3A_95 = arith.constant 0 : i32
        %dma_wait3A_96 = tpu.memref_slice %arg9[%add3A, %add3A_16, %dma_wait3A_95] : memref<32x25x3472xi32, #tpu.memory_space<hbm>> -> memref<1x1x3472xi32, #tpu.memory_space<hbm>>
        %dma_wait3A_97 = tpu.memref_squeeze %dma_wait3A_96 : memref<1x1x3472xi32, #tpu.memory_space<hbm>> -> memref<3472xi32, #tpu.memory_space<hbm>>
        tpu.wait_dma2 semaphore(%run_scoped3A : memref<!tpu.dma_semaphore, #tpu.memory_space<semaphore_mem>>) src(%arg13 : memref<3472xi32, #tpu.memory_space<vmem>>) dst(%dma_wait3A_97 : memref<3472xi32, #tpu.memory_space<hbm>>)
        tpu.yield
      }) : () -> ()
    }
    %scan3A_6 = arith.constant 25 : i32
    %scan3A_7 = arith.constant 0 : i32
    %scan3A_8 = arith.constant 25 : i32
    %scan3A_9 = arith.addi %scan3A_7, %scan3A_8 : i32
    %scan3A_10 = arith.constant 1 : i32
    scf.for %scan3A_12 = %scan3A_7 to %scan3A_9 step %scan3A_10  : i32 {
      %mul3A_13 = arith.constant 1 : i32
      %mul3A_14 = arith.muli %scan3A_12, %mul3A_13 : i32
      %add3A_15 = arith.constant 0 : i32
      %add3A_16 = arith.addi %add3A_15, %mul3A_14 : i32
      %mul3A_17 = arith.constant 128 : i32
      %mul3A_18 = arith.muli %add3A_16, %mul3A_17 : i32
      %add3A_19 = arith.addi %mul3A_2, %mul3A_18 : i32
      "tpu.region"() ({
        %run_scoped3A = tpu.sem_alloc : memref<!tpu.dma_semaphore, #tpu.memory_space<semaphore_mem>>
        %dma_start3A = arith.constant 0 : i32
        %dma_start3A_27 = arith.constant 0 : i32
        %dma_start3A_28 = tpu.memref_slice %arg16[%dma_start3A, %dma_start3A_27] : memref<129x32xf32, #tpu.memory_space<vmem>> -> memref<128x32xf32, #tpu.memory_space<vmem>>
        %dma_start3A_29 = arith.constant 0 : i32
        %dma_start3A_30 = tpu.memref_slice %arg6[%add3A_19, %dma_start3A_29] : memref<102400x32xf32, #tpu.memory_space<hbm>> -> memref<128x32xf32, #tpu.memory_space<hbm>>
        %dma_start3A_31 = arith.constant 0 : i32
        %dma_start3A_32 = arith.constant 0 : i32
        %dma_start3A_33 = tpu.memref_slice %arg16[%dma_start3A_31, %dma_start3A_32] : memref<129x32xf32, #tpu.memory_space<vmem>> -> memref<128x32xf32, #tpu.memory_space<vmem>>
        %dma_start3A_34 = arith.constant 0 : i32
        %dma_start3A_35 = tpu.memref_slice %arg6[%add3A_19, %dma_start3A_34] : memref<102400x32xf32, #tpu.memory_space<hbm>> -> memref<128x32xf32, #tpu.memory_space<hbm>>
        tpu.enqueue_dma source(%dma_start3A_35 : memref<128x32xf32, #tpu.memory_space<hbm>>) target(%dma_start3A_33 : memref<128x32xf32, #tpu.memory_space<vmem>>) target_semaphore(%run_scoped3A : memref<!tpu.dma_semaphore, #tpu.memory_space<semaphore_mem>>)
        %dma_wait3A = arith.constant 0 : i32
        %dma_wait3A_36 = arith.constant 0 : i32
        %dma_wait3A_37 = tpu.memref_slice %arg16[%dma_wait3A, %dma_wait3A_36] : memref<129x32xf32, #tpu.memory_space<vmem>> -> memref<128x32xf32, #tpu.memory_space<vmem>>
        %dma_wait3A_38 = arith.constant 0 : i32
        %dma_wait3A_39 = tpu.memref_slice %arg6[%add3A_19, %dma_wait3A_38] : memref<102400x32xf32, #tpu.memory_space<hbm>> -> memref<128x32xf32, #tpu.memory_space<hbm>>
        %dma_wait3A_40 = arith.constant 0 : i32
        %dma_wait3A_41 = arith.constant 0 : i32
        %dma_wait3A_42 = tpu.memref_slice %arg16[%dma_wait3A_40, %dma_wait3A_41] : memref<129x32xf32, #tpu.memory_space<vmem>> -> memref<128x32xf32, #tpu.memory_space<vmem>>
        %dma_wait3A_43 = arith.constant 0 : i32
        %dma_wait3A_44 = tpu.memref_slice %arg6[%add3A_19, %dma_wait3A_43] : memref<102400x32xf32, #tpu.memory_space<hbm>> -> memref<128x32xf32, #tpu.memory_space<hbm>>
        tpu.wait_dma2 semaphore(%run_scoped3A : memref<!tpu.dma_semaphore, #tpu.memory_space<semaphore_mem>>) src(%dma_wait3A_44 : memref<128x32xf32, #tpu.memory_space<hbm>>) dst(%dma_wait3A_42 : memref<128x32xf32, #tpu.memory_space<vmem>>)
        tpu.yield
      }) : () -> ()
      "tpu.region"() ({
        %run_scoped3A = tpu.sem_alloc : memref<!tpu.dma_semaphore, #tpu.memory_space<semaphore_mem>>
        %dma_start3A = arith.constant 0 : i32
        %dma_start3A_27 = tpu.memref_slice %arg8[%add3A, %add3A_16, %dma_start3A] : memref<32x25x3472xi32, #tpu.memory_space<hbm>> -> memref<1x1x3472xi32, #tpu.memory_space<hbm>>
        %dma_start3A_28 = tpu.memref_squeeze %dma_start3A_27 : memref<1x1x3472xi32, #tpu.memory_space<hbm>> -> memref<3472xi32, #tpu.memory_space<hbm>>
        %dma_start3A_29 = arith.constant 0 : i32
        %dma_start3A_30 = tpu.memref_slice %arg8[%add3A, %add3A_16, %dma_start3A_29] : memref<32x25x3472xi32, #tpu.memory_space<hbm>> -> memref<1x1x3472xi32, #tpu.memory_space<hbm>>
        %dma_start3A_31 = tpu.memref_squeeze %dma_start3A_30 : memref<1x1x3472xi32, #tpu.memory_space<hbm>> -> memref<3472xi32, #tpu.memory_space<hbm>>
        tpu.enqueue_dma source(%dma_start3A_31 : memref<3472xi32, #tpu.memory_space<hbm>>) target(%arg12 : memref<3472xi32, #tpu.memory_space<vmem>>) target_semaphore(%run_scoped3A : memref<!tpu.dma_semaphore, #tpu.memory_space<semaphore_mem>>)
        %dma_wait3A = arith.constant 0 : i32
        %dma_wait3A_32 = tpu.memref_slice %arg8[%add3A, %add3A_16, %dma_wait3A] : memref<32x25x3472xi32, #tpu.memory_space<hbm>> -> memref<1x1x3472xi32, #tpu.memory_space<hbm>>
        %dma_wait3A_33 = tpu.memref_squeeze %dma_wait3A_32 : memref<1x1x3472xi32, #tpu.memory_space<hbm>> -> memref<3472xi32, #tpu.memory_space<hbm>>
        %dma_wait3A_34 = arith.constant 0 : i32
        %dma_wait3A_35 = tpu.memref_slice %arg8[%add3A, %add3A_16, %dma_wait3A_34] : memref<32x25x3472xi32, #tpu.memory_space<hbm>> -> memref<1x1x3472xi32, #tpu.memory_space<hbm>>
        %dma_wait3A_36 = tpu.memref_squeeze %dma_wait3A_35 : memref<1x1x3472xi32, #tpu.memory_space<hbm>> -> memref<3472xi32, #tpu.memory_space<hbm>>
        tpu.wait_dma2 semaphore(%run_scoped3A : memref<!tpu.dma_semaphore, #tpu.memory_space<semaphore_mem>>) src(%dma_wait3A_36 : memref<3472xi32, #tpu.memory_space<hbm>>) dst(%arg12 : memref<3472xi32, #tpu.memory_space<vmem>>)
        tpu.yield
      }) : () -> ()
      "tpu.region"() ({
        %run_scoped3A = tpu.sem_alloc : memref<!tpu.dma_semaphore, #tpu.memory_space<semaphore_mem>>
        %dma_start3A = arith.constant 0 : i32
        %dma_start3A_27 = tpu.memref_slice %arg9[%add3A, %add3A_16, %dma_start3A] : memref<32x25x3472xi32, #tpu.memory_space<hbm>> -> memref<1x1x3472xi32, #tpu.memory_space<hbm>>
        %dma_start3A_28 = tpu.memref_squeeze %dma_start3A_27 : memref<1x1x3472xi32, #tpu.memory_space<hbm>> -> memref<3472xi32, #tpu.memory_space<hbm>>
        %dma_start3A_29 = arith.constant 0 : i32
        %dma_start3A_30 = tpu.memref_slice %arg9[%add3A, %add3A_16, %dma_start3A_29] : memref<32x25x3472xi32, #tpu.memory_space<hbm>> -> memref<1x1x3472xi32, #tpu.memory_space<hbm>>
        %dma_start3A_31 = tpu.memref_squeeze %dma_start3A_30 : memref<1x1x3472xi32, #tpu.memory_space<hbm>> -> memref<3472xi32, #tpu.memory_space<hbm>>
        tpu.enqueue_dma source(%dma_start3A_31 : memref<3472xi32, #tpu.memory_space<hbm>>) target(%arg13 : memref<3472xi32, #tpu.memory_space<vmem>>) target_semaphore(%run_scoped3A : memref<!tpu.dma_semaphore, #tpu.memory_space<semaphore_mem>>)
        %dma_wait3A = arith.constant 0 : i32
        %dma_wait3A_32 = tpu.memref_slice %arg9[%add3A, %add3A_16, %dma_wait3A] : memref<32x25x3472xi32, #tpu.memory_space<hbm>> -> memref<1x1x3472xi32, #tpu.memory_space<hbm>>
        %dma_wait3A_33 = tpu.memref_squeeze %dma_wait3A_32 : memref<1x1x3472xi32, #tpu.memory_space<hbm>> -> memref<3472xi32, #tpu.memory_space<hbm>>
        %dma_wait3A_34 = arith.constant 0 : i32
        %dma_wait3A_35 = tpu.memref_slice %arg9[%add3A, %add3A_16, %dma_wait3A_34] : memref<32x25x3472xi32, #tpu.memory_space<hbm>> -> memref<1x1x3472xi32, #tpu.memory_space<hbm>>
        %dma_wait3A_36 = tpu.memref_squeeze %dma_wait3A_35 : memref<1x1x3472xi32, #tpu.memory_space<hbm>> -> memref<3472xi32, #tpu.memory_space<hbm>>
        tpu.wait_dma2 semaphore(%run_scoped3A : memref<!tpu.dma_semaphore, #tpu.memory_space<semaphore_mem>>) src(%dma_wait3A_36 : memref<3472xi32, #tpu.memory_space<hbm>>) dst(%arg13 : memref<3472xi32, #tpu.memory_space<vmem>>)
        tpu.yield
      }) : () -> ()
      %get3A = arith.index_cast %add3A_16 : i32 to index
      %get3A_20 = memref.load %arg17[%get3A] : memref<32xi32, #tpu.memory_space<smem>>
      %scan3A_21 = arith.constant 0 : i32
      %scan3A_22 = arith.constant 26 : i32
      %scan3A_23 = arith.addi %scan3A_21, %scan3A_22 : i32
      %scan3A_24 = arith.constant 1 : i32
      scf.for %scan3A_27 = %scan3A_21 to %scan3A_23 step %scan3A_24  : i32 {
        %mul3A_28 = arith.constant 1 : i32
        %mul3A_29 = arith.muli %scan3A_27, %mul3A_28 : i32
        %add3A_30 = arith.constant 0 : i32
        %add3A_31 = arith.addi %add3A_30, %mul3A_29 : i32
        %lt3A = arith.cmpi slt, %add3A_31, %get3A_20 : i32
        %convert_element_type3A = arith.extui %lt3A : i1 to i32
        %cond3A = arith.constant 0 : i32
        %cond3A_32 = arith.cmpi ne, %convert_element_type3A, %cond3A : i32
        scf.if %cond3A_32 {
          %mul3A_33 = arith.constant 128 : i32
          %mul3A_34 = arith.muli %add3A_31, %mul3A_33 : i32
          %add3A_35 = arith.constant 0 : i32
          %add3A_36 = arith.addi %mul3A_34, %add3A_35 : i32
          %get3A_37 = arith.index_cast %add3A_36 : i32 to index
          %get3A_38 = tpu.vector_load %arg12[%get3A_37] {strides = array<i32>} : memref<3472xi32, #tpu.memory_space<vmem>>, vector<16xi32>,
          %dma_start3A = arith.constant 0 : i32
          %dma_start3A_39 = tpu.memref_slice %arg14[%dma_start3A] : memref<128xi32, #tpu.memory_space<vmem>> -> memref<16xi32, #tpu.memory_space<vmem>>
          %dma_start3A_40 = arith.constant 0 : i32
          %dma_start3A_41 = tpu.memref_slice %arg3[%dma_start3A_40] : memref<2097152xi32, #tpu.memory_space<hbm>> -> memref<2097152xi32, #tpu.memory_space<hbm>>
          tpu.enqueue_indirect_dma source(%dma_start3A_41 : memref<2097152xi32, #tpu.memory_space<hbm>>) target(%dma_start3A_39 : memref<16xi32, #tpu.memory_space<vmem>>) offsets(%get3A_38 : vector<16xi32>) semaphore(%arg18 : memref<!tpu.dma_semaphore, #tpu.memory_space<semaphore_mem>>)
          %add3A_42 = arith.constant 16 : i32
          %add3A_43 = arith.addi %mul3A_34, %add3A_42 : i32
          %get3A_44 = arith.index_cast %add3A_43 : i32 to index
          %get3A_45 = tpu.vector_load %arg12[%get3A_44] {strides = array<i32>} : memref<3472xi32, #tpu.memory_space<vmem>>, vector<16xi32>,
          %dma_start3A_46 = arith.constant 16 : i32
          %dma_start3A_47 = tpu.memref_slice %arg14[%dma_start3A_46] : memref<128xi32, #tpu.memory_space<vmem>> -> memref<16xi32, #tpu.memory_space<vmem>>
          %dma_start3A_48 = arith.constant 0 : i32
          %dma_start3A_49 = tpu.memref_slice %arg3[%dma_start3A_48] : memref<2097152xi32, #tpu.memory_space<hbm>> -> memref<2097152xi32, #tpu.memory_space<hbm>>
          tpu.enqueue_indirect_dma source(%dma_start3A_49 : memref<2097152xi32, #tpu.memory_space<hbm>>) target(%dma_start3A_47 : memref<16xi32, #tpu.memory_space<vmem>>) offsets(%get3A_45 : vector<16xi32>) semaphore(%arg18 : memref<!tpu.dma_semaphore, #tpu.memory_space<semaphore_mem>>)
          %add3A_50 = arith.constant 32 : i32
          %add3A_51 = arith.addi %mul3A_34, %add3A_50 : i32
          %get3A_52 = arith.index_cast %add3A_51 : i32 to index
          %get3A_53 = tpu.vector_load %arg12[%get3A_52] {strides = array<i32>} : memref<3472xi32, #tpu.memory_space<vmem>>, vector<16xi32>,
          %dma_start3A_54 = arith.constant 32 : i32
          %dma_start3A_55 = tpu.memref_slice %arg14[%dma_start3A_54] : memref<128xi32, #tpu.memory_space<vmem>> -> memref<16xi32, #tpu.memory_space<vmem>>
          %dma_start3A_56 = arith.constant 0 : i32
          %dma_start3A_57 = tpu.memref_slice %arg3[%dma_start3A_56] : memref<2097152xi32, #tpu.memory_space<hbm>> -> memref<2097152xi32, #tpu.memory_space<hbm>>
          tpu.enqueue_indirect_dma source(%dma_start3A_57 : memref<2097152xi32, #tpu.memory_space<hbm>>) target(%dma_start3A_55 : memref<16xi32, #tpu.memory_space<vmem>>) offsets(%get3A_53 : vector<16xi32>) semaphore(%arg18 : memref<!tpu.dma_semaphore, #tpu.memory_space<semaphore_mem>>)
          %add3A_58 = arith.constant 48 : i32
          %add3A_59 = arith.addi %mul3A_34, %add3A_58 : i32
          %get3A_60 = arith.index_cast %add3A_59 : i32 to index
          %get3A_61 = tpu.vector_load %arg12[%get3A_60] {strides = array<i32>} : memref<3472xi32, #tpu.memory_space<vmem>>, vector<16xi32>,
          %dma_start3A_62 = arith.constant 48 : i32
          %dma_start3A_63 = tpu.memref_slice %arg14[%dma_start3A_62] : memref<128xi32, #tpu.memory_space<vmem>> -> memref<16xi32, #tpu.memory_space<vmem>>
          %dma_start3A_64 = arith.constant 0 : i32
          %dma_start3A_65 = tpu.memref_slice %arg3[%dma_start3A_64] : memref<2097152xi32, #tpu.memory_space<hbm>> -> memref<2097152xi32, #tpu.memory_space<hbm>>
          tpu.enqueue_indirect_dma source(%dma_start3A_65 : memref<2097152xi32, #tpu.memory_space<hbm>>) target(%dma_start3A_63 : memref<16xi32, #tpu.memory_space<vmem>>) offsets(%get3A_61 : vector<16xi32>) semaphore(%arg18 : memref<!tpu.dma_semaphore, #tpu.memory_space<semaphore_mem>>)
          %add3A_66 = arith.constant 64 : i32
          %add3A_67 = arith.addi %mul3A_34, %add3A_66 : i32
          %get3A_68 = arith.index_cast %add3A_67 : i32 to index
          %get3A_69 = tpu.vector_load %arg12[%get3A_68] {strides = array<i32>} : memref<3472xi32, #tpu.memory_space<vmem>>, vector<16xi32>,
          %dma_start3A_70 = arith.constant 64 : i32
          %dma_start3A_71 = tpu.memref_slice %arg14[%dma_start3A_70] : memref<128xi32, #tpu.memory_space<vmem>> -> memref<16xi32, #tpu.memory_space<vmem>>
          %dma_start3A_72 = arith.constant 0 : i32
          %dma_start3A_73 = tpu.memref_slice %arg3[%dma_start3A_72] : memref<2097152xi32, #tpu.memory_space<hbm>> -> memref<2097152xi32, #tpu.memory_space<hbm>>
          tpu.enqueue_indirect_dma source(%dma_start3A_73 : memref<2097152xi32, #tpu.memory_space<hbm>>) target(%dma_start3A_71 : memref<16xi32, #tpu.memory_space<vmem>>) offsets(%get3A_69 : vector<16xi32>) semaphore(%arg18 : memref<!tpu.dma_semaphore, #tpu.memory_space<semaphore_mem>>)
          %add3A_74 = arith.constant 80 : i32
          %add3A_75 = arith.addi %mul3A_34, %add3A_74 : i32
          %get3A_76 = arith.index_cast %add3A_75 : i32 to index
          %get3A_77 = tpu.vector_load %arg12[%get3A_76] {strides = array<i32>} : memref<3472xi32, #tpu.memory_space<vmem>>, vector<16xi32>,
          %dma_start3A_78 = arith.constant 80 : i32
          %dma_start3A_79 = tpu.memref_slice %arg14[%dma_start3A_78] : memref<128xi32, #tpu.memory_space<vmem>> -> memref<16xi32, #tpu.memory_space<vmem>>
          %dma_start3A_80 = arith.constant 0 : i32
          %dma_start3A_81 = tpu.memref_slice %arg3[%dma_start3A_80] : memref<2097152xi32, #tpu.memory_space<hbm>> -> memref<2097152xi32, #tpu.memory_space<hbm>>
          tpu.enqueue_indirect_dma source(%dma_start3A_81 : memref<2097152xi32, #tpu.memory_space<hbm>>) target(%dma_start3A_79 : memref<16xi32, #tpu.memory_space<vmem>>) offsets(%get3A_77 : vector<16xi32>) semaphore(%arg18 : memref<!tpu.dma_semaphore, #tpu.memory_space<semaphore_mem>>)
          %add3A_82 = arith.constant 96 : i32
          %add3A_83 = arith.addi %mul3A_34, %add3A_82 : i32
          %get3A_84 = arith.index_cast %add3A_83 : i32 to index
          %get3A_85 = tpu.vector_load %arg12[%get3A_84] {strides = array<i32>} : memref<3472xi32, #tpu.memory_space<vmem>>, vector<16xi32>,
          %dma_start3A_86 = arith.constant 96 : i32
          %dma_start3A_87 = tpu.memref_slice %arg14[%dma_start3A_86] : memref<128xi32, #tpu.memory_space<vmem>> -> memref<16xi32, #tpu.memory_space<vmem>>
          %dma_start3A_88 = arith.constant 0 : i32
          %dma_start3A_89 = tpu.memref_slice %arg3[%dma_start3A_88] : memref<2097152xi32, #tpu.memory_space<hbm>> -> memref<2097152xi32, #tpu.memory_space<hbm>>
          tpu.enqueue_indirect_dma source(%dma_start3A_89 : memref<2097152xi32, #tpu.memory_space<hbm>>) target(%dma_start3A_87 : memref<16xi32, #tpu.memory_space<vmem>>) offsets(%get3A_85 : vector<16xi32>) semaphore(%arg18 : memref<!tpu.dma_semaphore, #tpu.memory_space<semaphore_mem>>)
          %add3A_90 = arith.constant 112 : i32
          %add3A_91 = arith.addi %mul3A_34, %add3A_90 : i32
          %get3A_92 = arith.index_cast %add3A_91 : i32 to index
          %get3A_93 = tpu.vector_load %arg12[%get3A_92] {strides = array<i32>} : memref<3472xi32, #tpu.memory_space<vmem>>, vector<16xi32>,
          %dma_start3A_94 = arith.constant 112 : i32
          %dma_start3A_95 = tpu.memref_slice %arg14[%dma_start3A_94] : memref<128xi32, #tpu.memory_space<vmem>> -> memref<16xi32, #tpu.memory_space<vmem>>
          %dma_start3A_96 = arith.constant 0 : i32
          %dma_start3A_97 = tpu.memref_slice %arg3[%dma_start3A_96] : memref<2097152xi32, #tpu.memory_space<hbm>> -> memref<2097152xi32, #tpu.memory_space<hbm>>
          tpu.enqueue_indirect_dma source(%dma_start3A_97 : memref<2097152xi32, #tpu.memory_space<hbm>>) target(%dma_start3A_95 : memref<16xi32, #tpu.memory_space<vmem>>) offsets(%get3A_93 : vector<16xi32>) semaphore(%arg18 : memref<!tpu.dma_semaphore, #tpu.memory_space<semaphore_mem>>)
          %dma_wait3A = arith.constant 0 : i32
          %dma_wait3A_98 = tpu.memref_slice %arg14[%dma_wait3A] : memref<128xi32, #tpu.memory_space<vmem>> -> memref<16xi32, #tpu.memory_space<vmem>>
          %dma_wait3A_99 = arith.constant 0 : i32
          %dma_wait3A_100 = tpu.memref_slice %arg3[%dma_wait3A_99] : memref<2097152xi32, #tpu.memory_space<hbm>> -> memref<2097152xi32, #tpu.memory_space<hbm>>
          tpu.wait_indirect_dma semaphore(%arg18 : memref<!tpu.dma_semaphore, #tpu.memory_space<semaphore_mem>>) src(%dma_wait3A_100 : memref<2097152xi32, #tpu.memory_space<hbm>>) dst(%dma_wait3A_98 : memref<16xi32, #tpu.memory_space<vmem>>)
          %dma_wait3A_101 = arith.constant 16 : i32
          %dma_wait3A_102 = tpu.memref_slice %arg14[%dma_wait3A_101] : memref<128xi32, #tpu.memory_space<vmem>> -> memref<16xi32, #tpu.memory_space<vmem>>
          %dma_wait3A_103 = arith.constant 0 : i32
          %dma_wait3A_104 = tpu.memref_slice %arg3[%dma_wait3A_103] : memref<2097152xi32, #tpu.memory_space<hbm>> -> memref<2097152xi32, #tpu.memory_space<hbm>>
          tpu.wait_indirect_dma semaphore(%arg18 : memref<!tpu.dma_semaphore, #tpu.memory_space<semaphore_mem>>) src(%dma_wait3A_104 : memref<2097152xi32, #tpu.memory_space<hbm>>) dst(%dma_wait3A_102 : memref<16xi32, #tpu.memory_space<vmem>>)
          %dma_wait3A_105 = arith.constant 32 : i32
          %dma_wait3A_106 = tpu.memref_slice %arg14[%dma_wait3A_105] : memref<128xi32, #tpu.memory_space<vmem>> -> memref<16xi32, #tpu.memory_space<vmem>>
          %dma_wait3A_107 = arith.constant 0 : i32
          %dma_wait3A_108 = tpu.memref_slice %arg3[%dma_wait3A_107] : memref<2097152xi32, #tpu.memory_space<hbm>> -> memref<2097152xi32, #tpu.memory_space<hbm>>
          tpu.wait_indirect_dma semaphore(%arg18 : memref<!tpu.dma_semaphore, #tpu.memory_space<semaphore_mem>>) src(%dma_wait3A_108 : memref<2097152xi32, #tpu.memory_space<hbm>>) dst(%dma_wait3A_106 : memref<16xi32, #tpu.memory_space<vmem>>)
          %dma_wait3A_109 = arith.constant 48 : i32
          %dma_wait3A_110 = tpu.memref_slice %arg14[%dma_wait3A_109] : memref<128xi32, #tpu.memory_space<vmem>> -> memref<16xi32, #tpu.memory_space<vmem>>
          %dma_wait3A_111 = arith.constant 0 : i32
          %dma_wait3A_112 = tpu.memref_slice %arg3[%dma_wait3A_111] : memref<2097152xi32, #tpu.memory_space<hbm>> -> memref<2097152xi32, #tpu.memory_space<hbm>>
          tpu.wait_indirect_dma semaphore(%arg18 : memref<!tpu.dma_semaphore, #tpu.memory_space<semaphore_mem>>) src(%dma_wait3A_112 : memref<2097152xi32, #tpu.memory_space<hbm>>) dst(%dma_wait3A_110 : memref<16xi32, #tpu.memory_space<vmem>>)
          %dma_wait3A_113 = arith.constant 64 : i32
          %dma_wait3A_114 = tpu.memref_slice %arg14[%dma_wait3A_113] : memref<128xi32, #tpu.memory_space<vmem>> -> memref<16xi32, #tpu.memory_space<vmem>>
          %dma_wait3A_115 = arith.constant 0 : i32
          %dma_wait3A_116 = tpu.memref_slice %arg3[%dma_wait3A_115] : memref<2097152xi32, #tpu.memory_space<hbm>> -> memref<2097152xi32, #tpu.memory_space<hbm>>
          tpu.wait_indirect_dma semaphore(%arg18 : memref<!tpu.dma_semaphore, #tpu.memory_space<semaphore_mem>>) src(%dma_wait3A_116 : memref<2097152xi32, #tpu.memory_space<hbm>>) dst(%dma_wait3A_114 : memref<16xi32, #tpu.memory_space<vmem>>)
          %dma_wait3A_117 = arith.constant 80 : i32
          %dma_wait3A_118 = tpu.memref_slice %arg14[%dma_wait3A_117] : memref<128xi32, #tpu.memory_space<vmem>> -> memref<16xi32, #tpu.memory_space<vmem>>
          %dma_wait3A_119 = arith.constant 0 : i32
          %dma_wait3A_120 = tpu.memref_slice %arg3[%dma_wait3A_119] : memref<2097152xi32, #tpu.memory_space<hbm>> -> memref<2097152xi32, #tpu.memory_space<hbm>>
          tpu.wait_indirect_dma semaphore(%arg18 : memref<!tpu.dma_semaphore, #tpu.memory_space<semaphore_mem>>) src(%dma_wait3A_120 : memref<2097152xi32, #tpu.memory_space<hbm>>) dst(%dma_wait3A_118 : memref<16xi32, #tpu.memory_space<vmem>>)
          %dma_wait3A_121 = arith.constant 96 : i32
          %dma_wait3A_122 = tpu.memref_slice %arg14[%dma_wait3A_121] : memref<128xi32, #tpu.memory_space<vmem>> -> memref<16xi32, #tpu.memory_space<vmem>>
          %dma_wait3A_123 = arith.constant 0 : i32
          %dma_wait3A_124 = tpu.memref_slice %arg3[%dma_wait3A_123] : memref<2097152xi32, #tpu.memory_space<hbm>> -> memref<2097152xi32, #tpu.memory_space<hbm>>
          tpu.wait_indirect_dma semaphore(%arg18 : memref<!tpu.dma_semaphore, #tpu.memory_space<semaphore_mem>>) src(%dma_wait3A_124 : memref<2097152xi32, #tpu.memory_space<hbm>>) dst(%dma_wait3A_122 : memref<16xi32, #tpu.memory_space<vmem>>)
          %dma_wait3A_125 = arith.constant 112 : i32
          %dma_wait3A_126 = tpu.memref_slice %arg14[%dma_wait3A_125] : memref<128xi32, #tpu.memory_space<vmem>> -> memref<16xi32, #tpu.memory_space<vmem>>
          %dma_wait3A_127 = arith.constant 0 : i32
          %dma_wait3A_128 = tpu.memref_slice %arg3[%dma_wait3A_127] : memref<2097152xi32, #tpu.memory_space<hbm>> -> memref<2097152xi32, #tpu.memory_space<hbm>>
          tpu.wait_indirect_dma semaphore(%arg18 : memref<!tpu.dma_semaphore, #tpu.memory_space<semaphore_mem>>) src(%dma_wait3A_128 : memref<2097152xi32, #tpu.memory_space<hbm>>) dst(%dma_wait3A_126 : memref<16xi32, #tpu.memory_space<vmem>>)
          %get3A_129 = arith.constant 0 : index
          %get3A_130 = tpu.vector_load %arg14[%get3A_129] {strides = array<i32>} : memref<128xi32, #tpu.memory_space<vmem>>, vector<16xi32>,
          %add3A_131 = arith.constant 0 : i32
          %add3A_132 = arith.addi %mul3A_34, %add3A_131 : i32
          %get3A_133 = arith.index_cast %add3A_132 : i32 to index
          %get3A_134 = tpu.vector_load %arg13[%get3A_133] {strides = array<i32>} : memref<3472xi32, #tpu.memory_space<vmem>>, vector<16xi32>,
          %mul3A_135 = arith.constant 27 : i32
          %mul3A_136 = vector.broadcast %mul3A_135 : i32 to vector<16xi32>
          %mul3A_137 = arith.muli %get3A_130, %mul3A_136 : vector<16xi32>
          %and3A = arith.constant 31 : i32
          %and3A_138 = vector.broadcast %and3A : i32 to vector<16xi32>
          %and3A_139 = arith.andi %get3A_134, %and3A_138 : vector<16xi32>
          %add3A_140 = arith.addi %mul3A_137, %and3A_139 : vector<16xi32>
          %dma_start3A_141 = arith.constant 0 : i32
          %dma_start3A_142 = arith.constant 0 : i32
          %dma_start3A_143 = tpu.memref_slice %arg15[%dma_start3A_141, %dma_start3A_142] : memref<128x32xf32, #tpu.memory_space<vmem>> -> memref<16x32xf32, #tpu.memory_space<vmem>>
          %dma_start3A_144 = arith.constant 0 : i32
          %dma_start3A_145 = arith.constant 0 : i32
          %dma_start3A_146 = tpu.memref_slice %arg5[%dma_start3A_144, %dma_start3A_145] : memref<2764800x32xf32, #tpu.memory_space<hbm>> -> memref<2764800x32xf32, #tpu.memory_space<hbm>>
          tpu.enqueue_indirect_dma source(%dma_start3A_146 : memref<2764800x32xf32, #tpu.memory_space<hbm>>) target(%dma_start3A_143 : memref<16x32xf32, #tpu.memory_space<vmem>>) offsets(%add3A_140 : vector<16xi32>) semaphore(%arg18 : memref<!tpu.dma_semaphore, #tpu.memory_space<semaphore_mem>>)
          %get3A_147 = arith.constant 16 : index
          %get3A_148 = tpu.vector_load %arg14[%get3A_147] {strides = array<i32>} : memref<128xi32, #tpu.memory_space<vmem>>, vector<16xi32>,
          %add3A_149 = arith.constant 16 : i32
          %add3A_150 = arith.addi %mul3A_34, %add3A_149 : i32
          %get3A_151 = arith.index_cast %add3A_150 : i32 to index
          %get3A_152 = tpu.vector_load %arg13[%get3A_151] {strides = array<i32>} : memref<3472xi32, #tpu.memory_space<vmem>>, vector<16xi32>,
          %mul3A_153 = arith.constant 27 : i32
          %mul3A_154 = vector.broadcast %mul3A_153 : i32 to vector<16xi32>
          %mul3A_155 = arith.muli %get3A_148, %mul3A_154 : vector<16xi32>
          %and3A_156 = arith.constant 31 : i32
          %and3A_157 = vector.broadcast %and3A_156 : i32 to vector<16xi32>
          %and3A_158 = arith.andi %get3A_152, %and3A_157 : vector<16xi32>
          %add3A_159 = arith.addi %mul3A_155, %and3A_158 : vector<16xi32>
          %dma_start3A_160 = arith.constant 16 : i32
          %dma_start3A_161 = arith.constant 0 : i32
          %dma_start3A_162 = tpu.memref_slice %arg15[%dma_start3A_160, %dma_start3A_161] : memref<128x32xf32, #tpu.memory_space<vmem>> -> memref<16x32xf32, #tpu.memory_space<vmem>>
          %dma_start3A_163 = arith.constant 0 : i32
          %dma_start3A_164 = arith.constant 0 : i32
          %dma_start3A_165 = tpu.memref_slice %arg5[%dma_start3A_163, %dma_start3A_164] : memref<2764800x32xf32, #tpu.memory_space<hbm>> -> memref<2764800x32xf32, #tpu.memory_space<hbm>>
          tpu.enqueue_indirect_dma source(%dma_start3A_165 : memref<2764800x32xf32, #tpu.memory_space<hbm>>) target(%dma_start3A_162 : memref<16x32xf32, #tpu.memory_space<vmem>>) offsets(%add3A_159 : vector<16xi32>) semaphore(%arg18 : memref<!tpu.dma_semaphore, #tpu.memory_space<semaphore_mem>>)
          %get3A_166 = arith.constant 32 : index
          %get3A_167 = tpu.vector_load %arg14[%get3A_166] {strides = array<i32>} : memref<128xi32, #tpu.memory_space<vmem>>, vector<16xi32>,
          %add3A_168 = arith.constant 32 : i32
          %add3A_169 = arith.addi %mul3A_34, %add3A_168 : i32
          %get3A_170 = arith.index_cast %add3A_169 : i32 to index
          %get3A_171 = tpu.vector_load %arg13[%get3A_170] {strides = array<i32>} : memref<3472xi32, #tpu.memory_space<vmem>>, vector<16xi32>,
          %mul3A_172 = arith.constant 27 : i32
          %mul3A_173 = vector.broadcast %mul3A_172 : i32 to vector<16xi32>
          %mul3A_174 = arith.muli %get3A_167, %mul3A_173 : vector<16xi32>
          %and3A_175 = arith.constant 31 : i32
          %and3A_176 = vector.broadcast %and3A_175 : i32 to vector<16xi32>
          %and3A_177 = arith.andi %get3A_171, %and3A_176 : vector<16xi32>
          %add3A_178 = arith.addi %mul3A_174, %and3A_177 : vector<16xi32>
          %dma_start3A_179 = arith.constant 32 : i32
          %dma_start3A_180 = arith.constant 0 : i32
          %dma_start3A_181 = tpu.memref_slice %arg15[%dma_start3A_179, %dma_start3A_180] : memref<128x32xf32, #tpu.memory_space<vmem>> -> memref<16x32xf32, #tpu.memory_space<vmem>>
          %dma_start3A_182 = arith.constant 0 : i32
          %dma_start3A_183 = arith.constant 0 : i32
          %dma_start3A_184 = tpu.memref_slice %arg5[%dma_start3A_182, %dma_start3A_183] : memref<2764800x32xf32, #tpu.memory_space<hbm>> -> memref<2764800x32xf32, #tpu.memory_space<hbm>>
          tpu.enqueue_indirect_dma source(%dma_start3A_184 : memref<2764800x32xf32, #tpu.memory_space<hbm>>) target(%dma_start3A_181 : memref<16x32xf32, #tpu.memory_space<vmem>>) offsets(%add3A_178 : vector<16xi32>) semaphore(%arg18 : memref<!tpu.dma_semaphore, #tpu.memory_space<semaphore_mem>>)
          %get3A_185 = arith.constant 48 : index
          %get3A_186 = tpu.vector_load %arg14[%get3A_185] {strides = array<i32>} : memref<128xi32, #tpu.memory_space<vmem>>, vector<16xi32>,
          %add3A_187 = arith.constant 48 : i32
          %add3A_188 = arith.addi %mul3A_34, %add3A_187 : i32
          %get3A_189 = arith.index_cast %add3A_188 : i32 to index
          %get3A_190 = tpu.vector_load %arg13[%get3A_189] {strides = array<i32>} : memref<3472xi32, #tpu.memory_space<vmem>>, vector<16xi32>,
          %mul3A_191 = arith.constant 27 : i32
          %mul3A_192 = vector.broadcast %mul3A_191 : i32 to vector<16xi32>
          %mul3A_193 = arith.muli %get3A_186, %mul3A_192 : vector<16xi32>
          %and3A_194 = arith.constant 31 : i32
          %and3A_195 = vector.broadcast %and3A_194 : i32 to vector<16xi32>
          %and3A_196 = arith.andi %get3A_190, %and3A_195 : vector<16xi32>
          %add3A_197 = arith.addi %mul3A_193, %and3A_196 : vector<16xi32>
          %dma_start3A_198 = arith.constant 48 : i32
          %dma_start3A_199 = arith.constant 0 : i32
          %dma_start3A_200 = tpu.memref_slice %arg15[%dma_start3A_198, %dma_start3A_199] : memref<128x32xf32, #tpu.memory_space<vmem>> -> memref<16x32xf32, #tpu.memory_space<vmem>>
          %dma_start3A_201 = arith.constant 0 : i32
          %dma_start3A_202 = arith.constant 0 : i32
          %dma_start3A_203 = tpu.memref_slice %arg5[%dma_start3A_201, %dma_start3A_202] : memref<2764800x32xf32, #tpu.memory_space<hbm>> -> memref<2764800x32xf32, #tpu.memory_space<hbm>>
          tpu.enqueue_indirect_dma source(%dma_start3A_203 : memref<2764800x32xf32, #tpu.memory_space<hbm>>) target(%dma_start3A_200 : memref<16x32xf32, #tpu.memory_space<vmem>>) offsets(%add3A_197 : vector<16xi32>) semaphore(%arg18 : memref<!tpu.dma_semaphore, #tpu.memory_space<semaphore_mem>>)
          %get3A_204 = arith.constant 64 : index
          %get3A_205 = tpu.vector_load %arg14[%get3A_204] {strides = array<i32>} : memref<128xi32, #tpu.memory_space<vmem>>, vector<16xi32>,
          %add3A_206 = arith.constant 64 : i32
          %add3A_207 = arith.addi %mul3A_34, %add3A_206 : i32
          %get3A_208 = arith.index_cast %add3A_207 : i32 to index
          %get3A_209 = tpu.vector_load %arg13[%get3A_208] {strides = array<i32>} : memref<3472xi32, #tpu.memory_space<vmem>>, vector<16xi32>,
          %mul3A_210 = arith.constant 27 : i32
          %mul3A_211 = vector.broadcast %mul3A_210 : i32 to vector<16xi32>
          %mul3A_212 = arith.muli %get3A_205, %mul3A_211 : vector<16xi32>
          %and3A_213 = arith.constant 31 : i32
          %and3A_214 = vector.broadcast %and3A_213 : i32 to vector<16xi32>
          %and3A_215 = arith.andi %get3A_209, %and3A_214 : vector<16xi32>
          %add3A_216 = arith.addi %mul3A_212, %and3A_215 : vector<16xi32>
          %dma_start3A_217 = arith.constant 64 : i32
          %dma_start3A_218 = arith.constant 0 : i32
          %dma_start3A_219 = tpu.memref_slice %arg15[%dma_start3A_217, %dma_start3A_218] : memref<128x32xf32, #tpu.memory_space<vmem>> -> memref<16x32xf32, #tpu.memory_space<vmem>>
          %dma_start3A_220 = arith.constant 0 : i32
          %dma_start3A_221 = arith.constant 0 : i32
          %dma_start3A_222 = tpu.memref_slice %arg5[%dma_start3A_220, %dma_start3A_221] : memref<2764800x32xf32, #tpu.memory_space<hbm>> -> memref<2764800x32xf32, #tpu.memory_space<hbm>>
          tpu.enqueue_indirect_dma source(%dma_start3A_222 : memref<2764800x32xf32, #tpu.memory_space<hbm>>) target(%dma_start3A_219 : memref<16x32xf32, #tpu.memory_space<vmem>>) offsets(%add3A_216 : vector<16xi32>) semaphore(%arg18 : memref<!tpu.dma_semaphore, #tpu.memory_space<semaphore_mem>>)
          %get3A_223 = arith.constant 80 : index
          %get3A_224 = tpu.vector_load %arg14[%get3A_223] {strides = array<i32>} : memref<128xi32, #tpu.memory_space<vmem>>, vector<16xi32>,
          %add3A_225 = arith.constant 80 : i32
          %add3A_226 = arith.addi %mul3A_34, %add3A_225 : i32
          %get3A_227 = arith.index_cast %add3A_226 : i32 to index
          %get3A_228 = tpu.vector_load %arg13[%get3A_227] {strides = array<i32>} : memref<3472xi32, #tpu.memory_space<vmem>>, vector<16xi32>,
          %mul3A_229 = arith.constant 27 : i32
          %mul3A_230 = vector.broadcast %mul3A_229 : i32 to vector<16xi32>
          %mul3A_231 = arith.muli %get3A_224, %mul3A_230 : vector<16xi32>
          %and3A_232 = arith.constant 31 : i32
          %and3A_233 = vector.broadcast %and3A_232 : i32 to vector<16xi32>
          %and3A_234 = arith.andi %get3A_228, %and3A_233 : vector<16xi32>
          %add3A_235 = arith.addi %mul3A_231, %and3A_234 : vector<16xi32>
          %dma_start3A_236 = arith.constant 80 : i32
          %dma_start3A_237 = arith.constant 0 : i32
          %dma_start3A_238 = tpu.memref_slice %arg15[%dma_start3A_236, %dma_start3A_237] : memref<128x32xf32, #tpu.memory_space<vmem>> -> memref<16x32xf32, #tpu.memory_space<vmem>>
          %dma_start3A_239 = arith.constant 0 : i32
          %dma_start3A_240 = arith.constant 0 : i32
          %dma_start3A_241 = tpu.memref_slice %arg5[%dma_start3A_239, %dma_start3A_240] : memref<2764800x32xf32, #tpu.memory_space<hbm>> -> memref<2764800x32xf32, #tpu.memory_space<hbm>>
          tpu.enqueue_indirect_dma source(%dma_start3A_241 : memref<2764800x32xf32, #tpu.memory_space<hbm>>) target(%dma_start3A_238 : memref<16x32xf32, #tpu.memory_space<vmem>>) offsets(%add3A_235 : vector<16xi32>) semaphore(%arg18 : memref<!tpu.dma_semaphore, #tpu.memory_space<semaphore_mem>>)
          %get3A_242 = arith.constant 96 : index
          %get3A_243 = tpu.vector_load %arg14[%get3A_242] {strides = array<i32>} : memref<128xi32, #tpu.memory_space<vmem>>, vector<16xi32>,
          %add3A_244 = arith.constant 96 : i32
          %add3A_245 = arith.addi %mul3A_34, %add3A_244 : i32
          %get3A_246 = arith.index_cast %add3A_245 : i32 to index
          %get3A_247 = tpu.vector_load %arg13[%get3A_246] {strides = array<i32>} : memref<3472xi32, #tpu.memory_space<vmem>>, vector<16xi32>,
          %mul3A_248 = arith.constant 27 : i32
          %mul3A_249 = vector.broadcast %mul3A_248 : i32 to vector<16xi32>
          %mul3A_250 = arith.muli %get3A_243, %mul3A_249 : vector<16xi32>
          %and3A_251 = arith.constant 31 : i32
          %and3A_252 = vector.broadcast %and3A_251 : i32 to vector<16xi32>
          %and3A_253 = arith.andi %get3A_247, %and3A_252 : vector<16xi32>
          %add3A_254 = arith.addi %mul3A_250, %and3A_253 : vector<16xi32>
          %dma_start3A_255 = arith.constant 96 : i32
          %dma_start3A_256 = arith.constant 0 : i32
          %dma_start3A_257 = tpu.memref_slice %arg15[%dma_start3A_255, %dma_start3A_256] : memref<128x32xf32, #tpu.memory_space<vmem>> -> memref<16x32xf32, #tpu.memory_space<vmem>>
          %dma_start3A_258 = arith.constant 0 : i32
          %dma_start3A_259 = arith.constant 0 : i32
          %dma_start3A_260 = tpu.memref_slice %arg5[%dma_start3A_258, %dma_start3A_259] : memref<2764800x32xf32, #tpu.memory_space<hbm>> -> memref<2764800x32xf32, #tpu.memory_space<hbm>>
          tpu.enqueue_indirect_dma source(%dma_start3A_260 : memref<2764800x32xf32, #tpu.memory_space<hbm>>) target(%dma_start3A_257 : memref<16x32xf32, #tpu.memory_space<vmem>>) offsets(%add3A_254 : vector<16xi32>) semaphore(%arg18 : memref<!tpu.dma_semaphore, #tpu.memory_space<semaphore_mem>>)
          %get3A_261 = arith.constant 112 : index
          %get3A_262 = tpu.vector_load %arg14[%get3A_261] {strides = array<i32>} : memref<128xi32, #tpu.memory_space<vmem>>, vector<16xi32>,
          %add3A_263 = arith.constant 112 : i32
          %add3A_264 = arith.addi %mul3A_34, %add3A_263 : i32
          %get3A_265 = arith.index_cast %add3A_264 : i32 to index
          %get3A_266 = tpu.vector_load %arg13[%get3A_265] {strides = array<i32>} : memref<3472xi32, #tpu.memory_space<vmem>>, vector<16xi32>,
          %mul3A_267 = arith.constant 27 : i32
          %mul3A_268 = vector.broadcast %mul3A_267 : i32 to vector<16xi32>
          %mul3A_269 = arith.muli %get3A_262, %mul3A_268 : vector<16xi32>
          %and3A_270 = arith.constant 31 : i32
          %and3A_271 = vector.broadcast %and3A_270 : i32 to vector<16xi32>
          %and3A_272 = arith.andi %get3A_266, %and3A_271 : vector<16xi32>
          %add3A_273 = arith.addi %mul3A_269, %and3A_272 : vector<16xi32>
          %dma_start3A_274 = arith.constant 112 : i32
          %dma_start3A_275 = arith.constant 0 : i32
          %dma_start3A_276 = tpu.memref_slice %arg15[%dma_start3A_274, %dma_start3A_275] : memref<128x32xf32, #tpu.memory_space<vmem>> -> memref<16x32xf32, #tpu.memory_space<vmem>>
          %dma_start3A_277 = arith.constant 0 : i32
          %dma_start3A_278 = arith.constant 0 : i32
          %dma_start3A_279 = tpu.memref_slice %arg5[%dma_start3A_277, %dma_start3A_278] : memref<2764800x32xf32, #tpu.memory_space<hbm>> -> memref<2764800x32xf32, #tpu.memory_space<hbm>>
          tpu.enqueue_indirect_dma source(%dma_start3A_279 : memref<2764800x32xf32, #tpu.memory_space<hbm>>) target(%dma_start3A_276 : memref<16x32xf32, #tpu.memory_space<vmem>>) offsets(%add3A_273 : vector<16xi32>) semaphore(%arg18 : memref<!tpu.dma_semaphore, #tpu.memory_space<semaphore_mem>>)
          %dma_wait3A_280 = arith.constant 0 : i32
          %dma_wait3A_281 = arith.constant 0 : i32
          %dma_wait3A_282 = tpu.memref_slice %arg15[%dma_wait3A_280, %dma_wait3A_281] : memref<128x32xf32, #tpu.memory_space<vmem>> -> memref<16x32xf32, #tpu.memory_space<vmem>>
          %dma_wait3A_283 = arith.constant 0 : i32
          %dma_wait3A_284 = arith.constant 0 : i32
          %dma_wait3A_285 = tpu.memref_slice %arg5[%dma_wait3A_283, %dma_wait3A_284] : memref<2764800x32xf32, #tpu.memory_space<hbm>> -> memref<2764800x32xf32, #tpu.memory_space<hbm>>
          tpu.wait_indirect_dma semaphore(%arg18 : memref<!tpu.dma_semaphore, #tpu.memory_space<semaphore_mem>>) src(%dma_wait3A_285 : memref<2764800x32xf32, #tpu.memory_space<hbm>>) dst(%dma_wait3A_282 : memref<16x32xf32, #tpu.memory_space<vmem>>)
          %dma_wait3A_286 = arith.constant 16 : i32
          %dma_wait3A_287 = arith.constant 0 : i32
          %dma_wait3A_288 = tpu.memref_slice %arg15[%dma_wait3A_286, %dma_wait3A_287] : memref<128x32xf32, #tpu.memory_space<vmem>> -> memref<16x32xf32, #tpu.memory_space<vmem>>
          %dma_wait3A_289 = arith.constant 0 : i32
          %dma_wait3A_290 = arith.constant 0 : i32
          %dma_wait3A_291 = tpu.memref_slice %arg5[%dma_wait3A_289, %dma_wait3A_290] : memref<2764800x32xf32, #tpu.memory_space<hbm>> -> memref<2764800x32xf32, #tpu.memory_space<hbm>>
          tpu.wait_indirect_dma semaphore(%arg18 : memref<!tpu.dma_semaphore, #tpu.memory_space<semaphore_mem>>) src(%dma_wait3A_291 : memref<2764800x32xf32, #tpu.memory_space<hbm>>) dst(%dma_wait3A_288 : memref<16x32xf32, #tpu.memory_space<vmem>>)
          %dma_wait3A_292 = arith.constant 32 : i32
          %dma_wait3A_293 = arith.constant 0 : i32
          %dma_wait3A_294 = tpu.memref_slice %arg15[%dma_wait3A_292, %dma_wait3A_293] : memref<128x32xf32, #tpu.memory_space<vmem>> -> memref<16x32xf32, #tpu.memory_space<vmem>>
          %dma_wait3A_295 = arith.constant 0 : i32
          %dma_wait3A_296 = arith.constant 0 : i32
          %dma_wait3A_297 = tpu.memref_slice %arg5[%dma_wait3A_295, %dma_wait3A_296] : memref<2764800x32xf32, #tpu.memory_space<hbm>> -> memref<2764800x32xf32, #tpu.memory_space<hbm>>
          tpu.wait_indirect_dma semaphore(%arg18 : memref<!tpu.dma_semaphore, #tpu.memory_space<semaphore_mem>>) src(%dma_wait3A_297 : memref<2764800x32xf32, #tpu.memory_space<hbm>>) dst(%dma_wait3A_294 : memref<16x32xf32, #tpu.memory_space<vmem>>)
          %dma_wait3A_298 = arith.constant 48 : i32
          %dma_wait3A_299 = arith.constant 0 : i32
          %dma_wait3A_300 = tpu.memref_slice %arg15[%dma_wait3A_298, %dma_wait3A_299] : memref<128x32xf32, #tpu.memory_space<vmem>> -> memref<16x32xf32, #tpu.memory_space<vmem>>
          %dma_wait3A_301 = arith.constant 0 : i32
          %dma_wait3A_302 = arith.constant 0 : i32
          %dma_wait3A_303 = tpu.memref_slice %arg5[%dma_wait3A_301, %dma_wait3A_302] : memref<2764800x32xf32, #tpu.memory_space<hbm>> -> memref<2764800x32xf32, #tpu.memory_space<hbm>>
          tpu.wait_indirect_dma semaphore(%arg18 : memref<!tpu.dma_semaphore, #tpu.memory_space<semaphore_mem>>) src(%dma_wait3A_303 : memref<2764800x32xf32, #tpu.memory_space<hbm>>) dst(%dma_wait3A_300 : memref<16x32xf32, #tpu.memory_space<vmem>>)
          %dma_wait3A_304 = arith.constant 64 : i32
          %dma_wait3A_305 = arith.constant 0 : i32
          %dma_wait3A_306 = tpu.memref_slice %arg15[%dma_wait3A_304, %dma_wait3A_305] : memref<128x32xf32, #tpu.memory_space<vmem>> -> memref<16x32xf32, #tpu.memory_space<vmem>>
          %dma_wait3A_307 = arith.constant 0 : i32
          %dma_wait3A_308 = arith.constant 0 : i32
          %dma_wait3A_309 = tpu.memref_slice %arg5[%dma_wait3A_307, %dma_wait3A_308] : memref<2764800x32xf32, #tpu.memory_space<hbm>> -> memref<2764800x32xf32, #tpu.memory_space<hbm>>
          tpu.wait_indirect_dma semaphore(%arg18 : memref<!tpu.dma_semaphore, #tpu.memory_space<semaphore_mem>>) src(%dma_wait3A_309 : memref<2764800x32xf32, #tpu.memory_space<hbm>>) dst(%dma_wait3A_306 : memref<16x32xf32, #tpu.memory_space<vmem>>)
          %dma_wait3A_310 = arith.constant 80 : i32
          %dma_wait3A_311 = arith.constant 0 : i32
          %dma_wait3A_312 = tpu.memref_slice %arg15[%dma_wait3A_310, %dma_wait3A_311] : memref<128x32xf32, #tpu.memory_space<vmem>> -> memref<16x32xf32, #tpu.memory_space<vmem>>
          %dma_wait3A_313 = arith.constant 0 : i32
          %dma_wait3A_314 = arith.constant 0 : i32
          %dma_wait3A_315 = tpu.memref_slice %arg5[%dma_wait3A_313, %dma_wait3A_314] : memref<2764800x32xf32, #tpu.memory_space<hbm>> -> memref<2764800x32xf32, #tpu.memory_space<hbm>>
          tpu.wait_indirect_dma semaphore(%arg18 : memref<!tpu.dma_semaphore, #tpu.memory_space<semaphore_mem>>) src(%dma_wait3A_315 : memref<2764800x32xf32, #tpu.memory_space<hbm>>) dst(%dma_wait3A_312 : memref<16x32xf32, #tpu.memory_space<vmem>>)
          %dma_wait3A_316 = arith.constant 96 : i32
          %dma_wait3A_317 = arith.constant 0 : i32
          %dma_wait3A_318 = tpu.memref_slice %arg15[%dma_wait3A_316, %dma_wait3A_317] : memref<128x32xf32, #tpu.memory_space<vmem>> -> memref<16x32xf32, #tpu.memory_space<vmem>>
          %dma_wait3A_319 = arith.constant 0 : i32
          %dma_wait3A_320 = arith.constant 0 : i32
          %dma_wait3A_321 = tpu.memref_slice %arg5[%dma_wait3A_319, %dma_wait3A_320] : memref<2764800x32xf32, #tpu.memory_space<hbm>> -> memref<2764800x32xf32, #tpu.memory_space<hbm>>
          tpu.wait_indirect_dma semaphore(%arg18 : memref<!tpu.dma_semaphore, #tpu.memory_space<semaphore_mem>>) src(%dma_wait3A_321 : memref<2764800x32xf32, #tpu.memory_space<hbm>>) dst(%dma_wait3A_318 : memref<16x32xf32, #tpu.memory_space<vmem>>)
          %dma_wait3A_322 = arith.constant 112 : i32
          %dma_wait3A_323 = arith.constant 0 : i32
          %dma_wait3A_324 = tpu.memref_slice %arg15[%dma_wait3A_322, %dma_wait3A_323] : memref<128x32xf32, #tpu.memory_space<vmem>> -> memref<16x32xf32, #tpu.memory_space<vmem>>
          %dma_wait3A_325 = arith.constant 0 : i32
          %dma_wait3A_326 = arith.constant 0 : i32
          %dma_wait3A_327 = tpu.memref_slice %arg5[%dma_wait3A_325, %dma_wait3A_326] : memref<2764800x32xf32, #tpu.memory_space<hbm>> -> memref<2764800x32xf32, #tpu.memory_space<hbm>>
          tpu.wait_indirect_dma semaphore(%arg18 : memref<!tpu.dma_semaphore, #tpu.memory_space<semaphore_mem>>) src(%dma_wait3A_327 : memref<2764800x32xf32, #tpu.memory_space<hbm>>) dst(%dma_wait3A_324 : memref<16x32xf32, #tpu.memory_space<vmem>>)
          %add3A_328 = arith.constant 0 : i32
          %add3A_329 = arith.addi %mul3A_34, %add3A_328 : i32
          %get3A_330 = arith.index_cast %add3A_329 : i32 to index
          %get3A_331 = tpu.vector_load %arg13[%get3A_330] {strides = array<i32>} : memref<3472xi32, #tpu.memory_space<vmem>>, vector<16xi32>,
          %shift_right_arithmetic3A = arith.constant 5 : i32
          %shift_right_arithmetic3A_332 = vector.broadcast %shift_right_arithmetic3A : i32 to vector<16xi32>
          %shift_right_arithmetic3A_333 = arith.shrsi %get3A_331, %shift_right_arithmetic3A_332 : vector<16xi32>
          %add3A_334 = arith.constant 0 : i32
          %add3A_335 = vector.broadcast %add3A_334 : i32 to vector<16xi32>
          %add3A_336 = arith.addi %add3A_335, %iota3A : vector<16xi32>
          %broadcast_in_dim3A = arith.constant 0 : i32
          %broadcast_in_dim3A_337 = vector.broadcast %broadcast_in_dim3A : i32 to vector<16xi32>
          %gather3A = tpu.vector_load_idx %arg15[%add3A_336, %broadcast_in_dim3A_337] : memref<128x32xf32, #tpu.memory_space<vmem>>[vector<16xi32>, vector<16xi32>], vector<16xf32>,
          tpu.vector_store_idx %arg16[%shift_right_arithmetic3A_333, %broadcast_in_dim3A_337], %gather3A {add = true} : memref<129x32xf32, #tpu.memory_space<vmem>>[vector<16xi32>, vector<16xi32>], vector<16xf32>,
          %broadcast_in_dim3A_338 = arith.constant 1 : i32
          %broadcast_in_dim3A_339 = vector.broadcast %broadcast_in_dim3A_338 : i32 to vector<16xi32>
          %gather3A_340 = tpu.vector_load_idx %arg15[%add3A_336, %broadcast_in_dim3A_339] : memref<128x32xf32, #tpu.memory_space<vmem>>[vector<16xi32>, vector<16xi32>], vector<16xf32>,
          tpu.vector_store_idx %arg16[%shift_right_arithmetic3A_333, %broadcast_in_dim3A_339], %gather3A_340 {add = true} : memref<129x32xf32, #tpu.memory_space<vmem>>[vector<16xi32>, vector<16xi32>], vector<16xf32>,
          %broadcast_in_dim3A_341 = arith.constant 2 : i32
          %broadcast_in_dim3A_342 = vector.broadcast %broadcast_in_dim3A_341 : i32 to vector<16xi32>
          %gather3A_343 = tpu.vector_load_idx %arg15[%add3A_336, %broadcast_in_dim3A_342] : memref<128x32xf32, #tpu.memory_space<vmem>>[vector<16xi32>, vector<16xi32>], vector<16xf32>,
          tpu.vector_store_idx %arg16[%shift_right_arithmetic3A_333, %broadcast_in_dim3A_342], %gather3A_343 {add = true} : memref<129x32xf32, #tpu.memory_space<vmem>>[vector<16xi32>, vector<16xi32>], vector<16xf32>,
          %broadcast_in_dim3A_344 = arith.constant 3 : i32
          %broadcast_in_dim3A_345 = vector.broadcast %broadcast_in_dim3A_344 : i32 to vector<16xi32>
          %gather3A_346 = tpu.vector_load_idx %arg15[%add3A_336, %broadcast_in_dim3A_345] : memref<128x32xf32, #tpu.memory_space<vmem>>[vector<16xi32>, vector<16xi32>], vector<16xf32>,
          tpu.vector_store_idx %arg16[%shift_right_arithmetic3A_333, %broadcast_in_dim3A_345], %gather3A_346 {add = true} : memref<129x32xf32, #tpu.memory_space<vmem>>[vector<16xi32>, vector<16xi32>], vector<16xf32>,
          %broadcast_in_dim3A_347 = arith.constant 4 : i32
          %broadcast_in_dim3A_348 = vector.broadcast %broadcast_in_dim3A_347 : i32 to vector<16xi32>
          %gather3A_349 = tpu.vector_load_idx %arg15[%add3A_336, %broadcast_in_dim3A_348] : memref<128x32xf32, #tpu.memory_space<vmem>>[vector<16xi32>, vector<16xi32>], vector<16xf32>,
          tpu.vector_store_idx %arg16[%shift_right_arithmetic3A_333, %broadcast_in_dim3A_348], %gather3A_349 {add = true} : memref<129x32xf32, #tpu.memory_space<vmem>>[vector<16xi32>, vector<16xi32>], vector<16xf32>,
          %broadcast_in_dim3A_350 = arith.constant 5 : i32
          %broadcast_in_dim3A_351 = vector.broadcast %broadcast_in_dim3A_350 : i32 to vector<16xi32>
          %gather3A_352 = tpu.vector_load_idx %arg15[%add3A_336, %broadcast_in_dim3A_351] : memref<128x32xf32, #tpu.memory_space<vmem>>[vector<16xi32>, vector<16xi32>], vector<16xf32>,
          tpu.vector_store_idx %arg16[%shift_right_arithmetic3A_333, %broadcast_in_dim3A_351], %gather3A_352 {add = true} : memref<129x32xf32, #tpu.memory_space<vmem>>[vector<16xi32>, vector<16xi32>], vector<16xf32>,
          %broadcast_in_dim3A_353 = arith.constant 6 : i32
          %broadcast_in_dim3A_354 = vector.broadcast %broadcast_in_dim3A_353 : i32 to vector<16xi32>
          %gather3A_355 = tpu.vector_load_idx %arg15[%add3A_336, %broadcast_in_dim3A_354] : memref<128x32xf32, #tpu.memory_space<vmem>>[vector<16xi32>, vector<16xi32>], vector<16xf32>,
          tpu.vector_store_idx %arg16[%shift_right_arithmetic3A_333, %broadcast_in_dim3A_354], %gather3A_355 {add = true} : memref<129x32xf32, #tpu.memory_space<vmem>>[vector<16xi32>, vector<16xi32>], vector<16xf32>,
          %broadcast_in_dim3A_356 = arith.constant 7 : i32
          %broadcast_in_dim3A_357 = vector.broadcast %broadcast_in_dim3A_356 : i32 to vector<16xi32>
          %gather3A_358 = tpu.vector_load_idx %arg15[%add3A_336, %broadcast_in_dim3A_357] : memref<128x32xf32, #tpu.memory_space<vmem>>[vector<16xi32>, vector<16xi32>], vector<16xf32>,
          tpu.vector_store_idx %arg16[%shift_right_arithmetic3A_333, %broadcast_in_dim3A_357], %gather3A_358 {add = true} : memref<129x32xf32, #tpu.memory_space<vmem>>[vector<16xi32>, vector<16xi32>], vector<16xf32>,
          %broadcast_in_dim3A_359 = arith.constant 8 : i32
          %broadcast_in_dim3A_360 = vector.broadcast %broadcast_in_dim3A_359 : i32 to vector<16xi32>
          %gather3A_361 = tpu.vector_load_idx %arg15[%add3A_336, %broadcast_in_dim3A_360] : memref<128x32xf32, #tpu.memory_space<vmem>>[vector<16xi32>, vector<16xi32>], vector<16xf32>,
          tpu.vector_store_idx %arg16[%shift_right_arithmetic3A_333, %broadcast_in_dim3A_360], %gather3A_361 {add = true} : memref<129x32xf32, #tpu.memory_space<vmem>>[vector<16xi32>, vector<16xi32>], vector<16xf32>,
          %broadcast_in_dim3A_362 = arith.constant 9 : i32
          %broadcast_in_dim3A_363 = vector.broadcast %broadcast_in_dim3A_362 : i32 to vector<16xi32>
          %gather3A_364 = tpu.vector_load_idx %arg15[%add3A_336, %broadcast_in_dim3A_363] : memref<128x32xf32, #tpu.memory_space<vmem>>[vector<16xi32>, vector<16xi32>], vector<16xf32>,
          tpu.vector_store_idx %arg16[%shift_right_arithmetic3A_333, %broadcast_in_dim3A_363], %gather3A_364 {add = true} : memref<129x32xf32, #tpu.memory_space<vmem>>[vector<16xi32>, vector<16xi32>], vector<16xf32>,
          %broadcast_in_dim3A_365 = arith.constant 10 : i32
          %broadcast_in_dim3A_366 = vector.broadcast %broadcast_in_dim3A_365 : i32 to vector<16xi32>
          %gather3A_367 = tpu.vector_load_idx %arg15[%add3A_336, %broadcast_in_dim3A_366] : memref<128x32xf32, #tpu.memory_space<vmem>>[vector<16xi32>, vector<16xi32>], vector<16xf32>,
          tpu.vector_store_idx %arg16[%shift_right_arithmetic3A_333, %broadcast_in_dim3A_366], %gather3A_367 {add = true} : memref<129x32xf32, #tpu.memory_space<vmem>>[vector<16xi32>, vector<16xi32>], vector<16xf32>,
          %broadcast_in_dim3A_368 = arith.constant 11 : i32
          %broadcast_in_dim3A_369 = vector.broadcast %broadcast_in_dim3A_368 : i32 to vector<16xi32>
          %gather3A_370 = tpu.vector_load_idx %arg15[%add3A_336, %broadcast_in_dim3A_369] : memref<128x32xf32, #tpu.memory_space<vmem>>[vector<16xi32>, vector<16xi32>], vector<16xf32>,
          tpu.vector_store_idx %arg16[%shift_right_arithmetic3A_333, %broadcast_in_dim3A_369], %gather3A_370 {add = true} : memref<129x32xf32, #tpu.memory_space<vmem>>[vector<16xi32>, vector<16xi32>], vector<16xf32>,
          %broadcast_in_dim3A_371 = arith.constant 12 : i32
          %broadcast_in_dim3A_372 = vector.broadcast %broadcast_in_dim3A_371 : i32 to vector<16xi32>
          %gather3A_373 = tpu.vector_load_idx %arg15[%add3A_336, %broadcast_in_dim3A_372] : memref<128x32xf32, #tpu.memory_space<vmem>>[vector<16xi32>, vector<16xi32>], vector<16xf32>,
          tpu.vector_store_idx %arg16[%shift_right_arithmetic3A_333, %broadcast_in_dim3A_372], %gather3A_373 {add = true} : memref<129x32xf32, #tpu.memory_space<vmem>>[vector<16xi32>, vector<16xi32>], vector<16xf32>,
          %broadcast_in_dim3A_374 = arith.constant 13 : i32
          %broadcast_in_dim3A_375 = vector.broadcast %broadcast_in_dim3A_374 : i32 to vector<16xi32>
          %gather3A_376 = tpu.vector_load_idx %arg15[%add3A_336, %broadcast_in_dim3A_375] : memref<128x32xf32, #tpu.memory_space<vmem>>[vector<16xi32>, vector<16xi32>], vector<16xf32>,
          tpu.vector_store_idx %arg16[%shift_right_arithmetic3A_333, %broadcast_in_dim3A_375], %gather3A_376 {add = true} : memref<129x32xf32, #tpu.memory_space<vmem>>[vector<16xi32>, vector<16xi32>], vector<16xf32>,
          %broadcast_in_dim3A_377 = arith.constant 14 : i32
          %broadcast_in_dim3A_378 = vector.broadcast %broadcast_in_dim3A_377 : i32 to vector<16xi32>
          %gather3A_379 = tpu.vector_load_idx %arg15[%add3A_336, %broadcast_in_dim3A_378] : memref<128x32xf32, #tpu.memory_space<vmem>>[vector<16xi32>, vector<16xi32>], vector<16xf32>,
          tpu.vector_store_idx %arg16[%shift_right_arithmetic3A_333, %broadcast_in_dim3A_378], %gather3A_379 {add = true} : memref<129x32xf32, #tpu.memory_space<vmem>>[vector<16xi32>, vector<16xi32>], vector<16xf32>,
          %broadcast_in_dim3A_380 = arith.constant 15 : i32
          %broadcast_in_dim3A_381 = vector.broadcast %broadcast_in_dim3A_380 : i32 to vector<16xi32>
          %gather3A_382 = tpu.vector_load_idx %arg15[%add3A_336, %broadcast_in_dim3A_381] : memref<128x32xf32, #tpu.memory_space<vmem>>[vector<16xi32>, vector<16xi32>], vector<16xf32>,
          tpu.vector_store_idx %arg16[%shift_right_arithmetic3A_333, %broadcast_in_dim3A_381], %gather3A_382 {add = true} : memref<129x32xf32, #tpu.memory_space<vmem>>[vector<16xi32>, vector<16xi32>], vector<16xf32>,
          %broadcast_in_dim3A_383 = arith.constant 16 : i32
          %broadcast_in_dim3A_384 = vector.broadcast %broadcast_in_dim3A_383 : i32 to vector<16xi32>
          %gather3A_385 = tpu.vector_load_idx %arg15[%add3A_336, %broadcast_in_dim3A_384] : memref<128x32xf32, #tpu.memory_space<vmem>>[vector<16xi32>, vector<16xi32>], vector<16xf32>,
          tpu.vector_store_idx %arg16[%shift_right_arithmetic3A_333, %broadcast_in_dim3A_384], %gather3A_385 {add = true} : memref<129x32xf32, #tpu.memory_space<vmem>>[vector<16xi32>, vector<16xi32>], vector<16xf32>,
          %broadcast_in_dim3A_386 = arith.constant 17 : i32
          %broadcast_in_dim3A_387 = vector.broadcast %broadcast_in_dim3A_386 : i32 to vector<16xi32>
          %gather3A_388 = tpu.vector_load_idx %arg15[%add3A_336, %broadcast_in_dim3A_387] : memref<128x32xf32, #tpu.memory_space<vmem>>[vector<16xi32>, vector<16xi32>], vector<16xf32>,
          tpu.vector_store_idx %arg16[%shift_right_arithmetic3A_333, %broadcast_in_dim3A_387], %gather3A_388 {add = true} : memref<129x32xf32, #tpu.memory_space<vmem>>[vector<16xi32>, vector<16xi32>], vector<16xf32>,
          %broadcast_in_dim3A_389 = arith.constant 18 : i32
          %broadcast_in_dim3A_390 = vector.broadcast %broadcast_in_dim3A_389 : i32 to vector<16xi32>
          %gather3A_391 = tpu.vector_load_idx %arg15[%add3A_336, %broadcast_in_dim3A_390] : memref<128x32xf32, #tpu.memory_space<vmem>>[vector<16xi32>, vector<16xi32>], vector<16xf32>,
          tpu.vector_store_idx %arg16[%shift_right_arithmetic3A_333, %broadcast_in_dim3A_390], %gather3A_391 {add = true} : memref<129x32xf32, #tpu.memory_space<vmem>>[vector<16xi32>, vector<16xi32>], vector<16xf32>,
          %broadcast_in_dim3A_392 = arith.constant 19 : i32
          %broadcast_in_dim3A_393 = vector.broadcast %broadcast_in_dim3A_392 : i32 to vector<16xi32>
          %gather3A_394 = tpu.vector_load_idx %arg15[%add3A_336, %broadcast_in_dim3A_393] : memref<128x32xf32, #tpu.memory_space<vmem>>[vector<16xi32>, vector<16xi32>], vector<16xf32>,
          tpu.vector_store_idx %arg16[%shift_right_arithmetic3A_333, %broadcast_in_dim3A_393], %gather3A_394 {add = true} : memref<129x32xf32, #tpu.memory_space<vmem>>[vector<16xi32>, vector<16xi32>], vector<16xf32>,
          %broadcast_in_dim3A_395 = arith.constant 20 : i32
          %broadcast_in_dim3A_396 = vector.broadcast %broadcast_in_dim3A_395 : i32 to vector<16xi32>
          %gather3A_397 = tpu.vector_load_idx %arg15[%add3A_336, %broadcast_in_dim3A_396] : memref<128x32xf32, #tpu.memory_space<vmem>>[vector<16xi32>, vector<16xi32>], vector<16xf32>,
          tpu.vector_store_idx %arg16[%shift_right_arithmetic3A_333, %broadcast_in_dim3A_396], %gather3A_397 {add = true} : memref<129x32xf32, #tpu.memory_space<vmem>>[vector<16xi32>, vector<16xi32>], vector<16xf32>,
          %broadcast_in_dim3A_398 = arith.constant 21 : i32
          %broadcast_in_dim3A_399 = vector.broadcast %broadcast_in_dim3A_398 : i32 to vector<16xi32>
          %gather3A_400 = tpu.vector_load_idx %arg15[%add3A_336, %broadcast_in_dim3A_399] : memref<128x32xf32, #tpu.memory_space<vmem>>[vector<16xi32>, vector<16xi32>], vector<16xf32>,
          tpu.vector_store_idx %arg16[%shift_right_arithmetic3A_333, %broadcast_in_dim3A_399], %gather3A_400 {add = true} : memref<129x32xf32, #tpu.memory_space<vmem>>[vector<16xi32>, vector<16xi32>], vector<16xf32>,
          %broadcast_in_dim3A_401 = arith.constant 22 : i32
          %broadcast_in_dim3A_402 = vector.broadcast %broadcast_in_dim3A_401 : i32 to vector<16xi32>
          %gather3A_403 = tpu.vector_load_idx %arg15[%add3A_336, %broadcast_in_dim3A_402] : memref<128x32xf32, #tpu.memory_space<vmem>>[vector<16xi32>, vector<16xi32>], vector<16xf32>,
          tpu.vector_store_idx %arg16[%shift_right_arithmetic3A_333, %broadcast_in_dim3A_402], %gather3A_403 {add = true} : memref<129x32xf32, #tpu.memory_space<vmem>>[vector<16xi32>, vector<16xi32>], vector<16xf32>,
          %broadcast_in_dim3A_404 = arith.constant 23 : i32
          %broadcast_in_dim3A_405 = vector.broadcast %broadcast_in_dim3A_404 : i32 to vector<16xi32>
          %gather3A_406 = tpu.vector_load_idx %arg15[%add3A_336, %broadcast_in_dim3A_405] : memref<128x32xf32, #tpu.memory_space<vmem>>[vector<16xi32>, vector<16xi32>], vector<16xf32>,
          tpu.vector_store_idx %arg16[%shift_right_arithmetic3A_333, %broadcast_in_dim3A_405], %gather3A_406 {add = true} : memref<129x32xf32, #tpu.memory_space<vmem>>[vector<16xi32>, vector<16xi32>], vector<16xf32>,
          %broadcast_in_dim3A_407 = arith.constant 24 : i32
          %broadcast_in_dim3A_408 = vector.broadcast %broadcast_in_dim3A_407 : i32 to vector<16xi32>
          %gather3A_409 = tpu.vector_load_idx %arg15[%add3A_336, %broadcast_in_dim3A_408] : memref<128x32xf32, #tpu.memory_space<vmem>>[vector<16xi32>, vector<16xi32>], vector<16xf32>,
          tpu.vector_store_idx %arg16[%shift_right_arithmetic3A_333, %broadcast_in_dim3A_408], %gather3A_409 {add = true} : memref<129x32xf32, #tpu.memory_space<vmem>>[vector<16xi32>, vector<16xi32>], vector<16xf32>,
          %broadcast_in_dim3A_410 = arith.constant 25 : i32
          %broadcast_in_dim3A_411 = vector.broadcast %broadcast_in_dim3A_410 : i32 to vector<16xi32>
          %gather3A_412 = tpu.vector_load_idx %arg15[%add3A_336, %broadcast_in_dim3A_411] : memref<128x32xf32, #tpu.memory_space<vmem>>[vector<16xi32>, vector<16xi32>], vector<16xf32>,
          tpu.vector_store_idx %arg16[%shift_right_arithmetic3A_333, %broadcast_in_dim3A_411], %gather3A_412 {add = true} : memref<129x32xf32, #tpu.memory_space<vmem>>[vector<16xi32>, vector<16xi32>], vector<16xf32>,
          %broadcast_in_dim3A_413 = arith.constant 26 : i32
          %broadcast_in_dim3A_414 = vector.broadcast %broadcast_in_dim3A_413 : i32 to vector<16xi32>
          %gather3A_415 = tpu.vector_load_idx %arg15[%add3A_336, %broadcast_in_dim3A_414] : memref<128x32xf32, #tpu.memory_space<vmem>>[vector<16xi32>, vector<16xi32>], vector<16xf32>,
          tpu.vector_store_idx %arg16[%shift_right_arithmetic3A_333, %broadcast_in_dim3A_414], %gather3A_415 {add = true} : memref<129x32xf32, #tpu.memory_space<vmem>>[vector<16xi32>, vector<16xi32>], vector<16xf32>,
          %broadcast_in_dim3A_416 = arith.constant 27 : i32
          %broadcast_in_dim3A_417 = vector.broadcast %broadcast_in_dim3A_416 : i32 to vector<16xi32>
          %gather3A_418 = tpu.vector_load_idx %arg15[%add3A_336, %broadcast_in_dim3A_417] : memref<128x32xf32, #tpu.memory_space<vmem>>[vector<16xi32>, vector<16xi32>], vector<16xf32>,
          tpu.vector_store_idx %arg16[%shift_right_arithmetic3A_333, %broadcast_in_dim3A_417], %gather3A_418 {add = true} : memref<129x32xf32, #tpu.memory_space<vmem>>[vector<16xi32>, vector<16xi32>], vector<16xf32>,
          %broadcast_in_dim3A_419 = arith.constant 28 : i32
          %broadcast_in_dim3A_420 = vector.broadcast %broadcast_in_dim3A_419 : i32 to vector<16xi32>
          %gather3A_421 = tpu.vector_load_idx %arg15[%add3A_336, %broadcast_in_dim3A_420] : memref<128x32xf32, #tpu.memory_space<vmem>>[vector<16xi32>, vector<16xi32>], vector<16xf32>,
          tpu.vector_store_idx %arg16[%shift_right_arithmetic3A_333, %broadcast_in_dim3A_420], %gather3A_421 {add = true} : memref<129x32xf32, #tpu.memory_space<vmem>>[vector<16xi32>, vector<16xi32>], vector<16xf32>,
          %broadcast_in_dim3A_422 = arith.constant 29 : i32
          %broadcast_in_dim3A_423 = vector.broadcast %broadcast_in_dim3A_422 : i32 to vector<16xi32>
          %gather3A_424 = tpu.vector_load_idx %arg15[%add3A_336, %broadcast_in_dim3A_423] : memref<128x32xf32, #tpu.memory_space<vmem>>[vector<16xi32>, vector<16xi32>], vector<16xf32>,
          tpu.vector_store_idx %arg16[%shift_right_arithmetic3A_333, %broadcast_in_dim3A_423], %gather3A_424 {add = true} : memref<129x32xf32, #tpu.memory_space<vmem>>[vector<16xi32>, vector<16xi32>], vector<16xf32>,
          %broadcast_in_dim3A_425 = arith.constant 30 : i32
          %broadcast_in_dim3A_426 = vector.broadcast %broadcast_in_dim3A_425 : i32 to vector<16xi32>
          %gather3A_427 = tpu.vector_load_idx %arg15[%add3A_336, %broadcast_in_dim3A_426] : memref<128x32xf32, #tpu.memory_space<vmem>>[vector<16xi32>, vector<16xi32>], vector<16xf32>,
          tpu.vector_store_idx %arg16[%shift_right_arithmetic3A_333, %broadcast_in_dim3A_426], %gather3A_427 {add = true} : memref<129x32xf32, #tpu.memory_space<vmem>>[vector<16xi32>, vector<16xi32>], vector<16xf32>,
          %broadcast_in_dim3A_428 = arith.constant 31 : i32
          %broadcast_in_dim3A_429 = vector.broadcast %broadcast_in_dim3A_428 : i32 to vector<16xi32>
          %gather3A_430 = tpu.vector_load_idx %arg15[%add3A_336, %broadcast_in_dim3A_429] : memref<128x32xf32, #tpu.memory_space<vmem>>[vector<16xi32>, vector<16xi32>], vector<16xf32>,
          tpu.vector_store_idx %arg16[%shift_right_arithmetic3A_333, %broadcast_in_dim3A_429], %gather3A_430 {add = true} : memref<129x32xf32, #tpu.memory_space<vmem>>[vector<16xi32>, vector<16xi32>], vector<16xf32>,
          %add3A_431 = arith.constant 16 : i32
          %add3A_432 = arith.addi %mul3A_34, %add3A_431 : i32
          %get3A_433 = arith.index_cast %add3A_432 : i32 to index
          %get3A_434 = tpu.vector_load %arg13[%get3A_433] {strides = array<i32>} : memref<3472xi32, #tpu.memory_space<vmem>>, vector<16xi32>,
          %shift_right_arithmetic3A_435 = arith.constant 5 : i32
          %shift_right_arithmetic3A_436 = vector.broadcast %shift_right_arithmetic3A_435 : i32 to vector<16xi32>
          %shift_right_arithmetic3A_437 = arith.shrsi %get3A_434, %shift_right_arithmetic3A_436 : vector<16xi32>
          %add3A_438 = arith.constant 16 : i32
          %add3A_439 = vector.broadcast %add3A_438 : i32 to vector<16xi32>
          %add3A_440 = arith.addi %add3A_439, %iota3A : vector<16xi32>
          %broadcast_in_dim3A_441 = arith.constant 0 : i32
          %broadcast_in_dim3A_442 = vector.broadcast %broadcast_in_dim3A_441 : i32 to vector<16xi32>
          %gather3A_443 = tpu.vector_load_idx %arg15[%add3A_440, %broadcast_in_dim3A_442] : memref<128x32xf32, #tpu.memory_space<vmem>>[vector<16xi32>, vector<16xi32>], vector<16xf32>,
          tpu.vector_store_idx %arg16[%shift_right_arithmetic3A_437, %broadcast_in_dim3A_442], %gather3A_443 {add = true} : memref<129x32xf32, #tpu.memory_space<vmem>>[vector<16xi32>, vector<16xi32>], vector<16xf32>,
          %broadcast_in_dim3A_444 = arith.constant 1 : i32
          %broadcast_in_dim3A_445 = vector.broadcast %broadcast_in_dim3A_444 : i32 to vector<16xi32>
          %gather3A_446 = tpu.vector_load_idx %arg15[%add3A_440, %broadcast_in_dim3A_445] : memref<128x32xf32, #tpu.memory_space<vmem>>[vector<16xi32>, vector<16xi32>], vector<16xf32>,
          tpu.vector_store_idx %arg16[%shift_right_arithmetic3A_437, %broadcast_in_dim3A_445], %gather3A_446 {add = true} : memref<129x32xf32, #tpu.memory_space<vmem>>[vector<16xi32>, vector<16xi32>], vector<16xf32>,
          %broadcast_in_dim3A_447 = arith.constant 2 : i32
          %broadcast_in_dim3A_448 = vector.broadcast %broadcast_in_dim3A_447 : i32 to vector<16xi32>
          %gather3A_449 = tpu.vector_load_idx %arg15[%add3A_440, %broadcast_in_dim3A_448] : memref<128x32xf32, #tpu.memory_space<vmem>>[vector<16xi32>, vector<16xi32>], vector<16xf32>,
          tpu.vector_store_idx %arg16[%shift_right_arithmetic3A_437, %broadcast_in_dim3A_448], %gather3A_449 {add = true} : memref<129x32xf32, #tpu.memory_space<vmem>>[vector<16xi32>, vector<16xi32>], vector<16xf32>,
          %broadcast_in_dim3A_450 = arith.constant 3 : i32
          %broadcast_in_dim3A_451 = vector.broadcast %broadcast_in_dim3A_450 : i32 to vector<16xi32>
          %gather3A_452 = tpu.vector_load_idx %arg15[%add3A_440, %broadcast_in_dim3A_451] : memref<128x32xf32, #tpu.memory_space<vmem>>[vector<16xi32>, vector<16xi32>], vector<16xf32>,
          tpu.vector_store_idx %arg16[%shift_right_arithmetic3A_437, %broadcast_in_dim3A_451], %gather3A_452 {add = true} : memref<129x32xf32, #tpu.memory_space<vmem>>[vector<16xi32>, vector<16xi32>], vector<16xf32>,
          %broadcast_in_dim3A_453 = arith.constant 4 : i32
          %broadcast_in_dim3A_454 = vector.broadcast %broadcast_in_dim3A_453 : i32 to vector<16xi32>
          %gather3A_455 = tpu.vector_load_idx %arg15[%add3A_440, %broadcast_in_dim3A_454] : memref<128x32xf32, #tpu.memory_space<vmem>>[vector<16xi32>, vector<16xi32>], vector<16xf32>,
          tpu.vector_store_idx %arg16[%shift_right_arithmetic3A_437, %broadcast_in_dim3A_454], %gather3A_455 {add = true} : memref<129x32xf32, #tpu.memory_space<vmem>>[vector<16xi32>, vector<16xi32>], vector<16xf32>,
          %broadcast_in_dim3A_456 = arith.constant 5 : i32
          %broadcast_in_dim3A_457 = vector.broadcast %broadcast_in_dim3A_456 : i32 to vector<16xi32>
          %gather3A_458 = tpu.vector_load_idx %arg15[%add3A_440, %broadcast_in_dim3A_457] : memref<128x32xf32, #tpu.memory_space<vmem>>[vector<16xi32>, vector<16xi32>], vector<16xf32>,
          tpu.vector_store_idx %arg16[%shift_right_arithmetic3A_437, %broadcast_in_dim3A_457], %gather3A_458 {add = true} : memref<129x32xf32, #tpu.memory_space<vmem>>[vector<16xi32>, vector<16xi32>], vector<16xf32>,
          %broadcast_in_dim3A_459 = arith.constant 6 : i32
          %broadcast_in_dim3A_460 = vector.broadcast %broadcast_in_dim3A_459 : i32 to vector<16xi32>
          %gather3A_461 = tpu.vector_load_idx %arg15[%add3A_440, %broadcast_in_dim3A_460] : memref<128x32xf32, #tpu.memory_space<vmem>>[vector<16xi32>, vector<16xi32>], vector<16xf32>,
          tpu.vector_store_idx %arg16[%shift_right_arithmetic3A_437, %broadcast_in_dim3A_460], %gather3A_461 {add = true} : memref<129x32xf32, #tpu.memory_space<vmem>>[vector<16xi32>, vector<16xi32>], vector<16xf32>,
          %broadcast_in_dim3A_462 = arith.constant 7 : i32
          %broadcast_in_dim3A_463 = vector.broadcast %broadcast_in_dim3A_462 : i32 to vector<16xi32>
          %gather3A_464 = tpu.vector_load_idx %arg15[%add3A_440, %broadcast_in_dim3A_463] : memref<128x32xf32, #tpu.memory_space<vmem>>[vector<16xi32>, vector<16xi32>], vector<16xf32>,
          tpu.vector_store_idx %arg16[%shift_right_arithmetic3A_437, %broadcast_in_dim3A_463], %gather3A_464 {add = true} : memref<129x32xf32, #tpu.memory_space<vmem>>[vector<16xi32>, vector<16xi32>], vector<16xf32>,
          %broadcast_in_dim3A_465 = arith.constant 8 : i32
          %broadcast_in_dim3A_466 = vector.broadcast %broadcast_in_dim3A_465 : i32 to vector<16xi32>
          %gather3A_467 = tpu.vector_load_idx %arg15[%add3A_440, %broadcast_in_dim3A_466] : memref<128x32xf32, #tpu.memory_space<vmem>>[vector<16xi32>, vector<16xi32>], vector<16xf32>,
          tpu.vector_store_idx %arg16[%shift_right_arithmetic3A_437, %broadcast_in_dim3A_466], %gather3A_467 {add = true} : memref<129x32xf32, #tpu.memory_space<vmem>>[vector<16xi32>, vector<16xi32>], vector<16xf32>,
          %broadcast_in_dim3A_468 = arith.constant 9 : i32
          %broadcast_in_dim3A_469 = vector.broadcast %broadcast_in_dim3A_468 : i32 to vector<16xi32>
          %gather3A_470 = tpu.vector_load_idx %arg15[%add3A_440, %broadcast_in_dim3A_469] : memref<128x32xf32, #tpu.memory_space<vmem>>[vector<16xi32>, vector<16xi32>], vector<16xf32>,
          tpu.vector_store_idx %arg16[%shift_right_arithmetic3A_437, %broadcast_in_dim3A_469], %gather3A_470 {add = true} : memref<129x32xf32, #tpu.memory_space<vmem>>[vector<16xi32>, vector<16xi32>], vector<16xf32>,
          %broadcast_in_dim3A_471 = arith.constant 10 : i32
          %broadcast_in_dim3A_472 = vector.broadcast %broadcast_in_dim3A_471 : i32 to vector<16xi32>
          %gather3A_473 = tpu.vector_load_idx %arg15[%add3A_440, %broadcast_in_dim3A_472] : memref<128x32xf32, #tpu.memory_space<vmem>>[vector<16xi32>, vector<16xi32>], vector<16xf32>,
          tpu.vector_store_idx %arg16[%shift_right_arithmetic3A_437, %broadcast_in_dim3A_472], %gather3A_473 {add = true} : memref<129x32xf32, #tpu.memory_space<vmem>>[vector<16xi32>, vector<16xi32>], vector<16xf32>,
          %broadcast_in_dim3A_474 = arith.constant 11 : i32
          %broadcast_in_dim3A_475 = vector.broadcast %broadcast_in_dim3A_474 : i32 to vector<16xi32>
          %gather3A_476 = tpu.vector_load_idx %arg15[%add3A_440, %broadcast_in_dim3A_475] : memref<128x32xf32, #tpu.memory_space<vmem>>[vector<16xi32>, vector<16xi32>], vector<16xf32>,
          tpu.vector_store_idx %arg16[%shift_right_arithmetic3A_437, %broadcast_in_dim3A_475], %gather3A_476 {add = true} : memref<129x32xf32, #tpu.memory_space<vmem>>[vector<16xi32>, vector<16xi32>], vector<16xf32>,
          %broadcast_in_dim3A_477 = arith.constant 12 : i32
          %broadcast_in_dim3A_478 = vector.broadcast %broadcast_in_dim3A_477 : i32 to vector<16xi32>
          %gather3A_479 = tpu.vector_load_idx %arg15[%add3A_440, %broadcast_in_dim3A_478] : memref<128x32xf32, #tpu.memory_space<vmem>>[vector<16xi32>, vector<16xi32>], vector<16xf32>,
          tpu.vector_store_idx %arg16[%shift_right_arithmetic3A_437, %broadcast_in_dim3A_478], %gather3A_479 {add = true} : memref<129x32xf32, #tpu.memory_space<vmem>>[vector<16xi32>, vector<16xi32>], vector<16xf32>,
          %broadcast_in_dim3A_480 = arith.constant 13 : i32
          %broadcast_in_dim3A_481 = vector.broadcast %broadcast_in_dim3A_480 : i32 to vector<16xi32>
          %gather3A_482 = tpu.vector_load_idx %arg15[%add3A_440, %broadcast_in_dim3A_481] : memref<128x32xf32, #tpu.memory_space<vmem>>[vector<16xi32>, vector<16xi32>], vector<16xf32>,
          tpu.vector_store_idx %arg16[%shift_right_arithmetic3A_437, %broadcast_in_dim3A_481], %gather3A_482 {add = true} : memref<129x32xf32, #tpu.memory_space<vmem>>[vector<16xi32>, vector<16xi32>], vector<16xf32>,
          %broadcast_in_dim3A_483 = arith.constant 14 : i32
          %broadcast_in_dim3A_484 = vector.broadcast %broadcast_in_dim3A_483 : i32 to vector<16xi32>
          %gather3A_485 = tpu.vector_load_idx %arg15[%add3A_440, %broadcast_in_dim3A_484] : memref<128x32xf32, #tpu.memory_space<vmem>>[vector<16xi32>, vector<16xi32>], vector<16xf32>,
          tpu.vector_store_idx %arg16[%shift_right_arithmetic3A_437, %broadcast_in_dim3A_484], %gather3A_485 {add = true} : memref<129x32xf32, #tpu.memory_space<vmem>>[vector<16xi32>, vector<16xi32>], vector<16xf32>,
          %broadcast_in_dim3A_486 = arith.constant 15 : i32
          %broadcast_in_dim3A_487 = vector.broadcast %broadcast_in_dim3A_486 : i32 to vector<16xi32>
          %gather3A_488 = tpu.vector_load_idx %arg15[%add3A_440, %broadcast_in_dim3A_487] : memref<128x32xf32, #tpu.memory_space<vmem>>[vector<16xi32>, vector<16xi32>], vector<16xf32>,
          tpu.vector_store_idx %arg16[%shift_right_arithmetic3A_437, %broadcast_in_dim3A_487], %gather3A_488 {add = true} : memref<129x32xf32, #tpu.memory_space<vmem>>[vector<16xi32>, vector<16xi32>], vector<16xf32>,
          %broadcast_in_dim3A_489 = arith.constant 16 : i32
          %broadcast_in_dim3A_490 = vector.broadcast %broadcast_in_dim3A_489 : i32 to vector<16xi32>
          %gather3A_491 = tpu.vector_load_idx %arg15[%add3A_440, %broadcast_in_dim3A_490] : memref<128x32xf32, #tpu.memory_space<vmem>>[vector<16xi32>, vector<16xi32>], vector<16xf32>,
          tpu.vector_store_idx %arg16[%shift_right_arithmetic3A_437, %broadcast_in_dim3A_490], %gather3A_491 {add = true} : memref<129x32xf32, #tpu.memory_space<vmem>>[vector<16xi32>, vector<16xi32>], vector<16xf32>,
          %broadcast_in_dim3A_492 = arith.constant 17 : i32
          %broadcast_in_dim3A_493 = vector.broadcast %broadcast_in_dim3A_492 : i32 to vector<16xi32>
          %gather3A_494 = tpu.vector_load_idx %arg15[%add3A_440, %broadcast_in_dim3A_493] : memref<128x32xf32, #tpu.memory_space<vmem>>[vector<16xi32>, vector<16xi32>], vector<16xf32>,
          tpu.vector_store_idx %arg16[%shift_right_arithmetic3A_437, %broadcast_in_dim3A_493], %gather3A_494 {add = true} : memref<129x32xf32, #tpu.memory_space<vmem>>[vector<16xi32>, vector<16xi32>], vector<16xf32>,
          %broadcast_in_dim3A_495 = arith.constant 18 : i32
          %broadcast_in_dim3A_496 = vector.broadcast %broadcast_in_dim3A_495 : i32 to vector<16xi32>
          %gather3A_497 = tpu.vector_load_idx %arg15[%add3A_440, %broadcast_in_dim3A_496] : memref<128x32xf32, #tpu.memory_space<vmem>>[vector<16xi32>, vector<16xi32>], vector<16xf32>,
          tpu.vector_store_idx %arg16[%shift_right_arithmetic3A_437, %broadcast_in_dim3A_496], %gather3A_497 {add = true} : memref<129x32xf32, #tpu.memory_space<vmem>>[vector<16xi32>, vector<16xi32>], vector<16xf32>,
          %broadcast_in_dim3A_498 = arith.constant 19 : i32
          %broadcast_in_dim3A_499 = vector.broadcast %broadcast_in_dim3A_498 : i32 to vector<16xi32>
          %gather3A_500 = tpu.vector_load_idx %arg15[%add3A_440, %broadcast_in_dim3A_499] : memref<128x32xf32, #tpu.memory_space<vmem>>[vector<16xi32>, vector<16xi32>], vector<16xf32>,
          tpu.vector_store_idx %arg16[%shift_right_arithmetic3A_437, %broadcast_in_dim3A_499], %gather3A_500 {add = true} : memref<129x32xf32, #tpu.memory_space<vmem>>[vector<16xi32>, vector<16xi32>], vector<16xf32>,
          %broadcast_in_dim3A_501 = arith.constant 20 : i32
          %broadcast_in_dim3A_502 = vector.broadcast %broadcast_in_dim3A_501 : i32 to vector<16xi32>
          %gather3A_503 = tpu.vector_load_idx %arg15[%add3A_440, %broadcast_in_dim3A_502] : memref<128x32xf32, #tpu.memory_space<vmem>>[vector<16xi32>, vector<16xi32>], vector<16xf32>,
          tpu.vector_store_idx %arg16[%shift_right_arithmetic3A_437, %broadcast_in_dim3A_502], %gather3A_503 {add = true} : memref<129x32xf32, #tpu.memory_space<vmem>>[vector<16xi32>, vector<16xi32>], vector<16xf32>,
          %broadcast_in_dim3A_504 = arith.constant 21 : i32
          %broadcast_in_dim3A_505 = vector.broadcast %broadcast_in_dim3A_504 : i32 to vector<16xi32>
          %gather3A_506 = tpu.vector_load_idx %arg15[%add3A_440, %broadcast_in_dim3A_505] : memref<128x32xf32, #tpu.memory_space<vmem>>[vector<16xi32>, vector<16xi32>], vector<16xf32>,
          tpu.vector_store_idx %arg16[%shift_right_arithmetic3A_437, %broadcast_in_dim3A_505], %gather3A_506 {add = true} : memref<129x32xf32, #tpu.memory_space<vmem>>[vector<16xi32>, vector<16xi32>], vector<16xf32>,
          %broadcast_in_dim3A_507 = arith.constant 22 : i32
          %broadcast_in_dim3A_508 = vector.broadcast %broadcast_in_dim3A_507 : i32 to vector<16xi32>
          %gather3A_509 = tpu.vector_load_idx %arg15[%add3A_440, %broadcast_in_dim3A_508] : memref<128x32xf32, #tpu.memory_space<vmem>>[vector<16xi32>, vector<16xi32>], vector<16xf32>,
          tpu.vector_store_idx %arg16[%shift_right_arithmetic3A_437, %broadcast_in_dim3A_508], %gather3A_509 {add = true} : memref<129x32xf32, #tpu.memory_space<vmem>>[vector<16xi32>, vector<16xi32>], vector<16xf32>,
          %broadcast_in_dim3A_510 = arith.constant 23 : i32
          %broadcast_in_dim3A_511 = vector.broadcast %broadcast_in_dim3A_510 : i32 to vector<16xi32>
          %gather3A_512 = tpu.vector_load_idx %arg15[%add3A_440, %broadcast_in_dim3A_511] : memref<128x32xf32, #tpu.memory_space<vmem>>[vector<16xi32>, vector<16xi32>], vector<16xf32>,
          tpu.vector_store_idx %arg16[%shift_right_arithmetic3A_437, %broadcast_in_dim3A_511], %gather3A_512 {add = true} : memref<129x32xf32, #tpu.memory_space<vmem>>[vector<16xi32>, vector<16xi32>], vector<16xf32>,
          %broadcast_in_dim3A_513 = arith.constant 24 : i32
          %broadcast_in_dim3A_514 = vector.broadcast %broadcast_in_dim3A_513 : i32 to vector<16xi32>
          %gather3A_515 = tpu.vector_load_idx %arg15[%add3A_440, %broadcast_in_dim3A_514] : memref<128x32xf32, #tpu.memory_space<vmem>>[vector<16xi32>, vector<16xi32>], vector<16xf32>,
          tpu.vector_store_idx %arg16[%shift_right_arithmetic3A_437, %broadcast_in_dim3A_514], %gather3A_515 {add = true} : memref<129x32xf32, #tpu.memory_space<vmem>>[vector<16xi32>, vector<16xi32>], vector<16xf32>,
          %broadcast_in_dim3A_516 = arith.constant 25 : i32
          %broadcast_in_dim3A_517 = vector.broadcast %broadcast_in_dim3A_516 : i32 to vector<16xi32>
          %gather3A_518 = tpu.vector_load_idx %arg15[%add3A_440, %broadcast_in_dim3A_517] : memref<128x32xf32, #tpu.memory_space<vmem>>[vector<16xi32>, vector<16xi32>], vector<16xf32>,
          tpu.vector_store_idx %arg16[%shift_right_arithmetic3A_437, %broadcast_in_dim3A_517], %gather3A_518 {add = true} : memref<129x32xf32, #tpu.memory_space<vmem>>[vector<16xi32>, vector<16xi32>], vector<16xf32>,
          %broadcast_in_dim3A_519 = arith.constant 26 : i32
          %broadcast_in_dim3A_520 = vector.broadcast %broadcast_in_dim3A_519 : i32 to vector<16xi32>
          %gather3A_521 = tpu.vector_load_idx %arg15[%add3A_440, %broadcast_in_dim3A_520] : memref<128x32xf32, #tpu.memory_space<vmem>>[vector<16xi32>, vector<16xi32>], vector<16xf32>,
          tpu.vector_store_idx %arg16[%shift_right_arithmetic3A_437, %broadcast_in_dim3A_520], %gather3A_521 {add = true} : memref<129x32xf32, #tpu.memory_space<vmem>>[vector<16xi32>, vector<16xi32>], vector<16xf32>,
          %broadcast_in_dim3A_522 = arith.constant 27 : i32
          %broadcast_in_dim3A_523 = vector.broadcast %broadcast_in_dim3A_522 : i32 to vector<16xi32>
          %gather3A_524 = tpu.vector_load_idx %arg15[%add3A_440, %broadcast_in_dim3A_523] : memref<128x32xf32, #tpu.memory_space<vmem>>[vector<16xi32>, vector<16xi32>], vector<16xf32>,
          tpu.vector_store_idx %arg16[%shift_right_arithmetic3A_437, %broadcast_in_dim3A_523], %gather3A_524 {add = true} : memref<129x32xf32, #tpu.memory_space<vmem>>[vector<16xi32>, vector<16xi32>], vector<16xf32>,
          %broadcast_in_dim3A_525 = arith.constant 28 : i32
          %broadcast_in_dim3A_526 = vector.broadcast %broadcast_in_dim3A_525 : i32 to vector<16xi32>
          %gather3A_527 = tpu.vector_load_idx %arg15[%add3A_440, %broadcast_in_dim3A_526] : memref<128x32xf32, #tpu.memory_space<vmem>>[vector<16xi32>, vector<16xi32>], vector<16xf32>,
          tpu.vector_store_idx %arg16[%shift_right_arithmetic3A_437, %broadcast_in_dim3A_526], %gather3A_527 {add = true} : memref<129x32xf32, #tpu.memory_space<vmem>>[vector<16xi32>, vector<16xi32>], vector<16xf32>,
          %broadcast_in_dim3A_528 = arith.constant 29 : i32
          %broadcast_in_dim3A_529 = vector.broadcast %broadcast_in_dim3A_528 : i32 to vector<16xi32>
          %gather3A_530 = tpu.vector_load_idx %arg15[%add3A_440, %broadcast_in_dim3A_529] : memref<128x32xf32, #tpu.memory_space<vmem>>[vector<16xi32>, vector<16xi32>], vector<16xf32>,
          tpu.vector_store_idx %arg16[%shift_right_arithmetic3A_437, %broadcast_in_dim3A_529], %gather3A_530 {add = true} : memref<129x32xf32, #tpu.memory_space<vmem>>[vector<16xi32>, vector<16xi32>], vector<16xf32>,
          %broadcast_in_dim3A_531 = arith.constant 30 : i32
          %broadcast_in_dim3A_532 = vector.broadcast %broadcast_in_dim3A_531 : i32 to vector<16xi32>
          %gather3A_533 = tpu.vector_load_idx %arg15[%add3A_440, %broadcast_in_dim3A_532] : memref<128x32xf32, #tpu.memory_space<vmem>>[vector<16xi32>, vector<16xi32>], vector<16xf32>,
          tpu.vector_store_idx %arg16[%shift_right_arithmetic3A_437, %broadcast_in_dim3A_532], %gather3A_533 {add = true} : memref<129x32xf32, #tpu.memory_space<vmem>>[vector<16xi32>, vector<16xi32>], vector<16xf32>,
          %broadcast_in_dim3A_534 = arith.constant 31 : i32
          %broadcast_in_dim3A_535 = vector.broadcast %broadcast_in_dim3A_534 : i32 to vector<16xi32>
          %gather3A_536 = tpu.vector_load_idx %arg15[%add3A_440, %broadcast_in_dim3A_535] : memref<128x32xf32, #tpu.memory_space<vmem>>[vector<16xi32>, vector<16xi32>], vector<16xf32>,
          tpu.vector_store_idx %arg16[%shift_right_arithmetic3A_437, %broadcast_in_dim3A_535], %gather3A_536 {add = true} : memref<129x32xf32, #tpu.memory_space<vmem>>[vector<16xi32>, vector<16xi32>], vector<16xf32>,
          %add3A_537 = arith.constant 32 : i32
          %add3A_538 = arith.addi %mul3A_34, %add3A_537 : i32
          %get3A_539 = arith.index_cast %add3A_538 : i32 to index
          %get3A_540 = tpu.vector_load %arg13[%get3A_539] {strides = array<i32>} : memref<3472xi32, #tpu.memory_space<vmem>>, vector<16xi32>,
          %shift_right_arithmetic3A_541 = arith.constant 5 : i32
          %shift_right_arithmetic3A_542 = vector.broadcast %shift_right_arithmetic3A_541 : i32 to vector<16xi32>
          %shift_right_arithmetic3A_543 = arith.shrsi %get3A_540, %shift_right_arithmetic3A_542 : vector<16xi32>
          %add3A_544 = arith.constant 32 : i32
          %add3A_545 = vector.broadcast %add3A_544 : i32 to vector<16xi32>
          %add3A_546 = arith.addi %add3A_545, %iota3A : vector<16xi32>
          %broadcast_in_dim3A_547 = arith.constant 0 : i32
          %broadcast_in_dim3A_548 = vector.broadcast %broadcast_in_dim3A_547 : i32 to vector<16xi32>
          %gather3A_549 = tpu.vector_load_idx %arg15[%add3A_546, %broadcast_in_dim3A_548] : memref<128x32xf32, #tpu.memory_space<vmem>>[vector<16xi32>, vector<16xi32>], vector<16xf32>,
          tpu.vector_store_idx %arg16[%shift_right_arithmetic3A_543, %broadcast_in_dim3A_548], %gather3A_549 {add = true} : memref<129x32xf32, #tpu.memory_space<vmem>>[vector<16xi32>, vector<16xi32>], vector<16xf32>,
          %broadcast_in_dim3A_550 = arith.constant 1 : i32
          %broadcast_in_dim3A_551 = vector.broadcast %broadcast_in_dim3A_550 : i32 to vector<16xi32>
          %gather3A_552 = tpu.vector_load_idx %arg15[%add3A_546, %broadcast_in_dim3A_551] : memref<128x32xf32, #tpu.memory_space<vmem>>[vector<16xi32>, vector<16xi32>], vector<16xf32>,
          tpu.vector_store_idx %arg16[%shift_right_arithmetic3A_543, %broadcast_in_dim3A_551], %gather3A_552 {add = true} : memref<129x32xf32, #tpu.memory_space<vmem>>[vector<16xi32>, vector<16xi32>], vector<16xf32>,
          %broadcast_in_dim3A_553 = arith.constant 2 : i32
          %broadcast_in_dim3A_554 = vector.broadcast %broadcast_in_dim3A_553 : i32 to vector<16xi32>
          %gather3A_555 = tpu.vector_load_idx %arg15[%add3A_546, %broadcast_in_dim3A_554] : memref<128x32xf32, #tpu.memory_space<vmem>>[vector<16xi32>, vector<16xi32>], vector<16xf32>,
          tpu.vector_store_idx %arg16[%shift_right_arithmetic3A_543, %broadcast_in_dim3A_554], %gather3A_555 {add = true} : memref<129x32xf32, #tpu.memory_space<vmem>>[vector<16xi32>, vector<16xi32>], vector<16xf32>,
          %broadcast_in_dim3A_556 = arith.constant 3 : i32
          %broadcast_in_dim3A_557 = vector.broadcast %broadcast_in_dim3A_556 : i32 to vector<16xi32>
          %gather3A_558 = tpu.vector_load_idx %arg15[%add3A_546, %broadcast_in_dim3A_557] : memref<128x32xf32, #tpu.memory_space<vmem>>[vector<16xi32>, vector<16xi32>], vector<16xf32>,
          tpu.vector_store_idx %arg16[%shift_right_arithmetic3A_543, %broadcast_in_dim3A_557], %gather3A_558 {add = true} : memref<129x32xf32, #tpu.memory_space<vmem>>[vector<16xi32>, vector<16xi32>], vector<16xf32>,
          %broadcast_in_dim3A_559 = arith.constant 4 : i32
          %broadcast_in_dim3A_560 = vector.broadcast %broadcast_in_dim3A_559 : i32 to vector<16xi32>
          %gather3A_561 = tpu.vector_load_idx %arg15[%add3A_546, %broadcast_in_dim3A_560] : memref<128x32xf32, #tpu.memory_space<vmem>>[vector<16xi32>, vector<16xi32>], vector<16xf32>,
          tpu.vector_store_idx %arg16[%shift_right_arithmetic3A_543, %broadcast_in_dim3A_560], %gather3A_561 {add = true} : memref<129x32xf32, #tpu.memory_space<vmem>>[vector<16xi32>, vector<16xi32>], vector<16xf32>,
          %broadcast_in_dim3A_562 = arith.constant 5 : i32
          %broadcast_in_dim3A_563 = vector.broadcast %broadcast_in_dim3A_562 : i32 to vector<16xi32>
          %gather3A_564 = tpu.vector_load_idx %arg15[%add3A_546, %broadcast_in_dim3A_563] : memref<128x32xf32, #tpu.memory_space<vmem>>[vector<16xi32>, vector<16xi32>], vector<16xf32>,
          tpu.vector_store_idx %arg16[%shift_right_arithmetic3A_543, %broadcast_in_dim3A_563], %gather3A_564 {add = true} : memref<129x32xf32, #tpu.memory_space<vmem>>[vector<16xi32>, vector<16xi32>], vector<16xf32>,
          %broadcast_in_dim3A_565 = arith.constant 6 : i32
          %broadcast_in_dim3A_566 = vector.broadcast %broadcast_in_dim3A_565 : i32 to vector<16xi32>
          %gather3A_567 = tpu.vector_load_idx %arg15[%add3A_546, %broadcast_in_dim3A_566] : memref<128x32xf32, #tpu.memory_space<vmem>>[vector<16xi32>, vector<16xi32>], vector<16xf32>,
          tpu.vector_store_idx %arg16[%shift_right_arithmetic3A_543, %broadcast_in_dim3A_566], %gather3A_567 {add = true} : memref<129x32xf32, #tpu.memory_space<vmem>>[vector<16xi32>, vector<16xi32>], vector<16xf32>,
          %broadcast_in_dim3A_568 = arith.constant 7 : i32
          %broadcast_in_dim3A_569 = vector.broadcast %broadcast_in_dim3A_568 : i32 to vector<16xi32>
          %gather3A_570 = tpu.vector_load_idx %arg15[%add3A_546, %broadcast_in_dim3A_569] : memref<128x32xf32, #tpu.memory_space<vmem>>[vector<16xi32>, vector<16xi32>], vector<16xf32>,
          tpu.vector_store_idx %arg16[%shift_right_arithmetic3A_543, %broadcast_in_dim3A_569], %gather3A_570 {add = true} : memref<129x32xf32, #tpu.memory_space<vmem>>[vector<16xi32>, vector<16xi32>], vector<16xf32>,
          %broadcast_in_dim3A_571 = arith.constant 8 : i32
          %broadcast_in_dim3A_572 = vector.broadcast %broadcast_in_dim3A_571 : i32 to vector<16xi32>
          %gather3A_573 = tpu.vector_load_idx %arg15[%add3A_546, %broadcast_in_dim3A_572] : memref<128x32xf32, #tpu.memory_space<vmem>>[vector<16xi32>, vector<16xi32>], vector<16xf32>,
          tpu.vector_store_idx %arg16[%shift_right_arithmetic3A_543, %broadcast_in_dim3A_572], %gather3A_573 {add = true} : memref<129x32xf32, #tpu.memory_space<vmem>>[vector<16xi32>, vector<16xi32>], vector<16xf32>,
          %broadcast_in_dim3A_574 = arith.constant 9 : i32
          %broadcast_in_dim3A_575 = vector.broadcast %broadcast_in_dim3A_574 : i32 to vector<16xi32>
          %gather3A_576 = tpu.vector_load_idx %arg15[%add3A_546, %broadcast_in_dim3A_575] : memref<128x32xf32, #tpu.memory_space<vmem>>[vector<16xi32>, vector<16xi32>], vector<16xf32>,
          tpu.vector_store_idx %arg16[%shift_right_arithmetic3A_543, %broadcast_in_dim3A_575], %gather3A_576 {add = true} : memref<129x32xf32, #tpu.memory_space<vmem>>[vector<16xi32>, vector<16xi32>], vector<16xf32>,
          %broadcast_in_dim3A_577 = arith.constant 10 : i32
          %broadcast_in_dim3A_578 = vector.broadcast %broadcast_in_dim3A_577 : i32 to vector<16xi32>
          %gather3A_579 = tpu.vector_load_idx %arg15[%add3A_546, %broadcast_in_dim3A_578] : memref<128x32xf32, #tpu.memory_space<vmem>>[vector<16xi32>, vector<16xi32>], vector<16xf32>,
          tpu.vector_store_idx %arg16[%shift_right_arithmetic3A_543, %broadcast_in_dim3A_578], %gather3A_579 {add = true} : memref<129x32xf32, #tpu.memory_space<vmem>>[vector<16xi32>, vector<16xi32>], vector<16xf32>,
          %broadcast_in_dim3A_580 = arith.constant 11 : i32
          %broadcast_in_dim3A_581 = vector.broadcast %broadcast_in_dim3A_580 : i32 to vector<16xi32>
          %gather3A_582 = tpu.vector_load_idx %arg15[%add3A_546, %broadcast_in_dim3A_581] : memref<128x32xf32, #tpu.memory_space<vmem>>[vector<16xi32>, vector<16xi32>], vector<16xf32>,
          tpu.vector_store_idx %arg16[%shift_right_arithmetic3A_543, %broadcast_in_dim3A_581], %gather3A_582 {add = true} : memref<129x32xf32, #tpu.memory_space<vmem>>[vector<16xi32>, vector<16xi32>], vector<16xf32>,
          %broadcast_in_dim3A_583 = arith.constant 12 : i32
          %broadcast_in_dim3A_584 = vector.broadcast %broadcast_in_dim3A_583 : i32 to vector<16xi32>
          %gather3A_585 = tpu.vector_load_idx %arg15[%add3A_546, %broadcast_in_dim3A_584] : memref<128x32xf32, #tpu.memory_space<vmem>>[vector<16xi32>, vector<16xi32>], vector<16xf32>,
          tpu.vector_store_idx %arg16[%shift_right_arithmetic3A_543, %broadcast_in_dim3A_584], %gather3A_585 {add = true} : memref<129x32xf32, #tpu.memory_space<vmem>>[vector<16xi32>, vector<16xi32>], vector<16xf32>,
          %broadcast_in_dim3A_586 = arith.constant 13 : i32
          %broadcast_in_dim3A_587 = vector.broadcast %broadcast_in_dim3A_586 : i32 to vector<16xi32>
          %gather3A_588 = tpu.vector_load_idx %arg15[%add3A_546, %broadcast_in_dim3A_587] : memref<128x32xf32, #tpu.memory_space<vmem>>[vector<16xi32>, vector<16xi32>], vector<16xf32>,
          tpu.vector_store_idx %arg16[%shift_right_arithmetic3A_543, %broadcast_in_dim3A_587], %gather3A_588 {add = true} : memref<129x32xf32, #tpu.memory_space<vmem>>[vector<16xi32>, vector<16xi32>], vector<16xf32>,
          %broadcast_in_dim3A_589 = arith.constant 14 : i32
          %broadcast_in_dim3A_590 = vector.broadcast %broadcast_in_dim3A_589 : i32 to vector<16xi32>
          %gather3A_591 = tpu.vector_load_idx %arg15[%add3A_546, %broadcast_in_dim3A_590] : memref<128x32xf32, #tpu.memory_space<vmem>>[vector<16xi32>, vector<16xi32>], vector<16xf32>,
          tpu.vector_store_idx %arg16[%shift_right_arithmetic3A_543, %broadcast_in_dim3A_590], %gather3A_591 {add = true} : memref<129x32xf32, #tpu.memory_space<vmem>>[vector<16xi32>, vector<16xi32>], vector<16xf32>,
          %broadcast_in_dim3A_592 = arith.constant 15 : i32
          %broadcast_in_dim3A_593 = vector.broadcast %broadcast_in_dim3A_592 : i32 to vector<16xi32>
          %gather3A_594 = tpu.vector_load_idx %arg15[%add3A_546, %broadcast_in_dim3A_593] : memref<128x32xf32, #tpu.memory_space<vmem>>[vector<16xi32>, vector<16xi32>], vector<16xf32>,
          tpu.vector_store_idx %arg16[%shift_right_arithmetic3A_543, %broadcast_in_dim3A_593], %gather3A_594 {add = true} : memref<129x32xf32, #tpu.memory_space<vmem>>[vector<16xi32>, vector<16xi32>], vector<16xf32>,
          %broadcast_in_dim3A_595 = arith.constant 16 : i32
          %broadcast_in_dim3A_596 = vector.broadcast %broadcast_in_dim3A_595 : i32 to vector<16xi32>
          %gather3A_597 = tpu.vector_load_idx %arg15[%add3A_546, %broadcast_in_dim3A_596] : memref<128x32xf32, #tpu.memory_space<vmem>>[vector<16xi32>, vector<16xi32>], vector<16xf32>,
          tpu.vector_store_idx %arg16[%shift_right_arithmetic3A_543, %broadcast_in_dim3A_596], %gather3A_597 {add = true} : memref<129x32xf32, #tpu.memory_space<vmem>>[vector<16xi32>, vector<16xi32>], vector<16xf32>,
          %broadcast_in_dim3A_598 = arith.constant 17 : i32
          %broadcast_in_dim3A_599 = vector.broadcast %broadcast_in_dim3A_598 : i32 to vector<16xi32>
          %gather3A_600 = tpu.vector_load_idx %arg15[%add3A_546, %broadcast_in_dim3A_599] : memref<128x32xf32, #tpu.memory_space<vmem>>[vector<16xi32>, vector<16xi32>], vector<16xf32>,
          tpu.vector_store_idx %arg16[%shift_right_arithmetic3A_543, %broadcast_in_dim3A_599], %gather3A_600 {add = true} : memref<129x32xf32, #tpu.memory_space<vmem>>[vector<16xi32>, vector<16xi32>], vector<16xf32>,
          %broadcast_in_dim3A_601 = arith.constant 18 : i32
          %broadcast_in_dim3A_602 = vector.broadcast %broadcast_in_dim3A_601 : i32 to vector<16xi32>
          %gather3A_603 = tpu.vector_load_idx %arg15[%add3A_546, %broadcast_in_dim3A_602] : memref<128x32xf32, #tpu.memory_space<vmem>>[vector<16xi32>, vector<16xi32>], vector<16xf32>,
          tpu.vector_store_idx %arg16[%shift_right_arithmetic3A_543, %broadcast_in_dim3A_602], %gather3A_603 {add = true} : memref<129x32xf32, #tpu.memory_space<vmem>>[vector<16xi32>, vector<16xi32>], vector<16xf32>,
          %broadcast_in_dim3A_604 = arith.constant 19 : i32
          %broadcast_in_dim3A_605 = vector.broadcast %broadcast_in_dim3A_604 : i32 to vector<16xi32>
          %gather3A_606 = tpu.vector_load_idx %arg15[%add3A_546, %broadcast_in_dim3A_605] : memref<128x32xf32, #tpu.memory_space<vmem>>[vector<16xi32>, vector<16xi32>], vector<16xf32>,
          tpu.vector_store_idx %arg16[%shift_right_arithmetic3A_543, %broadcast_in_dim3A_605], %gather3A_606 {add = true} : memref<129x32xf32, #tpu.memory_space<vmem>>[vector<16xi32>, vector<16xi32>], vector<16xf32>,
          %broadcast_in_dim3A_607 = arith.constant 20 : i32
          %broadcast_in_dim3A_608 = vector.broadcast %broadcast_in_dim3A_607 : i32 to vector<16xi32>
          %gather3A_609 = tpu.vector_load_idx %arg15[%add3A_546, %broadcast_in_dim3A_608] : memref<128x32xf32, #tpu.memory_space<vmem>>[vector<16xi32>, vector<16xi32>], vector<16xf32>,
          tpu.vector_store_idx %arg16[%shift_right_arithmetic3A_543, %broadcast_in_dim3A_608], %gather3A_609 {add = true} : memref<129x32xf32, #tpu.memory_space<vmem>>[vector<16xi32>, vector<16xi32>], vector<16xf32>,
          %broadcast_in_dim3A_610 = arith.constant 21 : i32
          %broadcast_in_dim3A_611 = vector.broadcast %broadcast_in_dim3A_610 : i32 to vector<16xi32>
          %gather3A_612 = tpu.vector_load_idx %arg15[%add3A_546, %broadcast_in_dim3A_611] : memref<128x32xf32, #tpu.memory_space<vmem>>[vector<16xi32>, vector<16xi32>], vector<16xf32>,
          tpu.vector_store_idx %arg16[%shift_right_arithmetic3A_543, %broadcast_in_dim3A_611], %gather3A_612 {add = true} : memref<129x32xf32, #tpu.memory_space<vmem>>[vector<16xi32>, vector<16xi32>], vector<16xf32>,
          %broadcast_in_dim3A_613 = arith.constant 22 : i32
          %broadcast_in_dim3A_614 = vector.broadcast %broadcast_in_dim3A_613 : i32 to vector<16xi32>
          %gather3A_615 = tpu.vector_load_idx %arg15[%add3A_546, %broadcast_in_dim3A_614] : memref<128x32xf32, #tpu.memory_space<vmem>>[vector<16xi32>, vector<16xi32>], vector<16xf32>,
          tpu.vector_store_idx %arg16[%shift_right_arithmetic3A_543, %broadcast_in_dim3A_614], %gather3A_615 {add = true} : memref<129x32xf32, #tpu.memory_space<vmem>>[vector<16xi32>, vector<16xi32>], vector<16xf32>,
          %broadcast_in_dim3A_616 = arith.constant 23 : i32
          %broadcast_in_dim3A_617 = vector.broadcast %broadcast_in_dim3A_616 : i32 to vector<16xi32>
          %gather3A_618 = tpu.vector_load_idx %arg15[%add3A_546, %broadcast_in_dim3A_617] : memref<128x32xf32, #tpu.memory_space<vmem>>[vector<16xi32>, vector<16xi32>], vector<16xf32>,
          tpu.vector_store_idx %arg16[%shift_right_arithmetic3A_543, %broadcast_in_dim3A_617], %gather3A_618 {add = true} : memref<129x32xf32, #tpu.memory_space<vmem>>[vector<16xi32>, vector<16xi32>], vector<16xf32>,
          %broadcast_in_dim3A_619 = arith.constant 24 : i32
          %broadcast_in_dim3A_620 = vector.broadcast %broadcast_in_dim3A_619 : i32 to vector<16xi32>
          %gather3A_621 = tpu.vector_load_idx %arg15[%add3A_546, %broadcast_in_dim3A_620] : memref<128x32xf32, #tpu.memory_space<vmem>>[vector<16xi32>, vector<16xi32>], vector<16xf32>,
          tpu.vector_store_idx %arg16[%shift_right_arithmetic3A_543, %broadcast_in_dim3A_620], %gather3A_621 {add = true} : memref<129x32xf32, #tpu.memory_space<vmem>>[vector<16xi32>, vector<16xi32>], vector<16xf32>,
          %broadcast_in_dim3A_622 = arith.constant 25 : i32
          %broadcast_in_dim3A_623 = vector.broadcast %broadcast_in_dim3A_622 : i32 to vector<16xi32>
          %gather3A_624 = tpu.vector_load_idx %arg15[%add3A_546, %broadcast_in_dim3A_623] : memref<128x32xf32, #tpu.memory_space<vmem>>[vector<16xi32>, vector<16xi32>], vector<16xf32>,
          tpu.vector_store_idx %arg16[%shift_right_arithmetic3A_543, %broadcast_in_dim3A_623], %gather3A_624 {add = true} : memref<129x32xf32, #tpu.memory_space<vmem>>[vector<16xi32>, vector<16xi32>], vector<16xf32>,
          %broadcast_in_dim3A_625 = arith.constant 26 : i32
          %broadcast_in_dim3A_626 = vector.broadcast %broadcast_in_dim3A_625 : i32 to vector<16xi32>
          %gather3A_627 = tpu.vector_load_idx %arg15[%add3A_546, %broadcast_in_dim3A_626] : memref<128x32xf32, #tpu.memory_space<vmem>>[vector<16xi32>, vector<16xi32>], vector<16xf32>,
          tpu.vector_store_idx %arg16[%shift_right_arithmetic3A_543, %broadcast_in_dim3A_626], %gather3A_627 {add = true} : memref<129x32xf32, #tpu.memory_space<vmem>>[vector<16xi32>, vector<16xi32>], vector<16xf32>,
          %broadcast_in_dim3A_628 = arith.constant 27 : i32
          %broadcast_in_dim3A_629 = vector.broadcast %broadcast_in_dim3A_628 : i32 to vector<16xi32>
          %gather3A_630 = tpu.vector_load_idx %arg15[%add3A_546, %broadcast_in_dim3A_629] : memref<128x32xf32, #tpu.memory_space<vmem>>[vector<16xi32>, vector<16xi32>], vector<16xf32>,
          tpu.vector_store_idx %arg16[%shift_right_arithmetic3A_543, %broadcast_in_dim3A_629], %gather3A_630 {add = true} : memref<129x32xf32, #tpu.memory_space<vmem>>[vector<16xi32>, vector<16xi32>], vector<16xf32>,
          %broadcast_in_dim3A_631 = arith.constant 28 : i32
          %broadcast_in_dim3A_632 = vector.broadcast %broadcast_in_dim3A_631 : i32 to vector<16xi32>
          %gather3A_633 = tpu.vector_load_idx %arg15[%add3A_546, %broadcast_in_dim3A_632] : memref<128x32xf32, #tpu.memory_space<vmem>>[vector<16xi32>, vector<16xi32>], vector<16xf32>,
          tpu.vector_store_idx %arg16[%shift_right_arithmetic3A_543, %broadcast_in_dim3A_632], %gather3A_633 {add = true} : memref<129x32xf32, #tpu.memory_space<vmem>>[vector<16xi32>, vector<16xi32>], vector<16xf32>,
          %broadcast_in_dim3A_634 = arith.constant 29 : i32
          %broadcast_in_dim3A_635 = vector.broadcast %broadcast_in_dim3A_634 : i32 to vector<16xi32>
          %gather3A_636 = tpu.vector_load_idx %arg15[%add3A_546, %broadcast_in_dim3A_635] : memref<128x32xf32, #tpu.memory_space<vmem>>[vector<16xi32>, vector<16xi32>], vector<16xf32>,
          tpu.vector_store_idx %arg16[%shift_right_arithmetic3A_543, %broadcast_in_dim3A_635], %gather3A_636 {add = true} : memref<129x32xf32, #tpu.memory_space<vmem>>[vector<16xi32>, vector<16xi32>], vector<16xf32>,
          %broadcast_in_dim3A_637 = arith.constant 30 : i32
          %broadcast_in_dim3A_638 = vector.broadcast %broadcast_in_dim3A_637 : i32 to vector<16xi32>
          %gather3A_639 = tpu.vector_load_idx %arg15[%add3A_546, %broadcast_in_dim3A_638] : memref<128x32xf32, #tpu.memory_space<vmem>>[vector<16xi32>, vector<16xi32>], vector<16xf32>,
          tpu.vector_store_idx %arg16[%shift_right_arithmetic3A_543, %broadcast_in_dim3A_638], %gather3A_639 {add = true} : memref<129x32xf32, #tpu.memory_space<vmem>>[vector<16xi32>, vector<16xi32>], vector<16xf32>,
          %broadcast_in_dim3A_640 = arith.constant 31 : i32
          %broadcast_in_dim3A_641 = vector.broadcast %broadcast_in_dim3A_640 : i32 to vector<16xi32>
          %gather3A_642 = tpu.vector_load_idx %arg15[%add3A_546, %broadcast_in_dim3A_641] : memref<128x32xf32, #tpu.memory_space<vmem>>[vector<16xi32>, vector<16xi32>], vector<16xf32>,
          tpu.vector_store_idx %arg16[%shift_right_arithmetic3A_543, %broadcast_in_dim3A_641], %gather3A_642 {add = true} : memref<129x32xf32, #tpu.memory_space<vmem>>[vector<16xi32>, vector<16xi32>], vector<16xf32>,
          %add3A_643 = arith.constant 48 : i32
          %add3A_644 = arith.addi %mul3A_34, %add3A_643 : i32
          %get3A_645 = arith.index_cast %add3A_644 : i32 to index
          %get3A_646 = tpu.vector_load %arg13[%get3A_645] {strides = array<i32>} : memref<3472xi32, #tpu.memory_space<vmem>>, vector<16xi32>,
          %shift_right_arithmetic3A_647 = arith.constant 5 : i32
          %shift_right_arithmetic3A_648 = vector.broadcast %shift_right_arithmetic3A_647 : i32 to vector<16xi32>
          %shift_right_arithmetic3A_649 = arith.shrsi %get3A_646, %shift_right_arithmetic3A_648 : vector<16xi32>
          %add3A_650 = arith.constant 48 : i32
          %add3A_651 = vector.broadcast %add3A_650 : i32 to vector<16xi32>
          %add3A_652 = arith.addi %add3A_651, %iota3A : vector<16xi32>
          %broadcast_in_dim3A_653 = arith.constant 0 : i32
          %broadcast_in_dim3A_654 = vector.broadcast %broadcast_in_dim3A_653 : i32 to vector<16xi32>
          %gather3A_655 = tpu.vector_load_idx %arg15[%add3A_652, %broadcast_in_dim3A_654] : memref<128x32xf32, #tpu.memory_space<vmem>>[vector<16xi32>, vector<16xi32>], vector<16xf32>,
          tpu.vector_store_idx %arg16[%shift_right_arithmetic3A_649, %broadcast_in_dim3A_654], %gather3A_655 {add = true} : memref<129x32xf32, #tpu.memory_space<vmem>>[vector<16xi32>, vector<16xi32>], vector<16xf32>,
          %broadcast_in_dim3A_656 = arith.constant 1 : i32
          %broadcast_in_dim3A_657 = vector.broadcast %broadcast_in_dim3A_656 : i32 to vector<16xi32>
          %gather3A_658 = tpu.vector_load_idx %arg15[%add3A_652, %broadcast_in_dim3A_657] : memref<128x32xf32, #tpu.memory_space<vmem>>[vector<16xi32>, vector<16xi32>], vector<16xf32>,
          tpu.vector_store_idx %arg16[%shift_right_arithmetic3A_649, %broadcast_in_dim3A_657], %gather3A_658 {add = true} : memref<129x32xf32, #tpu.memory_space<vmem>>[vector<16xi32>, vector<16xi32>], vector<16xf32>,
          %broadcast_in_dim3A_659 = arith.constant 2 : i32
          %broadcast_in_dim3A_660 = vector.broadcast %broadcast_in_dim3A_659 : i32 to vector<16xi32>
          %gather3A_661 = tpu.vector_load_idx %arg15[%add3A_652, %broadcast_in_dim3A_660] : memref<128x32xf32, #tpu.memory_space<vmem>>[vector<16xi32>, vector<16xi32>], vector<16xf32>,
          tpu.vector_store_idx %arg16[%shift_right_arithmetic3A_649, %broadcast_in_dim3A_660], %gather3A_661 {add = true} : memref<129x32xf32, #tpu.memory_space<vmem>>[vector<16xi32>, vector<16xi32>], vector<16xf32>,
          %broadcast_in_dim3A_662 = arith.constant 3 : i32
          %broadcast_in_dim3A_663 = vector.broadcast %broadcast_in_dim3A_662 : i32 to vector<16xi32>
          %gather3A_664 = tpu.vector_load_idx %arg15[%add3A_652, %broadcast_in_dim3A_663] : memref<128x32xf32, #tpu.memory_space<vmem>>[vector<16xi32>, vector<16xi32>], vector<16xf32>,
          tpu.vector_store_idx %arg16[%shift_right_arithmetic3A_649, %broadcast_in_dim3A_663], %gather3A_664 {add = true} : memref<129x32xf32, #tpu.memory_space<vmem>>[vector<16xi32>, vector<16xi32>], vector<16xf32>,
          %broadcast_in_dim3A_665 = arith.constant 4 : i32
          %broadcast_in_dim3A_666 = vector.broadcast %broadcast_in_dim3A_665 : i32 to vector<16xi32>
          %gather3A_667 = tpu.vector_load_idx %arg15[%add3A_652, %broadcast_in_dim3A_666] : memref<128x32xf32, #tpu.memory_space<vmem>>[vector<16xi32>, vector<16xi32>], vector<16xf32>,
          tpu.vector_store_idx %arg16[%shift_right_arithmetic3A_649, %broadcast_in_dim3A_666], %gather3A_667 {add = true} : memref<129x32xf32, #tpu.memory_space<vmem>>[vector<16xi32>, vector<16xi32>], vector<16xf32>,
          %broadcast_in_dim3A_668 = arith.constant 5 : i32
          %broadcast_in_dim3A_669 = vector.broadcast %broadcast_in_dim3A_668 : i32 to vector<16xi32>
          %gather3A_670 = tpu.vector_load_idx %arg15[%add3A_652, %broadcast_in_dim3A_669] : memref<128x32xf32, #tpu.memory_space<vmem>>[vector<16xi32>, vector<16xi32>], vector<16xf32>,
          tpu.vector_store_idx %arg16[%shift_right_arithmetic3A_649, %broadcast_in_dim3A_669], %gather3A_670 {add = true} : memref<129x32xf32, #tpu.memory_space<vmem>>[vector<16xi32>, vector<16xi32>], vector<16xf32>,
          %broadcast_in_dim3A_671 = arith.constant 6 : i32
          %broadcast_in_dim3A_672 = vector.broadcast %broadcast_in_dim3A_671 : i32 to vector<16xi32>
          %gather3A_673 = tpu.vector_load_idx %arg15[%add3A_652, %broadcast_in_dim3A_672] : memref<128x32xf32, #tpu.memory_space<vmem>>[vector<16xi32>, vector<16xi32>], vector<16xf32>,
          tpu.vector_store_idx %arg16[%shift_right_arithmetic3A_649, %broadcast_in_dim3A_672], %gather3A_673 {add = true} : memref<129x32xf32, #tpu.memory_space<vmem>>[vector<16xi32>, vector<16xi32>], vector<16xf32>,
          %broadcast_in_dim3A_674 = arith.constant 7 : i32
          %broadcast_in_dim3A_675 = vector.broadcast %broadcast_in_dim3A_674 : i32 to vector<16xi32>
          %gather3A_676 = tpu.vector_load_idx %arg15[%add3A_652, %broadcast_in_dim3A_675] : memref<128x32xf32, #tpu.memory_space<vmem>>[vector<16xi32>, vector<16xi32>], vector<16xf32>,
          tpu.vector_store_idx %arg16[%shift_right_arithmetic3A_649, %broadcast_in_dim3A_675], %gather3A_676 {add = true} : memref<129x32xf32, #tpu.memory_space<vmem>>[vector<16xi32>, vector<16xi32>], vector<16xf32>,
          %broadcast_in_dim3A_677 = arith.constant 8 : i32
          %broadcast_in_dim3A_678 = vector.broadcast %broadcast_in_dim3A_677 : i32 to vector<16xi32>
          %gather3A_679 = tpu.vector_load_idx %arg15[%add3A_652, %broadcast_in_dim3A_678] : memref<128x32xf32, #tpu.memory_space<vmem>>[vector<16xi32>, vector<16xi32>], vector<16xf32>,
          tpu.vector_store_idx %arg16[%shift_right_arithmetic3A_649, %broadcast_in_dim3A_678], %gather3A_679 {add = true} : memref<129x32xf32, #tpu.memory_space<vmem>>[vector<16xi32>, vector<16xi32>], vector<16xf32>,
          %broadcast_in_dim3A_680 = arith.constant 9 : i32
          %broadcast_in_dim3A_681 = vector.broadcast %broadcast_in_dim3A_680 : i32 to vector<16xi32>
          %gather3A_682 = tpu.vector_load_idx %arg15[%add3A_652, %broadcast_in_dim3A_681] : memref<128x32xf32, #tpu.memory_space<vmem>>[vector<16xi32>, vector<16xi32>], vector<16xf32>,
          tpu.vector_store_idx %arg16[%shift_right_arithmetic3A_649, %broadcast_in_dim3A_681], %gather3A_682 {add = true} : memref<129x32xf32, #tpu.memory_space<vmem>>[vector<16xi32>, vector<16xi32>], vector<16xf32>,
          %broadcast_in_dim3A_683 = arith.constant 10 : i32
          %broadcast_in_dim3A_684 = vector.broadcast %broadcast_in_dim3A_683 : i32 to vector<16xi32>
          %gather3A_685 = tpu.vector_load_idx %arg15[%add3A_652, %broadcast_in_dim3A_684] : memref<128x32xf32, #tpu.memory_space<vmem>>[vector<16xi32>, vector<16xi32>], vector<16xf32>,
          tpu.vector_store_idx %arg16[%shift_right_arithmetic3A_649, %broadcast_in_dim3A_684], %gather3A_685 {add = true} : memref<129x32xf32, #tpu.memory_space<vmem>>[vector<16xi32>, vector<16xi32>], vector<16xf32>,
          %broadcast_in_dim3A_686 = arith.constant 11 : i32
          %broadcast_in_dim3A_687 = vector.broadcast %broadcast_in_dim3A_686 : i32 to vector<16xi32>
          %gather3A_688 = tpu.vector_load_idx %arg15[%add3A_652, %broadcast_in_dim3A_687] : memref<128x32xf32, #tpu.memory_space<vmem>>[vector<16xi32>, vector<16xi32>], vector<16xf32>,
          tpu.vector_store_idx %arg16[%shift_right_arithmetic3A_649, %broadcast_in_dim3A_687], %gather3A_688 {add = true} : memref<129x32xf32, #tpu.memory_space<vmem>>[vector<16xi32>, vector<16xi32>], vector<16xf32>,
          %broadcast_in_dim3A_689 = arith.constant 12 : i32
          %broadcast_in_dim3A_690 = vector.broadcast %broadcast_in_dim3A_689 : i32 to vector<16xi32>
          %gather3A_691 = tpu.vector_load_idx %arg15[%add3A_652, %broadcast_in_dim3A_690] : memref<128x32xf32, #tpu.memory_space<vmem>>[vector<16xi32>, vector<16xi32>], vector<16xf32>,
          tpu.vector_store_idx %arg16[%shift_right_arithmetic3A_649, %broadcast_in_dim3A_690], %gather3A_691 {add = true} : memref<129x32xf32, #tpu.memory_space<vmem>>[vector<16xi32>, vector<16xi32>], vector<16xf32>,
          %broadcast_in_dim3A_692 = arith.constant 13 : i32
          %broadcast_in_dim3A_693 = vector.broadcast %broadcast_in_dim3A_692 : i32 to vector<16xi32>
          %gather3A_694 = tpu.vector_load_idx %arg15[%add3A_652, %broadcast_in_dim3A_693] : memref<128x32xf32, #tpu.memory_space<vmem>>[vector<16xi32>, vector<16xi32>], vector<16xf32>,
          tpu.vector_store_idx %arg16[%shift_right_arithmetic3A_649, %broadcast_in_dim3A_693], %gather3A_694 {add = true} : memref<129x32xf32, #tpu.memory_space<vmem>>[vector<16xi32>, vector<16xi32>], vector<16xf32>,
          %broadcast_in_dim3A_695 = arith.constant 14 : i32
          %broadcast_in_dim3A_696 = vector.broadcast %broadcast_in_dim3A_695 : i32 to vector<16xi32>
          %gather3A_697 = tpu.vector_load_idx %arg15[%add3A_652, %broadcast_in_dim3A_696] : memref<128x32xf32, #tpu.memory_space<vmem>>[vector<16xi32>, vector<16xi32>], vector<16xf32>,
          tpu.vector_store_idx %arg16[%shift_right_arithmetic3A_649, %broadcast_in_dim3A_696], %gather3A_697 {add = true} : memref<129x32xf32, #tpu.memory_space<vmem>>[vector<16xi32>, vector<16xi32>], vector<16xf32>,
          %broadcast_in_dim3A_698 = arith.constant 15 : i32
          %broadcast_in_dim3A_699 = vector.broadcast %broadcast_in_dim3A_698 : i32 to vector<16xi32>
          %gather3A_700 = tpu.vector_load_idx %arg15[%add3A_652, %broadcast_in_dim3A_699] : memref<128x32xf32, #tpu.memory_space<vmem>>[vector<16xi32>, vector<16xi32>], vector<16xf32>,
          tpu.vector_store_idx %arg16[%shift_right_arithmetic3A_649, %broadcast_in_dim3A_699], %gather3A_700 {add = true} : memref<129x32xf32, #tpu.memory_space<vmem>>[vector<16xi32>, vector<16xi32>], vector<16xf32>,
          %broadcast_in_dim3A_701 = arith.constant 16 : i32
          %broadcast_in_dim3A_702 = vector.broadcast %broadcast_in_dim3A_701 : i32 to vector<16xi32>
          %gather3A_703 = tpu.vector_load_idx %arg15[%add3A_652, %broadcast_in_dim3A_702] : memref<128x32xf32, #tpu.memory_space<vmem>>[vector<16xi32>, vector<16xi32>], vector<16xf32>,
          tpu.vector_store_idx %arg16[%shift_right_arithmetic3A_649, %broadcast_in_dim3A_702], %gather3A_703 {add = true} : memref<129x32xf32, #tpu.memory_space<vmem>>[vector<16xi32>, vector<16xi32>], vector<16xf32>,
          %broadcast_in_dim3A_704 = arith.constant 17 : i32
          %broadcast_in_dim3A_705 = vector.broadcast %broadcast_in_dim3A_704 : i32 to vector<16xi32>
          %gather3A_706 = tpu.vector_load_idx %arg15[%add3A_652, %broadcast_in_dim3A_705] : memref<128x32xf32, #tpu.memory_space<vmem>>[vector<16xi32>, vector<16xi32>], vector<16xf32>,
          tpu.vector_store_idx %arg16[%shift_right_arithmetic3A_649, %broadcast_in_dim3A_705], %gather3A_706 {add = true} : memref<129x32xf32, #tpu.memory_space<vmem>>[vector<16xi32>, vector<16xi32>], vector<16xf32>,
          %broadcast_in_dim3A_707 = arith.constant 18 : i32
          %broadcast_in_dim3A_708 = vector.broadcast %broadcast_in_dim3A_707 : i32 to vector<16xi32>
          %gather3A_709 = tpu.vector_load_idx %arg15[%add3A_652, %broadcast_in_dim3A_708] : memref<128x32xf32, #tpu.memory_space<vmem>>[vector<16xi32>, vector<16xi32>], vector<16xf32>,
          tpu.vector_store_idx %arg16[%shift_right_arithmetic3A_649, %broadcast_in_dim3A_708], %gather3A_709 {add = true} : memref<129x32xf32, #tpu.memory_space<vmem>>[vector<16xi32>, vector<16xi32>], vector<16xf32>,
          %broadcast_in_dim3A_710 = arith.constant 19 : i32
          %broadcast_in_dim3A_711 = vector.broadcast %broadcast_in_dim3A_710 : i32 to vector<16xi32>
          %gather3A_712 = tpu.vector_load_idx %arg15[%add3A_652, %broadcast_in_dim3A_711] : memref<128x32xf32, #tpu.memory_space<vmem>>[vector<16xi32>, vector<16xi32>], vector<16xf32>,
          tpu.vector_store_idx %arg16[%shift_right_arithmetic3A_649, %broadcast_in_dim3A_711], %gather3A_712 {add = true} : memref<129x32xf32, #tpu.memory_space<vmem>>[vector<16xi32>, vector<16xi32>], vector<16xf32>,
          %broadcast_in_dim3A_713 = arith.constant 20 : i32
          %broadcast_in_dim3A_714 = vector.broadcast %broadcast_in_dim3A_713 : i32 to vector<16xi32>
          %gather3A_715 = tpu.vector_load_idx %arg15[%add3A_652, %broadcast_in_dim3A_714] : memref<128x32xf32, #tpu.memory_space<vmem>>[vector<16xi32>, vector<16xi32>], vector<16xf32>,
          tpu.vector_store_idx %arg16[%shift_right_arithmetic3A_649, %broadcast_in_dim3A_714], %gather3A_715 {add = true} : memref<129x32xf32, #tpu.memory_space<vmem>>[vector<16xi32>, vector<16xi32>], vector<16xf32>,
          %broadcast_in_dim3A_716 = arith.constant 21 : i32
          %broadcast_in_dim3A_717 = vector.broadcast %broadcast_in_dim3A_716 : i32 to vector<16xi32>
          %gather3A_718 = tpu.vector_load_idx %arg15[%add3A_652, %broadcast_in_dim3A_717] : memref<128x32xf32, #tpu.memory_space<vmem>>[vector<16xi32>, vector<16xi32>], vector<16xf32>,
          tpu.vector_store_idx %arg16[%shift_right_arithmetic3A_649, %broadcast_in_dim3A_717], %gather3A_718 {add = true} : memref<129x32xf32, #tpu.memory_space<vmem>>[vector<16xi32>, vector<16xi32>], vector<16xf32>,
          %broadcast_in_dim3A_719 = arith.constant 22 : i32
          %broadcast_in_dim3A_720 = vector.broadcast %broadcast_in_dim3A_719 : i32 to vector<16xi32>
          %gather3A_721 = tpu.vector_load_idx %arg15[%add3A_652, %broadcast_in_dim3A_720] : memref<128x32xf32, #tpu.memory_space<vmem>>[vector<16xi32>, vector<16xi32>], vector<16xf32>,
          tpu.vector_store_idx %arg16[%shift_right_arithmetic3A_649, %broadcast_in_dim3A_720], %gather3A_721 {add = true} : memref<129x32xf32, #tpu.memory_space<vmem>>[vector<16xi32>, vector<16xi32>], vector<16xf32>,
          %broadcast_in_dim3A_722 = arith.constant 23 : i32
          %broadcast_in_dim3A_723 = vector.broadcast %broadcast_in_dim3A_722 : i32 to vector<16xi32>
          %gather3A_724 = tpu.vector_load_idx %arg15[%add3A_652, %broadcast_in_dim3A_723] : memref<128x32xf32, #tpu.memory_space<vmem>>[vector<16xi32>, vector<16xi32>], vector<16xf32>,
          tpu.vector_store_idx %arg16[%shift_right_arithmetic3A_649, %broadcast_in_dim3A_723], %gather3A_724 {add = true} : memref<129x32xf32, #tpu.memory_space<vmem>>[vector<16xi32>, vector<16xi32>], vector<16xf32>,
          %broadcast_in_dim3A_725 = arith.constant 24 : i32
          %broadcast_in_dim3A_726 = vector.broadcast %broadcast_in_dim3A_725 : i32 to vector<16xi32>
          %gather3A_727 = tpu.vector_load_idx %arg15[%add3A_652, %broadcast_in_dim3A_726] : memref<128x32xf32, #tpu.memory_space<vmem>>[vector<16xi32>, vector<16xi32>], vector<16xf32>,
          tpu.vector_store_idx %arg16[%shift_right_arithmetic3A_649, %broadcast_in_dim3A_726], %gather3A_727 {add = true} : memref<129x32xf32, #tpu.memory_space<vmem>>[vector<16xi32>, vector<16xi32>], vector<16xf32>,
          %broadcast_in_dim3A_728 = arith.constant 25 : i32
          %broadcast_in_dim3A_729 = vector.broadcast %broadcast_in_dim3A_728 : i32 to vector<16xi32>
          %gather3A_730 = tpu.vector_load_idx %arg15[%add3A_652, %broadcast_in_dim3A_729] : memref<128x32xf32, #tpu.memory_space<vmem>>[vector<16xi32>, vector<16xi32>], vector<16xf32>,
          tpu.vector_store_idx %arg16[%shift_right_arithmetic3A_649, %broadcast_in_dim3A_729], %gather3A_730 {add = true} : memref<129x32xf32, #tpu.memory_space<vmem>>[vector<16xi32>, vector<16xi32>], vector<16xf32>,
          %broadcast_in_dim3A_731 = arith.constant 26 : i32
          %broadcast_in_dim3A_732 = vector.broadcast %broadcast_in_dim3A_731 : i32 to vector<16xi32>
          %gather3A_733 = tpu.vector_load_idx %arg15[%add3A_652, %broadcast_in_dim3A_732] : memref<128x32xf32, #tpu.memory_space<vmem>>[vector<16xi32>, vector<16xi32>], vector<16xf32>,
          tpu.vector_store_idx %arg16[%shift_right_arithmetic3A_649, %broadcast_in_dim3A_732], %gather3A_733 {add = true} : memref<129x32xf32, #tpu.memory_space<vmem>>[vector<16xi32>, vector<16xi32>], vector<16xf32>,
          %broadcast_in_dim3A_734 = arith.constant 27 : i32
          %broadcast_in_dim3A_735 = vector.broadcast %broadcast_in_dim3A_734 : i32 to vector<16xi32>
          %gather3A_736 = tpu.vector_load_idx %arg15[%add3A_652, %broadcast_in_dim3A_735] : memref<128x32xf32, #tpu.memory_space<vmem>>[vector<16xi32>, vector<16xi32>], vector<16xf32>,
          tpu.vector_store_idx %arg16[%shift_right_arithmetic3A_649, %broadcast_in_dim3A_735], %gather3A_736 {add = true} : memref<129x32xf32, #tpu.memory_space<vmem>>[vector<16xi32>, vector<16xi32>], vector<16xf32>,
          %broadcast_in_dim3A_737 = arith.constant 28 : i32
          %broadcast_in_dim3A_738 = vector.broadcast %broadcast_in_dim3A_737 : i32 to vector<16xi32>
          %gather3A_739 = tpu.vector_load_idx %arg15[%add3A_652, %broadcast_in_dim3A_738] : memref<128x32xf32, #tpu.memory_space<vmem>>[vector<16xi32>, vector<16xi32>], vector<16xf32>,
          tpu.vector_store_idx %arg16[%shift_right_arithmetic3A_649, %broadcast_in_dim3A_738], %gather3A_739 {add = true} : memref<129x32xf32, #tpu.memory_space<vmem>>[vector<16xi32>, vector<16xi32>], vector<16xf32>,
          %broadcast_in_dim3A_740 = arith.constant 29 : i32
          %broadcast_in_dim3A_741 = vector.broadcast %broadcast_in_dim3A_740 : i32 to vector<16xi32>
          %gather3A_742 = tpu.vector_load_idx %arg15[%add3A_652, %broadcast_in_dim3A_741] : memref<128x32xf32, #tpu.memory_space<vmem>>[vector<16xi32>, vector<16xi32>], vector<16xf32>,
          tpu.vector_store_idx %arg16[%shift_right_arithmetic3A_649, %broadcast_in_dim3A_741], %gather3A_742 {add = true} : memref<129x32xf32, #tpu.memory_space<vmem>>[vector<16xi32>, vector<16xi32>], vector<16xf32>,
          %broadcast_in_dim3A_743 = arith.constant 30 : i32
          %broadcast_in_dim3A_744 = vector.broadcast %broadcast_in_dim3A_743 : i32 to vector<16xi32>
          %gather3A_745 = tpu.vector_load_idx %arg15[%add3A_652, %broadcast_in_dim3A_744] : memref<128x32xf32, #tpu.memory_space<vmem>>[vector<16xi32>, vector<16xi32>], vector<16xf32>,
          tpu.vector_store_idx %arg16[%shift_right_arithmetic3A_649, %broadcast_in_dim3A_744], %gather3A_745 {add = true} : memref<129x32xf32, #tpu.memory_space<vmem>>[vector<16xi32>, vector<16xi32>], vector<16xf32>,
          %broadcast_in_dim3A_746 = arith.constant 31 : i32
          %broadcast_in_dim3A_747 = vector.broadcast %broadcast_in_dim3A_746 : i32 to vector<16xi32>
          %gather3A_748 = tpu.vector_load_idx %arg15[%add3A_652, %broadcast_in_dim3A_747] : memref<128x32xf32, #tpu.memory_space<vmem>>[vector<16xi32>, vector<16xi32>], vector<16xf32>,
          tpu.vector_store_idx %arg16[%shift_right_arithmetic3A_649, %broadcast_in_dim3A_747], %gather3A_748 {add = true} : memref<129x32xf32, #tpu.memory_space<vmem>>[vector<16xi32>, vector<16xi32>], vector<16xf32>,
          %add3A_749 = arith.constant 64 : i32
          %add3A_750 = arith.addi %mul3A_34, %add3A_749 : i32
          %get3A_751 = arith.index_cast %add3A_750 : i32 to index
          %get3A_752 = tpu.vector_load %arg13[%get3A_751] {strides = array<i32>} : memref<3472xi32, #tpu.memory_space<vmem>>, vector<16xi32>,
          %shift_right_arithmetic3A_753 = arith.constant 5 : i32
          %shift_right_arithmetic3A_754 = vector.broadcast %shift_right_arithmetic3A_753 : i32 to vector<16xi32>
          %shift_right_arithmetic3A_755 = arith.shrsi %get3A_752, %shift_right_arithmetic3A_754 : vector<16xi32>
          %add3A_756 = arith.constant 64 : i32
          %add3A_757 = vector.broadcast %add3A_756 : i32 to vector<16xi32>
          %add3A_758 = arith.addi %add3A_757, %iota3A : vector<16xi32>
          %broadcast_in_dim3A_759 = arith.constant 0 : i32
          %broadcast_in_dim3A_760 = vector.broadcast %broadcast_in_dim3A_759 : i32 to vector<16xi32>
          %gather3A_761 = tpu.vector_load_idx %arg15[%add3A_758, %broadcast_in_dim3A_760] : memref<128x32xf32, #tpu.memory_space<vmem>>[vector<16xi32>, vector<16xi32>], vector<16xf32>,
          tpu.vector_store_idx %arg16[%shift_right_arithmetic3A_755, %broadcast_in_dim3A_760], %gather3A_761 {add = true} : memref<129x32xf32, #tpu.memory_space<vmem>>[vector<16xi32>, vector<16xi32>], vector<16xf32>,
          %broadcast_in_dim3A_762 = arith.constant 1 : i32
          %broadcast_in_dim3A_763 = vector.broadcast %broadcast_in_dim3A_762 : i32 to vector<16xi32>
          %gather3A_764 = tpu.vector_load_idx %arg15[%add3A_758, %broadcast_in_dim3A_763] : memref<128x32xf32, #tpu.memory_space<vmem>>[vector<16xi32>, vector<16xi32>], vector<16xf32>,
          tpu.vector_store_idx %arg16[%shift_right_arithmetic3A_755, %broadcast_in_dim3A_763], %gather3A_764 {add = true} : memref<129x32xf32, #tpu.memory_space<vmem>>[vector<16xi32>, vector<16xi32>], vector<16xf32>,
          %broadcast_in_dim3A_765 = arith.constant 2 : i32
          %broadcast_in_dim3A_766 = vector.broadcast %broadcast_in_dim3A_765 : i32 to vector<16xi32>
          %gather3A_767 = tpu.vector_load_idx %arg15[%add3A_758, %broadcast_in_dim3A_766] : memref<128x32xf32, #tpu.memory_space<vmem>>[vector<16xi32>, vector<16xi32>], vector<16xf32>,
          tpu.vector_store_idx %arg16[%shift_right_arithmetic3A_755, %broadcast_in_dim3A_766], %gather3A_767 {add = true} : memref<129x32xf32, #tpu.memory_space<vmem>>[vector<16xi32>, vector<16xi32>], vector<16xf32>,
          %broadcast_in_dim3A_768 = arith.constant 3 : i32
          %broadcast_in_dim3A_769 = vector.broadcast %broadcast_in_dim3A_768 : i32 to vector<16xi32>
          %gather3A_770 = tpu.vector_load_idx %arg15[%add3A_758, %broadcast_in_dim3A_769] : memref<128x32xf32, #tpu.memory_space<vmem>>[vector<16xi32>, vector<16xi32>], vector<16xf32>,
          tpu.vector_store_idx %arg16[%shift_right_arithmetic3A_755, %broadcast_in_dim3A_769], %gather3A_770 {add = true} : memref<129x32xf32, #tpu.memory_space<vmem>>[vector<16xi32>, vector<16xi32>], vector<16xf32>,
          %broadcast_in_dim3A_771 = arith.constant 4 : i32
          %broadcast_in_dim3A_772 = vector.broadcast %broadcast_in_dim3A_771 : i32 to vector<16xi32>
          %gather3A_773 = tpu.vector_load_idx %arg15[%add3A_758, %broadcast_in_dim3A_772] : memref<128x32xf32, #tpu.memory_space<vmem>>[vector<16xi32>, vector<16xi32>], vector<16xf32>,
          tpu.vector_store_idx %arg16[%shift_right_arithmetic3A_755, %broadcast_in_dim3A_772], %gather3A_773 {add = true} : memref<129x32xf32, #tpu.memory_space<vmem>>[vector<16xi32>, vector<16xi32>], vector<16xf32>,
          %broadcast_in_dim3A_774 = arith.constant 5 : i32
          %broadcast_in_dim3A_775 = vector.broadcast %broadcast_in_dim3A_774 : i32 to vector<16xi32>
          %gather3A_776 = tpu.vector_load_idx %arg15[%add3A_758, %broadcast_in_dim3A_775] : memref<128x32xf32, #tpu.memory_space<vmem>>[vector<16xi32>, vector<16xi32>], vector<16xf32>,
          tpu.vector_store_idx %arg16[%shift_right_arithmetic3A_755, %broadcast_in_dim3A_775], %gather3A_776 {add = true} : memref<129x32xf32, #tpu.memory_space<vmem>>[vector<16xi32>, vector<16xi32>], vector<16xf32>,
          %broadcast_in_dim3A_777 = arith.constant 6 : i32
          %broadcast_in_dim3A_778 = vector.broadcast %broadcast_in_dim3A_777 : i32 to vector<16xi32>
          %gather3A_779 = tpu.vector_load_idx %arg15[%add3A_758, %broadcast_in_dim3A_778] : memref<128x32xf32, #tpu.memory_space<vmem>>[vector<16xi32>, vector<16xi32>], vector<16xf32>,
          tpu.vector_store_idx %arg16[%shift_right_arithmetic3A_755, %broadcast_in_dim3A_778], %gather3A_779 {add = true} : memref<129x32xf32, #tpu.memory_space<vmem>>[vector<16xi32>, vector<16xi32>], vector<16xf32>,
          %broadcast_in_dim3A_780 = arith.constant 7 : i32
          %broadcast_in_dim3A_781 = vector.broadcast %broadcast_in_dim3A_780 : i32 to vector<16xi32>
          %gather3A_782 = tpu.vector_load_idx %arg15[%add3A_758, %broadcast_in_dim3A_781] : memref<128x32xf32, #tpu.memory_space<vmem>>[vector<16xi32>, vector<16xi32>], vector<16xf32>,
          tpu.vector_store_idx %arg16[%shift_right_arithmetic3A_755, %broadcast_in_dim3A_781], %gather3A_782 {add = true} : memref<129x32xf32, #tpu.memory_space<vmem>>[vector<16xi32>, vector<16xi32>], vector<16xf32>,
          %broadcast_in_dim3A_783 = arith.constant 8 : i32
          %broadcast_in_dim3A_784 = vector.broadcast %broadcast_in_dim3A_783 : i32 to vector<16xi32>
          %gather3A_785 = tpu.vector_load_idx %arg15[%add3A_758, %broadcast_in_dim3A_784] : memref<128x32xf32, #tpu.memory_space<vmem>>[vector<16xi32>, vector<16xi32>], vector<16xf32>,
          tpu.vector_store_idx %arg16[%shift_right_arithmetic3A_755, %broadcast_in_dim3A_784], %gather3A_785 {add = true} : memref<129x32xf32, #tpu.memory_space<vmem>>[vector<16xi32>, vector<16xi32>], vector<16xf32>,
          %broadcast_in_dim3A_786 = arith.constant 9 : i32
          %broadcast_in_dim3A_787 = vector.broadcast %broadcast_in_dim3A_786 : i32 to vector<16xi32>
          %gather3A_788 = tpu.vector_load_idx %arg15[%add3A_758, %broadcast_in_dim3A_787] : memref<128x32xf32, #tpu.memory_space<vmem>>[vector<16xi32>, vector<16xi32>], vector<16xf32>,
          tpu.vector_store_idx %arg16[%shift_right_arithmetic3A_755, %broadcast_in_dim3A_787], %gather3A_788 {add = true} : memref<129x32xf32, #tpu.memory_space<vmem>>[vector<16xi32>, vector<16xi32>], vector<16xf32>,
          %broadcast_in_dim3A_789 = arith.constant 10 : i32
          %broadcast_in_dim3A_790 = vector.broadcast %broadcast_in_dim3A_789 : i32 to vector<16xi32>
          %gather3A_791 = tpu.vector_load_idx %arg15[%add3A_758, %broadcast_in_dim3A_790] : memref<128x32xf32, #tpu.memory_space<vmem>>[vector<16xi32>, vector<16xi32>], vector<16xf32>,
          tpu.vector_store_idx %arg16[%shift_right_arithmetic3A_755, %broadcast_in_dim3A_790], %gather3A_791 {add = true} : memref<129x32xf32, #tpu.memory_space<vmem>>[vector<16xi32>, vector<16xi32>], vector<16xf32>,
          %broadcast_in_dim3A_792 = arith.constant 11 : i32
          %broadcast_in_dim3A_793 = vector.broadcast %broadcast_in_dim3A_792 : i32 to vector<16xi32>
          %gather3A_794 = tpu.vector_load_idx %arg15[%add3A_758, %broadcast_in_dim3A_793] : memref<128x32xf32, #tpu.memory_space<vmem>>[vector<16xi32>, vector<16xi32>], vector<16xf32>,
          tpu.vector_store_idx %arg16[%shift_right_arithmetic3A_755, %broadcast_in_dim3A_793], %gather3A_794 {add = true} : memref<129x32xf32, #tpu.memory_space<vmem>>[vector<16xi32>, vector<16xi32>], vector<16xf32>,
          %broadcast_in_dim3A_795 = arith.constant 12 : i32
          %broadcast_in_dim3A_796 = vector.broadcast %broadcast_in_dim3A_795 : i32 to vector<16xi32>
          %gather3A_797 = tpu.vector_load_idx %arg15[%add3A_758, %broadcast_in_dim3A_796] : memref<128x32xf32, #tpu.memory_space<vmem>>[vector<16xi32>, vector<16xi32>], vector<16xf32>,
          tpu.vector_store_idx %arg16[%shift_right_arithmetic3A_755, %broadcast_in_dim3A_796], %gather3A_797 {add = true} : memref<129x32xf32, #tpu.memory_space<vmem>>[vector<16xi32>, vector<16xi32>], vector<16xf32>,
          %broadcast_in_dim3A_798 = arith.constant 13 : i32
          %broadcast_in_dim3A_799 = vector.broadcast %broadcast_in_dim3A_798 : i32 to vector<16xi32>
          %gather3A_800 = tpu.vector_load_idx %arg15[%add3A_758, %broadcast_in_dim3A_799] : memref<128x32xf32, #tpu.memory_space<vmem>>[vector<16xi32>, vector<16xi32>], vector<16xf32>,
          tpu.vector_store_idx %arg16[%shift_right_arithmetic3A_755, %broadcast_in_dim3A_799], %gather3A_800 {add = true} : memref<129x32xf32, #tpu.memory_space<vmem>>[vector<16xi32>, vector<16xi32>], vector<16xf32>,
          %broadcast_in_dim3A_801 = arith.constant 14 : i32
          %broadcast_in_dim3A_802 = vector.broadcast %broadcast_in_dim3A_801 : i32 to vector<16xi32>
          %gather3A_803 = tpu.vector_load_idx %arg15[%add3A_758, %broadcast_in_dim3A_802] : memref<128x32xf32, #tpu.memory_space<vmem>>[vector<16xi32>, vector<16xi32>], vector<16xf32>,
          tpu.vector_store_idx %arg16[%shift_right_arithmetic3A_755, %broadcast_in_dim3A_802], %gather3A_803 {add = true} : memref<129x32xf32, #tpu.memory_space<vmem>>[vector<16xi32>, vector<16xi32>], vector<16xf32>,
          %broadcast_in_dim3A_804 = arith.constant 15 : i32
          %broadcast_in_dim3A_805 = vector.broadcast %broadcast_in_dim3A_804 : i32 to vector<16xi32>
          %gather3A_806 = tpu.vector_load_idx %arg15[%add3A_758, %broadcast_in_dim3A_805] : memref<128x32xf32, #tpu.memory_space<vmem>>[vector<16xi32>, vector<16xi32>], vector<16xf32>,
          tpu.vector_store_idx %arg16[%shift_right_arithmetic3A_755, %broadcast_in_dim3A_805], %gather3A_806 {add = true} : memref<129x32xf32, #tpu.memory_space<vmem>>[vector<16xi32>, vector<16xi32>], vector<16xf32>,
          %broadcast_in_dim3A_807 = arith.constant 16 : i32
          %broadcast_in_dim3A_808 = vector.broadcast %broadcast_in_dim3A_807 : i32 to vector<16xi32>
          %gather3A_809 = tpu.vector_load_idx %arg15[%add3A_758, %broadcast_in_dim3A_808] : memref<128x32xf32, #tpu.memory_space<vmem>>[vector<16xi32>, vector<16xi32>], vector<16xf32>,
          tpu.vector_store_idx %arg16[%shift_right_arithmetic3A_755, %broadcast_in_dim3A_808], %gather3A_809 {add = true} : memref<129x32xf32, #tpu.memory_space<vmem>>[vector<16xi32>, vector<16xi32>], vector<16xf32>,
          %broadcast_in_dim3A_810 = arith.constant 17 : i32
          %broadcast_in_dim3A_811 = vector.broadcast %broadcast_in_dim3A_810 : i32 to vector<16xi32>
          %gather3A_812 = tpu.vector_load_idx %arg15[%add3A_758, %broadcast_in_dim3A_811] : memref<128x32xf32, #tpu.memory_space<vmem>>[vector<16xi32>, vector<16xi32>], vector<16xf32>,
          tpu.vector_store_idx %arg16[%shift_right_arithmetic3A_755, %broadcast_in_dim3A_811], %gather3A_812 {add = true} : memref<129x32xf32, #tpu.memory_space<vmem>>[vector<16xi32>, vector<16xi32>], vector<16xf32>,
          %broadcast_in_dim3A_813 = arith.constant 18 : i32
          %broadcast_in_dim3A_814 = vector.broadcast %broadcast_in_dim3A_813 : i32 to vector<16xi32>
          %gather3A_815 = tpu.vector_load_idx %arg15[%add3A_758, %broadcast_in_dim3A_814] : memref<128x32xf32, #tpu.memory_space<vmem>>[vector<16xi32>, vector<16xi32>], vector<16xf32>,
          tpu.vector_store_idx %arg16[%shift_right_arithmetic3A_755, %broadcast_in_dim3A_814], %gather3A_815 {add = true} : memref<129x32xf32, #tpu.memory_space<vmem>>[vector<16xi32>, vector<16xi32>], vector<16xf32>,
          %broadcast_in_dim3A_816 = arith.constant 19 : i32
          %broadcast_in_dim3A_817 = vector.broadcast %broadcast_in_dim3A_816 : i32 to vector<16xi32>
          %gather3A_818 = tpu.vector_load_idx %arg15[%add3A_758, %broadcast_in_dim3A_817] : memref<128x32xf32, #tpu.memory_space<vmem>>[vector<16xi32>, vector<16xi32>], vector<16xf32>,
          tpu.vector_store_idx %arg16[%shift_right_arithmetic3A_755, %broadcast_in_dim3A_817], %gather3A_818 {add = true} : memref<129x32xf32, #tpu.memory_space<vmem>>[vector<16xi32>, vector<16xi32>], vector<16xf32>,
          %broadcast_in_dim3A_819 = arith.constant 20 : i32
          %broadcast_in_dim3A_820 = vector.broadcast %broadcast_in_dim3A_819 : i32 to vector<16xi32>
          %gather3A_821 = tpu.vector_load_idx %arg15[%add3A_758, %broadcast_in_dim3A_820] : memref<128x32xf32, #tpu.memory_space<vmem>>[vector<16xi32>, vector<16xi32>], vector<16xf32>,
          tpu.vector_store_idx %arg16[%shift_right_arithmetic3A_755, %broadcast_in_dim3A_820], %gather3A_821 {add = true} : memref<129x32xf32, #tpu.memory_space<vmem>>[vector<16xi32>, vector<16xi32>], vector<16xf32>,
          %broadcast_in_dim3A_822 = arith.constant 21 : i32
          %broadcast_in_dim3A_823 = vector.broadcast %broadcast_in_dim3A_822 : i32 to vector<16xi32>
          %gather3A_824 = tpu.vector_load_idx %arg15[%add3A_758, %broadcast_in_dim3A_823] : memref<128x32xf32, #tpu.memory_space<vmem>>[vector<16xi32>, vector<16xi32>], vector<16xf32>,
          tpu.vector_store_idx %arg16[%shift_right_arithmetic3A_755, %broadcast_in_dim3A_823], %gather3A_824 {add = true} : memref<129x32xf32, #tpu.memory_space<vmem>>[vector<16xi32>, vector<16xi32>], vector<16xf32>,
          %broadcast_in_dim3A_825 = arith.constant 22 : i32
          %broadcast_in_dim3A_826 = vector.broadcast %broadcast_in_dim3A_825 : i32 to vector<16xi32>
          %gather3A_827 = tpu.vector_load_idx %arg15[%add3A_758, %broadcast_in_dim3A_826] : memref<128x32xf32, #tpu.memory_space<vmem>>[vector<16xi32>, vector<16xi32>], vector<16xf32>,
          tpu.vector_store_idx %arg16[%shift_right_arithmetic3A_755, %broadcast_in_dim3A_826], %gather3A_827 {add = true} : memref<129x32xf32, #tpu.memory_space<vmem>>[vector<16xi32>, vector<16xi32>], vector<16xf32>,
          %broadcast_in_dim3A_828 = arith.constant 23 : i32
          %broadcast_in_dim3A_829 = vector.broadcast %broadcast_in_dim3A_828 : i32 to vector<16xi32>
          %gather3A_830 = tpu.vector_load_idx %arg15[%add3A_758, %broadcast_in_dim3A_829] : memref<128x32xf32, #tpu.memory_space<vmem>>[vector<16xi32>, vector<16xi32>], vector<16xf32>,
          tpu.vector_store_idx %arg16[%shift_right_arithmetic3A_755, %broadcast_in_dim3A_829], %gather3A_830 {add = true} : memref<129x32xf32, #tpu.memory_space<vmem>>[vector<16xi32>, vector<16xi32>], vector<16xf32>,
          %broadcast_in_dim3A_831 = arith.constant 24 : i32
          %broadcast_in_dim3A_832 = vector.broadcast %broadcast_in_dim3A_831 : i32 to vector<16xi32>
          %gather3A_833 = tpu.vector_load_idx %arg15[%add3A_758, %broadcast_in_dim3A_832] : memref<128x32xf32, #tpu.memory_space<vmem>>[vector<16xi32>, vector<16xi32>], vector<16xf32>,
          tpu.vector_store_idx %arg16[%shift_right_arithmetic3A_755, %broadcast_in_dim3A_832], %gather3A_833 {add = true} : memref<129x32xf32, #tpu.memory_space<vmem>>[vector<16xi32>, vector<16xi32>], vector<16xf32>,
          %broadcast_in_dim3A_834 = arith.constant 25 : i32
          %broadcast_in_dim3A_835 = vector.broadcast %broadcast_in_dim3A_834 : i32 to vector<16xi32>
          %gather3A_836 = tpu.vector_load_idx %arg15[%add3A_758, %broadcast_in_dim3A_835] : memref<128x32xf32, #tpu.memory_space<vmem>>[vector<16xi32>, vector<16xi32>], vector<16xf32>,
          tpu.vector_store_idx %arg16[%shift_right_arithmetic3A_755, %broadcast_in_dim3A_835], %gather3A_836 {add = true} : memref<129x32xf32, #tpu.memory_space<vmem>>[vector<16xi32>, vector<16xi32>], vector<16xf32>,
          %broadcast_in_dim3A_837 = arith.constant 26 : i32
          %broadcast_in_dim3A_838 = vector.broadcast %broadcast_in_dim3A_837 : i32 to vector<16xi32>
          %gather3A_839 = tpu.vector_load_idx %arg15[%add3A_758, %broadcast_in_dim3A_838] : memref<128x32xf32, #tpu.memory_space<vmem>>[vector<16xi32>, vector<16xi32>], vector<16xf32>,
          tpu.vector_store_idx %arg16[%shift_right_arithmetic3A_755, %broadcast_in_dim3A_838], %gather3A_839 {add = true} : memref<129x32xf32, #tpu.memory_space<vmem>>[vector<16xi32>, vector<16xi32>], vector<16xf32>,
          %broadcast_in_dim3A_840 = arith.constant 27 : i32
          %broadcast_in_dim3A_841 = vector.broadcast %broadcast_in_dim3A_840 : i32 to vector<16xi32>
          %gather3A_842 = tpu.vector_load_idx %arg15[%add3A_758, %broadcast_in_dim3A_841] : memref<128x32xf32, #tpu.memory_space<vmem>>[vector<16xi32>, vector<16xi32>], vector<16xf32>,
          tpu.vector_store_idx %arg16[%shift_right_arithmetic3A_755, %broadcast_in_dim3A_841], %gather3A_842 {add = true} : memref<129x32xf32, #tpu.memory_space<vmem>>[vector<16xi32>, vector<16xi32>], vector<16xf32>,
          %broadcast_in_dim3A_843 = arith.constant 28 : i32
          %broadcast_in_dim3A_844 = vector.broadcast %broadcast_in_dim3A_843 : i32 to vector<16xi32>
          %gather3A_845 = tpu.vector_load_idx %arg15[%add3A_758, %broadcast_in_dim3A_844] : memref<128x32xf32, #tpu.memory_space<vmem>>[vector<16xi32>, vector<16xi32>], vector<16xf32>,
          tpu.vector_store_idx %arg16[%shift_right_arithmetic3A_755, %broadcast_in_dim3A_844], %gather3A_845 {add = true} : memref<129x32xf32, #tpu.memory_space<vmem>>[vector<16xi32>, vector<16xi32>], vector<16xf32>,
          %broadcast_in_dim3A_846 = arith.constant 29 : i32
          %broadcast_in_dim3A_847 = vector.broadcast %broadcast_in_dim3A_846 : i32 to vector<16xi32>
          %gather3A_848 = tpu.vector_load_idx %arg15[%add3A_758, %broadcast_in_dim3A_847] : memref<128x32xf32, #tpu.memory_space<vmem>>[vector<16xi32>, vector<16xi32>], vector<16xf32>,
          tpu.vector_store_idx %arg16[%shift_right_arithmetic3A_755, %broadcast_in_dim3A_847], %gather3A_848 {add = true} : memref<129x32xf32, #tpu.memory_space<vmem>>[vector<16xi32>, vector<16xi32>], vector<16xf32>,
          %broadcast_in_dim3A_849 = arith.constant 30 : i32
          %broadcast_in_dim3A_850 = vector.broadcast %broadcast_in_dim3A_849 : i32 to vector<16xi32>
          %gather3A_851 = tpu.vector_load_idx %arg15[%add3A_758, %broadcast_in_dim3A_850] : memref<128x32xf32, #tpu.memory_space<vmem>>[vector<16xi32>, vector<16xi32>], vector<16xf32>,
          tpu.vector_store_idx %arg16[%shift_right_arithmetic3A_755, %broadcast_in_dim3A_850], %gather3A_851 {add = true} : memref<129x32xf32, #tpu.memory_space<vmem>>[vector<16xi32>, vector<16xi32>], vector<16xf32>,
          %broadcast_in_dim3A_852 = arith.constant 31 : i32
          %broadcast_in_dim3A_853 = vector.broadcast %broadcast_in_dim3A_852 : i32 to vector<16xi32>
          %gather3A_854 = tpu.vector_load_idx %arg15[%add3A_758, %broadcast_in_dim3A_853] : memref<128x32xf32, #tpu.memory_space<vmem>>[vector<16xi32>, vector<16xi32>], vector<16xf32>,
          tpu.vector_store_idx %arg16[%shift_right_arithmetic3A_755, %broadcast_in_dim3A_853], %gather3A_854 {add = true} : memref<129x32xf32, #tpu.memory_space<vmem>>[vector<16xi32>, vector<16xi32>], vector<16xf32>,
          %add3A_855 = arith.constant 80 : i32
          %add3A_856 = arith.addi %mul3A_34, %add3A_855 : i32
          %get3A_857 = arith.index_cast %add3A_856 : i32 to index
          %get3A_858 = tpu.vector_load %arg13[%get3A_857] {strides = array<i32>} : memref<3472xi32, #tpu.memory_space<vmem>>, vector<16xi32>,
          %shift_right_arithmetic3A_859 = arith.constant 5 : i32
          %shift_right_arithmetic3A_860 = vector.broadcast %shift_right_arithmetic3A_859 : i32 to vector<16xi32>
          %shift_right_arithmetic3A_861 = arith.shrsi %get3A_858, %shift_right_arithmetic3A_860 : vector<16xi32>
          %add3A_862 = arith.constant 80 : i32
          %add3A_863 = vector.broadcast %add3A_862 : i32 to vector<16xi32>
          %add3A_864 = arith.addi %add3A_863, %iota3A : vector<16xi32>
          %broadcast_in_dim3A_865 = arith.constant 0 : i32
          %broadcast_in_dim3A_866 = vector.broadcast %broadcast_in_dim3A_865 : i32 to vector<16xi32>
          %gather3A_867 = tpu.vector_load_idx %arg15[%add3A_864, %broadcast_in_dim3A_866] : memref<128x32xf32, #tpu.memory_space<vmem>>[vector<16xi32>, vector<16xi32>], vector<16xf32>,
          tpu.vector_store_idx %arg16[%shift_right_arithmetic3A_861, %broadcast_in_dim3A_866], %gather3A_867 {add = true} : memref<129x32xf32, #tpu.memory_space<vmem>>[vector<16xi32>, vector<16xi32>], vector<16xf32>,
          %broadcast_in_dim3A_868 = arith.constant 1 : i32
          %broadcast_in_dim3A_869 = vector.broadcast %broadcast_in_dim3A_868 : i32 to vector<16xi32>
          %gather3A_870 = tpu.vector_load_idx %arg15[%add3A_864, %broadcast_in_dim3A_869] : memref<128x32xf32, #tpu.memory_space<vmem>>[vector<16xi32>, vector<16xi32>], vector<16xf32>,
          tpu.vector_store_idx %arg16[%shift_right_arithmetic3A_861, %broadcast_in_dim3A_869], %gather3A_870 {add = true} : memref<129x32xf32, #tpu.memory_space<vmem>>[vector<16xi32>, vector<16xi32>], vector<16xf32>,
          %broadcast_in_dim3A_871 = arith.constant 2 : i32
          %broadcast_in_dim3A_872 = vector.broadcast %broadcast_in_dim3A_871 : i32 to vector<16xi32>
          %gather3A_873 = tpu.vector_load_idx %arg15[%add3A_864, %broadcast_in_dim3A_872] : memref<128x32xf32, #tpu.memory_space<vmem>>[vector<16xi32>, vector<16xi32>], vector<16xf32>,
          tpu.vector_store_idx %arg16[%shift_right_arithmetic3A_861, %broadcast_in_dim3A_872], %gather3A_873 {add = true} : memref<129x32xf32, #tpu.memory_space<vmem>>[vector<16xi32>, vector<16xi32>], vector<16xf32>,
          %broadcast_in_dim3A_874 = arith.constant 3 : i32
          %broadcast_in_dim3A_875 = vector.broadcast %broadcast_in_dim3A_874 : i32 to vector<16xi32>
          %gather3A_876 = tpu.vector_load_idx %arg15[%add3A_864, %broadcast_in_dim3A_875] : memref<128x32xf32, #tpu.memory_space<vmem>>[vector<16xi32>, vector<16xi32>], vector<16xf32>,
          tpu.vector_store_idx %arg16[%shift_right_arithmetic3A_861, %broadcast_in_dim3A_875], %gather3A_876 {add = true} : memref<129x32xf32, #tpu.memory_space<vmem>>[vector<16xi32>, vector<16xi32>], vector<16xf32>,
          %broadcast_in_dim3A_877 = arith.constant 4 : i32
          %broadcast_in_dim3A_878 = vector.broadcast %broadcast_in_dim3A_877 : i32 to vector<16xi32>
          %gather3A_879 = tpu.vector_load_idx %arg15[%add3A_864, %broadcast_in_dim3A_878] : memref<128x32xf32, #tpu.memory_space<vmem>>[vector<16xi32>, vector<16xi32>], vector<16xf32>,
          tpu.vector_store_idx %arg16[%shift_right_arithmetic3A_861, %broadcast_in_dim3A_878], %gather3A_879 {add = true} : memref<129x32xf32, #tpu.memory_space<vmem>>[vector<16xi32>, vector<16xi32>], vector<16xf32>,
          %broadcast_in_dim3A_880 = arith.constant 5 : i32
          %broadcast_in_dim3A_881 = vector.broadcast %broadcast_in_dim3A_880 : i32 to vector<16xi32>
          %gather3A_882 = tpu.vector_load_idx %arg15[%add3A_864, %broadcast_in_dim3A_881] : memref<128x32xf32, #tpu.memory_space<vmem>>[vector<16xi32>, vector<16xi32>], vector<16xf32>,
          tpu.vector_store_idx %arg16[%shift_right_arithmetic3A_861, %broadcast_in_dim3A_881], %gather3A_882 {add = true} : memref<129x32xf32, #tpu.memory_space<vmem>>[vector<16xi32>, vector<16xi32>], vector<16xf32>,
          %broadcast_in_dim3A_883 = arith.constant 6 : i32
          %broadcast_in_dim3A_884 = vector.broadcast %broadcast_in_dim3A_883 : i32 to vector<16xi32>
          %gather3A_885 = tpu.vector_load_idx %arg15[%add3A_864, %broadcast_in_dim3A_884] : memref<128x32xf32, #tpu.memory_space<vmem>>[vector<16xi32>, vector<16xi32>], vector<16xf32>,
          tpu.vector_store_idx %arg16[%shift_right_arithmetic3A_861, %broadcast_in_dim3A_884], %gather3A_885 {add = true} : memref<129x32xf32, #tpu.memory_space<vmem>>[vector<16xi32>, vector<16xi32>], vector<16xf32>,
          %broadcast_in_dim3A_886 = arith.constant 7 : i32
          %broadcast_in_dim3A_887 = vector.broadcast %broadcast_in_dim3A_886 : i32 to vector<16xi32>
          %gather3A_888 = tpu.vector_load_idx %arg15[%add3A_864, %broadcast_in_dim3A_887] : memref<128x32xf32, #tpu.memory_space<vmem>>[vector<16xi32>, vector<16xi32>], vector<16xf32>,
          tpu.vector_store_idx %arg16[%shift_right_arithmetic3A_861, %broadcast_in_dim3A_887], %gather3A_888 {add = true} : memref<129x32xf32, #tpu.memory_space<vmem>>[vector<16xi32>, vector<16xi32>], vector<16xf32>,
          %broadcast_in_dim3A_889 = arith.constant 8 : i32
          %broadcast_in_dim3A_890 = vector.broadcast %broadcast_in_dim3A_889 : i32 to vector<16xi32>
          %gather3A_891 = tpu.vector_load_idx %arg15[%add3A_864, %broadcast_in_dim3A_890] : memref<128x32xf32, #tpu.memory_space<vmem>>[vector<16xi32>, vector<16xi32>], vector<16xf32>,
          tpu.vector_store_idx %arg16[%shift_right_arithmetic3A_861, %broadcast_in_dim3A_890], %gather3A_891 {add = true} : memref<129x32xf32, #tpu.memory_space<vmem>>[vector<16xi32>, vector<16xi32>], vector<16xf32>,
          %broadcast_in_dim3A_892 = arith.constant 9 : i32
          %broadcast_in_dim3A_893 = vector.broadcast %broadcast_in_dim3A_892 : i32 to vector<16xi32>
          %gather3A_894 = tpu.vector_load_idx %arg15[%add3A_864, %broadcast_in_dim3A_893] : memref<128x32xf32, #tpu.memory_space<vmem>>[vector<16xi32>, vector<16xi32>], vector<16xf32>,
          tpu.vector_store_idx %arg16[%shift_right_arithmetic3A_861, %broadcast_in_dim3A_893], %gather3A_894 {add = true} : memref<129x32xf32, #tpu.memory_space<vmem>>[vector<16xi32>, vector<16xi32>], vector<16xf32>,
          %broadcast_in_dim3A_895 = arith.constant 10 : i32
          %broadcast_in_dim3A_896 = vector.broadcast %broadcast_in_dim3A_895 : i32 to vector<16xi32>
          %gather3A_897 = tpu.vector_load_idx %arg15[%add3A_864, %broadcast_in_dim3A_896] : memref<128x32xf32, #tpu.memory_space<vmem>>[vector<16xi32>, vector<16xi32>], vector<16xf32>,
          tpu.vector_store_idx %arg16[%shift_right_arithmetic3A_861, %broadcast_in_dim3A_896], %gather3A_897 {add = true} : memref<129x32xf32, #tpu.memory_space<vmem>>[vector<16xi32>, vector<16xi32>], vector<16xf32>,
          %broadcast_in_dim3A_898 = arith.constant 11 : i32
          %broadcast_in_dim3A_899 = vector.broadcast %broadcast_in_dim3A_898 : i32 to vector<16xi32>
          %gather3A_900 = tpu.vector_load_idx %arg15[%add3A_864, %broadcast_in_dim3A_899] : memref<128x32xf32, #tpu.memory_space<vmem>>[vector<16xi32>, vector<16xi32>], vector<16xf32>,
          tpu.vector_store_idx %arg16[%shift_right_arithmetic3A_861, %broadcast_in_dim3A_899], %gather3A_900 {add = true} : memref<129x32xf32, #tpu.memory_space<vmem>>[vector<16xi32>, vector<16xi32>], vector<16xf32>,
          %broadcast_in_dim3A_901 = arith.constant 12 : i32
          %broadcast_in_dim3A_902 = vector.broadcast %broadcast_in_dim3A_901 : i32 to vector<16xi32>
          %gather3A_903 = tpu.vector_load_idx %arg15[%add3A_864, %broadcast_in_dim3A_902] : memref<128x32xf32, #tpu.memory_space<vmem>>[vector<16xi32>, vector<16xi32>], vector<16xf32>,
          tpu.vector_store_idx %arg16[%shift_right_arithmetic3A_861, %broadcast_in_dim3A_902], %gather3A_903 {add = true} : memref<129x32xf32, #tpu.memory_space<vmem>>[vector<16xi32>, vector<16xi32>], vector<16xf32>,
          %broadcast_in_dim3A_904 = arith.constant 13 : i32
          %broadcast_in_dim3A_905 = vector.broadcast %broadcast_in_dim3A_904 : i32 to vector<16xi32>
          %gather3A_906 = tpu.vector_load_idx %arg15[%add3A_864, %broadcast_in_dim3A_905] : memref<128x32xf32, #tpu.memory_space<vmem>>[vector<16xi32>, vector<16xi32>], vector<16xf32>,
          tpu.vector_store_idx %arg16[%shift_right_arithmetic3A_861, %broadcast_in_dim3A_905], %gather3A_906 {add = true} : memref<129x32xf32, #tpu.memory_space<vmem>>[vector<16xi32>, vector<16xi32>], vector<16xf32>,
          %broadcast_in_dim3A_907 = arith.constant 14 : i32
          %broadcast_in_dim3A_908 = vector.broadcast %broadcast_in_dim3A_907 : i32 to vector<16xi32>
          %gather3A_909 = tpu.vector_load_idx %arg15[%add3A_864, %broadcast_in_dim3A_908] : memref<128x32xf32, #tpu.memory_space<vmem>>[vector<16xi32>, vector<16xi32>], vector<16xf32>,
          tpu.vector_store_idx %arg16[%shift_right_arithmetic3A_861, %broadcast_in_dim3A_908], %gather3A_909 {add = true} : memref<129x32xf32, #tpu.memory_space<vmem>>[vector<16xi32>, vector<16xi32>], vector<16xf32>,
          %broadcast_in_dim3A_910 = arith.constant 15 : i32
          %broadcast_in_dim3A_911 = vector.broadcast %broadcast_in_dim3A_910 : i32 to vector<16xi32>
          %gather3A_912 = tpu.vector_load_idx %arg15[%add3A_864, %broadcast_in_dim3A_911] : memref<128x32xf32, #tpu.memory_space<vmem>>[vector<16xi32>, vector<16xi32>], vector<16xf32>,
          tpu.vector_store_idx %arg16[%shift_right_arithmetic3A_861, %broadcast_in_dim3A_911], %gather3A_912 {add = true} : memref<129x32xf32, #tpu.memory_space<vmem>>[vector<16xi32>, vector<16xi32>], vector<16xf32>,
          %broadcast_in_dim3A_913 = arith.constant 16 : i32
          %broadcast_in_dim3A_914 = vector.broadcast %broadcast_in_dim3A_913 : i32 to vector<16xi32>
          %gather3A_915 = tpu.vector_load_idx %arg15[%add3A_864, %broadcast_in_dim3A_914] : memref<128x32xf32, #tpu.memory_space<vmem>>[vector<16xi32>, vector<16xi32>], vector<16xf32>,
          tpu.vector_store_idx %arg16[%shift_right_arithmetic3A_861, %broadcast_in_dim3A_914], %gather3A_915 {add = true} : memref<129x32xf32, #tpu.memory_space<vmem>>[vector<16xi32>, vector<16xi32>], vector<16xf32>,
          %broadcast_in_dim3A_916 = arith.constant 17 : i32
          %broadcast_in_dim3A_917 = vector.broadcast %broadcast_in_dim3A_916 : i32 to vector<16xi32>
          %gather3A_918 = tpu.vector_load_idx %arg15[%add3A_864, %broadcast_in_dim3A_917] : memref<128x32xf32, #tpu.memory_space<vmem>>[vector<16xi32>, vector<16xi32>], vector<16xf32>,
          tpu.vector_store_idx %arg16[%shift_right_arithmetic3A_861, %broadcast_in_dim3A_917], %gather3A_918 {add = true} : memref<129x32xf32, #tpu.memory_space<vmem>>[vector<16xi32>, vector<16xi32>], vector<16xf32>,
          %broadcast_in_dim3A_919 = arith.constant 18 : i32
          %broadcast_in_dim3A_920 = vector.broadcast %broadcast_in_dim3A_919 : i32 to vector<16xi32>
          %gather3A_921 = tpu.vector_load_idx %arg15[%add3A_864, %broadcast_in_dim3A_920] : memref<128x32xf32, #tpu.memory_space<vmem>>[vector<16xi32>, vector<16xi32>], vector<16xf32>,
          tpu.vector_store_idx %arg16[%shift_right_arithmetic3A_861, %broadcast_in_dim3A_920], %gather3A_921 {add = true} : memref<129x32xf32, #tpu.memory_space<vmem>>[vector<16xi32>, vector<16xi32>], vector<16xf32>,
          %broadcast_in_dim3A_922 = arith.constant 19 : i32
          %broadcast_in_dim3A_923 = vector.broadcast %broadcast_in_dim3A_922 : i32 to vector<16xi32>
          %gather3A_924 = tpu.vector_load_idx %arg15[%add3A_864, %broadcast_in_dim3A_923] : memref<128x32xf32, #tpu.memory_space<vmem>>[vector<16xi32>, vector<16xi32>], vector<16xf32>,
          tpu.vector_store_idx %arg16[%shift_right_arithmetic3A_861, %broadcast_in_dim3A_923], %gather3A_924 {add = true} : memref<129x32xf32, #tpu.memory_space<vmem>>[vector<16xi32>, vector<16xi32>], vector<16xf32>,
          %broadcast_in_dim3A_925 = arith.constant 20 : i32
          %broadcast_in_dim3A_926 = vector.broadcast %broadcast_in_dim3A_925 : i32 to vector<16xi32>
          %gather3A_927 = tpu.vector_load_idx %arg15[%add3A_864, %broadcast_in_dim3A_926] : memref<128x32xf32, #tpu.memory_space<vmem>>[vector<16xi32>, vector<16xi32>], vector<16xf32>,
          tpu.vector_store_idx %arg16[%shift_right_arithmetic3A_861, %broadcast_in_dim3A_926], %gather3A_927 {add = true} : memref<129x32xf32, #tpu.memory_space<vmem>>[vector<16xi32>, vector<16xi32>], vector<16xf32>,
          %broadcast_in_dim3A_928 = arith.constant 21 : i32
          %broadcast_in_dim3A_929 = vector.broadcast %broadcast_in_dim3A_928 : i32 to vector<16xi32>
          %gather3A_930 = tpu.vector_load_idx %arg15[%add3A_864, %broadcast_in_dim3A_929] : memref<128x32xf32, #tpu.memory_space<vmem>>[vector<16xi32>, vector<16xi32>], vector<16xf32>,
          tpu.vector_store_idx %arg16[%shift_right_arithmetic3A_861, %broadcast_in_dim3A_929], %gather3A_930 {add = true} : memref<129x32xf32, #tpu.memory_space<vmem>>[vector<16xi32>, vector<16xi32>], vector<16xf32>,
          %broadcast_in_dim3A_931 = arith.constant 22 : i32
          %broadcast_in_dim3A_932 = vector.broadcast %broadcast_in_dim3A_931 : i32 to vector<16xi32>
          %gather3A_933 = tpu.vector_load_idx %arg15[%add3A_864, %broadcast_in_dim3A_932] : memref<128x32xf32, #tpu.memory_space<vmem>>[vector<16xi32>, vector<16xi32>], vector<16xf32>,
          tpu.vector_store_idx %arg16[%shift_right_arithmetic3A_861, %broadcast_in_dim3A_932], %gather3A_933 {add = true} : memref<129x32xf32, #tpu.memory_space<vmem>>[vector<16xi32>, vector<16xi32>], vector<16xf32>,
          %broadcast_in_dim3A_934 = arith.constant 23 : i32
          %broadcast_in_dim3A_935 = vector.broadcast %broadcast_in_dim3A_934 : i32 to vector<16xi32>
          %gather3A_936 = tpu.vector_load_idx %arg15[%add3A_864, %broadcast_in_dim3A_935] : memref<128x32xf32, #tpu.memory_space<vmem>>[vector<16xi32>, vector<16xi32>], vector<16xf32>,
          tpu.vector_store_idx %arg16[%shift_right_arithmetic3A_861, %broadcast_in_dim3A_935], %gather3A_936 {add = true} : memref<129x32xf32, #tpu.memory_space<vmem>>[vector<16xi32>, vector<16xi32>], vector<16xf32>,
          %broadcast_in_dim3A_937 = arith.constant 24 : i32
          %broadcast_in_dim3A_938 = vector.broadcast %broadcast_in_dim3A_937 : i32 to vector<16xi32>
          %gather3A_939 = tpu.vector_load_idx %arg15[%add3A_864, %broadcast_in_dim3A_938] : memref<128x32xf32, #tpu.memory_space<vmem>>[vector<16xi32>, vector<16xi32>], vector<16xf32>,
          tpu.vector_store_idx %arg16[%shift_right_arithmetic3A_861, %broadcast_in_dim3A_938], %gather3A_939 {add = true} : memref<129x32xf32, #tpu.memory_space<vmem>>[vector<16xi32>, vector<16xi32>], vector<16xf32>,
          %broadcast_in_dim3A_940 = arith.constant 25 : i32
          %broadcast_in_dim3A_941 = vector.broadcast %broadcast_in_dim3A_940 : i32 to vector<16xi32>
          %gather3A_942 = tpu.vector_load_idx %arg15[%add3A_864, %broadcast_in_dim3A_941] : memref<128x32xf32, #tpu.memory_space<vmem>>[vector<16xi32>, vector<16xi32>], vector<16xf32>,
          tpu.vector_store_idx %arg16[%shift_right_arithmetic3A_861, %broadcast_in_dim3A_941], %gather3A_942 {add = true} : memref<129x32xf32, #tpu.memory_space<vmem>>[vector<16xi32>, vector<16xi32>], vector<16xf32>,
          %broadcast_in_dim3A_943 = arith.constant 26 : i32
          %broadcast_in_dim3A_944 = vector.broadcast %broadcast_in_dim3A_943 : i32 to vector<16xi32>
          %gather3A_945 = tpu.vector_load_idx %arg15[%add3A_864, %broadcast_in_dim3A_944] : memref<128x32xf32, #tpu.memory_space<vmem>>[vector<16xi32>, vector<16xi32>], vector<16xf32>,
          tpu.vector_store_idx %arg16[%shift_right_arithmetic3A_861, %broadcast_in_dim3A_944], %gather3A_945 {add = true} : memref<129x32xf32, #tpu.memory_space<vmem>>[vector<16xi32>, vector<16xi32>], vector<16xf32>,
          %broadcast_in_dim3A_946 = arith.constant 27 : i32
          %broadcast_in_dim3A_947 = vector.broadcast %broadcast_in_dim3A_946 : i32 to vector<16xi32>
          %gather3A_948 = tpu.vector_load_idx %arg15[%add3A_864, %broadcast_in_dim3A_947] : memref<128x32xf32, #tpu.memory_space<vmem>>[vector<16xi32>, vector<16xi32>], vector<16xf32>,
          tpu.vector_store_idx %arg16[%shift_right_arithmetic3A_861, %broadcast_in_dim3A_947], %gather3A_948 {add = true} : memref<129x32xf32, #tpu.memory_space<vmem>>[vector<16xi32>, vector<16xi32>], vector<16xf32>,
          %broadcast_in_dim3A_949 = arith.constant 28 : i32
          %broadcast_in_dim3A_950 = vector.broadcast %broadcast_in_dim3A_949 : i32 to vector<16xi32>
          %gather3A_951 = tpu.vector_load_idx %arg15[%add3A_864, %broadcast_in_dim3A_950] : memref<128x32xf32, #tpu.memory_space<vmem>>[vector<16xi32>, vector<16xi32>], vector<16xf32>,
          tpu.vector_store_idx %arg16[%shift_right_arithmetic3A_861, %broadcast_in_dim3A_950], %gather3A_951 {add = true} : memref<129x32xf32, #tpu.memory_space<vmem>>[vector<16xi32>, vector<16xi32>], vector<16xf32>,
          %broadcast_in_dim3A_952 = arith.constant 29 : i32
          %broadcast_in_dim3A_953 = vector.broadcast %broadcast_in_dim3A_952 : i32 to vector<16xi32>
          %gather3A_954 = tpu.vector_load_idx %arg15[%add3A_864, %broadcast_in_dim3A_953] : memref<128x32xf32, #tpu.memory_space<vmem>>[vector<16xi32>, vector<16xi32>], vector<16xf32>,
          tpu.vector_store_idx %arg16[%shift_right_arithmetic3A_861, %broadcast_in_dim3A_953], %gather3A_954 {add = true} : memref<129x32xf32, #tpu.memory_space<vmem>>[vector<16xi32>, vector<16xi32>], vector<16xf32>,
          %broadcast_in_dim3A_955 = arith.constant 30 : i32
          %broadcast_in_dim3A_956 = vector.broadcast %broadcast_in_dim3A_955 : i32 to vector<16xi32>
          %gather3A_957 = tpu.vector_load_idx %arg15[%add3A_864, %broadcast_in_dim3A_956] : memref<128x32xf32, #tpu.memory_space<vmem>>[vector<16xi32>, vector<16xi32>], vector<16xf32>,
          tpu.vector_store_idx %arg16[%shift_right_arithmetic3A_861, %broadcast_in_dim3A_956], %gather3A_957 {add = true} : memref<129x32xf32, #tpu.memory_space<vmem>>[vector<16xi32>, vector<16xi32>], vector<16xf32>,
          %broadcast_in_dim3A_958 = arith.constant 31 : i32
          %broadcast_in_dim3A_959 = vector.broadcast %broadcast_in_dim3A_958 : i32 to vector<16xi32>
          %gather3A_960 = tpu.vector_load_idx %arg15[%add3A_864, %broadcast_in_dim3A_959] : memref<128x32xf32, #tpu.memory_space<vmem>>[vector<16xi32>, vector<16xi32>], vector<16xf32>,
          tpu.vector_store_idx %arg16[%shift_right_arithmetic3A_861, %broadcast_in_dim3A_959], %gather3A_960 {add = true} : memref<129x32xf32, #tpu.memory_space<vmem>>[vector<16xi32>, vector<16xi32>], vector<16xf32>,
          %add3A_961 = arith.constant 96 : i32
          %add3A_962 = arith.addi %mul3A_34, %add3A_961 : i32
          %get3A_963 = arith.index_cast %add3A_962 : i32 to index
          %get3A_964 = tpu.vector_load %arg13[%get3A_963] {strides = array<i32>} : memref<3472xi32, #tpu.memory_space<vmem>>, vector<16xi32>,
          %shift_right_arithmetic3A_965 = arith.constant 5 : i32
          %shift_right_arithmetic3A_966 = vector.broadcast %shift_right_arithmetic3A_965 : i32 to vector<16xi32>
          %shift_right_arithmetic3A_967 = arith.shrsi %get3A_964, %shift_right_arithmetic3A_966 : vector<16xi32>
          %add3A_968 = arith.constant 96 : i32
          %add3A_969 = vector.broadcast %add3A_968 : i32 to vector<16xi32>
          %add3A_970 = arith.addi %add3A_969, %iota3A : vector<16xi32>
          %broadcast_in_dim3A_971 = arith.constant 0 : i32
          %broadcast_in_dim3A_972 = vector.broadcast %broadcast_in_dim3A_971 : i32 to vector<16xi32>
          %gather3A_973 = tpu.vector_load_idx %arg15[%add3A_970, %broadcast_in_dim3A_972] : memref<128x32xf32, #tpu.memory_space<vmem>>[vector<16xi32>, vector<16xi32>], vector<16xf32>,
          tpu.vector_store_idx %arg16[%shift_right_arithmetic3A_967, %broadcast_in_dim3A_972], %gather3A_973 {add = true} : memref<129x32xf32, #tpu.memory_space<vmem>>[vector<16xi32>, vector<16xi32>], vector<16xf32>,
          %broadcast_in_dim3A_974 = arith.constant 1 : i32
          %broadcast_in_dim3A_975 = vector.broadcast %broadcast_in_dim3A_974 : i32 to vector<16xi32>
          %gather3A_976 = tpu.vector_load_idx %arg15[%add3A_970, %broadcast_in_dim3A_975] : memref<128x32xf32, #tpu.memory_space<vmem>>[vector<16xi32>, vector<16xi32>], vector<16xf32>,
          tpu.vector_store_idx %arg16[%shift_right_arithmetic3A_967, %broadcast_in_dim3A_975], %gather3A_976 {add = true} : memref<129x32xf32, #tpu.memory_space<vmem>>[vector<16xi32>, vector<16xi32>], vector<16xf32>,
          %broadcast_in_dim3A_977 = arith.constant 2 : i32
          %broadcast_in_dim3A_978 = vector.broadcast %broadcast_in_dim3A_977 : i32 to vector<16xi32>
          %gather3A_979 = tpu.vector_load_idx %arg15[%add3A_970, %broadcast_in_dim3A_978] : memref<128x32xf32, #tpu.memory_space<vmem>>[vector<16xi32>, vector<16xi32>], vector<16xf32>,
          tpu.vector_store_idx %arg16[%shift_right_arithmetic3A_967, %broadcast_in_dim3A_978], %gather3A_979 {add = true} : memref<129x32xf32, #tpu.memory_space<vmem>>[vector<16xi32>, vector<16xi32>], vector<16xf32>,
          %broadcast_in_dim3A_980 = arith.constant 3 : i32
          %broadcast_in_dim3A_981 = vector.broadcast %broadcast_in_dim3A_980 : i32 to vector<16xi32>
          %gather3A_982 = tpu.vector_load_idx %arg15[%add3A_970, %broadcast_in_dim3A_981] : memref<128x32xf32, #tpu.memory_space<vmem>>[vector<16xi32>, vector<16xi32>], vector<16xf32>,
          tpu.vector_store_idx %arg16[%shift_right_arithmetic3A_967, %broadcast_in_dim3A_981], %gather3A_982 {add = true} : memref<129x32xf32, #tpu.memory_space<vmem>>[vector<16xi32>, vector<16xi32>], vector<16xf32>,
          %broadcast_in_dim3A_983 = arith.constant 4 : i32
          %broadcast_in_dim3A_984 = vector.broadcast %broadcast_in_dim3A_983 : i32 to vector<16xi32>
          %gather3A_985 = tpu.vector_load_idx %arg15[%add3A_970, %broadcast_in_dim3A_984] : memref<128x32xf32, #tpu.memory_space<vmem>>[vector<16xi32>, vector<16xi32>], vector<16xf32>,
          tpu.vector_store_idx %arg16[%shift_right_arithmetic3A_967, %broadcast_in_dim3A_984], %gather3A_985 {add = true} : memref<129x32xf32, #tpu.memory_space<vmem>>[vector<16xi32>, vector<16xi32>], vector<16xf32>,
          %broadcast_in_dim3A_986 = arith.constant 5 : i32
          %broadcast_in_dim3A_987 = vector.broadcast %broadcast_in_dim3A_986 : i32 to vector<16xi32>
          %gather3A_988 = tpu.vector_load_idx %arg15[%add3A_970, %broadcast_in_dim3A_987] : memref<128x32xf32, #tpu.memory_space<vmem>>[vector<16xi32>, vector<16xi32>], vector<16xf32>,
          tpu.vector_store_idx %arg16[%shift_right_arithmetic3A_967, %broadcast_in_dim3A_987], %gather3A_988 {add = true} : memref<129x32xf32, #tpu.memory_space<vmem>>[vector<16xi32>, vector<16xi32>], vector<16xf32>,
          %broadcast_in_dim3A_989 = arith.constant 6 : i32
          %broadcast_in_dim3A_990 = vector.broadcast %broadcast_in_dim3A_989 : i32 to vector<16xi32>
          %gather3A_991 = tpu.vector_load_idx %arg15[%add3A_970, %broadcast_in_dim3A_990] : memref<128x32xf32, #tpu.memory_space<vmem>>[vector<16xi32>, vector<16xi32>], vector<16xf32>,
          tpu.vector_store_idx %arg16[%shift_right_arithmetic3A_967, %broadcast_in_dim3A_990], %gather3A_991 {add = true} : memref<129x32xf32, #tpu.memory_space<vmem>>[vector<16xi32>, vector<16xi32>], vector<16xf32>,
          %broadcast_in_dim3A_992 = arith.constant 7 : i32
          %broadcast_in_dim3A_993 = vector.broadcast %broadcast_in_dim3A_992 : i32 to vector<16xi32>
          %gather3A_994 = tpu.vector_load_idx %arg15[%add3A_970, %broadcast_in_dim3A_993] : memref<128x32xf32, #tpu.memory_space<vmem>>[vector<16xi32>, vector<16xi32>], vector<16xf32>,
          tpu.vector_store_idx %arg16[%shift_right_arithmetic3A_967, %broadcast_in_dim3A_993], %gather3A_994 {add = true} : memref<129x32xf32, #tpu.memory_space<vmem>>[vector<16xi32>, vector<16xi32>], vector<16xf32>,
          %broadcast_in_dim3A_995 = arith.constant 8 : i32
          %broadcast_in_dim3A_996 = vector.broadcast %broadcast_in_dim3A_995 : i32 to vector<16xi32>
          %gather3A_997 = tpu.vector_load_idx %arg15[%add3A_970, %broadcast_in_dim3A_996] : memref<128x32xf32, #tpu.memory_space<vmem>>[vector<16xi32>, vector<16xi32>], vector<16xf32>,
          tpu.vector_store_idx %arg16[%shift_right_arithmetic3A_967, %broadcast_in_dim3A_996], %gather3A_997 {add = true} : memref<129x32xf32, #tpu.memory_space<vmem>>[vector<16xi32>, vector<16xi32>], vector<16xf32>,
          %broadcast_in_dim3A_998 = arith.constant 9 : i32
          %broadcast_in_dim3A_999 = vector.broadcast %broadcast_in_dim3A_998 : i32 to vector<16xi32>
          %gather3A_1000 = tpu.vector_load_idx %arg15[%add3A_970, %broadcast_in_dim3A_999] : memref<128x32xf32, #tpu.memory_space<vmem>>[vector<16xi32>, vector<16xi32>], vector<16xf32>,
          tpu.vector_store_idx %arg16[%shift_right_arithmetic3A_967, %broadcast_in_dim3A_999], %gather3A_1000 {add = true} : memref<129x32xf32, #tpu.memory_space<vmem>>[vector<16xi32>, vector<16xi32>], vector<16xf32>,
          %broadcast_in_dim3A_1001 = arith.constant 10 : i32
          %broadcast_in_dim3A_1002 = vector.broadcast %broadcast_in_dim3A_1001 : i32 to vector<16xi32>
          %gather3A_1003 = tpu.vector_load_idx %arg15[%add3A_970, %broadcast_in_dim3A_1002] : memref<128x32xf32, #tpu.memory_space<vmem>>[vector<16xi32>, vector<16xi32>], vector<16xf32>,
          tpu.vector_store_idx %arg16[%shift_right_arithmetic3A_967, %broadcast_in_dim3A_1002], %gather3A_1003 {add = true} : memref<129x32xf32, #tpu.memory_space<vmem>>[vector<16xi32>, vector<16xi32>], vector<16xf32>,
          %broadcast_in_dim3A_1004 = arith.constant 11 : i32
          %broadcast_in_dim3A_1005 = vector.broadcast %broadcast_in_dim3A_1004 : i32 to vector<16xi32>
          %gather3A_1006 = tpu.vector_load_idx %arg15[%add3A_970, %broadcast_in_dim3A_1005] : memref<128x32xf32, #tpu.memory_space<vmem>>[vector<16xi32>, vector<16xi32>], vector<16xf32>,
          tpu.vector_store_idx %arg16[%shift_right_arithmetic3A_967, %broadcast_in_dim3A_1005], %gather3A_1006 {add = true} : memref<129x32xf32, #tpu.memory_space<vmem>>[vector<16xi32>, vector<16xi32>], vector<16xf32>,
          %broadcast_in_dim3A_1007 = arith.constant 12 : i32
          %broadcast_in_dim3A_1008 = vector.broadcast %broadcast_in_dim3A_1007 : i32 to vector<16xi32>
          %gather3A_1009 = tpu.vector_load_idx %arg15[%add3A_970, %broadcast_in_dim3A_1008] : memref<128x32xf32, #tpu.memory_space<vmem>>[vector<16xi32>, vector<16xi32>], vector<16xf32>,
          tpu.vector_store_idx %arg16[%shift_right_arithmetic3A_967, %broadcast_in_dim3A_1008], %gather3A_1009 {add = true} : memref<129x32xf32, #tpu.memory_space<vmem>>[vector<16xi32>, vector<16xi32>], vector<16xf32>,
          %broadcast_in_dim3A_1010 = arith.constant 13 : i32
          %broadcast_in_dim3A_1011 = vector.broadcast %broadcast_in_dim3A_1010 : i32 to vector<16xi32>
          %gather3A_1012 = tpu.vector_load_idx %arg15[%add3A_970, %broadcast_in_dim3A_1011] : memref<128x32xf32, #tpu.memory_space<vmem>>[vector<16xi32>, vector<16xi32>], vector<16xf32>,
          tpu.vector_store_idx %arg16[%shift_right_arithmetic3A_967, %broadcast_in_dim3A_1011], %gather3A_1012 {add = true} : memref<129x32xf32, #tpu.memory_space<vmem>>[vector<16xi32>, vector<16xi32>], vector<16xf32>,
          %broadcast_in_dim3A_1013 = arith.constant 14 : i32
          %broadcast_in_dim3A_1014 = vector.broadcast %broadcast_in_dim3A_1013 : i32 to vector<16xi32>
          %gather3A_1015 = tpu.vector_load_idx %arg15[%add3A_970, %broadcast_in_dim3A_1014] : memref<128x32xf32, #tpu.memory_space<vmem>>[vector<16xi32>, vector<16xi32>], vector<16xf32>,
          tpu.vector_store_idx %arg16[%shift_right_arithmetic3A_967, %broadcast_in_dim3A_1014], %gather3A_1015 {add = true} : memref<129x32xf32, #tpu.memory_space<vmem>>[vector<16xi32>, vector<16xi32>], vector<16xf32>,
          %broadcast_in_dim3A_1016 = arith.constant 15 : i32
          %broadcast_in_dim3A_1017 = vector.broadcast %broadcast_in_dim3A_1016 : i32 to vector<16xi32>
          %gather3A_1018 = tpu.vector_load_idx %arg15[%add3A_970, %broadcast_in_dim3A_1017] : memref<128x32xf32, #tpu.memory_space<vmem>>[vector<16xi32>, vector<16xi32>], vector<16xf32>,
          tpu.vector_store_idx %arg16[%shift_right_arithmetic3A_967, %broadcast_in_dim3A_1017], %gather3A_1018 {add = true} : memref<129x32xf32, #tpu.memory_space<vmem>>[vector<16xi32>, vector<16xi32>], vector<16xf32>,
          %broadcast_in_dim3A_1019 = arith.constant 16 : i32
          %broadcast_in_dim3A_1020 = vector.broadcast %broadcast_in_dim3A_1019 : i32 to vector<16xi32>
          %gather3A_1021 = tpu.vector_load_idx %arg15[%add3A_970, %broadcast_in_dim3A_1020] : memref<128x32xf32, #tpu.memory_space<vmem>>[vector<16xi32>, vector<16xi32>], vector<16xf32>,
          tpu.vector_store_idx %arg16[%shift_right_arithmetic3A_967, %broadcast_in_dim3A_1020], %gather3A_1021 {add = true} : memref<129x32xf32, #tpu.memory_space<vmem>>[vector<16xi32>, vector<16xi32>], vector<16xf32>,
          %broadcast_in_dim3A_1022 = arith.constant 17 : i32
          %broadcast_in_dim3A_1023 = vector.broadcast %broadcast_in_dim3A_1022 : i32 to vector<16xi32>
          %gather3A_1024 = tpu.vector_load_idx %arg15[%add3A_970, %broadcast_in_dim3A_1023] : memref<128x32xf32, #tpu.memory_space<vmem>>[vector<16xi32>, vector<16xi32>], vector<16xf32>,
          tpu.vector_store_idx %arg16[%shift_right_arithmetic3A_967, %broadcast_in_dim3A_1023], %gather3A_1024 {add = true} : memref<129x32xf32, #tpu.memory_space<vmem>>[vector<16xi32>, vector<16xi32>], vector<16xf32>,
          %broadcast_in_dim3A_1025 = arith.constant 18 : i32
          %broadcast_in_dim3A_1026 = vector.broadcast %broadcast_in_dim3A_1025 : i32 to vector<16xi32>
          %gather3A_1027 = tpu.vector_load_idx %arg15[%add3A_970, %broadcast_in_dim3A_1026] : memref<128x32xf32, #tpu.memory_space<vmem>>[vector<16xi32>, vector<16xi32>], vector<16xf32>,
          tpu.vector_store_idx %arg16[%shift_right_arithmetic3A_967, %broadcast_in_dim3A_1026], %gather3A_1027 {add = true} : memref<129x32xf32, #tpu.memory_space<vmem>>[vector<16xi32>, vector<16xi32>], vector<16xf32>,
          %broadcast_in_dim3A_1028 = arith.constant 19 : i32
          %broadcast_in_dim3A_1029 = vector.broadcast %broadcast_in_dim3A_1028 : i32 to vector<16xi32>
          %gather3A_1030 = tpu.vector_load_idx %arg15[%add3A_970, %broadcast_in_dim3A_1029] : memref<128x32xf32, #tpu.memory_space<vmem>>[vector<16xi32>, vector<16xi32>], vector<16xf32>,
          tpu.vector_store_idx %arg16[%shift_right_arithmetic3A_967, %broadcast_in_dim3A_1029], %gather3A_1030 {add = true} : memref<129x32xf32, #tpu.memory_space<vmem>>[vector<16xi32>, vector<16xi32>], vector<16xf32>,
          %broadcast_in_dim3A_1031 = arith.constant 20 : i32
          %broadcast_in_dim3A_1032 = vector.broadcast %broadcast_in_dim3A_1031 : i32 to vector<16xi32>
          %gather3A_1033 = tpu.vector_load_idx %arg15[%add3A_970, %broadcast_in_dim3A_1032] : memref<128x32xf32, #tpu.memory_space<vmem>>[vector<16xi32>, vector<16xi32>], vector<16xf32>,
          tpu.vector_store_idx %arg16[%shift_right_arithmetic3A_967, %broadcast_in_dim3A_1032], %gather3A_1033 {add = true} : memref<129x32xf32, #tpu.memory_space<vmem>>[vector<16xi32>, vector<16xi32>], vector<16xf32>,
          %broadcast_in_dim3A_1034 = arith.constant 21 : i32
          %broadcast_in_dim3A_1035 = vector.broadcast %broadcast_in_dim3A_1034 : i32 to vector<16xi32>
          %gather3A_1036 = tpu.vector_load_idx %arg15[%add3A_970, %broadcast_in_dim3A_1035] : memref<128x32xf32, #tpu.memory_space<vmem>>[vector<16xi32>, vector<16xi32>], vector<16xf32>,
          tpu.vector_store_idx %arg16[%shift_right_arithmetic3A_967, %broadcast_in_dim3A_1035], %gather3A_1036 {add = true} : memref<129x32xf32, #tpu.memory_space<vmem>>[vector<16xi32>, vector<16xi32>], vector<16xf32>,
          %broadcast_in_dim3A_1037 = arith.constant 22 : i32
          %broadcast_in_dim3A_1038 = vector.broadcast %broadcast_in_dim3A_1037 : i32 to vector<16xi32>
          %gather3A_1039 = tpu.vector_load_idx %arg15[%add3A_970, %broadcast_in_dim3A_1038] : memref<128x32xf32, #tpu.memory_space<vmem>>[vector<16xi32>, vector<16xi32>], vector<16xf32>,
          tpu.vector_store_idx %arg16[%shift_right_arithmetic3A_967, %broadcast_in_dim3A_1038], %gather3A_1039 {add = true} : memref<129x32xf32, #tpu.memory_space<vmem>>[vector<16xi32>, vector<16xi32>], vector<16xf32>,
          %broadcast_in_dim3A_1040 = arith.constant 23 : i32
          %broadcast_in_dim3A_1041 = vector.broadcast %broadcast_in_dim3A_1040 : i32 to vector<16xi32>
          %gather3A_1042 = tpu.vector_load_idx %arg15[%add3A_970, %broadcast_in_dim3A_1041] : memref<128x32xf32, #tpu.memory_space<vmem>>[vector<16xi32>, vector<16xi32>], vector<16xf32>,
          tpu.vector_store_idx %arg16[%shift_right_arithmetic3A_967, %broadcast_in_dim3A_1041], %gather3A_1042 {add = true} : memref<129x32xf32, #tpu.memory_space<vmem>>[vector<16xi32>, vector<16xi32>], vector<16xf32>,
          %broadcast_in_dim3A_1043 = arith.constant 24 : i32
          %broadcast_in_dim3A_1044 = vector.broadcast %broadcast_in_dim3A_1043 : i32 to vector<16xi32>
          %gather3A_1045 = tpu.vector_load_idx %arg15[%add3A_970, %broadcast_in_dim3A_1044] : memref<128x32xf32, #tpu.memory_space<vmem>>[vector<16xi32>, vector<16xi32>], vector<16xf32>,
          tpu.vector_store_idx %arg16[%shift_right_arithmetic3A_967, %broadcast_in_dim3A_1044], %gather3A_1045 {add = true} : memref<129x32xf32, #tpu.memory_space<vmem>>[vector<16xi32>, vector<16xi32>], vector<16xf32>,
          %broadcast_in_dim3A_1046 = arith.constant 25 : i32
          %broadcast_in_dim3A_1047 = vector.broadcast %broadcast_in_dim3A_1046 : i32 to vector<16xi32>
          %gather3A_1048 = tpu.vector_load_idx %arg15[%add3A_970, %broadcast_in_dim3A_1047] : memref<128x32xf32, #tpu.memory_space<vmem>>[vector<16xi32>, vector<16xi32>], vector<16xf32>,
          tpu.vector_store_idx %arg16[%shift_right_arithmetic3A_967, %broadcast_in_dim3A_1047], %gather3A_1048 {add = true} : memref<129x32xf32, #tpu.memory_space<vmem>>[vector<16xi32>, vector<16xi32>], vector<16xf32>,
          %broadcast_in_dim3A_1049 = arith.constant 26 : i32
          %broadcast_in_dim3A_1050 = vector.broadcast %broadcast_in_dim3A_1049 : i32 to vector<16xi32>
          %gather3A_1051 = tpu.vector_load_idx %arg15[%add3A_970, %broadcast_in_dim3A_1050] : memref<128x32xf32, #tpu.memory_space<vmem>>[vector<16xi32>, vector<16xi32>], vector<16xf32>,
          tpu.vector_store_idx %arg16[%shift_right_arithmetic3A_967, %broadcast_in_dim3A_1050], %gather3A_1051 {add = true} : memref<129x32xf32, #tpu.memory_space<vmem>>[vector<16xi32>, vector<16xi32>], vector<16xf32>,
          %broadcast_in_dim3A_1052 = arith.constant 27 : i32
          %broadcast_in_dim3A_1053 = vector.broadcast %broadcast_in_dim3A_1052 : i32 to vector<16xi32>
          %gather3A_1054 = tpu.vector_load_idx %arg15[%add3A_970, %broadcast_in_dim3A_1053] : memref<128x32xf32, #tpu.memory_space<vmem>>[vector<16xi32>, vector<16xi32>], vector<16xf32>,
          tpu.vector_store_idx %arg16[%shift_right_arithmetic3A_967, %broadcast_in_dim3A_1053], %gather3A_1054 {add = true} : memref<129x32xf32, #tpu.memory_space<vmem>>[vector<16xi32>, vector<16xi32>], vector<16xf32>,
          %broadcast_in_dim3A_1055 = arith.constant 28 : i32
          %broadcast_in_dim3A_1056 = vector.broadcast %broadcast_in_dim3A_1055 : i32 to vector<16xi32>
          %gather3A_1057 = tpu.vector_load_idx %arg15[%add3A_970, %broadcast_in_dim3A_1056] : memref<128x32xf32, #tpu.memory_space<vmem>>[vector<16xi32>, vector<16xi32>], vector<16xf32>,
          tpu.vector_store_idx %arg16[%shift_right_arithmetic3A_967, %broadcast_in_dim3A_1056], %gather3A_1057 {add = true} : memref<129x32xf32, #tpu.memory_space<vmem>>[vector<16xi32>, vector<16xi32>], vector<16xf32>,
          %broadcast_in_dim3A_1058 = arith.constant 29 : i32
          %broadcast_in_dim3A_1059 = vector.broadcast %broadcast_in_dim3A_1058 : i32 to vector<16xi32>
          %gather3A_1060 = tpu.vector_load_idx %arg15[%add3A_970, %broadcast_in_dim3A_1059] : memref<128x32xf32, #tpu.memory_space<vmem>>[vector<16xi32>, vector<16xi32>], vector<16xf32>,
          tpu.vector_store_idx %arg16[%shift_right_arithmetic3A_967, %broadcast_in_dim3A_1059], %gather3A_1060 {add = true} : memref<129x32xf32, #tpu.memory_space<vmem>>[vector<16xi32>, vector<16xi32>], vector<16xf32>,
          %broadcast_in_dim3A_1061 = arith.constant 30 : i32
          %broadcast_in_dim3A_1062 = vector.broadcast %broadcast_in_dim3A_1061 : i32 to vector<16xi32>
          %gather3A_1063 = tpu.vector_load_idx %arg15[%add3A_970, %broadcast_in_dim3A_1062] : memref<128x32xf32, #tpu.memory_space<vmem>>[vector<16xi32>, vector<16xi32>], vector<16xf32>,
          tpu.vector_store_idx %arg16[%shift_right_arithmetic3A_967, %broadcast_in_dim3A_1062], %gather3A_1063 {add = true} : memref<129x32xf32, #tpu.memory_space<vmem>>[vector<16xi32>, vector<16xi32>], vector<16xf32>,
          %broadcast_in_dim3A_1064 = arith.constant 31 : i32
          %broadcast_in_dim3A_1065 = vector.broadcast %broadcast_in_dim3A_1064 : i32 to vector<16xi32>
          %gather3A_1066 = tpu.vector_load_idx %arg15[%add3A_970, %broadcast_in_dim3A_1065] : memref<128x32xf32, #tpu.memory_space<vmem>>[vector<16xi32>, vector<16xi32>], vector<16xf32>,
          tpu.vector_store_idx %arg16[%shift_right_arithmetic3A_967, %broadcast_in_dim3A_1065], %gather3A_1066 {add = true} : memref<129x32xf32, #tpu.memory_space<vmem>>[vector<16xi32>, vector<16xi32>], vector<16xf32>,
          %add3A_1067 = arith.constant 112 : i32
          %add3A_1068 = arith.addi %mul3A_34, %add3A_1067 : i32
          %get3A_1069 = arith.index_cast %add3A_1068 : i32 to index
          %get3A_1070 = tpu.vector_load %arg13[%get3A_1069] {strides = array<i32>} : memref<3472xi32, #tpu.memory_space<vmem>>, vector<16xi32>,
          %shift_right_arithmetic3A_1071 = arith.constant 5 : i32
          %shift_right_arithmetic3A_1072 = vector.broadcast %shift_right_arithmetic3A_1071 : i32 to vector<16xi32>
          %shift_right_arithmetic3A_1073 = arith.shrsi %get3A_1070, %shift_right_arithmetic3A_1072 : vector<16xi32>
          %add3A_1074 = arith.constant 112 : i32
          %add3A_1075 = vector.broadcast %add3A_1074 : i32 to vector<16xi32>
          %add3A_1076 = arith.addi %add3A_1075, %iota3A : vector<16xi32>
          %broadcast_in_dim3A_1077 = arith.constant 0 : i32
          %broadcast_in_dim3A_1078 = vector.broadcast %broadcast_in_dim3A_1077 : i32 to vector<16xi32>
          %gather3A_1079 = tpu.vector_load_idx %arg15[%add3A_1076, %broadcast_in_dim3A_1078] : memref<128x32xf32, #tpu.memory_space<vmem>>[vector<16xi32>, vector<16xi32>], vector<16xf32>,
          tpu.vector_store_idx %arg16[%shift_right_arithmetic3A_1073, %broadcast_in_dim3A_1078], %gather3A_1079 {add = true} : memref<129x32xf32, #tpu.memory_space<vmem>>[vector<16xi32>, vector<16xi32>], vector<16xf32>,
          %broadcast_in_dim3A_1080 = arith.constant 1 : i32
          %broadcast_in_dim3A_1081 = vector.broadcast %broadcast_in_dim3A_1080 : i32 to vector<16xi32>
          %gather3A_1082 = tpu.vector_load_idx %arg15[%add3A_1076, %broadcast_in_dim3A_1081] : memref<128x32xf32, #tpu.memory_space<vmem>>[vector<16xi32>, vector<16xi32>], vector<16xf32>,
          tpu.vector_store_idx %arg16[%shift_right_arithmetic3A_1073, %broadcast_in_dim3A_1081], %gather3A_1082 {add = true} : memref<129x32xf32, #tpu.memory_space<vmem>>[vector<16xi32>, vector<16xi32>], vector<16xf32>,
          %broadcast_in_dim3A_1083 = arith.constant 2 : i32
          %broadcast_in_dim3A_1084 = vector.broadcast %broadcast_in_dim3A_1083 : i32 to vector<16xi32>
          %gather3A_1085 = tpu.vector_load_idx %arg15[%add3A_1076, %broadcast_in_dim3A_1084] : memref<128x32xf32, #tpu.memory_space<vmem>>[vector<16xi32>, vector<16xi32>], vector<16xf32>,
          tpu.vector_store_idx %arg16[%shift_right_arithmetic3A_1073, %broadcast_in_dim3A_1084], %gather3A_1085 {add = true} : memref<129x32xf32, #tpu.memory_space<vmem>>[vector<16xi32>, vector<16xi32>], vector<16xf32>,
          %broadcast_in_dim3A_1086 = arith.constant 3 : i32
          %broadcast_in_dim3A_1087 = vector.broadcast %broadcast_in_dim3A_1086 : i32 to vector<16xi32>
          %gather3A_1088 = tpu.vector_load_idx %arg15[%add3A_1076, %broadcast_in_dim3A_1087] : memref<128x32xf32, #tpu.memory_space<vmem>>[vector<16xi32>, vector<16xi32>], vector<16xf32>,
          tpu.vector_store_idx %arg16[%shift_right_arithmetic3A_1073, %broadcast_in_dim3A_1087], %gather3A_1088 {add = true} : memref<129x32xf32, #tpu.memory_space<vmem>>[vector<16xi32>, vector<16xi32>], vector<16xf32>,
          %broadcast_in_dim3A_1089 = arith.constant 4 : i32
          %broadcast_in_dim3A_1090 = vector.broadcast %broadcast_in_dim3A_1089 : i32 to vector<16xi32>
          %gather3A_1091 = tpu.vector_load_idx %arg15[%add3A_1076, %broadcast_in_dim3A_1090] : memref<128x32xf32, #tpu.memory_space<vmem>>[vector<16xi32>, vector<16xi32>], vector<16xf32>,
          tpu.vector_store_idx %arg16[%shift_right_arithmetic3A_1073, %broadcast_in_dim3A_1090], %gather3A_1091 {add = true} : memref<129x32xf32, #tpu.memory_space<vmem>>[vector<16xi32>, vector<16xi32>], vector<16xf32>,
          %broadcast_in_dim3A_1092 = arith.constant 5 : i32
          %broadcast_in_dim3A_1093 = vector.broadcast %broadcast_in_dim3A_1092 : i32 to vector<16xi32>
          %gather3A_1094 = tpu.vector_load_idx %arg15[%add3A_1076, %broadcast_in_dim3A_1093] : memref<128x32xf32, #tpu.memory_space<vmem>>[vector<16xi32>, vector<16xi32>], vector<16xf32>,
          tpu.vector_store_idx %arg16[%shift_right_arithmetic3A_1073, %broadcast_in_dim3A_1093], %gather3A_1094 {add = true} : memref<129x32xf32, #tpu.memory_space<vmem>>[vector<16xi32>, vector<16xi32>], vector<16xf32>,
          %broadcast_in_dim3A_1095 = arith.constant 6 : i32
          %broadcast_in_dim3A_1096 = vector.broadcast %broadcast_in_dim3A_1095 : i32 to vector<16xi32>
          %gather3A_1097 = tpu.vector_load_idx %arg15[%add3A_1076, %broadcast_in_dim3A_1096] : memref<128x32xf32, #tpu.memory_space<vmem>>[vector<16xi32>, vector<16xi32>], vector<16xf32>,
          tpu.vector_store_idx %arg16[%shift_right_arithmetic3A_1073, %broadcast_in_dim3A_1096], %gather3A_1097 {add = true} : memref<129x32xf32, #tpu.memory_space<vmem>>[vector<16xi32>, vector<16xi32>], vector<16xf32>,
          %broadcast_in_dim3A_1098 = arith.constant 7 : i32
          %broadcast_in_dim3A_1099 = vector.broadcast %broadcast_in_dim3A_1098 : i32 to vector<16xi32>
          %gather3A_1100 = tpu.vector_load_idx %arg15[%add3A_1076, %broadcast_in_dim3A_1099] : memref<128x32xf32, #tpu.memory_space<vmem>>[vector<16xi32>, vector<16xi32>], vector<16xf32>,
          tpu.vector_store_idx %arg16[%shift_right_arithmetic3A_1073, %broadcast_in_dim3A_1099], %gather3A_1100 {add = true} : memref<129x32xf32, #tpu.memory_space<vmem>>[vector<16xi32>, vector<16xi32>], vector<16xf32>,
          %broadcast_in_dim3A_1101 = arith.constant 8 : i32
          %broadcast_in_dim3A_1102 = vector.broadcast %broadcast_in_dim3A_1101 : i32 to vector<16xi32>
          %gather3A_1103 = tpu.vector_load_idx %arg15[%add3A_1076, %broadcast_in_dim3A_1102] : memref<128x32xf32, #tpu.memory_space<vmem>>[vector<16xi32>, vector<16xi32>], vector<16xf32>,
          tpu.vector_store_idx %arg16[%shift_right_arithmetic3A_1073, %broadcast_in_dim3A_1102], %gather3A_1103 {add = true} : memref<129x32xf32, #tpu.memory_space<vmem>>[vector<16xi32>, vector<16xi32>], vector<16xf32>,
          %broadcast_in_dim3A_1104 = arith.constant 9 : i32
          %broadcast_in_dim3A_1105 = vector.broadcast %broadcast_in_dim3A_1104 : i32 to vector<16xi32>
          %gather3A_1106 = tpu.vector_load_idx %arg15[%add3A_1076, %broadcast_in_dim3A_1105] : memref<128x32xf32, #tpu.memory_space<vmem>>[vector<16xi32>, vector<16xi32>], vector<16xf32>,
          tpu.vector_store_idx %arg16[%shift_right_arithmetic3A_1073, %broadcast_in_dim3A_1105], %gather3A_1106 {add = true} : memref<129x32xf32, #tpu.memory_space<vmem>>[vector<16xi32>, vector<16xi32>], vector<16xf32>,
          %broadcast_in_dim3A_1107 = arith.constant 10 : i32
          %broadcast_in_dim3A_1108 = vector.broadcast %broadcast_in_dim3A_1107 : i32 to vector<16xi32>
          %gather3A_1109 = tpu.vector_load_idx %arg15[%add3A_1076, %broadcast_in_dim3A_1108] : memref<128x32xf32, #tpu.memory_space<vmem>>[vector<16xi32>, vector<16xi32>], vector<16xf32>,
          tpu.vector_store_idx %arg16[%shift_right_arithmetic3A_1073, %broadcast_in_dim3A_1108], %gather3A_1109 {add = true} : memref<129x32xf32, #tpu.memory_space<vmem>>[vector<16xi32>, vector<16xi32>], vector<16xf32>,
          %broadcast_in_dim3A_1110 = arith.constant 11 : i32
          %broadcast_in_dim3A_1111 = vector.broadcast %broadcast_in_dim3A_1110 : i32 to vector<16xi32>
          %gather3A_1112 = tpu.vector_load_idx %arg15[%add3A_1076, %broadcast_in_dim3A_1111] : memref<128x32xf32, #tpu.memory_space<vmem>>[vector<16xi32>, vector<16xi32>], vector<16xf32>,
          tpu.vector_store_idx %arg16[%shift_right_arithmetic3A_1073, %broadcast_in_dim3A_1111], %gather3A_1112 {add = true} : memref<129x32xf32, #tpu.memory_space<vmem>>[vector<16xi32>, vector<16xi32>], vector<16xf32>,
          %broadcast_in_dim3A_1113 = arith.constant 12 : i32
          %broadcast_in_dim3A_1114 = vector.broadcast %broadcast_in_dim3A_1113 : i32 to vector<16xi32>
          %gather3A_1115 = tpu.vector_load_idx %arg15[%add3A_1076, %broadcast_in_dim3A_1114] : memref<128x32xf32, #tpu.memory_space<vmem>>[vector<16xi32>, vector<16xi32>], vector<16xf32>,
          tpu.vector_store_idx %arg16[%shift_right_arithmetic3A_1073, %broadcast_in_dim3A_1114], %gather3A_1115 {add = true} : memref<129x32xf32, #tpu.memory_space<vmem>>[vector<16xi32>, vector<16xi32>], vector<16xf32>,
          %broadcast_in_dim3A_1116 = arith.constant 13 : i32
          %broadcast_in_dim3A_1117 = vector.broadcast %broadcast_in_dim3A_1116 : i32 to vector<16xi32>
          %gather3A_1118 = tpu.vector_load_idx %arg15[%add3A_1076, %broadcast_in_dim3A_1117] : memref<128x32xf32, #tpu.memory_space<vmem>>[vector<16xi32>, vector<16xi32>], vector<16xf32>,
          tpu.vector_store_idx %arg16[%shift_right_arithmetic3A_1073, %broadcast_in_dim3A_1117], %gather3A_1118 {add = true} : memref<129x32xf32, #tpu.memory_space<vmem>>[vector<16xi32>, vector<16xi32>], vector<16xf32>,
          %broadcast_in_dim3A_1119 = arith.constant 14 : i32
          %broadcast_in_dim3A_1120 = vector.broadcast %broadcast_in_dim3A_1119 : i32 to vector<16xi32>
          %gather3A_1121 = tpu.vector_load_idx %arg15[%add3A_1076, %broadcast_in_dim3A_1120] : memref<128x32xf32, #tpu.memory_space<vmem>>[vector<16xi32>, vector<16xi32>], vector<16xf32>,
          tpu.vector_store_idx %arg16[%shift_right_arithmetic3A_1073, %broadcast_in_dim3A_1120], %gather3A_1121 {add = true} : memref<129x32xf32, #tpu.memory_space<vmem>>[vector<16xi32>, vector<16xi32>], vector<16xf32>,
          %broadcast_in_dim3A_1122 = arith.constant 15 : i32
          %broadcast_in_dim3A_1123 = vector.broadcast %broadcast_in_dim3A_1122 : i32 to vector<16xi32>
          %gather3A_1124 = tpu.vector_load_idx %arg15[%add3A_1076, %broadcast_in_dim3A_1123] : memref<128x32xf32, #tpu.memory_space<vmem>>[vector<16xi32>, vector<16xi32>], vector<16xf32>,
          tpu.vector_store_idx %arg16[%shift_right_arithmetic3A_1073, %broadcast_in_dim3A_1123], %gather3A_1124 {add = true} : memref<129x32xf32, #tpu.memory_space<vmem>>[vector<16xi32>, vector<16xi32>], vector<16xf32>,
          %broadcast_in_dim3A_1125 = arith.constant 16 : i32
          %broadcast_in_dim3A_1126 = vector.broadcast %broadcast_in_dim3A_1125 : i32 to vector<16xi32>
          %gather3A_1127 = tpu.vector_load_idx %arg15[%add3A_1076, %broadcast_in_dim3A_1126] : memref<128x32xf32, #tpu.memory_space<vmem>>[vector<16xi32>, vector<16xi32>], vector<16xf32>,
          tpu.vector_store_idx %arg16[%shift_right_arithmetic3A_1073, %broadcast_in_dim3A_1126], %gather3A_1127 {add = true} : memref<129x32xf32, #tpu.memory_space<vmem>>[vector<16xi32>, vector<16xi32>], vector<16xf32>,
          %broadcast_in_dim3A_1128 = arith.constant 17 : i32
          %broadcast_in_dim3A_1129 = vector.broadcast %broadcast_in_dim3A_1128 : i32 to vector<16xi32>
          %gather3A_1130 = tpu.vector_load_idx %arg15[%add3A_1076, %broadcast_in_dim3A_1129] : memref<128x32xf32, #tpu.memory_space<vmem>>[vector<16xi32>, vector<16xi32>], vector<16xf32>,
          tpu.vector_store_idx %arg16[%shift_right_arithmetic3A_1073, %broadcast_in_dim3A_1129], %gather3A_1130 {add = true} : memref<129x32xf32, #tpu.memory_space<vmem>>[vector<16xi32>, vector<16xi32>], vector<16xf32>,
          %broadcast_in_dim3A_1131 = arith.constant 18 : i32
          %broadcast_in_dim3A_1132 = vector.broadcast %broadcast_in_dim3A_1131 : i32 to vector<16xi32>
          %gather3A_1133 = tpu.vector_load_idx %arg15[%add3A_1076, %broadcast_in_dim3A_1132] : memref<128x32xf32, #tpu.memory_space<vmem>>[vector<16xi32>, vector<16xi32>], vector<16xf32>,
          tpu.vector_store_idx %arg16[%shift_right_arithmetic3A_1073, %broadcast_in_dim3A_1132], %gather3A_1133 {add = true} : memref<129x32xf32, #tpu.memory_space<vmem>>[vector<16xi32>, vector<16xi32>], vector<16xf32>,
          %broadcast_in_dim3A_1134 = arith.constant 19 : i32
          %broadcast_in_dim3A_1135 = vector.broadcast %broadcast_in_dim3A_1134 : i32 to vector<16xi32>
          %gather3A_1136 = tpu.vector_load_idx %arg15[%add3A_1076, %broadcast_in_dim3A_1135] : memref<128x32xf32, #tpu.memory_space<vmem>>[vector<16xi32>, vector<16xi32>], vector<16xf32>,
          tpu.vector_store_idx %arg16[%shift_right_arithmetic3A_1073, %broadcast_in_dim3A_1135], %gather3A_1136 {add = true} : memref<129x32xf32, #tpu.memory_space<vmem>>[vector<16xi32>, vector<16xi32>], vector<16xf32>,
          %broadcast_in_dim3A_1137 = arith.constant 20 : i32
          %broadcast_in_dim3A_1138 = vector.broadcast %broadcast_in_dim3A_1137 : i32 to vector<16xi32>
          %gather3A_1139 = tpu.vector_load_idx %arg15[%add3A_1076, %broadcast_in_dim3A_1138] : memref<128x32xf32, #tpu.memory_space<vmem>>[vector<16xi32>, vector<16xi32>], vector<16xf32>,
          tpu.vector_store_idx %arg16[%shift_right_arithmetic3A_1073, %broadcast_in_dim3A_1138], %gather3A_1139 {add = true} : memref<129x32xf32, #tpu.memory_space<vmem>>[vector<16xi32>, vector<16xi32>], vector<16xf32>,
          %broadcast_in_dim3A_1140 = arith.constant 21 : i32
          %broadcast_in_dim3A_1141 = vector.broadcast %broadcast_in_dim3A_1140 : i32 to vector<16xi32>
          %gather3A_1142 = tpu.vector_load_idx %arg15[%add3A_1076, %broadcast_in_dim3A_1141] : memref<128x32xf32, #tpu.memory_space<vmem>>[vector<16xi32>, vector<16xi32>], vector<16xf32>,
          tpu.vector_store_idx %arg16[%shift_right_arithmetic3A_1073, %broadcast_in_dim3A_1141], %gather3A_1142 {add = true} : memref<129x32xf32, #tpu.memory_space<vmem>>[vector<16xi32>, vector<16xi32>], vector<16xf32>,
          %broadcast_in_dim3A_1143 = arith.constant 22 : i32
          %broadcast_in_dim3A_1144 = vector.broadcast %broadcast_in_dim3A_1143 : i32 to vector<16xi32>
          %gather3A_1145 = tpu.vector_load_idx %arg15[%add3A_1076, %broadcast_in_dim3A_1144] : memref<128x32xf32, #tpu.memory_space<vmem>>[vector<16xi32>, vector<16xi32>], vector<16xf32>,
          tpu.vector_store_idx %arg16[%shift_right_arithmetic3A_1073, %broadcast_in_dim3A_1144], %gather3A_1145 {add = true} : memref<129x32xf32, #tpu.memory_space<vmem>>[vector<16xi32>, vector<16xi32>], vector<16xf32>,
          %broadcast_in_dim3A_1146 = arith.constant 23 : i32
          %broadcast_in_dim3A_1147 = vector.broadcast %broadcast_in_dim3A_1146 : i32 to vector<16xi32>
          %gather3A_1148 = tpu.vector_load_idx %arg15[%add3A_1076, %broadcast_in_dim3A_1147] : memref<128x32xf32, #tpu.memory_space<vmem>>[vector<16xi32>, vector<16xi32>], vector<16xf32>,
          tpu.vector_store_idx %arg16[%shift_right_arithmetic3A_1073, %broadcast_in_dim3A_1147], %gather3A_1148 {add = true} : memref<129x32xf32, #tpu.memory_space<vmem>>[vector<16xi32>, vector<16xi32>], vector<16xf32>,
          %broadcast_in_dim3A_1149 = arith.constant 24 : i32
          %broadcast_in_dim3A_1150 = vector.broadcast %broadcast_in_dim3A_1149 : i32 to vector<16xi32>
          %gather3A_1151 = tpu.vector_load_idx %arg15[%add3A_1076, %broadcast_in_dim3A_1150] : memref<128x32xf32, #tpu.memory_space<vmem>>[vector<16xi32>, vector<16xi32>], vector<16xf32>,
          tpu.vector_store_idx %arg16[%shift_right_arithmetic3A_1073, %broadcast_in_dim3A_1150], %gather3A_1151 {add = true} : memref<129x32xf32, #tpu.memory_space<vmem>>[vector<16xi32>, vector<16xi32>], vector<16xf32>,
          %broadcast_in_dim3A_1152 = arith.constant 25 : i32
          %broadcast_in_dim3A_1153 = vector.broadcast %broadcast_in_dim3A_1152 : i32 to vector<16xi32>
          %gather3A_1154 = tpu.vector_load_idx %arg15[%add3A_1076, %broadcast_in_dim3A_1153] : memref<128x32xf32, #tpu.memory_space<vmem>>[vector<16xi32>, vector<16xi32>], vector<16xf32>,
          tpu.vector_store_idx %arg16[%shift_right_arithmetic3A_1073, %broadcast_in_dim3A_1153], %gather3A_1154 {add = true} : memref<129x32xf32, #tpu.memory_space<vmem>>[vector<16xi32>, vector<16xi32>], vector<16xf32>,
          %broadcast_in_dim3A_1155 = arith.constant 26 : i32
          %broadcast_in_dim3A_1156 = vector.broadcast %broadcast_in_dim3A_1155 : i32 to vector<16xi32>
          %gather3A_1157 = tpu.vector_load_idx %arg15[%add3A_1076, %broadcast_in_dim3A_1156] : memref<128x32xf32, #tpu.memory_space<vmem>>[vector<16xi32>, vector<16xi32>], vector<16xf32>,
          tpu.vector_store_idx %arg16[%shift_right_arithmetic3A_1073, %broadcast_in_dim3A_1156], %gather3A_1157 {add = true} : memref<129x32xf32, #tpu.memory_space<vmem>>[vector<16xi32>, vector<16xi32>], vector<16xf32>,
          %broadcast_in_dim3A_1158 = arith.constant 27 : i32
          %broadcast_in_dim3A_1159 = vector.broadcast %broadcast_in_dim3A_1158 : i32 to vector<16xi32>
          %gather3A_1160 = tpu.vector_load_idx %arg15[%add3A_1076, %broadcast_in_dim3A_1159] : memref<128x32xf32, #tpu.memory_space<vmem>>[vector<16xi32>, vector<16xi32>], vector<16xf32>,
          tpu.vector_store_idx %arg16[%shift_right_arithmetic3A_1073, %broadcast_in_dim3A_1159], %gather3A_1160 {add = true} : memref<129x32xf32, #tpu.memory_space<vmem>>[vector<16xi32>, vector<16xi32>], vector<16xf32>,
          %broadcast_in_dim3A_1161 = arith.constant 28 : i32
          %broadcast_in_dim3A_1162 = vector.broadcast %broadcast_in_dim3A_1161 : i32 to vector<16xi32>
          %gather3A_1163 = tpu.vector_load_idx %arg15[%add3A_1076, %broadcast_in_dim3A_1162] : memref<128x32xf32, #tpu.memory_space<vmem>>[vector<16xi32>, vector<16xi32>], vector<16xf32>,
          tpu.vector_store_idx %arg16[%shift_right_arithmetic3A_1073, %broadcast_in_dim3A_1162], %gather3A_1163 {add = true} : memref<129x32xf32, #tpu.memory_space<vmem>>[vector<16xi32>, vector<16xi32>], vector<16xf32>,
          %broadcast_in_dim3A_1164 = arith.constant 29 : i32
          %broadcast_in_dim3A_1165 = vector.broadcast %broadcast_in_dim3A_1164 : i32 to vector<16xi32>
          %gather3A_1166 = tpu.vector_load_idx %arg15[%add3A_1076, %broadcast_in_dim3A_1165] : memref<128x32xf32, #tpu.memory_space<vmem>>[vector<16xi32>, vector<16xi32>], vector<16xf32>,
          tpu.vector_store_idx %arg16[%shift_right_arithmetic3A_1073, %broadcast_in_dim3A_1165], %gather3A_1166 {add = true} : memref<129x32xf32, #tpu.memory_space<vmem>>[vector<16xi32>, vector<16xi32>], vector<16xf32>,
          %broadcast_in_dim3A_1167 = arith.constant 30 : i32
          %broadcast_in_dim3A_1168 = vector.broadcast %broadcast_in_dim3A_1167 : i32 to vector<16xi32>
          %gather3A_1169 = tpu.vector_load_idx %arg15[%add3A_1076, %broadcast_in_dim3A_1168] : memref<128x32xf32, #tpu.memory_space<vmem>>[vector<16xi32>, vector<16xi32>], vector<16xf32>,
          tpu.vector_store_idx %arg16[%shift_right_arithmetic3A_1073, %broadcast_in_dim3A_1168], %gather3A_1169 {add = true} : memref<129x32xf32, #tpu.memory_space<vmem>>[vector<16xi32>, vector<16xi32>], vector<16xf32>,
          %broadcast_in_dim3A_1170 = arith.constant 31 : i32
          %broadcast_in_dim3A_1171 = vector.broadcast %broadcast_in_dim3A_1170 : i32 to vector<16xi32>
          %gather3A_1172 = tpu.vector_load_idx %arg15[%add3A_1076, %broadcast_in_dim3A_1171] : memref<128x32xf32, #tpu.memory_space<vmem>>[vector<16xi32>, vector<16xi32>], vector<16xf32>,
          tpu.vector_store_idx %arg16[%shift_right_arithmetic3A_1073, %broadcast_in_dim3A_1171], %gather3A_1172 {add = true} : memref<129x32xf32, #tpu.memory_space<vmem>>[vector<16xi32>, vector<16xi32>], vector<16xf32>,
        } else {
        }
      }
      %scan3A_25 = arith.constant 26 : i32
      %add3A_26 = arith.addi %mul3A_2, %mul3A_18 : i32
      "tpu.region"() ({
        %run_scoped3A = tpu.sem_alloc : memref<!tpu.dma_semaphore, #tpu.memory_space<semaphore_mem>>
        %dma_start3A = arith.constant 0 : i32
        %dma_start3A_27 = arith.constant 0 : i32
        %dma_start3A_28 = tpu.memref_slice %arg16[%dma_start3A, %dma_start3A_27] : memref<129x32xf32, #tpu.memory_space<vmem>> -> memref<128x32xf32, #tpu.memory_space<vmem>>
        %dma_start3A_29 = arith.constant 0 : i32
        %dma_start3A_30 = tpu.memref_slice %arg7[%add3A_26, %dma_start3A_29] : memref<102400x32xf32, #tpu.memory_space<hbm>> -> memref<128x32xf32, #tpu.memory_space<hbm>>
        %dma_start3A_31 = arith.constant 0 : i32
        %dma_start3A_32 = tpu.memref_slice %arg7[%add3A_26, %dma_start3A_31] : memref<102400x32xf32, #tpu.memory_space<hbm>> -> memref<128x32xf32, #tpu.memory_space<hbm>>
        %dma_start3A_33 = arith.constant 0 : i32
        %dma_start3A_34 = arith.constant 0 : i32
        %dma_start3A_35 = tpu.memref_slice %arg16[%dma_start3A_33, %dma_start3A_34] : memref<129x32xf32, #tpu.memory_space<vmem>> -> memref<128x32xf32, #tpu.memory_space<vmem>>
        tpu.enqueue_dma source(%dma_start3A_35 : memref<128x32xf32, #tpu.memory_space<vmem>>) target(%dma_start3A_32 : memref<128x32xf32, #tpu.memory_space<hbm>>) target_semaphore(%run_scoped3A : memref<!tpu.dma_semaphore, #tpu.memory_space<semaphore_mem>>)
        %dma_wait3A = arith.constant 0 : i32
        %dma_wait3A_36 = arith.constant 0 : i32
        %dma_wait3A_37 = tpu.memref_slice %arg16[%dma_wait3A, %dma_wait3A_36] : memref<129x32xf32, #tpu.memory_space<vmem>> -> memref<128x32xf32, #tpu.memory_space<vmem>>
        %dma_wait3A_38 = arith.constant 0 : i32
        %dma_wait3A_39 = tpu.memref_slice %arg7[%add3A_26, %dma_wait3A_38] : memref<102400x32xf32, #tpu.memory_space<hbm>> -> memref<128x32xf32, #tpu.memory_space<hbm>>
        %dma_wait3A_40 = arith.constant 0 : i32
        %dma_wait3A_41 = tpu.memref_slice %arg7[%add3A_26, %dma_wait3A_40] : memref<102400x32xf32, #tpu.memory_space<hbm>> -> memref<128x32xf32, #tpu.memory_space<hbm>>
        %dma_wait3A_42 = arith.constant 0 : i32
        %dma_wait3A_43 = arith.constant 0 : i32
        %dma_wait3A_44 = tpu.memref_slice %arg16[%dma_wait3A_42, %dma_wait3A_43] : memref<129x32xf32, #tpu.memory_space<vmem>> -> memref<128x32xf32, #tpu.memory_space<vmem>>
        tpu.wait_dma2 semaphore(%run_scoped3A : memref<!tpu.dma_semaphore, #tpu.memory_space<semaphore_mem>>) src(%dma_wait3A_44 : memref<128x32xf32, #tpu.memory_space<vmem>>) dst(%dma_wait3A_41 : memref<128x32xf32, #tpu.memory_space<hbm>>)
        tpu.yield
      }) : () -> ()
    }
    %scan3A_11 = arith.constant 25 : i32
    return
  }
}

#map = affine_map<(d0, d1) -> (0)>
module attributes {stable_mosaic.version = 14 : i64} {
  func.func @k(%arg0: i32, %arg1: i32, %arg2: memref<102400xi32, #tpu.memory_space<hbm>>, %arg3: memref<2097152xi32, #tpu.memory_space<hbm>>, %arg4: memref<65536xi32, #tpu.memory_space<hbm>>, %arg5: memref<65552xi32, #tpu.memory_space<vmem>>, %arg6: memref<2048xi32, #tpu.memory_space<vmem>>, %arg7: memref<2048xi32, #tpu.memory_space<vmem>>) attributes {dimension_semantics = [#tpu.dimension_semantics<core_parallel>, #tpu.dimension_semantics<subcore_parallel>], iteration_bounds = array<i64: 2, 16>, scalar_prefetch = 0 : i64, scratch_operands = 3 : i64, tpu.core_type = #tpu.core_type<sc_vector_subcore>, window_params = [{transform_indices = #map}, {transform_indices = #map}, {transform_indices = #map}]} {
    %mul3A = arith.constant 2 : i32
    %mul3A_0 = arith.muli %arg1, %mul3A : i32
    %add3A = arith.addi %mul3A_0, %arg0 : i32
    %mul3A_1 = arith.constant 65536 : i32
    %mul3A_2 = arith.muli %add3A, %mul3A_1 : i32
    %broadcast_in_dim3A = arith.constant 100000 : i32
    %broadcast_in_dim3A_3 = vector.broadcast %broadcast_in_dim3A : i32 to vector<16xi32>
    %scan3A = arith.constant 0 : i32
    %scan3A_4 = arith.constant 4096 : i32
    %scan3A_5 = arith.addi %scan3A, %scan3A_4 : i32
    %scan3A_6 = arith.constant 1 : i32
    scf.for %scan3A_23 = %scan3A to %scan3A_5 step %scan3A_6  : i32 {
      %mul3A_24 = arith.constant 16 : i32
      %mul3A_25 = arith.muli %scan3A_23, %mul3A_24 : i32
      %add3A_26 = arith.constant 0 : i32
      %add3A_27 = arith.addi %add3A_26, %mul3A_25 : i32
      %swap3A = arith.index_cast %add3A_27 : i32 to index
      %swap3A_28 = tpu.vector_load %arg5[%swap3A] {strides = array<i32>} : memref<65552xi32, #tpu.memory_space<vmem>>, vector<16xi32>,
      tpu.vector_store %arg5[%swap3A], %broadcast_in_dim3A_3 {strides = array<i32>} : memref<65552xi32, #tpu.memory_space<vmem>>, vector<16xi32>,
    }
    %scan3A_7 = arith.constant 4096 : i32
    %iota3A = tpu.iota {dimensions = array<i32: 0>} : vector<16xi32>
    %scan3A_8 = arith.constant 0 : i32
    %scan3A_9 = arith.constant 50 : i32
    %scan3A_10 = arith.addi %scan3A_8, %scan3A_9 : i32
    %scan3A_11 = arith.constant 1 : i32
    scf.for %scan3A_23 = %scan3A_8 to %scan3A_10 step %scan3A_11  : i32 {
      %mul3A_24 = arith.constant 1 : i32
      %mul3A_25 = arith.muli %scan3A_23, %mul3A_24 : i32
      %add3A_26 = arith.constant 0 : i32
      %add3A_27 = arith.addi %add3A_26, %mul3A_25 : i32
      %mul3A_28 = arith.constant 2048 : i32
      %mul3A_29 = arith.muli %add3A_27, %mul3A_28 : i32
      "tpu.region"() ({
        %run_scoped3A = tpu.sem_alloc : memref<!tpu.dma_semaphore, #tpu.memory_space<semaphore_mem>>
        %dma_start3A = tpu.memref_slice %arg2[%mul3A_29] : memref<102400xi32, #tpu.memory_space<hbm>> -> memref<2048xi32, #tpu.memory_space<hbm>>
        %dma_start3A_35 = tpu.memref_slice %arg2[%mul3A_29] : memref<102400xi32, #tpu.memory_space<hbm>> -> memref<2048xi32, #tpu.memory_space<hbm>>
        tpu.enqueue_dma source(%dma_start3A_35 : memref<2048xi32, #tpu.memory_space<hbm>>) target(%arg6 : memref<2048xi32, #tpu.memory_space<vmem>>) target_semaphore(%run_scoped3A : memref<!tpu.dma_semaphore, #tpu.memory_space<semaphore_mem>>)
        %dma_wait3A = tpu.memref_slice %arg2[%mul3A_29] : memref<102400xi32, #tpu.memory_space<hbm>> -> memref<2048xi32, #tpu.memory_space<hbm>>
        %dma_wait3A_36 = tpu.memref_slice %arg2[%mul3A_29] : memref<102400xi32, #tpu.memory_space<hbm>> -> memref<2048xi32, #tpu.memory_space<hbm>>
        tpu.wait_dma2 semaphore(%run_scoped3A : memref<!tpu.dma_semaphore, #tpu.memory_space<semaphore_mem>>) src(%dma_wait3A_36 : memref<2048xi32, #tpu.memory_space<hbm>>) dst(%arg6 : memref<2048xi32, #tpu.memory_space<vmem>>)
        tpu.yield
      }) : () -> ()
      %scan3A_30 = arith.constant 0 : i32
      %scan3A_31 = arith.constant 128 : i32
      %scan3A_32 = arith.addi %scan3A_30, %scan3A_31 : i32
      %scan3A_33 = arith.constant 1 : i32
      scf.for %scan3A_35 = %scan3A_30 to %scan3A_32 step %scan3A_33  : i32 {
        %mul3A_36 = arith.constant 16 : i32
        %mul3A_37 = arith.muli %scan3A_35, %mul3A_36 : i32
        %add3A_38 = arith.constant 0 : i32
        %add3A_39 = arith.addi %add3A_38, %mul3A_37 : i32
        %get3A = arith.index_cast %add3A_39 : i32 to index
        %get3A_40 = tpu.vector_load %arg6[%get3A] {strides = array<i32>} : memref<2048xi32, #tpu.memory_space<vmem>>, vector<16xi32>,
        %sub3A = vector.broadcast %mul3A_2 : i32 to vector<16xi32>
        %sub3A_41 = arith.subi %get3A_40, %sub3A : vector<16xi32>
        %ge3A = arith.constant 0 : i32
        %ge3A_42 = vector.broadcast %ge3A : i32 to vector<16xi32>
        %ge3A_43 = arith.cmpi sge, %sub3A_41, %ge3A_42 : vector<16xi32>
        %lt3A = arith.constant 65536 : i32
        %lt3A_44 = vector.broadcast %lt3A : i32 to vector<16xi32>
        %lt3A_45 = arith.cmpi slt, %sub3A_41, %lt3A_44 : vector<16xi32>
        %and3A = arith.andi %ge3A_43, %lt3A_45 : vector<16xi1>
        %jit3A = arith.constant 65536 : i32
        %broadcast_in_dim3A_46 = vector.broadcast %jit3A : i32 to vector<16xi32>
        %select_n3A = arith.select %and3A, %sub3A_41, %broadcast_in_dim3A_46 : vector<16xi1>, vector<16xi32>
        %mul3A_47 = arith.constant 2048 : i32
        %mul3A_48 = arith.muli %add3A_27, %mul3A_47 : i32
        %add3A_49 = arith.addi %mul3A_48, %add3A_39 : i32
        %add3A_50 = vector.broadcast %add3A_49 : i32 to vector<16xi32>
        %add3A_51 = arith.addi %add3A_50, %iota3A : vector<16xi32>
        tpu.vector_store_idx %arg5[%select_n3A], %add3A_51 : memref<65552xi32, #tpu.memory_space<vmem>>[vector<16xi32>], vector<16xi32>,
      }
      %scan3A_34 = arith.constant 128 : i32
    }
    %scan3A_12 = arith.constant 50 : i32
    %mul3A_13 = arith.constant 32 : i32
    %mul3A_14 = vector.broadcast %mul3A_13 : i32 to vector<16xi32>
    %mul3A_15 = arith.muli %iota3A, %mul3A_14 : vector<16xi32>
    %scan3A_16 = arith.constant 0 : i32
    %scan3A_17 = arith.constant 128 : i32
    %scan3A_18 = arith.addi %scan3A_16, %scan3A_17 : i32
    %scan3A_19 = arith.constant 1 : i32
    scf.for %scan3A_23 = %scan3A_16 to %scan3A_18 step %scan3A_19  : i32 {
      %mul3A_24 = arith.constant 16 : i32
      %mul3A_25 = arith.muli %scan3A_23, %mul3A_24 : i32
      %add3A_26 = arith.constant 0 : i32
      %add3A_27 = arith.addi %add3A_26, %mul3A_25 : i32
      %broadcast_in_dim3A_28 = arith.constant 0 : i32
      %broadcast_in_dim3A_29 = vector.broadcast %broadcast_in_dim3A_28 : i32 to vector<16xi32>
      %mul3A_30 = arith.constant 32 : i32
      %mul3A_31 = arith.muli %add3A_27, %mul3A_30 : i32
      %add3A_32 = vector.broadcast %mul3A_31 : i32 to vector<16xi32>
      %add3A_33 = arith.addi %add3A_32, %mul3A_15 : vector<16xi32>
      %add3A_34 = arith.constant 0 : i32
      %add3A_35 = vector.broadcast %add3A_34 : i32 to vector<16xi32>
      %add3A_36 = arith.addi %add3A_33, %add3A_35 : vector<16xi32>
      %gather3A = tpu.vector_load_idx %arg5[%add3A_36] : memref<65552xi32, #tpu.memory_space<vmem>>[vector<16xi32>], vector<16xi32>,
      %ne3A = arith.constant 100000 : i32
      %ne3A_37 = vector.broadcast %ne3A : i32 to vector<16xi32>
      %ne3A_38 = arith.cmpi ne, %gather3A, %ne3A_37 : vector<16xi32>
      %jit3A = arith.constant 1 : i32
      %jit3A_39 = arith.constant 0 : i32
      %broadcast_in_dim3A_40 = vector.broadcast %jit3A : i32 to vector<16xi32>
      %broadcast_in_dim3A_41 = vector.broadcast %jit3A_39 : i32 to vector<16xi32>
      %select_n3A = arith.select %ne3A_38, %broadcast_in_dim3A_40, %broadcast_in_dim3A_41 : vector<16xi1>, vector<16xi32>
      %or3A = arith.ori %broadcast_in_dim3A_29, %select_n3A : vector<16xi32>
      %mul3A_42 = arith.constant 32 : i32
      %mul3A_43 = arith.muli %add3A_27, %mul3A_42 : i32
      %add3A_44 = vector.broadcast %mul3A_43 : i32 to vector<16xi32>
      %add3A_45 = arith.addi %add3A_44, %mul3A_15 : vector<16xi32>
      %add3A_46 = arith.constant 1 : i32
      %add3A_47 = vector.broadcast %add3A_46 : i32 to vector<16xi32>
      %add3A_48 = arith.addi %add3A_45, %add3A_47 : vector<16xi32>
      %gather3A_49 = tpu.vector_load_idx %arg5[%add3A_48] : memref<65552xi32, #tpu.memory_space<vmem>>[vector<16xi32>], vector<16xi32>,
      %ne3A_50 = arith.constant 100000 : i32
      %ne3A_51 = vector.broadcast %ne3A_50 : i32 to vector<16xi32>
      %ne3A_52 = arith.cmpi ne, %gather3A_49, %ne3A_51 : vector<16xi32>
      %jit3A_53 = arith.constant 2 : i32
      %jit3A_54 = arith.constant 0 : i32
      %broadcast_in_dim3A_55 = vector.broadcast %jit3A_53 : i32 to vector<16xi32>
      %broadcast_in_dim3A_56 = vector.broadcast %jit3A_54 : i32 to vector<16xi32>
      %select_n3A_57 = arith.select %ne3A_52, %broadcast_in_dim3A_55, %broadcast_in_dim3A_56 : vector<16xi1>, vector<16xi32>
      %or3A_58 = arith.ori %or3A, %select_n3A_57 : vector<16xi32>
      %mul3A_59 = arith.constant 32 : i32
      %mul3A_60 = arith.muli %add3A_27, %mul3A_59 : i32
      %add3A_61 = vector.broadcast %mul3A_60 : i32 to vector<16xi32>
      %add3A_62 = arith.addi %add3A_61, %mul3A_15 : vector<16xi32>
      %add3A_63 = arith.constant 2 : i32
      %add3A_64 = vector.broadcast %add3A_63 : i32 to vector<16xi32>
      %add3A_65 = arith.addi %add3A_62, %add3A_64 : vector<16xi32>
      %gather3A_66 = tpu.vector_load_idx %arg5[%add3A_65] : memref<65552xi32, #tpu.memory_space<vmem>>[vector<16xi32>], vector<16xi32>,
      %ne3A_67 = arith.constant 100000 : i32
      %ne3A_68 = vector.broadcast %ne3A_67 : i32 to vector<16xi32>
      %ne3A_69 = arith.cmpi ne, %gather3A_66, %ne3A_68 : vector<16xi32>
      %jit3A_70 = arith.constant 4 : i32
      %jit3A_71 = arith.constant 0 : i32
      %broadcast_in_dim3A_72 = vector.broadcast %jit3A_70 : i32 to vector<16xi32>
      %broadcast_in_dim3A_73 = vector.broadcast %jit3A_71 : i32 to vector<16xi32>
      %select_n3A_74 = arith.select %ne3A_69, %broadcast_in_dim3A_72, %broadcast_in_dim3A_73 : vector<16xi1>, vector<16xi32>
      %or3A_75 = arith.ori %or3A_58, %select_n3A_74 : vector<16xi32>
      %mul3A_76 = arith.constant 32 : i32
      %mul3A_77 = arith.muli %add3A_27, %mul3A_76 : i32
      %add3A_78 = vector.broadcast %mul3A_77 : i32 to vector<16xi32>
      %add3A_79 = arith.addi %add3A_78, %mul3A_15 : vector<16xi32>
      %add3A_80 = arith.constant 3 : i32
      %add3A_81 = vector.broadcast %add3A_80 : i32 to vector<16xi32>
      %add3A_82 = arith.addi %add3A_79, %add3A_81 : vector<16xi32>
      %gather3A_83 = tpu.vector_load_idx %arg5[%add3A_82] : memref<65552xi32, #tpu.memory_space<vmem>>[vector<16xi32>], vector<16xi32>,
      %ne3A_84 = arith.constant 100000 : i32
      %ne3A_85 = vector.broadcast %ne3A_84 : i32 to vector<16xi32>
      %ne3A_86 = arith.cmpi ne, %gather3A_83, %ne3A_85 : vector<16xi32>
      %jit3A_87 = arith.constant 8 : i32
      %jit3A_88 = arith.constant 0 : i32
      %broadcast_in_dim3A_89 = vector.broadcast %jit3A_87 : i32 to vector<16xi32>
      %broadcast_in_dim3A_90 = vector.broadcast %jit3A_88 : i32 to vector<16xi32>
      %select_n3A_91 = arith.select %ne3A_86, %broadcast_in_dim3A_89, %broadcast_in_dim3A_90 : vector<16xi1>, vector<16xi32>
      %or3A_92 = arith.ori %or3A_75, %select_n3A_91 : vector<16xi32>
      %mul3A_93 = arith.constant 32 : i32
      %mul3A_94 = arith.muli %add3A_27, %mul3A_93 : i32
      %add3A_95 = vector.broadcast %mul3A_94 : i32 to vector<16xi32>
      %add3A_96 = arith.addi %add3A_95, %mul3A_15 : vector<16xi32>
      %add3A_97 = arith.constant 4 : i32
      %add3A_98 = vector.broadcast %add3A_97 : i32 to vector<16xi32>
      %add3A_99 = arith.addi %add3A_96, %add3A_98 : vector<16xi32>
      %gather3A_100 = tpu.vector_load_idx %arg5[%add3A_99] : memref<65552xi32, #tpu.memory_space<vmem>>[vector<16xi32>], vector<16xi32>,
      %ne3A_101 = arith.constant 100000 : i32
      %ne3A_102 = vector.broadcast %ne3A_101 : i32 to vector<16xi32>
      %ne3A_103 = arith.cmpi ne, %gather3A_100, %ne3A_102 : vector<16xi32>
      %jit3A_104 = arith.constant 16 : i32
      %jit3A_105 = arith.constant 0 : i32
      %broadcast_in_dim3A_106 = vector.broadcast %jit3A_104 : i32 to vector<16xi32>
      %broadcast_in_dim3A_107 = vector.broadcast %jit3A_105 : i32 to vector<16xi32>
      %select_n3A_108 = arith.select %ne3A_103, %broadcast_in_dim3A_106, %broadcast_in_dim3A_107 : vector<16xi1>, vector<16xi32>
      %or3A_109 = arith.ori %or3A_92, %select_n3A_108 : vector<16xi32>
      %mul3A_110 = arith.constant 32 : i32
      %mul3A_111 = arith.muli %add3A_27, %mul3A_110 : i32
      %add3A_112 = vector.broadcast %mul3A_111 : i32 to vector<16xi32>
      %add3A_113 = arith.addi %add3A_112, %mul3A_15 : vector<16xi32>
      %add3A_114 = arith.constant 5 : i32
      %add3A_115 = vector.broadcast %add3A_114 : i32 to vector<16xi32>
      %add3A_116 = arith.addi %add3A_113, %add3A_115 : vector<16xi32>
      %gather3A_117 = tpu.vector_load_idx %arg5[%add3A_116] : memref<65552xi32, #tpu.memory_space<vmem>>[vector<16xi32>], vector<16xi32>,
      %ne3A_118 = arith.constant 100000 : i32
      %ne3A_119 = vector.broadcast %ne3A_118 : i32 to vector<16xi32>
      %ne3A_120 = arith.cmpi ne, %gather3A_117, %ne3A_119 : vector<16xi32>
      %jit3A_121 = arith.constant 32 : i32
      %jit3A_122 = arith.constant 0 : i32
      %broadcast_in_dim3A_123 = vector.broadcast %jit3A_121 : i32 to vector<16xi32>
      %broadcast_in_dim3A_124 = vector.broadcast %jit3A_122 : i32 to vector<16xi32>
      %select_n3A_125 = arith.select %ne3A_120, %broadcast_in_dim3A_123, %broadcast_in_dim3A_124 : vector<16xi1>, vector<16xi32>
      %or3A_126 = arith.ori %or3A_109, %select_n3A_125 : vector<16xi32>
      %mul3A_127 = arith.constant 32 : i32
      %mul3A_128 = arith.muli %add3A_27, %mul3A_127 : i32
      %add3A_129 = vector.broadcast %mul3A_128 : i32 to vector<16xi32>
      %add3A_130 = arith.addi %add3A_129, %mul3A_15 : vector<16xi32>
      %add3A_131 = arith.constant 6 : i32
      %add3A_132 = vector.broadcast %add3A_131 : i32 to vector<16xi32>
      %add3A_133 = arith.addi %add3A_130, %add3A_132 : vector<16xi32>
      %gather3A_134 = tpu.vector_load_idx %arg5[%add3A_133] : memref<65552xi32, #tpu.memory_space<vmem>>[vector<16xi32>], vector<16xi32>,
      %ne3A_135 = arith.constant 100000 : i32
      %ne3A_136 = vector.broadcast %ne3A_135 : i32 to vector<16xi32>
      %ne3A_137 = arith.cmpi ne, %gather3A_134, %ne3A_136 : vector<16xi32>
      %jit3A_138 = arith.constant 64 : i32
      %jit3A_139 = arith.constant 0 : i32
      %broadcast_in_dim3A_140 = vector.broadcast %jit3A_138 : i32 to vector<16xi32>
      %broadcast_in_dim3A_141 = vector.broadcast %jit3A_139 : i32 to vector<16xi32>
      %select_n3A_142 = arith.select %ne3A_137, %broadcast_in_dim3A_140, %broadcast_in_dim3A_141 : vector<16xi1>, vector<16xi32>
      %or3A_143 = arith.ori %or3A_126, %select_n3A_142 : vector<16xi32>
      %mul3A_144 = arith.constant 32 : i32
      %mul3A_145 = arith.muli %add3A_27, %mul3A_144 : i32
      %add3A_146 = vector.broadcast %mul3A_145 : i32 to vector<16xi32>
      %add3A_147 = arith.addi %add3A_146, %mul3A_15 : vector<16xi32>
      %add3A_148 = arith.constant 7 : i32
      %add3A_149 = vector.broadcast %add3A_148 : i32 to vector<16xi32>
      %add3A_150 = arith.addi %add3A_147, %add3A_149 : vector<16xi32>
      %gather3A_151 = tpu.vector_load_idx %arg5[%add3A_150] : memref<65552xi32, #tpu.memory_space<vmem>>[vector<16xi32>], vector<16xi32>,
      %ne3A_152 = arith.constant 100000 : i32
      %ne3A_153 = vector.broadcast %ne3A_152 : i32 to vector<16xi32>
      %ne3A_154 = arith.cmpi ne, %gather3A_151, %ne3A_153 : vector<16xi32>
      %jit3A_155 = arith.constant 128 : i32
      %jit3A_156 = arith.constant 0 : i32
      %broadcast_in_dim3A_157 = vector.broadcast %jit3A_155 : i32 to vector<16xi32>
      %broadcast_in_dim3A_158 = vector.broadcast %jit3A_156 : i32 to vector<16xi32>
      %select_n3A_159 = arith.select %ne3A_154, %broadcast_in_dim3A_157, %broadcast_in_dim3A_158 : vector<16xi1>, vector<16xi32>
      %or3A_160 = arith.ori %or3A_143, %select_n3A_159 : vector<16xi32>
      %mul3A_161 = arith.constant 32 : i32
      %mul3A_162 = arith.muli %add3A_27, %mul3A_161 : i32
      %add3A_163 = vector.broadcast %mul3A_162 : i32 to vector<16xi32>
      %add3A_164 = arith.addi %add3A_163, %mul3A_15 : vector<16xi32>
      %add3A_165 = arith.constant 8 : i32
      %add3A_166 = vector.broadcast %add3A_165 : i32 to vector<16xi32>
      %add3A_167 = arith.addi %add3A_164, %add3A_166 : vector<16xi32>
      %gather3A_168 = tpu.vector_load_idx %arg5[%add3A_167] : memref<65552xi32, #tpu.memory_space<vmem>>[vector<16xi32>], vector<16xi32>,
      %ne3A_169 = arith.constant 100000 : i32
      %ne3A_170 = vector.broadcast %ne3A_169 : i32 to vector<16xi32>
      %ne3A_171 = arith.cmpi ne, %gather3A_168, %ne3A_170 : vector<16xi32>
      %jit3A_172 = arith.constant 256 : i32
      %jit3A_173 = arith.constant 0 : i32
      %broadcast_in_dim3A_174 = vector.broadcast %jit3A_172 : i32 to vector<16xi32>
      %broadcast_in_dim3A_175 = vector.broadcast %jit3A_173 : i32 to vector<16xi32>
      %select_n3A_176 = arith.select %ne3A_171, %broadcast_in_dim3A_174, %broadcast_in_dim3A_175 : vector<16xi1>, vector<16xi32>
      %or3A_177 = arith.ori %or3A_160, %select_n3A_176 : vector<16xi32>
      %mul3A_178 = arith.constant 32 : i32
      %mul3A_179 = arith.muli %add3A_27, %mul3A_178 : i32
      %add3A_180 = vector.broadcast %mul3A_179 : i32 to vector<16xi32>
      %add3A_181 = arith.addi %add3A_180, %mul3A_15 : vector<16xi32>
      %add3A_182 = arith.constant 9 : i32
      %add3A_183 = vector.broadcast %add3A_182 : i32 to vector<16xi32>
      %add3A_184 = arith.addi %add3A_181, %add3A_183 : vector<16xi32>
      %gather3A_185 = tpu.vector_load_idx %arg5[%add3A_184] : memref<65552xi32, #tpu.memory_space<vmem>>[vector<16xi32>], vector<16xi32>,
      %ne3A_186 = arith.constant 100000 : i32
      %ne3A_187 = vector.broadcast %ne3A_186 : i32 to vector<16xi32>
      %ne3A_188 = arith.cmpi ne, %gather3A_185, %ne3A_187 : vector<16xi32>
      %jit3A_189 = arith.constant 512 : i32
      %jit3A_190 = arith.constant 0 : i32
      %broadcast_in_dim3A_191 = vector.broadcast %jit3A_189 : i32 to vector<16xi32>
      %broadcast_in_dim3A_192 = vector.broadcast %jit3A_190 : i32 to vector<16xi32>
      %select_n3A_193 = arith.select %ne3A_188, %broadcast_in_dim3A_191, %broadcast_in_dim3A_192 : vector<16xi1>, vector<16xi32>
      %or3A_194 = arith.ori %or3A_177, %select_n3A_193 : vector<16xi32>
      %mul3A_195 = arith.constant 32 : i32
      %mul3A_196 = arith.muli %add3A_27, %mul3A_195 : i32
      %add3A_197 = vector.broadcast %mul3A_196 : i32 to vector<16xi32>
      %add3A_198 = arith.addi %add3A_197, %mul3A_15 : vector<16xi32>
      %add3A_199 = arith.constant 10 : i32
      %add3A_200 = vector.broadcast %add3A_199 : i32 to vector<16xi32>
      %add3A_201 = arith.addi %add3A_198, %add3A_200 : vector<16xi32>
      %gather3A_202 = tpu.vector_load_idx %arg5[%add3A_201] : memref<65552xi32, #tpu.memory_space<vmem>>[vector<16xi32>], vector<16xi32>,
      %ne3A_203 = arith.constant 100000 : i32
      %ne3A_204 = vector.broadcast %ne3A_203 : i32 to vector<16xi32>
      %ne3A_205 = arith.cmpi ne, %gather3A_202, %ne3A_204 : vector<16xi32>
      %jit3A_206 = arith.constant 1024 : i32
      %jit3A_207 = arith.constant 0 : i32
      %broadcast_in_dim3A_208 = vector.broadcast %jit3A_206 : i32 to vector<16xi32>
      %broadcast_in_dim3A_209 = vector.broadcast %jit3A_207 : i32 to vector<16xi32>
      %select_n3A_210 = arith.select %ne3A_205, %broadcast_in_dim3A_208, %broadcast_in_dim3A_209 : vector<16xi1>, vector<16xi32>
      %or3A_211 = arith.ori %or3A_194, %select_n3A_210 : vector<16xi32>
      %mul3A_212 = arith.constant 32 : i32
      %mul3A_213 = arith.muli %add3A_27, %mul3A_212 : i32
      %add3A_214 = vector.broadcast %mul3A_213 : i32 to vector<16xi32>
      %add3A_215 = arith.addi %add3A_214, %mul3A_15 : vector<16xi32>
      %add3A_216 = arith.constant 11 : i32
      %add3A_217 = vector.broadcast %add3A_216 : i32 to vector<16xi32>
      %add3A_218 = arith.addi %add3A_215, %add3A_217 : vector<16xi32>
      %gather3A_219 = tpu.vector_load_idx %arg5[%add3A_218] : memref<65552xi32, #tpu.memory_space<vmem>>[vector<16xi32>], vector<16xi32>,
      %ne3A_220 = arith.constant 100000 : i32
      %ne3A_221 = vector.broadcast %ne3A_220 : i32 to vector<16xi32>
      %ne3A_222 = arith.cmpi ne, %gather3A_219, %ne3A_221 : vector<16xi32>
      %jit3A_223 = arith.constant 2048 : i32
      %jit3A_224 = arith.constant 0 : i32
      %broadcast_in_dim3A_225 = vector.broadcast %jit3A_223 : i32 to vector<16xi32>
      %broadcast_in_dim3A_226 = vector.broadcast %jit3A_224 : i32 to vector<16xi32>
      %select_n3A_227 = arith.select %ne3A_222, %broadcast_in_dim3A_225, %broadcast_in_dim3A_226 : vector<16xi1>, vector<16xi32>
      %or3A_228 = arith.ori %or3A_211, %select_n3A_227 : vector<16xi32>
      %mul3A_229 = arith.constant 32 : i32
      %mul3A_230 = arith.muli %add3A_27, %mul3A_229 : i32
      %add3A_231 = vector.broadcast %mul3A_230 : i32 to vector<16xi32>
      %add3A_232 = arith.addi %add3A_231, %mul3A_15 : vector<16xi32>
      %add3A_233 = arith.constant 12 : i32
      %add3A_234 = vector.broadcast %add3A_233 : i32 to vector<16xi32>
      %add3A_235 = arith.addi %add3A_232, %add3A_234 : vector<16xi32>
      %gather3A_236 = tpu.vector_load_idx %arg5[%add3A_235] : memref<65552xi32, #tpu.memory_space<vmem>>[vector<16xi32>], vector<16xi32>,
      %ne3A_237 = arith.constant 100000 : i32
      %ne3A_238 = vector.broadcast %ne3A_237 : i32 to vector<16xi32>
      %ne3A_239 = arith.cmpi ne, %gather3A_236, %ne3A_238 : vector<16xi32>
      %jit3A_240 = arith.constant 4096 : i32
      %jit3A_241 = arith.constant 0 : i32
      %broadcast_in_dim3A_242 = vector.broadcast %jit3A_240 : i32 to vector<16xi32>
      %broadcast_in_dim3A_243 = vector.broadcast %jit3A_241 : i32 to vector<16xi32>
      %select_n3A_244 = arith.select %ne3A_239, %broadcast_in_dim3A_242, %broadcast_in_dim3A_243 : vector<16xi1>, vector<16xi32>
      %or3A_245 = arith.ori %or3A_228, %select_n3A_244 : vector<16xi32>
      %mul3A_246 = arith.constant 32 : i32
      %mul3A_247 = arith.muli %add3A_27, %mul3A_246 : i32
      %add3A_248 = vector.broadcast %mul3A_247 : i32 to vector<16xi32>
      %add3A_249 = arith.addi %add3A_248, %mul3A_15 : vector<16xi32>
      %add3A_250 = arith.constant 13 : i32
      %add3A_251 = vector.broadcast %add3A_250 : i32 to vector<16xi32>
      %add3A_252 = arith.addi %add3A_249, %add3A_251 : vector<16xi32>
      %gather3A_253 = tpu.vector_load_idx %arg5[%add3A_252] : memref<65552xi32, #tpu.memory_space<vmem>>[vector<16xi32>], vector<16xi32>,
      %ne3A_254 = arith.constant 100000 : i32
      %ne3A_255 = vector.broadcast %ne3A_254 : i32 to vector<16xi32>
      %ne3A_256 = arith.cmpi ne, %gather3A_253, %ne3A_255 : vector<16xi32>
      %jit3A_257 = arith.constant 8192 : i32
      %jit3A_258 = arith.constant 0 : i32
      %broadcast_in_dim3A_259 = vector.broadcast %jit3A_257 : i32 to vector<16xi32>
      %broadcast_in_dim3A_260 = vector.broadcast %jit3A_258 : i32 to vector<16xi32>
      %select_n3A_261 = arith.select %ne3A_256, %broadcast_in_dim3A_259, %broadcast_in_dim3A_260 : vector<16xi1>, vector<16xi32>
      %or3A_262 = arith.ori %or3A_245, %select_n3A_261 : vector<16xi32>
      %mul3A_263 = arith.constant 32 : i32
      %mul3A_264 = arith.muli %add3A_27, %mul3A_263 : i32
      %add3A_265 = vector.broadcast %mul3A_264 : i32 to vector<16xi32>
      %add3A_266 = arith.addi %add3A_265, %mul3A_15 : vector<16xi32>
      %add3A_267 = arith.constant 14 : i32
      %add3A_268 = vector.broadcast %add3A_267 : i32 to vector<16xi32>
      %add3A_269 = arith.addi %add3A_266, %add3A_268 : vector<16xi32>
      %gather3A_270 = tpu.vector_load_idx %arg5[%add3A_269] : memref<65552xi32, #tpu.memory_space<vmem>>[vector<16xi32>], vector<16xi32>,
      %ne3A_271 = arith.constant 100000 : i32
      %ne3A_272 = vector.broadcast %ne3A_271 : i32 to vector<16xi32>
      %ne3A_273 = arith.cmpi ne, %gather3A_270, %ne3A_272 : vector<16xi32>
      %jit3A_274 = arith.constant 16384 : i32
      %jit3A_275 = arith.constant 0 : i32
      %broadcast_in_dim3A_276 = vector.broadcast %jit3A_274 : i32 to vector<16xi32>
      %broadcast_in_dim3A_277 = vector.broadcast %jit3A_275 : i32 to vector<16xi32>
      %select_n3A_278 = arith.select %ne3A_273, %broadcast_in_dim3A_276, %broadcast_in_dim3A_277 : vector<16xi1>, vector<16xi32>
      %or3A_279 = arith.ori %or3A_262, %select_n3A_278 : vector<16xi32>
      %mul3A_280 = arith.constant 32 : i32
      %mul3A_281 = arith.muli %add3A_27, %mul3A_280 : i32
      %add3A_282 = vector.broadcast %mul3A_281 : i32 to vector<16xi32>
      %add3A_283 = arith.addi %add3A_282, %mul3A_15 : vector<16xi32>
      %add3A_284 = arith.constant 15 : i32
      %add3A_285 = vector.broadcast %add3A_284 : i32 to vector<16xi32>
      %add3A_286 = arith.addi %add3A_283, %add3A_285 : vector<16xi32>
      %gather3A_287 = tpu.vector_load_idx %arg5[%add3A_286] : memref<65552xi32, #tpu.memory_space<vmem>>[vector<16xi32>], vector<16xi32>,
      %ne3A_288 = arith.constant 100000 : i32
      %ne3A_289 = vector.broadcast %ne3A_288 : i32 to vector<16xi32>
      %ne3A_290 = arith.cmpi ne, %gather3A_287, %ne3A_289 : vector<16xi32>
      %jit3A_291 = arith.constant 32768 : i32
      %jit3A_292 = arith.constant 0 : i32
      %broadcast_in_dim3A_293 = vector.broadcast %jit3A_291 : i32 to vector<16xi32>
      %broadcast_in_dim3A_294 = vector.broadcast %jit3A_292 : i32 to vector<16xi32>
      %select_n3A_295 = arith.select %ne3A_290, %broadcast_in_dim3A_293, %broadcast_in_dim3A_294 : vector<16xi1>, vector<16xi32>
      %or3A_296 = arith.ori %or3A_279, %select_n3A_295 : vector<16xi32>
      %mul3A_297 = arith.constant 32 : i32
      %mul3A_298 = arith.muli %add3A_27, %mul3A_297 : i32
      %add3A_299 = vector.broadcast %mul3A_298 : i32 to vector<16xi32>
      %add3A_300 = arith.addi %add3A_299, %mul3A_15 : vector<16xi32>
      %add3A_301 = arith.constant 16 : i32
      %add3A_302 = vector.broadcast %add3A_301 : i32 to vector<16xi32>
      %add3A_303 = arith.addi %add3A_300, %add3A_302 : vector<16xi32>
      %gather3A_304 = tpu.vector_load_idx %arg5[%add3A_303] : memref<65552xi32, #tpu.memory_space<vmem>>[vector<16xi32>], vector<16xi32>,
      %ne3A_305 = arith.constant 100000 : i32
      %ne3A_306 = vector.broadcast %ne3A_305 : i32 to vector<16xi32>
      %ne3A_307 = arith.cmpi ne, %gather3A_304, %ne3A_306 : vector<16xi32>
      %jit3A_308 = arith.constant 65536 : i32
      %jit3A_309 = arith.constant 0 : i32
      %broadcast_in_dim3A_310 = vector.broadcast %jit3A_308 : i32 to vector<16xi32>
      %broadcast_in_dim3A_311 = vector.broadcast %jit3A_309 : i32 to vector<16xi32>
      %select_n3A_312 = arith.select %ne3A_307, %broadcast_in_dim3A_310, %broadcast_in_dim3A_311 : vector<16xi1>, vector<16xi32>
      %or3A_313 = arith.ori %or3A_296, %select_n3A_312 : vector<16xi32>
      %mul3A_314 = arith.constant 32 : i32
      %mul3A_315 = arith.muli %add3A_27, %mul3A_314 : i32
      %add3A_316 = vector.broadcast %mul3A_315 : i32 to vector<16xi32>
      %add3A_317 = arith.addi %add3A_316, %mul3A_15 : vector<16xi32>
      %add3A_318 = arith.constant 17 : i32
      %add3A_319 = vector.broadcast %add3A_318 : i32 to vector<16xi32>
      %add3A_320 = arith.addi %add3A_317, %add3A_319 : vector<16xi32>
      %gather3A_321 = tpu.vector_load_idx %arg5[%add3A_320] : memref<65552xi32, #tpu.memory_space<vmem>>[vector<16xi32>], vector<16xi32>,
      %ne3A_322 = arith.constant 100000 : i32
      %ne3A_323 = vector.broadcast %ne3A_322 : i32 to vector<16xi32>
      %ne3A_324 = arith.cmpi ne, %gather3A_321, %ne3A_323 : vector<16xi32>
      %jit3A_325 = arith.constant 131072 : i32
      %jit3A_326 = arith.constant 0 : i32
      %broadcast_in_dim3A_327 = vector.broadcast %jit3A_325 : i32 to vector<16xi32>
      %broadcast_in_dim3A_328 = vector.broadcast %jit3A_326 : i32 to vector<16xi32>
      %select_n3A_329 = arith.select %ne3A_324, %broadcast_in_dim3A_327, %broadcast_in_dim3A_328 : vector<16xi1>, vector<16xi32>
      %or3A_330 = arith.ori %or3A_313, %select_n3A_329 : vector<16xi32>
      %mul3A_331 = arith.constant 32 : i32
      %mul3A_332 = arith.muli %add3A_27, %mul3A_331 : i32
      %add3A_333 = vector.broadcast %mul3A_332 : i32 to vector<16xi32>
      %add3A_334 = arith.addi %add3A_333, %mul3A_15 : vector<16xi32>
      %add3A_335 = arith.constant 18 : i32
      %add3A_336 = vector.broadcast %add3A_335 : i32 to vector<16xi32>
      %add3A_337 = arith.addi %add3A_334, %add3A_336 : vector<16xi32>
      %gather3A_338 = tpu.vector_load_idx %arg5[%add3A_337] : memref<65552xi32, #tpu.memory_space<vmem>>[vector<16xi32>], vector<16xi32>,
      %ne3A_339 = arith.constant 100000 : i32
      %ne3A_340 = vector.broadcast %ne3A_339 : i32 to vector<16xi32>
      %ne3A_341 = arith.cmpi ne, %gather3A_338, %ne3A_340 : vector<16xi32>
      %jit3A_342 = arith.constant 262144 : i32
      %jit3A_343 = arith.constant 0 : i32
      %broadcast_in_dim3A_344 = vector.broadcast %jit3A_342 : i32 to vector<16xi32>
      %broadcast_in_dim3A_345 = vector.broadcast %jit3A_343 : i32 to vector<16xi32>
      %select_n3A_346 = arith.select %ne3A_341, %broadcast_in_dim3A_344, %broadcast_in_dim3A_345 : vector<16xi1>, vector<16xi32>
      %or3A_347 = arith.ori %or3A_330, %select_n3A_346 : vector<16xi32>
      %mul3A_348 = arith.constant 32 : i32
      %mul3A_349 = arith.muli %add3A_27, %mul3A_348 : i32
      %add3A_350 = vector.broadcast %mul3A_349 : i32 to vector<16xi32>
      %add3A_351 = arith.addi %add3A_350, %mul3A_15 : vector<16xi32>
      %add3A_352 = arith.constant 19 : i32
      %add3A_353 = vector.broadcast %add3A_352 : i32 to vector<16xi32>
      %add3A_354 = arith.addi %add3A_351, %add3A_353 : vector<16xi32>
      %gather3A_355 = tpu.vector_load_idx %arg5[%add3A_354] : memref<65552xi32, #tpu.memory_space<vmem>>[vector<16xi32>], vector<16xi32>,
      %ne3A_356 = arith.constant 100000 : i32
      %ne3A_357 = vector.broadcast %ne3A_356 : i32 to vector<16xi32>
      %ne3A_358 = arith.cmpi ne, %gather3A_355, %ne3A_357 : vector<16xi32>
      %jit3A_359 = arith.constant 524288 : i32
      %jit3A_360 = arith.constant 0 : i32
      %broadcast_in_dim3A_361 = vector.broadcast %jit3A_359 : i32 to vector<16xi32>
      %broadcast_in_dim3A_362 = vector.broadcast %jit3A_360 : i32 to vector<16xi32>
      %select_n3A_363 = arith.select %ne3A_358, %broadcast_in_dim3A_361, %broadcast_in_dim3A_362 : vector<16xi1>, vector<16xi32>
      %or3A_364 = arith.ori %or3A_347, %select_n3A_363 : vector<16xi32>
      %mul3A_365 = arith.constant 32 : i32
      %mul3A_366 = arith.muli %add3A_27, %mul3A_365 : i32
      %add3A_367 = vector.broadcast %mul3A_366 : i32 to vector<16xi32>
      %add3A_368 = arith.addi %add3A_367, %mul3A_15 : vector<16xi32>
      %add3A_369 = arith.constant 20 : i32
      %add3A_370 = vector.broadcast %add3A_369 : i32 to vector<16xi32>
      %add3A_371 = arith.addi %add3A_368, %add3A_370 : vector<16xi32>
      %gather3A_372 = tpu.vector_load_idx %arg5[%add3A_371] : memref<65552xi32, #tpu.memory_space<vmem>>[vector<16xi32>], vector<16xi32>,
      %ne3A_373 = arith.constant 100000 : i32
      %ne3A_374 = vector.broadcast %ne3A_373 : i32 to vector<16xi32>
      %ne3A_375 = arith.cmpi ne, %gather3A_372, %ne3A_374 : vector<16xi32>
      %jit3A_376 = arith.constant 1048576 : i32
      %jit3A_377 = arith.constant 0 : i32
      %broadcast_in_dim3A_378 = vector.broadcast %jit3A_376 : i32 to vector<16xi32>
      %broadcast_in_dim3A_379 = vector.broadcast %jit3A_377 : i32 to vector<16xi32>
      %select_n3A_380 = arith.select %ne3A_375, %broadcast_in_dim3A_378, %broadcast_in_dim3A_379 : vector<16xi1>, vector<16xi32>
      %or3A_381 = arith.ori %or3A_364, %select_n3A_380 : vector<16xi32>
      %mul3A_382 = arith.constant 32 : i32
      %mul3A_383 = arith.muli %add3A_27, %mul3A_382 : i32
      %add3A_384 = vector.broadcast %mul3A_383 : i32 to vector<16xi32>
      %add3A_385 = arith.addi %add3A_384, %mul3A_15 : vector<16xi32>
      %add3A_386 = arith.constant 21 : i32
      %add3A_387 = vector.broadcast %add3A_386 : i32 to vector<16xi32>
      %add3A_388 = arith.addi %add3A_385, %add3A_387 : vector<16xi32>
      %gather3A_389 = tpu.vector_load_idx %arg5[%add3A_388] : memref<65552xi32, #tpu.memory_space<vmem>>[vector<16xi32>], vector<16xi32>,
      %ne3A_390 = arith.constant 100000 : i32
      %ne3A_391 = vector.broadcast %ne3A_390 : i32 to vector<16xi32>
      %ne3A_392 = arith.cmpi ne, %gather3A_389, %ne3A_391 : vector<16xi32>
      %jit3A_393 = arith.constant 2097152 : i32
      %jit3A_394 = arith.constant 0 : i32
      %broadcast_in_dim3A_395 = vector.broadcast %jit3A_393 : i32 to vector<16xi32>
      %broadcast_in_dim3A_396 = vector.broadcast %jit3A_394 : i32 to vector<16xi32>
      %select_n3A_397 = arith.select %ne3A_392, %broadcast_in_dim3A_395, %broadcast_in_dim3A_396 : vector<16xi1>, vector<16xi32>
      %or3A_398 = arith.ori %or3A_381, %select_n3A_397 : vector<16xi32>
      %mul3A_399 = arith.constant 32 : i32
      %mul3A_400 = arith.muli %add3A_27, %mul3A_399 : i32
      %add3A_401 = vector.broadcast %mul3A_400 : i32 to vector<16xi32>
      %add3A_402 = arith.addi %add3A_401, %mul3A_15 : vector<16xi32>
      %add3A_403 = arith.constant 22 : i32
      %add3A_404 = vector.broadcast %add3A_403 : i32 to vector<16xi32>
      %add3A_405 = arith.addi %add3A_402, %add3A_404 : vector<16xi32>
      %gather3A_406 = tpu.vector_load_idx %arg5[%add3A_405] : memref<65552xi32, #tpu.memory_space<vmem>>[vector<16xi32>], vector<16xi32>,
      %ne3A_407 = arith.constant 100000 : i32
      %ne3A_408 = vector.broadcast %ne3A_407 : i32 to vector<16xi32>
      %ne3A_409 = arith.cmpi ne, %gather3A_406, %ne3A_408 : vector<16xi32>
      %jit3A_410 = arith.constant 4194304 : i32
      %jit3A_411 = arith.constant 0 : i32
      %broadcast_in_dim3A_412 = vector.broadcast %jit3A_410 : i32 to vector<16xi32>
      %broadcast_in_dim3A_413 = vector.broadcast %jit3A_411 : i32 to vector<16xi32>
      %select_n3A_414 = arith.select %ne3A_409, %broadcast_in_dim3A_412, %broadcast_in_dim3A_413 : vector<16xi1>, vector<16xi32>
      %or3A_415 = arith.ori %or3A_398, %select_n3A_414 : vector<16xi32>
      %mul3A_416 = arith.constant 32 : i32
      %mul3A_417 = arith.muli %add3A_27, %mul3A_416 : i32
      %add3A_418 = vector.broadcast %mul3A_417 : i32 to vector<16xi32>
      %add3A_419 = arith.addi %add3A_418, %mul3A_15 : vector<16xi32>
      %add3A_420 = arith.constant 23 : i32
      %add3A_421 = vector.broadcast %add3A_420 : i32 to vector<16xi32>
      %add3A_422 = arith.addi %add3A_419, %add3A_421 : vector<16xi32>
      %gather3A_423 = tpu.vector_load_idx %arg5[%add3A_422] : memref<65552xi32, #tpu.memory_space<vmem>>[vector<16xi32>], vector<16xi32>,
      %ne3A_424 = arith.constant 100000 : i32
      %ne3A_425 = vector.broadcast %ne3A_424 : i32 to vector<16xi32>
      %ne3A_426 = arith.cmpi ne, %gather3A_423, %ne3A_425 : vector<16xi32>
      %jit3A_427 = arith.constant 8388608 : i32
      %jit3A_428 = arith.constant 0 : i32
      %broadcast_in_dim3A_429 = vector.broadcast %jit3A_427 : i32 to vector<16xi32>
      %broadcast_in_dim3A_430 = vector.broadcast %jit3A_428 : i32 to vector<16xi32>
      %select_n3A_431 = arith.select %ne3A_426, %broadcast_in_dim3A_429, %broadcast_in_dim3A_430 : vector<16xi1>, vector<16xi32>
      %or3A_432 = arith.ori %or3A_415, %select_n3A_431 : vector<16xi32>
      %mul3A_433 = arith.constant 32 : i32
      %mul3A_434 = arith.muli %add3A_27, %mul3A_433 : i32
      %add3A_435 = vector.broadcast %mul3A_434 : i32 to vector<16xi32>
      %add3A_436 = arith.addi %add3A_435, %mul3A_15 : vector<16xi32>
      %add3A_437 = arith.constant 24 : i32
      %add3A_438 = vector.broadcast %add3A_437 : i32 to vector<16xi32>
      %add3A_439 = arith.addi %add3A_436, %add3A_438 : vector<16xi32>
      %gather3A_440 = tpu.vector_load_idx %arg5[%add3A_439] : memref<65552xi32, #tpu.memory_space<vmem>>[vector<16xi32>], vector<16xi32>,
      %ne3A_441 = arith.constant 100000 : i32
      %ne3A_442 = vector.broadcast %ne3A_441 : i32 to vector<16xi32>
      %ne3A_443 = arith.cmpi ne, %gather3A_440, %ne3A_442 : vector<16xi32>
      %jit3A_444 = arith.constant 16777216 : i32
      %jit3A_445 = arith.constant 0 : i32
      %broadcast_in_dim3A_446 = vector.broadcast %jit3A_444 : i32 to vector<16xi32>
      %broadcast_in_dim3A_447 = vector.broadcast %jit3A_445 : i32 to vector<16xi32>
      %select_n3A_448 = arith.select %ne3A_443, %broadcast_in_dim3A_446, %broadcast_in_dim3A_447 : vector<16xi1>, vector<16xi32>
      %or3A_449 = arith.ori %or3A_432, %select_n3A_448 : vector<16xi32>
      %mul3A_450 = arith.constant 32 : i32
      %mul3A_451 = arith.muli %add3A_27, %mul3A_450 : i32
      %add3A_452 = vector.broadcast %mul3A_451 : i32 to vector<16xi32>
      %add3A_453 = arith.addi %add3A_452, %mul3A_15 : vector<16xi32>
      %add3A_454 = arith.constant 25 : i32
      %add3A_455 = vector.broadcast %add3A_454 : i32 to vector<16xi32>
      %add3A_456 = arith.addi %add3A_453, %add3A_455 : vector<16xi32>
      %gather3A_457 = tpu.vector_load_idx %arg5[%add3A_456] : memref<65552xi32, #tpu.memory_space<vmem>>[vector<16xi32>], vector<16xi32>,
      %ne3A_458 = arith.constant 100000 : i32
      %ne3A_459 = vector.broadcast %ne3A_458 : i32 to vector<16xi32>
      %ne3A_460 = arith.cmpi ne, %gather3A_457, %ne3A_459 : vector<16xi32>
      %jit3A_461 = arith.constant 33554432 : i32
      %jit3A_462 = arith.constant 0 : i32
      %broadcast_in_dim3A_463 = vector.broadcast %jit3A_461 : i32 to vector<16xi32>
      %broadcast_in_dim3A_464 = vector.broadcast %jit3A_462 : i32 to vector<16xi32>
      %select_n3A_465 = arith.select %ne3A_460, %broadcast_in_dim3A_463, %broadcast_in_dim3A_464 : vector<16xi1>, vector<16xi32>
      %or3A_466 = arith.ori %or3A_449, %select_n3A_465 : vector<16xi32>
      %mul3A_467 = arith.constant 32 : i32
      %mul3A_468 = arith.muli %add3A_27, %mul3A_467 : i32
      %add3A_469 = vector.broadcast %mul3A_468 : i32 to vector<16xi32>
      %add3A_470 = arith.addi %add3A_469, %mul3A_15 : vector<16xi32>
      %add3A_471 = arith.constant 26 : i32
      %add3A_472 = vector.broadcast %add3A_471 : i32 to vector<16xi32>
      %add3A_473 = arith.addi %add3A_470, %add3A_472 : vector<16xi32>
      %gather3A_474 = tpu.vector_load_idx %arg5[%add3A_473] : memref<65552xi32, #tpu.memory_space<vmem>>[vector<16xi32>], vector<16xi32>,
      %ne3A_475 = arith.constant 100000 : i32
      %ne3A_476 = vector.broadcast %ne3A_475 : i32 to vector<16xi32>
      %ne3A_477 = arith.cmpi ne, %gather3A_474, %ne3A_476 : vector<16xi32>
      %jit3A_478 = arith.constant 67108864 : i32
      %jit3A_479 = arith.constant 0 : i32
      %broadcast_in_dim3A_480 = vector.broadcast %jit3A_478 : i32 to vector<16xi32>
      %broadcast_in_dim3A_481 = vector.broadcast %jit3A_479 : i32 to vector<16xi32>
      %select_n3A_482 = arith.select %ne3A_477, %broadcast_in_dim3A_480, %broadcast_in_dim3A_481 : vector<16xi1>, vector<16xi32>
      %or3A_483 = arith.ori %or3A_466, %select_n3A_482 : vector<16xi32>
      %mul3A_484 = arith.constant 32 : i32
      %mul3A_485 = arith.muli %add3A_27, %mul3A_484 : i32
      %add3A_486 = vector.broadcast %mul3A_485 : i32 to vector<16xi32>
      %add3A_487 = arith.addi %add3A_486, %mul3A_15 : vector<16xi32>
      %add3A_488 = arith.constant 27 : i32
      %add3A_489 = vector.broadcast %add3A_488 : i32 to vector<16xi32>
      %add3A_490 = arith.addi %add3A_487, %add3A_489 : vector<16xi32>
      %gather3A_491 = tpu.vector_load_idx %arg5[%add3A_490] : memref<65552xi32, #tpu.memory_space<vmem>>[vector<16xi32>], vector<16xi32>,
      %ne3A_492 = arith.constant 100000 : i32
      %ne3A_493 = vector.broadcast %ne3A_492 : i32 to vector<16xi32>
      %ne3A_494 = arith.cmpi ne, %gather3A_491, %ne3A_493 : vector<16xi32>
      %jit3A_495 = arith.constant 134217728 : i32
      %jit3A_496 = arith.constant 0 : i32
      %broadcast_in_dim3A_497 = vector.broadcast %jit3A_495 : i32 to vector<16xi32>
      %broadcast_in_dim3A_498 = vector.broadcast %jit3A_496 : i32 to vector<16xi32>
      %select_n3A_499 = arith.select %ne3A_494, %broadcast_in_dim3A_497, %broadcast_in_dim3A_498 : vector<16xi1>, vector<16xi32>
      %or3A_500 = arith.ori %or3A_483, %select_n3A_499 : vector<16xi32>
      %mul3A_501 = arith.constant 32 : i32
      %mul3A_502 = arith.muli %add3A_27, %mul3A_501 : i32
      %add3A_503 = vector.broadcast %mul3A_502 : i32 to vector<16xi32>
      %add3A_504 = arith.addi %add3A_503, %mul3A_15 : vector<16xi32>
      %add3A_505 = arith.constant 28 : i32
      %add3A_506 = vector.broadcast %add3A_505 : i32 to vector<16xi32>
      %add3A_507 = arith.addi %add3A_504, %add3A_506 : vector<16xi32>
      %gather3A_508 = tpu.vector_load_idx %arg5[%add3A_507] : memref<65552xi32, #tpu.memory_space<vmem>>[vector<16xi32>], vector<16xi32>,
      %ne3A_509 = arith.constant 100000 : i32
      %ne3A_510 = vector.broadcast %ne3A_509 : i32 to vector<16xi32>
      %ne3A_511 = arith.cmpi ne, %gather3A_508, %ne3A_510 : vector<16xi32>
      %jit3A_512 = arith.constant 268435456 : i32
      %jit3A_513 = arith.constant 0 : i32
      %broadcast_in_dim3A_514 = vector.broadcast %jit3A_512 : i32 to vector<16xi32>
      %broadcast_in_dim3A_515 = vector.broadcast %jit3A_513 : i32 to vector<16xi32>
      %select_n3A_516 = arith.select %ne3A_511, %broadcast_in_dim3A_514, %broadcast_in_dim3A_515 : vector<16xi1>, vector<16xi32>
      %or3A_517 = arith.ori %or3A_500, %select_n3A_516 : vector<16xi32>
      %mul3A_518 = arith.constant 32 : i32
      %mul3A_519 = arith.muli %add3A_27, %mul3A_518 : i32
      %add3A_520 = vector.broadcast %mul3A_519 : i32 to vector<16xi32>
      %add3A_521 = arith.addi %add3A_520, %mul3A_15 : vector<16xi32>
      %add3A_522 = arith.constant 29 : i32
      %add3A_523 = vector.broadcast %add3A_522 : i32 to vector<16xi32>
      %add3A_524 = arith.addi %add3A_521, %add3A_523 : vector<16xi32>
      %gather3A_525 = tpu.vector_load_idx %arg5[%add3A_524] : memref<65552xi32, #tpu.memory_space<vmem>>[vector<16xi32>], vector<16xi32>,
      %ne3A_526 = arith.constant 100000 : i32
      %ne3A_527 = vector.broadcast %ne3A_526 : i32 to vector<16xi32>
      %ne3A_528 = arith.cmpi ne, %gather3A_525, %ne3A_527 : vector<16xi32>
      %jit3A_529 = arith.constant 536870912 : i32
      %jit3A_530 = arith.constant 0 : i32
      %broadcast_in_dim3A_531 = vector.broadcast %jit3A_529 : i32 to vector<16xi32>
      %broadcast_in_dim3A_532 = vector.broadcast %jit3A_530 : i32 to vector<16xi32>
      %select_n3A_533 = arith.select %ne3A_528, %broadcast_in_dim3A_531, %broadcast_in_dim3A_532 : vector<16xi1>, vector<16xi32>
      %or3A_534 = arith.ori %or3A_517, %select_n3A_533 : vector<16xi32>
      %mul3A_535 = arith.constant 32 : i32
      %mul3A_536 = arith.muli %add3A_27, %mul3A_535 : i32
      %add3A_537 = vector.broadcast %mul3A_536 : i32 to vector<16xi32>
      %add3A_538 = arith.addi %add3A_537, %mul3A_15 : vector<16xi32>
      %add3A_539 = arith.constant 30 : i32
      %add3A_540 = vector.broadcast %add3A_539 : i32 to vector<16xi32>
      %add3A_541 = arith.addi %add3A_538, %add3A_540 : vector<16xi32>
      %gather3A_542 = tpu.vector_load_idx %arg5[%add3A_541] : memref<65552xi32, #tpu.memory_space<vmem>>[vector<16xi32>], vector<16xi32>,
      %ne3A_543 = arith.constant 100000 : i32
      %ne3A_544 = vector.broadcast %ne3A_543 : i32 to vector<16xi32>
      %ne3A_545 = arith.cmpi ne, %gather3A_542, %ne3A_544 : vector<16xi32>
      %jit3A_546 = arith.constant 1073741824 : i32
      %jit3A_547 = arith.constant 0 : i32
      %broadcast_in_dim3A_548 = vector.broadcast %jit3A_546 : i32 to vector<16xi32>
      %broadcast_in_dim3A_549 = vector.broadcast %jit3A_547 : i32 to vector<16xi32>
      %select_n3A_550 = arith.select %ne3A_545, %broadcast_in_dim3A_548, %broadcast_in_dim3A_549 : vector<16xi1>, vector<16xi32>
      %or3A_551 = arith.ori %or3A_534, %select_n3A_550 : vector<16xi32>
      %mul3A_552 = arith.constant 32 : i32
      %mul3A_553 = arith.muli %add3A_27, %mul3A_552 : i32
      %add3A_554 = vector.broadcast %mul3A_553 : i32 to vector<16xi32>
      %add3A_555 = arith.addi %add3A_554, %mul3A_15 : vector<16xi32>
      %add3A_556 = arith.constant 31 : i32
      %add3A_557 = vector.broadcast %add3A_556 : i32 to vector<16xi32>
      %add3A_558 = arith.addi %add3A_555, %add3A_557 : vector<16xi32>
      %gather3A_559 = tpu.vector_load_idx %arg5[%add3A_558] : memref<65552xi32, #tpu.memory_space<vmem>>[vector<16xi32>], vector<16xi32>,
      %ne3A_560 = arith.constant 100000 : i32
      %ne3A_561 = vector.broadcast %ne3A_560 : i32 to vector<16xi32>
      %ne3A_562 = arith.cmpi ne, %gather3A_559, %ne3A_561 : vector<16xi32>
      %jit3A_563 = arith.constant -2147483648 : i32
      %jit3A_564 = arith.constant 0 : i32
      %broadcast_in_dim3A_565 = vector.broadcast %jit3A_563 : i32 to vector<16xi32>
      %broadcast_in_dim3A_566 = vector.broadcast %jit3A_564 : i32 to vector<16xi32>
      %select_n3A_567 = arith.select %ne3A_562, %broadcast_in_dim3A_565, %broadcast_in_dim3A_566 : vector<16xi1>, vector<16xi32>
      %or3A_568 = arith.ori %or3A_551, %select_n3A_567 : vector<16xi32>
      %swap3A = arith.index_cast %add3A_27 : i32 to index
      %swap3A_569 = tpu.vector_load %arg7[%swap3A] {strides = array<i32>} : memref<2048xi32, #tpu.memory_space<vmem>>, vector<16xi32>,
      tpu.vector_store %arg7[%swap3A], %or3A_568 {strides = array<i32>} : memref<2048xi32, #tpu.memory_space<vmem>>, vector<16xi32>,
    }
    %scan3A_20 = arith.constant 128 : i32
    "tpu.region"() ({
      %run_scoped3A = tpu.sem_alloc : memref<!tpu.dma_semaphore, #tpu.memory_space<semaphore_mem>>
      %dma_start3A = arith.constant 0 : i32
      %dma_start3A_23 = tpu.memref_slice %arg5[%dma_start3A] : memref<65552xi32, #tpu.memory_space<vmem>> -> memref<65536xi32, #tpu.memory_space<vmem>>
      %dma_start3A_24 = tpu.memref_slice %arg3[%mul3A_2] : memref<2097152xi32, #tpu.memory_space<hbm>> -> memref<65536xi32, #tpu.memory_space<hbm>>
      %dma_start3A_25 = tpu.memref_slice %arg3[%mul3A_2] : memref<2097152xi32, #tpu.memory_space<hbm>> -> memref<65536xi32, #tpu.memory_space<hbm>>
      %dma_start3A_26 = arith.constant 0 : i32
      %dma_start3A_27 = tpu.memref_slice %arg5[%dma_start3A_26] : memref<65552xi32, #tpu.memory_space<vmem>> -> memref<65536xi32, #tpu.memory_space<vmem>>
      tpu.enqueue_dma source(%dma_start3A_27 : memref<65536xi32, #tpu.memory_space<vmem>>) target(%dma_start3A_25 : memref<65536xi32, #tpu.memory_space<hbm>>) target_semaphore(%run_scoped3A : memref<!tpu.dma_semaphore, #tpu.memory_space<semaphore_mem>>)
      %dma_wait3A = arith.constant 0 : i32
      %dma_wait3A_28 = tpu.memref_slice %arg5[%dma_wait3A] : memref<65552xi32, #tpu.memory_space<vmem>> -> memref<65536xi32, #tpu.memory_space<vmem>>
      %dma_wait3A_29 = tpu.memref_slice %arg3[%mul3A_2] : memref<2097152xi32, #tpu.memory_space<hbm>> -> memref<65536xi32, #tpu.memory_space<hbm>>
      %dma_wait3A_30 = tpu.memref_slice %arg3[%mul3A_2] : memref<2097152xi32, #tpu.memory_space<hbm>> -> memref<65536xi32, #tpu.memory_space<hbm>>
      %dma_wait3A_31 = arith.constant 0 : i32
      %dma_wait3A_32 = tpu.memref_slice %arg5[%dma_wait3A_31] : memref<65552xi32, #tpu.memory_space<vmem>> -> memref<65536xi32, #tpu.memory_space<vmem>>
      tpu.wait_dma2 semaphore(%run_scoped3A : memref<!tpu.dma_semaphore, #tpu.memory_space<semaphore_mem>>) src(%dma_wait3A_32 : memref<65536xi32, #tpu.memory_space<vmem>>) dst(%dma_wait3A_30 : memref<65536xi32, #tpu.memory_space<hbm>>)
      tpu.yield
    }) : () -> ()
    %mul3A_21 = arith.constant 2048 : i32
    %mul3A_22 = arith.muli %add3A, %mul3A_21 : i32
    "tpu.region"() ({
      %run_scoped3A = tpu.sem_alloc : memref<!tpu.dma_semaphore, #tpu.memory_space<semaphore_mem>>
      %dma_start3A = tpu.memref_slice %arg4[%mul3A_22] : memref<65536xi32, #tpu.memory_space<hbm>> -> memref<2048xi32, #tpu.memory_space<hbm>>
      %dma_start3A_23 = tpu.memref_slice %arg4[%mul3A_22] : memref<65536xi32, #tpu.memory_space<hbm>> -> memref<2048xi32, #tpu.memory_space<hbm>>
      tpu.enqueue_dma source(%arg7 : memref<2048xi32, #tpu.memory_space<vmem>>) target(%dma_start3A_23 : memref<2048xi32, #tpu.memory_space<hbm>>) target_semaphore(%run_scoped3A : memref<!tpu.dma_semaphore, #tpu.memory_space<semaphore_mem>>)
      %dma_wait3A = tpu.memref_slice %arg4[%mul3A_22] : memref<65536xi32, #tpu.memory_space<hbm>> -> memref<2048xi32, #tpu.memory_space<hbm>>
      %dma_wait3A_24 = tpu.memref_slice %arg4[%mul3A_22] : memref<65536xi32, #tpu.memory_space<hbm>> -> memref<2048xi32, #tpu.memory_space<hbm>>
      tpu.wait_dma2 semaphore(%run_scoped3A : memref<!tpu.dma_semaphore, #tpu.memory_space<semaphore_mem>>) src(%arg7 : memref<2048xi32, #tpu.memory_space<vmem>>) dst(%dma_wait3A_24 : memref<2048xi32, #tpu.memory_space<hbm>>)
      tpu.yield
    }) : () -> ()
    return
  }
}

module attributes {stable_mosaic.version = 14 : i64} {
  func.func @body(%arg0: i32, %arg1: memref<512x32xf32, #tpu.memory_space<vmem>>, %arg2: memref<32x864xf32, #tpu.memory_space<vmem>>, %arg3: memref<32x32xf32, #tpu.memory_space<vmem>>, %arg4: memref<1x32xf32, #tpu.memory_space<vmem>>, %arg5: memref<512x864xf32, #tpu.memory_space<vmem>>, %arg6: memref<512x32xf32, #tpu.memory_space<vmem>>) attributes {dimension_semantics = [#tpu.dimension_semantics<arbitrary>], iteration_bounds = array<i64: 200>, scalar_prefetch = 0 : i64, scratch_operands = 0 : i64, tpu.core_type = #tpu.core_type<tc>, window_params = [{transform_indices = @transform_0, window_bounds = array<i64: 512, 32>}, {pipeline_mode = #tpu.pipeline_mode<synchronous>, transform_indices = @transform_1, window_bounds = array<i64: 32, 864>}, {pipeline_mode = #tpu.pipeline_mode<synchronous>, transform_indices = @transform_2, window_bounds = array<i64: 32, 32>}, {pipeline_mode = #tpu.pipeline_mode<synchronous>, transform_indices = @transform_3, window_bounds = array<i64: 1, 32>}, {transform_indices = @transform_4, window_bounds = array<i64: 512, 864>}, {transform_indices = @transform_5, window_bounds = array<i64: 512, 32>}]} {
    %get3A = arith.constant 0 : index
    %get3A_0 = arith.constant 0 : index
    %get3A_1 = vector.load %arg1[%get3A, %get3A_0] : memref<512x32xf32, #tpu.memory_space<vmem>>, vector<512x32xf32>
    %get3A_2 = arith.constant 0 : index
    %get3A_3 = arith.constant 0 : index
    %get3A_4 = vector.load %arg2[%get3A_2, %get3A_3] : memref<32x864xf32, #tpu.memory_space<vmem>>, vector<32x864xf32>
    %dot_general3A = arith.constant dense<0.000000e+00> : vector<512x864xf32>
    %dot_general3A_5 = tpu.matmul %get3A_1, %get3A_4, %dot_general3A {dimension_numbers = #tpu.dot_dimension_numbers<[1], [0], [0], [1], [0, 0, 1, 1], [], []>, transpose_lhs_hint = false} : vector<512x32xf32>, vector<32x864xf32>, vector<512x864xf32> -> vector<512x864xf32>
    %swap3A = arith.constant 0 : index
    %swap3A_6 = arith.constant 0 : index
    %swap3A_7 = vector.load %arg5[%swap3A, %swap3A_6] : memref<512x864xf32, #tpu.memory_space<vmem>>, vector<512x864xf32>
    tpu.vector_store %arg5[%swap3A, %swap3A_6], %dot_general3A_5 {strides = array<i32>} : memref<512x864xf32, #tpu.memory_space<vmem>>, vector<512x864xf32>,
    %get3A_8 = arith.constant 0 : index
    %get3A_9 = arith.constant 0 : index
    %get3A_10 = vector.load %arg3[%get3A_8, %get3A_9] : memref<32x32xf32, #tpu.memory_space<vmem>>, vector<32x32xf32>
    %dot_general3A_11 = arith.constant dense<0.000000e+00> : vector<512x32xf32>
    %dot_general3A_12 = tpu.matmul %get3A_1, %get3A_10, %dot_general3A_11 {dimension_numbers = #tpu.dot_dimension_numbers<[1], [0], [0], [1], [0, 0, 1, 1], [], []>, transpose_lhs_hint = false} : vector<512x32xf32>, vector<32x32xf32>, vector<512x32xf32> -> vector<512x32xf32>
    %get3A_13 = arith.constant 0 : index
    %get3A_14 = arith.constant 0 : index
    %get3A_15 = vector.load %arg4[%get3A_13, %get3A_14] : memref<1x32xf32, #tpu.memory_space<vmem>>, vector<1x32xf32>
    %add3A = vector.broadcast %get3A_15 : vector<1x32xf32> to vector<512x32xf32>
    %add3A_16 = arith.addf %dot_general3A_12, %add3A : vector<512x32xf32>
    %swap3A_17 = arith.constant 0 : index
    %swap3A_18 = arith.constant 0 : index
    %swap3A_19 = vector.load %arg6[%swap3A_17, %swap3A_18] : memref<512x32xf32, #tpu.memory_space<vmem>>, vector<512x32xf32>
    tpu.vector_store %arg6[%swap3A_17, %swap3A_18], %add3A_16 {strides = array<i32>} : memref<512x32xf32, #tpu.memory_space<vmem>>, vector<512x32xf32>,
    return
  }
  func.func @transform_0(%arg0: i32) -> (i32, i32) {
    %c0_i32 = arith.constant 0 : i32
    %c0_i32_0 = arith.constant 0 : i32
    return %arg0, %c0_i32 : i32, i32
  }
  func.func @transform_1(%arg0: i32) -> (i32, i32) {
    %c0_i32 = arith.constant 0 : i32
    %c0_i32_0 = arith.constant 0 : i32
    %c0_i32_1 = arith.constant 0 : i32
    return %c0_i32, %c0_i32_0 : i32, i32
  }
  func.func @transform_2(%arg0: i32) -> (i32, i32) {
    %c0_i32 = arith.constant 0 : i32
    %c0_i32_0 = arith.constant 0 : i32
    %c0_i32_1 = arith.constant 0 : i32
    return %c0_i32, %c0_i32_0 : i32, i32
  }
  func.func @transform_3(%arg0: i32) -> (i32, i32) {
    %c0_i32 = arith.constant 0 : i32
    %c0_i32_0 = arith.constant 0 : i32
    %c0_i32_1 = arith.constant 0 : i32
    return %c0_i32, %c0_i32_0 : i32, i32
  }
  func.func @transform_4(%arg0: i32) -> (i32, i32) {
    %c0_i32 = arith.constant 0 : i32
    %c0_i32_0 = arith.constant 0 : i32
    return %arg0, %c0_i32 : i32, i32
  }
  func.func @transform_5(%arg0: i32) -> (i32, i32) {
    %c0_i32 = arith.constant 0 : i32
    %c0_i32_0 = arith.constant 0 : i32
    return %arg0, %c0_i32 : i32, i32
  }
}

</mosaic_0001>

<sc_bundles>
// kernel: kernel.5.cloned.1.call-start
scs
__scs_entry_jumppad:
0x0: {  	(pc) =	sbr.rel $0x88, $3  }
0x1: {  	(tag) =	ssettag $0x0;
	lr =	simm.s32 $0x1  }
0x2: {  	[smem:$0x3F9D] =	sst lr;
	_ =	strace $0xD0000000  }
0x3: {  	_ = 	snop  }
0x4: {  	_ = 	snop  }
0x5: {  	_ = 	snop  }
0x6: {  	_ = 	snop  }
0x7: {  	_ = 	snop  }
__scs_overlays_trampoline_lowered:
0x8: {  	[smem:$0x3FAC] =	sst s0  }
0x9: {  	[smem:$0x3FAD] =	sst s1  }
0xa: {  	[smem:$0x3FAE] =	sst s2  }
0xb: {  	[smem:$0x3FAF] =	sst s3  }
0xc: {  	[smem:$0x3FB0] =	sst s4  }
0xd: {  	[smem:$0x3FB1] =	sst s5  }
0xe: {  	[smem:$0x3FB2] =	sst s6  }
0xf: {  	[smem:$0x3FB3] =	sst s7  }
0x10: {  	[smem:$0x3FB4] =	sst s8  }
0x11: {  	[smem:$0x3FB5] =	sst s9;
	s0 =	simm.s32 @!p0 $0x0  }
0x12: {  	s1 =	sld [smem:$0x3F9B];
	s0 =	simm.s32 @p0 $0x1  }
0x13: {  	[smem:$0x3FB6] =	sst s0;
	s0 =	simm.s32 @!p1 $0x0  }
0x14: {  	s2 =	sld [smem:$0x3F9A];
	s0 =	simm.s32 @p1 $0x1  }
0x15: {  	[smem:$0x3FB7] =	sst s0;
	s0 =	simm.s32 @!p2 $0x0  }
0x16: {  	s3 =	sld [smem:$0x3FDB];
	s0 =	simm.s32 @p2 $0x1  }
0x17: {  	s4 =	simm.s32 $0x1BF5;
	[smem:$0x3FB9] =	sst s0  }
0x18: {  	s0 =	sld [smem:$0x3F9C];
	_ =	swait.ge [sflag:s4], $0x0  }
0x19: {  	s7 =	sld [smem:$0x3F9D]  }
0x1a: {  	s8 =	sadd.s32 $0xFFFFE003, lr  }
0x1b: {  	s9 =	sadd.s32 $0xFFFFFEF7, lr;
	s5 =	simm.s32 $0xFFFFFFFF;
	p2 =	slt.u32 s8, $0xFFFFF086  }
0x1c: {  	p1 =	slt.u32 s9, $0xF7A;
	s5 =	simm.s32 @!p2 $0x0  }
0x1d: {  	s5 =	simm.s32 @p1 $0x1;
	p0 =	seq.s32 s7, s2  }
0x1e: {  	s7 =	smul.u32 @!p0 $0xF7A, s2;
	p2 =	seq.s32 @!p0 s5, $0x0  }
0x1f: {  	s9 =	smul.u32 $0xF7A, s1;
	s8 =	simm.s32 @!p0 $0x1BF5;
	p2 =	por !p2, p0  }
0x20: {  	[sflag:s8] =	ssyncset.s32 @!p0 $0xFFFFF086;
	s6 =	sadd.s32 @!p0 s3, s7;
	s7 =	simm.s32 @!p0 $0x108  }
0x21: {  	s3 =	sadd.s32 s3, s9;
	s6 =	sadd.s32 @!p0 $0x88, s6;
	s7 =	simm.s32 @p2 $0x1082  }
0x22: {  	[simem:s7], [sflag:s8] =	dma.local @!p0 [hbm:s6], $0xF7A  }
0x23: {  	s9 =	sor.u32 $0xD0000000, s2;
	s6 =	simm.s32 $0x108;
	_ =	swait.ge @!p0 [sflag:s8], $0x0  }
0x24: {  	s3 =	sadd.s32 $0x88, s3;
	s6 =	simm.s32 @!p1 $0x1082;
	[sflag:s4] =	ssyncset.s32 $0xFFFFF086  }
0x25: {  	[simem:s6], [sflag:s4] =	dma.local [hbm:s3], $0xF7A  }
0x26: {  	[smem:$0x3F9D] =	sst s1;
	(tag) =	ssettag s2;
	_ =	strace s9  }
0x27: {  	s1 =	sld [smem:$0x3FAD]  }
0x28: {  	s2 =	sld [smem:$0x3FAE]  }
0x29: {  	s4 =	sld [smem:$0x3FB0]  }
0x2a: {  	p0 =	seq.s32 s5, $0x0;
	s5 =	sld [smem:$0x3FB1]  }
0x2b: {  	s6 =	sld [smem:$0x3FB2]  }
0x2c: {  	s7 =	sld [smem:$0x3FB3]  }
0x2d: {  	s3 =	simm.s32 $0x108;
	s8 =	sld [smem:$0x3FB4]  }
0x2e: {  	s3 =	simm.s32 @!p0 $0x1082;
	s9 =	sld [smem:$0x3FB5]  }
0x2f: {  	lr =	sadd.s32 s0, s3;
	s0 =	sld [smem:$0x3FAC]  }
0x30: {  	s3 =	sld [smem:$0x3FAF]  }
0x31: {  	[smem:$0x3FB8] =	sst s10  }
0x32: {  	s10 =	sld [smem:$0x3FB6];
	_ =	sdelay $0x3  }
0x33: {  	p0 =	seq.s32 s10, $0x1;
	s10 =	sld [smem:$0x3FB8];
	_ =	sdelay $0x3  }
0x34: {  	[smem:$0x3FB8] =	sst s10  }
0x35: {  	s10 =	sld [smem:$0x3FB7];
	_ =	sdelay $0x3  }
0x36: {  	p1 =	seq.s32 s10, $0x1;
	s10 =	sld [smem:$0x3FB8];
	_ =	sdelay $0x3  }
0x37: {  	[smem:$0x3FB8] =	sst s10  }
0x38: {  	s10 =	sld [smem:$0x3FB9]  }
0x39: {  	_ = 	snop;
	(pc) =	sbr.ind lr, $3  }
0x3a: {  	_ = 	snop  }
0x3b: {  	_ = 	snop  }
0x3c: {  	p2 =	seq.s32 s10, $0x1;
	s10 =	sld [smem:$0x3FB8]  }
0x3d: {  	_ =	shalt  }
0x3e: {  	_ =	shalt  }
0x3f: {  	_ =	shalt  }
0x40: {  	_ =	shalt  }
0x41: {  	_ =	shalt  }
0x42: {  	_ =	shalt  }
0x43: {  	_ =	shalt  }
0x44: {  	_ =	shalt  }
0x45: {  	_ =	shalt  }
0x46: {  	_ =	shalt  }
0x47: {  	_ =	shalt  }
0x48: {  	_ =	shalt  }
0x49: {  	_ =	shalt  }
0x4a: {  	_ =	shalt  }
0x4b: {  	_ =	shalt  }
0x4c: {  	_ =	shalt  }
0x4d: {  	_ =	shalt  }
0x4e: {  	_ =	shalt  }
0x4f: {  	_ =	shalt  }
0x50: {  	_ =	shalt  }
0x51: {  	_ =	shalt  }
0x52: {  	_ =	shalt  }
0x53: {  	_ =	shalt  }
0x54: {  	_ =	shalt  }
0x55: {  	_ =	shalt  }
0x56: {  	_ =	shalt  }
0x57: {  	_ =	shalt  }
0x58: {  	_ =	shalt  }
0x59: {  	_ =	shalt  }
0x5a: {  	_ =	shalt  }
0x5b: {  	_ =	shalt  }
0x5c: {  	_ =	shalt  }
0x5d: {  	_ =	shalt  }
0x5e: {  	_ =	shalt  }
0x5f: {  	_ =	shalt  }
0x60: {  	_ =	shalt  }
0x61: {  	_ =	shalt  }
0x62: {  	_ =	shalt  }
0x63: {  	_ =	shalt  }
0x64: {  	_ =	shalt  }
0x65: {  	_ =	shalt  }
0x66: {  	_ =	shalt  }
0x67: {  	_ =	shalt  }
0x68: {  	_ =	shalt  }
0x69: {  	_ =	shalt  }
0x6a: {  	_ =	shalt  }
0x6b: {  	_ =	shalt  }
0x6c: {  	_ =	shalt  }
0x6d: {  	_ =	shalt  }
0x6e: {  	_ =	shalt  }
0x6f: {  	_ =	shalt  }
0x70: {  	_ =	shalt  }
0x71: {  	_ =	shalt  }
0x72: {  	_ =	shalt  }
0x73: {  	_ =	shalt  }
0x74: {  	_ =	shalt  }
0x75: {  	_ =	shalt  }
0x76: {  	_ =	shalt  }
0x77: {  	_ =	shalt  }
0x78: {  	_ =	shalt  }
0x79: {  	_ =	shalt  }
0x7a: {  	_ =	shalt  }
0x7b: {  	_ =	shalt  }
0x7c: {  	_ =	shalt  }
0x7d: {  	_ =	shalt  }
0x7e: {  	_ =	shalt  }
0x7f: {  	_ =	shalt  }
0x80: {  	_ =	shalt  }
0x81: {  	_ =	shalt  }
0x82: {  	_ =	shalt  }
0x83: {  	_ =	shalt  }
0x84: {  	_ =	shalt  }
0x85: {  	_ =	shalt  }
0x86: {  	_ =	shalt  }
0x87: {  	_ =	shalt  }
.Lfunc_end0:
.L_simem_size_0:
called_computation_lowered:
.L_overlay_start_0:
0x88: {  	s2 =	sld [smem:$0x3FD9]  }
0x89: {  	s3 =	sld [smem:$0x3FFE];
	_ =	sdelay $0x1  }
0x8a: {  	s1 =	srdreg.scid  }
0x8b: {  	s0 =	sand.u32 $0x1, s1  }
0x8c: {  	s16 =	sshll.u32 s0, $0xA;
	s2 =	sadd.s32 s3, s2  }
0x8d: {  	s2 =	sadd.s32 s2, s16  }
0x8e: {  	[smem:$0x3FC4] =	sst s2  }
0x8f: {  	_ = 	snop  }
0x90: {  	(tm) =	ssettm $0x1  }
0x91: {  	s17 =	sld [smem:$0x3FFB];
	_ =	sdelay $0x3  }
0x92: {  	_ =	strace s17  }
0x93: {  	s2 =	sld [smem:$0x3FFC];
	_ =	sdelay $0x3  }
0x94: {  	_ =	strace s2  }
0x95: {  	s2 =	sld [smem:$0x3FFD];
	_ =	sdelay $0x3  }
0x96: {  	_ =	strace s2  }
0x97: {  	_ =	strace $0x8FFFFFFF  }
0x98: {  	s18 =	sld [smem:$0x3FDB];
	_ =	sdelay $0x1  }
0x99: {  	s19 =	simm.s32 $_scs_section_size  }
0x9a: {  	s4 =	simm.s32 $_size__tile_overlayer_lowered;
	s5 =	simm.s32 $_tile_overlayer_lowered  }
0x9b: {  	s22 =	simm.s32 $0x1BFF;
	s21 =	sshll.u32 s5, $0x1;
	s2 =	sadd.s32 s19, s18  }
0x9c: {  	s6 =	simm.s32 $0x0;
	s20 =	sshll.u32 s4, $0x1;
	s4 =	sadd.s32 s21, s2  }
0x9d: {  	[timem:s6], [sflag:s22] =	dma.local [hbm:s4], s20  }
0x9e: {  	_ =	swait.ge [sflag:s22], s20  }
0x9f: {  	s3 =	ssub.s32 $0x0, s20;
	[sflag:s22] =	ssyncset.done $0x0  }
0xa0: {  	[sflag:s22] =	ssyncadd.s32 s3;
	_ =	sdelay $0x1  }
0xa1: {  	s23 =	simm.s32 $0x1B8B  }
0xa2: {  	_ =	swait.ge [sflag:s23], $0x1  }
0xa3: {  	[sflag:s23] =	ssyncset.done $0x0  }
0xa4: {  	s25 =	simm.s32 $0x1B8E;
	s24 =	sld [smem:$0x3FFE];
	[sflag:s23] =	ssyncadd.s32 $0xFFFFFFFF  }
0xa5: {  	s26 =	simm.s32 $execute0_lowered;
	[smem:$0x3FD2] =	sst s25  }
0xa6: {  	s4 =	sshll.u32 s26, $0x1;
	_ =	strace $0x80000046;
	[dreg:$0x1] =	wrdreg $0xFFFFFFFF  }
0xa7: {  	s28 =	simm.s32 $_size_execute0_lowered;
	s2 =	sadd.s32 s2, s4;
	[dreg:$0x0] =	wrdreg $0x0  }
0xa8: {  	s4 =	sshll.u32 s28, $0x1;
	[dreg:$0x2] =	wrdreg s2  }
0xa9: {  	[dreg:$0x3] =	wrdreg s4  }
0xaa: {  	[dreg:$0x4] =	wrdreg $0xC0  }
0xab: {  	_ =	task [dreg:s6], $0x5FFFF  }
0xac: {  	[dreg:$0x1] =	wrdreg $0xFFFFFFFF  }
0xad: {  	[dreg:$0x0] =	wrdreg $0x60  }
0xae: {  	[dreg:$0x2] =	wrdreg s24  }
0xaf: {  	[dreg:$0x3] =	wrdreg $0x9  }
0xb0: {  	_ =	task.clear_ibuf [dreg:s6], $0x4FFFF;
	_ =	strace $0x90000046  }
0xb1: {  	s29 =	simm.s32 $0x9;
	_ =	strace $0x80000048  }
0xb2: {  	_ =	swait.ge [sflag:s29], $0x1  }
0xb3: {  	[sflag:s29] =	ssyncadd.s32 $0xFFFFFFFF  }
0xb4: {  	_ =	strace $0x90000048  }
0xb5: {  	_ =	sfence  }
0xb6: {  	s30 =	sld [smem:$0x0];
	_ =	sdelay $0x2  }
0xb7: {  	s31 =	sshll.u32 s1, $0xD;
	s1 =	sshrl.u32 s1, $0x2  }
0xb8: {  	s3 =	sand.u32 $0x4000, s31;
	s1 =	sadd.s32 s1, s30  }
0xb9: {  	s0 =	sor.u32 s3, s0;
	s1 =	sshll.u32 s1, $0x11  }
0xba: {  	s0 =	sor.u32 s1, s0  }
0xbb: {  	s0 =	sadd.s32 $0x8F2B, s0  }
0xbc: {  	[sflag:s0] =	ssyncadd.remote.s32 $0x1  }
0xbd: {  	_ =	sfence.sel $0xFFFF  }
0xbe: {  	[dreg:$0x0] =	wrdreg $0xFFFFFFFF;
	(pc) =	sbr.abs _section_cstart, $3  }
0xbf: {  	[dreg:$0x1] =	wrdreg $0xFFFFFFFF  }
0xc0: {  	_ =	task.clear_ibuf [dreg:s6], $0x2FFFF;
	_ =	strace $0x9FFFFFFF  }
0xc1: {  	(tm) =	ssettm $0x7FFFFFFF  }
tec
execute0_lowered:
.L_overlay_start_1:
0x0: {  	(tag) =	ssettag $0x1  }
0x1: {  	v0 =	vlaneseq.u32;
	v1 =	vimm.s32 $0x186A0;
	v3 =	vimm.s32 $0x0  }
0x2: {  	v4 =	vimm.s32 $0x2;
	v46 =	vimm.s32 $0x4;
	v52 =	vimm.s32 $0x8  }
0x3: {  	v58 =	vimm.s32 $0x10;
	v40 =	vimm.s32 $0x20;
	v23 =	vimm.s32 $0x40  }
0x4: {  	v19 =	vimm.s32 $0x80;
	v60 =	vimm.s32 $0x100;
	v62 =	vimm.s32 $0x200  }
0x5: {  	v29 =	vimm.s32 $0x400;
	v56 =	vimm.s32 $0x800;
	v27 =	vimm.s32 $0x1000  }
0x6: {  	v50 =	vimm.s32 $0x2000;
	v25 =	vimm.s32 $0x4000;
	v44 =	vimm.s32 $0x8000  }
0x7: {  	v36 =	vimm.s32 $0x10000;
	v38 =	vimm.s32 $0x20000;
	v24 =	vmul.u32 $0x20, v0  }
0x8: {  	v21 =	vimm.s32 $0x40000;
	v32 =	vimm.s32 $0x80000;
	v31 =	vimm.s32 $0x100000  }
0x9: {  	v15 =	vimm.s32 $0x200000;
	v17 =	vimm.s32 $0x400000;
	v7 =	vor.u32 $0x1, v24  }
0xa: {  	v11 =	vor.u32 $0x2, v24;
	v26 =	vor.u32 $0x3, v24;
	v28 =	vor.u32 $0x4, v24  }
0xb: {  	s1 =	srdreg.scid;
	s0 =	stileid.u32;
	v30 =	vor.u32 $0x5, v24;
	v34 =	vor.u32 $0x6, v24;
	v42 =	vor.u32 $0x7, v24  }
0xc: {  	s6 =	rddreg [dreg:$0x0];
	s2 =	simm.s32 $0x0;
	s9 =	simm.s32 $0x10810;
	v48 =	vor.u32 $0x8, v24;
	v54 =	vor.u32 $0x9, v24;
	v8 =	vor.u32 $0xA, v24  }
0xd: {  	s10 =	simm.s32 $0x0;
	s5 =	sand.u32 $0x1, s1;
	s31 =	sshll.u32 s0, $0x1;
	v33 =	vor.u32 $0xB, v24;
	v35 =	vor.u32 $0xC, v24;
	v37 =	vor.u32 $0xD, v24  }
0xe: {  	[smem:$0x7FF] =	sst s2;
	s3 =	sadd.s32 $0x1000, s6;
	s4 =	sor.u32 s5, s31;
	v39 =	vor.u32 $0xE, v24;
	v41 =	vor.u32 $0xF, v24;
	v43 =	vor.u32 $0x10, v24  }
0xf: {  	s5 =	ssub.s32 $0x2, s5;
	s1 =	sshll.u32 s4, $0x10;
	v45 =	vor.u32 $0x11, v24;
	v47 =	vor.u32 $0x12, v24;
	s7 =	sshll.u32 s4, $0xD;
	v6 =	vor.u32 $0x18, v24  }
0x10: {  	v49 =	vor.u32 $0x13, v24;
	s4 =	sshll.u32 s4, $0x8;
	v16 =	vor.u32 $0x1D, v24;
	v2 =	vmov s1;
	s1 =	rddreg [dreg:$0x1];
	_ =	strace $0x80000047;
	[tilespmem:$0x1FFC0] =	vst v6  }
0x11: {  	v51 =	vor.u32 $0x14, v24;
	v53 =	vor.u32 $0x15, v24;
	s8 =	sshrl.u32 s5, $0x1;
	v9 =	vor.u32 $0x1E, v24;
	s7 =	sadd.s32 s7, s6;
	s6 =	sadd.s32 s4, s6;
	[tilespmem:$0x1FFE0] =	vst v16  }
0x12: {  	v55 =	vor.u32 $0x16, v24;
	v57 =	vor.u32 $0x17, v24;
	s8 =	ssub.s32 s5, s8;
	v6 =	vor.u32 $0x1C, v24;
	[tilespmem:$0x1FFF0] =	vst v9;
	s4 =	sadd.s32 $0x4200, s7;
	s5 =	sadd.s32 $0x44200, s6  }
0x13: {  	v59 =	vor.u32 $0x19, v24;
	v5 =	vor.u32 $0x1A, v24;
	v22 =	vor.u32 $0x1B, v24;
	[tilespmem:$0x1FFD0] =	vst v6;
	s6 =	smax.u32 s8, $0x1;
	s7 =	simm.s32 $0x10010;
	s8 =	simm.s32 $0x1  }
.LBB2_1:
0x14: {  	s11 =	simm.s32 $0x40;
	s12 =	simm.s32 $0x0  }
.LBB2_2:
0x15: {  	p0 =	sne.s32 s11, $0x3FFC0;
	[tilespmem:s12+$0x0] =	vst v1;
	s12 =	smov.u32 s11;
	s11 =	sadd.s32 $0x40, s11  }
.Ltmp0:
0x16: {  	(pc) =	sbr.rel @p0 .LBB2_2-.Ltmp0, $2  }
0x17: {  	_ =	sdelay $0x2  }
0x18: {  	s12 =	sshra.s32 s12, $0x2  }
0x19: {  	v13 =	vmov v8;
	[tilespmem:s12+$0x0] =	vst v1;
	s11 =	simm.s32 $0x0;
	s12 =	simm.s32 $0x0;
	s13 =	simm.s32 $0x0;
	v1 =	vld [tilespmem:$0x1FFC0]  }
.LBB2_4:
0x1a: {  	s14 =	sshll.u32 s13, $0x8  }
0x1b: {  	s14 =	sadd.s32 s3, s14  }
0x1c: {  	[tilespmem:s7], [sflag:$0x1] =	stream.linear.gather [hbm4b:s14+s11], $0x800, $0x38;
	[tilespmem:$0x11010] =	vst v63  }
0x1d: {  	_ =	swait.ge [sflag:s8], $0x800  }
0x1e: {  	[sflag:s8] =	ssyncset.done $0x0  }
0x1f: {  	s31 =	simm.s32 $0x0;
	[sflag:s8] =	ssyncadd.s32 $0xFFFFF800  }
0x20: {  	v6 =	vld [tilespmem:s31+$0x10010];
	_ =	sdelay $0x4  }
0x21: {  	v6 =	vsub.s32 v6, v2  }
0x22: {  	v6 =	vmin.u32 v6, $0x10000;
	_ =	sdelay $0x3  }
0x23: {  	v8 =	vor.u32 s12, v0  }
0x24: {  	s16 =	simm.s32 $0x10;
	s15 =	simm.s32 $0x80;
	s14 =	smov.u32 s12;
	[tilespmem:v6+s2+$0x0] =	vst.idx.msk $0xffff, v8  }
.LBB2_5:
0x25: {  	p0 =	sne.s32 s15, $0x1FC0;
	v6 =	vld [tilespmem:s16+$0x10010];
	_ =	sdelay $0x4  }
0x26: {  	v6 =	vsub.s32 v6, v2  }
0x27: {  	v6 =	vmin.u32 v6, $0x10000  }
.Ltmp1:
0x28: {  	(pc) =	sbr.rel @p0 .LBB2_5-.Ltmp1, $4  }
0x29: {  	_ = 	snop  }
0x2a: {  	s14 =	sadd.s32 $0x10, s14  }
0x2b: {  	v8 =	vor.u32 s14, v0  }
0x2c: {  	s16 =	sshra.s32 s15, $0x2;
	s15 =	sadd.s32 $0x40, s15;
	[tilespmem:v6+s2+$0x0] =	vst.idx.msk $0xffff, v8  }
0x2d: {  	v6 =	vld [tilespmem:s16+$0x10010];
	_ =	sdelay $0x4  }
0x2e: {  	s13 =	sadd.s32 $0x1, s13;
	v6 =	vsub.s32 v6, v2  }
0x2f: {  	p0 =	sne.s32 s13, $0x32;
	v6 =	vmin.u32 v6, $0x10000  }
.Ltmp2:
0x30: {  	_ = 	snop;
	(pc) =	sbr.rel @p0 .LBB2_4-.Ltmp2, $4  }
0x31: {  	_ = 	snop  }
0x32: {  	s14 =	sadd.s32 $0x10, s14  }
0x33: {  	v8 =	vor.u32 s14, v0  }
0x34: {  	s12 =	sadd.s32 $0x800, s12;
	[tilespmem:v6+s2+$0x0] =	vst.idx.msk $0xffff, v8  }
0x35: {  	s11 =	simm.s32 $0x0  }
0x36: {  	v6 =	vor.u32 s11, v24  }
0x37: {  	v8 =	vor.u32 s11, v7  }
0x38: {  	v10 =	vor.u32 s11, v11  }
0x39: {  	v12 =	vor.u32 s11, v26  }
0x3a: {  	v14 =	vor.u32 s11, v28  }
0x3b: {  	v18 =	vor.u32 s11, v34;
	v6 =	vld.idx.msk [tilespmem:v6+s2+$0x0], $0xffff  }
0x3c: {  	v20 =	vor.u32 s11, v42;
	v8 =	vld.idx.msk [tilespmem:v8+s2+$0x0], $0xffff  }
0x3d: {  	v10 =	vld.idx.msk [tilespmem:v10+s2+$0x0], $0xffff  }
0x3e: {  	v12 =	vld.idx.msk [tilespmem:v12+s2+$0x0], $0xffff  }
0x3f: {  	v16 =	vor.u32 s11, v30;
	v1 =	vor.u32 s11, v1;
	v14 =	vld.idx.msk [tilespmem:v14+s2+$0x0], $0xffff  }
0x40: {  	[tilespmem:$0x1FF90] =	vst v1;
	v1 =	vor.u32 s11, v54;
	v18 =	vld.idx.msk [tilespmem:v18+s2+$0x0], $0xffff  }
0x41: {  	v61 =	vor.u32 s11, v48;
	v20 =	vld.idx.msk [tilespmem:v20+s2+$0x0], $0xffff;
	_ =	sdelay $0x1  }
0x42: {  	v63 =	vor.u32 s11, v9;
	vm0 =	vne.s32 v6, $0x186A0  }
0x43: {  	vm1 =	veq.s32 v8, $0x186A0;
	v8 =	vld.idx.msk [tilespmem:v16+s2+$0x0], $0xffff;
	vm10 =	veq.s32 v10, $0x186A0;
	vm11 =	veq.s32 v12, $0x186A0  }
0x44: {  	vm12 =	veq.s32 v14, $0x186A0;
	v14 =	vld.idx.msk [tilespmem:v1+s2+$0x0], $0xffff;
	v1 =	vor.u32 s11, v39;
	vm14 =	veq.s32 v18, $0x186A0  }
0x45: {  	v10 =	vld.idx.msk [tilespmem:v61+s2+$0x0], $0xffff;
	vm15 =	veq.s32 v20, $0x186A0;
	v20 =	vor.u32 s11, v43;
	v16 =	vsel vm0, $0x1, v3  }
0x46: {  	v6 =	vsel vm1, $0x0, v4;
	v4 =	vor.u32 s11, v13;
	v3 =	vor.u32 s11, v33  }
0x47: {  	v12 =	vsel vm10, $0x0, v46;
	v46 =	vor.u32 s11, v35;
	v6 =	vor.u32 v16, v6  }
0x48: {  	v16 =	vor.u32 s11, v37;
	v6 =	vor.u32 v12, v6;
	v12 =	vsel vm11, $0x0, v52  }
0x49: {  	v9 =	vld [tilespmem:$0x1FFD0];
	v6 =	vor.u32 v12, v6;
	v12 =	vsel vm12, $0x0, v58;
	vm13 =	veq.s32 v8, $0x186A0  }
0x4a: {  	v6 =	vor.u32 v12, v6;
	vm4 =	veq.s32 v10, $0x186A0;
	vm5 =	veq.s32 v14, $0x186A0;
	v10 =	vld.idx.msk [tilespmem:v1+s2+$0x0], $0xffff  }
0x4b: {  	v1 =	vor.u32 s11, v51;
	v61 =	vld.idx.msk [tilespmem:v4+s2+$0x0], $0xffff;
	v18 =	vsel vm13, $0x0, v40;
	v4 =	vor.u32 s11, v41  }
0x4c: {  	v8 =	vld.idx.msk [tilespmem:v3+s2+$0x0], $0xffff;
	v3 =	vor.u32 s11, v45;
	v6 =	vor.u32 v18, v6;
	v18 =	vsel vm14, $0x0, v23  }
0x4d: {  	v12 =	vld.idx.msk [tilespmem:v46+s2+$0x0], $0xffff;
	v6 =	vor.u32 v18, v6;
	v18 =	vsel vm15, $0x0, v19;
	v19 =	vor.u32 s11, v47  }
0x4e: {  	v14 =	vsel vm4, $0x0, v60;
	v23 =	vld.idx.msk [tilespmem:v16+s2+$0x0], $0xffff;
	v6 =	vor.u32 v18, v6;
	v18 =	vor.u32 s11, v49  }
0x4f: {  	v20 =	vld.idx.msk [tilespmem:v20+s2+$0x0], $0xffff;
	v6 =	vor.u32 v14, v6;
	v14 =	vsel vm5, $0x0, v62;
	vm10 =	veq.s32 v10, $0x186A0  }
0x50: {  	v10 =	vor.u32 s11, v55;
	vm6 =	veq.s32 v61, $0x186A0;
	v6 =	vor.u32 v14, v6;
	v16 =	vld.idx.msk [tilespmem:v4+s2+$0x0], $0xffff  }
0x51: {  	vm7 =	veq.s32 v8, $0x186A0;
	v4 =	vor.u32 s11, v53;
	v8 =	vld.idx.msk [tilespmem:v3+s2+$0x0], $0xffff;
	v14 =	vsel vm6, $0x0, v29  }
0x52: {  	vm8 =	veq.s32 v12, $0x186A0;
	v12 =	vsel vm7, $0x0, v56;
	v6 =	vor.u32 v14, v6;
	v14 =	vld.idx.msk [tilespmem:v19+s2+$0x0], $0xffff  }
0x53: {  	vm9 =	veq.s32 v23, $0x186A0;
	v6 =	vor.u32 v12, v6;
	v12 =	vsel vm8, $0x0, v27;
	v23 =	vld.idx.msk [tilespmem:v18+s2+$0x0], $0xffff  }
0x54: {  	v18 =	vld.idx.msk [tilespmem:v1+s2+$0x0], $0xffff;
	v6 =	vor.u32 v12, v6;
	v12 =	vsel vm9, $0x0, v50  }
0x55: {  	[tilespmem:$0x1FFB0] =	vst v63;
	v63 =	vor.u32 s11, v9;
	vm12 =	veq.s32 v20, $0x186A0;
	v10 =	vld.idx.msk [tilespmem:v10+s2+$0x0], $0xffff;
	v6 =	vor.u32 v12, v6  }
0x56: {  	v12 =	vor.u32 s11, v57;
	vm11 =	veq.s32 v16, $0x186A0;
	v16 =	vsel vm10, $0x0, v25;
	v20 =	vld.idx.msk [tilespmem:v4+s2+$0x0], $0xffff  }
0x57: {  	v19 =	vor.u32 s11, v59;
	v4 =	vld [tilespmem:$0x1FFE0];
	v6 =	vor.u32 v16, v6;
	v16 =	vsel vm11, $0x0, v44  }
0x58: {  	vm13 =	veq.s32 v8, $0x186A0;
	v6 =	vor.u32 v16, v6;
	v16 =	vsel vm12, $0x0, v36  }
0x59: {  	v25 =	vor.u32 s11, v5;
	vm14 =	veq.s32 v14, $0x186A0;
	v6 =	vor.u32 v16, v6  }
0x5a: {  	v14 =	vsel vm13, $0x0, v38;
	v16 =	vor.u32 s11, v22;
	vm15 =	veq.s32 v23, $0x186A0  }
0x5b: {  	vm4 =	veq.s32 v18, $0x186A0;
	v3 =	vor.u32 v14, v6;
	v14 =	vsel vm14, $0x0, v21;
	v1 =	vld.idx.msk [tilespmem:v12+s2+$0x0], $0xffff  }
0x5c: {  	v8 =	vsel vm15, $0x0, v32;
	vm6 =	veq.s32 v10, $0x186A0;
	v12 =	vor.u32 s11, v4;
	v6 =	vmovc v4;
	v4 =	vld [tilespmem:$0x1FF90]  }
0x5d: {  	v14 =	vor.u32 v14, v3;
	v3 =	vor.u32 $0x1F, v24;
	vm5 =	veq.s32 v20, $0x186A0  }
0x5e: {  	v20 =	vsel vm4, $0x0, v31;
	v8 =	vor.u32 v8, v14;
	v14 =	vor.u32 s11, v3  }
0x5f: {  	[tilespmem:$0x1FFA0] =	vst v3;
	v10 =	vsel vm5, $0x0, v15;
	v3 =	vimm.s32 $0x800000;
	v8 =	vor.u32 v20, v8  }
0x60: {  	v18 =	vld.idx.msk [tilespmem:v19+s2+$0x0], $0xffff;
	v20 =	vsel vm6, $0x0, v17;
	v8 =	vor.u32 v10, v8;
	vm7 =	veq.s32 v1, $0x186A0  }
0x61: {  	v8 =	vor.u32 v20, v8;
	v20 =	vsel vm7, $0x0, v3;
	v3 =	vld [tilespmem:$0x1FFB0]  }
0x62: {  	v19 =	vld.idx.msk [tilespmem:v25+s2+$0x0], $0xffff  }
0x63: {  	v16 =	vld.idx.msk [tilespmem:v16+s2+$0x0], $0xffff  }
0x64: {  	v4 =	vld.idx.msk [tilespmem:v4+s2+$0x0], $0xffff  }
0x65: {  	v10 =	vld.idx.msk [tilespmem:v63+s2+$0x0], $0xffff;
	_ =	sdelay $0x1  }
0x66: {  	v12 =	vld.idx.msk [tilespmem:v12+s2+$0x0], $0xffff  }
0x67: {  	vm9 =	veq.s32 v18, $0x186A0;
	vm10 =	veq.s32 v19, $0x186A0;
	v1 =	vimm.s32 $0x2000000;
	v14 =	vld.idx.msk [tilespmem:v14+s2+$0x0], $0xffff  }
0x68: {  	v8 =	vor.u32 v20, v8;
	vm8 =	veq.s32 v4, $0x186A0;
	v20 =	vld.idx.msk [tilespmem:v3+s2+$0x0], $0xffff;
	v3 =	vimm.s32 $0x1000000  }
0x69: {  	vm11 =	veq.s32 v16, $0x186A0;
	vm12 =	veq.s32 v10, $0x186A0;
	v18 =	vsel vm8, $0x0, v3  }
0x6a: {  	v3 =	vimm.s32 $0x4000000;
	v8 =	vor.u32 v18, v8;
	v18 =	vsel vm9, $0x0, v1  }
0x6b: {  	v16 =	vsel vm10, $0x0, v3;
	v3 =	vimm.s32 $0x8000000;
	v8 =	vor.u32 v18, v8  }
0x6c: {  	vm13 =	veq.s32 v12, $0x186A0;
	v10 =	vsel vm11, $0x0, v3;
	v8 =	vor.u32 v16, v8  }
0x6d: {  	vm15 =	veq.s32 v14, $0x186A0;
	v3 =	vimm.s32 $0x10000000;
	v8 =	vor.u32 v10, v8  }
0x6e: {  	v10 =	vsel vm12, $0x0, v3;
	vm14 =	veq.s32 v20, $0x186A0;
	v3 =	vimm.s32 $0x20000000  }
0x6f: {  	v8 =	vor.u32 v10, v8;
	v10 =	vsel vm13, $0x0, v3;
	v3 =	vimm.s32 $0x40000000  }
0x70: {  	v8 =	vor.u32 v10, v8;
	v10 =	vsel vm14, $0x0, v3;
	v3 =	vimm.s32 $0x80000000  }
0x71: {  	s12 =	simm.s32 $0x200;
	v61 =	vmovc v59;
	v31 =	vmov v13;
	v8 =	vor.u32 v10, v8;
	v10 =	vsel vm15, $0x0, v3  }
0x72: {  	s13 =	simm.s32 $0x400;
	v59 =	vld [tilespmem:$0x1FFC0];
	v13 =	vmovc v22;
	s11 =	simm.s32 $0x10810;
	v63 =	vmovc v5;
	v18 =	vor.u32 s12, v24;
	v20 =	vor.u32 s12, v7;
	v10 =	vor.u32 v10, v8  }
.LBB2_8:
0x73: {  	_ = 	snop  }
0x74: {  	v22 =	vor.u32 s12, v11  }
0x75: {  	v1 =	vld [tilespmem:$0x1FFF0];
	v15 =	vmovc v11;
	v11 =	vmovc v7;
	v7 =	vmov v24;
	v24 =	vor.u32 s12, v26;
	v12 =	vor.u32 s12, v9  }
0x76: {  	[tilespmem:s11+$0x0] =	vst v10;
	v10 =	vor.u32 s12, v6;
	v17 =	vmovc v26;
	v26 =	vor.u32 s12, v28;
	v16 =	vor.u32 s12, v63;
	v5 =	vld [tilespmem:$0x1FFA0]  }
0x77: {  	v14 =	vor.u32 s12, v13;
	v19 =	vmovc v28;
	v28 =	vor.u32 s12, v30;
	v21 =	vor.u32 s12, v59;
	v18 =	vld.idx.msk [tilespmem:v18+s2+$0x0], $0xffff  }
0x78: {  	v32 =	vor.u32 s12, v61;
	v23 =	vmovc v34;
	v34 =	vor.u32 s12, v34;
	v36 =	vor.u32 s12, v55;
	v20 =	vld.idx.msk [tilespmem:v20+s2+$0x0], $0xffff  }
0x79: {  	v38 =	vor.u32 s12, v57;
	v40 =	vor.u32 s12, v42;
	v3 =	vor.u32 s12, v33;
	v22 =	vld.idx.msk [tilespmem:v22+s2+$0x0], $0xffff  }
0x7a: {  	v25 =	vor.u32 s12, v51;
	v44 =	vor.u32 s12, v53;
	v46 =	vor.u32 s12, v48;
	v24 =	vld.idx.msk [tilespmem:v24+s2+$0x0], $0xffff  }
0x7b: {  	v27 =	vor.u32 s12, v47;
	v50 =	vor.u32 s12, v49;
	v4 =	vor.u32 s12, v35;
	v26 =	vld.idx.msk [tilespmem:v26+s2+$0x0], $0xffff  }
0x7c: {  	v52 =	vor.u32 s12, v54;
	v29 =	vmovc v54;
	v54 =	vor.u32 s12, v43;
	v56 =	vor.u32 s12, v45;
	v28 =	vld.idx.msk [tilespmem:v28+s2+$0x0], $0xffff  }
0x7d: {  	v58 =	vor.u32 s12, v31;
	v60 =	vor.u32 s12, v39;
	v34 =	vld.idx.msk [tilespmem:v34+s2+$0x0], $0xffff;
	vm0 =	vne.s32 v18, $0x186A0  }
0x7e: {  	v3 =	vld.idx.msk [tilespmem:v3+s2+$0x0], $0xffff;
	vm1 =	veq.s32 v20, $0x186A0;
	v20 =	vor.u32 s12, v5;
	v5 =	vimm.s32 $0x0  }
0x7f: {  	v62 =	vor.u32 s12, v41;
	v18 =	vld.idx.msk [tilespmem:v40+s2+$0x0], $0xffff;
	v40 =	vsel vm0, $0x1, v5;
	v5 =	vimm.s32 $0x2  }
0x80: {  	v8 =	vor.u32 s12, v1;
	v1 =	vor.u32 s12, v37;
	v4 =	vld.idx.msk [tilespmem:v4+s2+$0x0], $0xffff;
	v5 =	vsel vm1, $0x0, v5  }
0x81: {  	v5 =	vor.u32 v40, v5;
	vm10 =	veq.s32 v22, $0x186A0;
	v22 =	vld.idx.msk [tilespmem:v46+s2+$0x0], $0xffff;
	v46 =	vimm.s32 $0x4  }
0x82: {  	vm11 =	veq.s32 v24, $0x186A0;
	v24 =	vld.idx.msk [tilespmem:v52+s2+$0x0], $0xffff;
	v52 =	vimm.s32 $0x8;
	vm12 =	veq.s32 v26, $0x186A0  }
0x83: {  	v26 =	vld.idx.msk [tilespmem:v58+s2+$0x0], $0xffff;
	v58 =	vimm.s32 $0x10;
	vm13 =	veq.s32 v28, $0x186A0;
	vm14 =	veq.s32 v34, $0x186A0  }
0x84: {  	v34 =	vmovc v23;
	v23 =	vimm.s32 $0x40;
	vm7 =	veq.s32 v3, $0x186A0;
	v40 =	vsel vm10, $0x0, v46  }
0x85: {  	v3 =	vld.idx.msk [tilespmem:v56+s2+$0x0], $0xffff;
	v56 =	vimm.s32 $0x800;
	v5 =	vor.u32 v40, v5;
	v40 =	vsel vm11, $0x0, v52  }
0x86: {  	v1 =	vld.idx.msk [tilespmem:v1+s2+$0x0], $0xffff;
	vm8 =	veq.s32 v4, $0x186A0;
	v5 =	vor.u32 v40, v5;
	v40 =	vsel vm12, $0x0, v58  }
0x87: {  	v4 =	vld.idx.msk [tilespmem:v27+s2+$0x0], $0xffff;
	v27 =	vimm.s32 $0x1000;
	v5 =	vor.u32 v40, v5;
	v40 =	vimm.s32 $0x20  }
0x88: {  	vm15 =	veq.s32 v18, $0x186A0;
	v28 =	vsel vm13, $0x0, v40;
	vm4 =	veq.s32 v22, $0x186A0;
	v22 =	vld.idx.msk [tilespmem:v60+s2+$0x0], $0xffff  }
0x89: {  	vm5 =	veq.s32 v24, $0x186A0;
	v24 =	vld.idx.msk [tilespmem:v62+s2+$0x0], $0xffff;
	v5 =	vor.u32 v28, v5;
	v28 =	vsel vm14, $0x0, v23  }
0x8a: {  	v60 =	vimm.s32 $0x100;
	v62 =	vimm.s32 $0x200;
	vm6 =	veq.s32 v26, $0x186A0;
	v26 =	vld.idx.msk [tilespmem:v54+s2+$0x0], $0xffff  }
0x8b: {  	v54 =	vmovc v29;
	v29 =	vimm.s32 $0x400;
	vm9 =	veq.s32 v1, $0x186A0;
	v1 =	vld.idx.msk [tilespmem:v50+s2+$0x0], $0xffff;
	v50 =	vimm.s32 $0x2000  }
0x8c: {  	vm13 =	veq.s32 v3, $0x186A0;
	v5 =	vor.u32 v28, v5;
	v28 =	vmovc v19;
	v19 =	vimm.s32 $0x80  }
0x8d: {  	v3 =	vld.idx.msk [tilespmem:v38+s2+$0x0], $0xffff;
	v38 =	vimm.s32 $0x20000;
	vm14 =	veq.s32 v4, $0x186A0;
	v18 =	vsel vm15, $0x0, v19  }
0x8e: {  	v4 =	vld.idx.msk [tilespmem:v21+s2+$0x0], $0xffff;
	v21 =	vimm.s32 $0x40000;
	v5 =	vor.u32 v18, v5;
	v18 =	vsel vm4, $0x0, v60  }
0x8f: {  	vm10 =	veq.s32 v22, $0x186A0;
	v5 =	vor.u32 v18, v5;
	v18 =	vsel vm5, $0x0, v62  }
0x90: {  	v22 =	vld.idx.msk [tilespmem:v25+s2+$0x0], $0xffff;
	v25 =	vimm.s32 $0x4000;
	v5 =	vor.u32 v18, v5;
	v18 =	vsel vm6, $0x0, v29  }
0x91: {  	vm11 =	veq.s32 v24, $0x186A0;
	v5 =	vor.u32 v18, v5;
	v18 =	vsel vm7, $0x0, v56  }
0x92: {  	v24 =	vld.idx.msk [tilespmem:v44+s2+$0x0], $0xffff;
	v44 =	vimm.s32 $0x8000;
	v5 =	vor.u32 v18, v5;
	v18 =	vsel vm8, $0x0, v27  }
0x93: {  	vm12 =	veq.s32 v26, $0x186A0;
	v5 =	vor.u32 v18, v5;
	v18 =	vsel vm9, $0x0, v50  }
0x94: {  	v26 =	vld.idx.msk [tilespmem:v36+s2+$0x0], $0xffff;
	v36 =	vimm.s32 $0x10000;
	v5 =	vor.u32 v18, v5;
	v18 =	vsel vm10, $0x0, v25  }
0x95: {  	vm15 =	veq.s32 v1, $0x186A0;
	v5 =	vor.u32 v18, v5;
	v18 =	vsel vm11, $0x0, v44  }
0x96: {  	v1 =	vld.idx.msk [tilespmem:v32+s2+$0x0], $0xffff;
	v32 =	vimm.s32 $0x80000;
	v5 =	vor.u32 v18, v5;
	v18 =	vsel vm12, $0x0, v36  }
0x97: {  	vm7 =	veq.s32 v3, $0x186A0;
	v5 =	vor.u32 v18, v5;
	v18 =	vsel vm13, $0x0, v38  }
0x98: {  	v3 =	vld.idx.msk [tilespmem:v10+s2+$0x0], $0xffff;
	v10 =	vimm.s32 $0x800000;
	v5 =	vor.u32 v18, v5;
	v18 =	vsel vm14, $0x0, v21  }
0x99: {  	vm4 =	veq.s32 v22, $0x186A0;
	v5 =	vor.u32 v18, v5;
	v18 =	vsel vm15, $0x0, v32  }
0x9a: {  	vm5 =	veq.s32 v24, $0x186A0;
	v24 =	vmovc v7;
	v5 =	vor.u32 v18, v5;
	v18 =	vimm.s32 $0x100000  }
0x9b: {  	v7 =	vmovc v11;
	v11 =	vmovc v15;
	v15 =	vimm.s32 $0x200000;
	vm6 =	veq.s32 v26, $0x186A0;
	v18 =	vsel vm4, $0x0, v18  }
0x9c: {  	v26 =	vmovc v17;
	v17 =	vimm.s32 $0x400000;
	v5 =	vor.u32 v18, v5;
	v18 =	vsel vm5, $0x0, v15  }
0x9d: {  	v16 =	vld.idx.msk [tilespmem:v16+s2+$0x0], $0xffff;
	v10 =	vsel vm7, $0x0, v10;
	v5 =	vor.u32 v18, v5;
	v18 =	vsel vm6, $0x0, v17  }
0x9e: {  	vm8 =	veq.s32 v4, $0x186A0;
	v4 =	vld.idx.msk [tilespmem:v8+s2+$0x0], $0xffff;
	v8 =	vimm.s32 $0x1000000;
	v5 =	vor.u32 v18, v5  }
0x9f: {  	v14 =	vld.idx.msk [tilespmem:v14+s2+$0x0], $0xffff;
	v8 =	vsel vm8, $0x0, v8;
	v5 =	vor.u32 v10, v5  }
0xa0: {  	vm9 =	veq.s32 v1, $0x186A0;
	v5 =	vor.u32 v8, v5;
	v8 =	vimm.s32 $0x2000000  }
0xa1: {  	v12 =	vld.idx.msk [tilespmem:v12+s2+$0x0], $0xffff;
	v8 =	vsel vm9, $0x0, v8  }
0xa2: {  	vm10 =	veq.s32 v16, $0x186A0;
	v5 =	vor.u32 v8, v5;
	v8 =	vimm.s32 $0x4000000  }
0xa3: {  	v8 =	vsel vm10, $0x0, v8  }
0xa4: {  	vm11 =	veq.s32 v14, $0x186A0;
	v5 =	vor.u32 v8, v5;
	v8 =	vimm.s32 $0x8000000  }
0xa5: {  	v8 =	vsel vm11, $0x0, v8  }
0xa6: {  	v1 =	vld.idx.msk [tilespmem:v20+s2+$0x0], $0xffff;
	vm12 =	veq.s32 v12, $0x186A0;
	v5 =	vor.u32 v8, v5;
	v8 =	vimm.s32 $0x10000000  }
0xa7: {  	v8 =	vsel vm12, $0x0, v8  }
0xa8: {  	p0 =	sne.s32 s13, $0xFE00;
	vm13 =	veq.s32 v3, $0x186A0;
	v3 =	vor.u32 v8, v5;
	v5 =	vimm.s32 $0x20000000  }
.Ltmp3:
0xa9: {  	vm14 =	veq.s32 v4, $0x186A0;
	v4 =	vimm.s32 $0x40000000;
	v5 =	vsel vm13, $0x0, v5;
	(pc) =	sbr.rel @p0 .LBB2_8-.Ltmp3, $4  }
0xaa: {  	v4 =	vsel vm14, $0x0, v4;
	v3 =	vor.u32 v5, v3  }
0xab: {  	vm15 =	veq.s32 v1, $0x186A0;
	v1 =	vor.u32 v4, v3;
	v3 =	vimm.s32 $0x80000000  }
0xac: {  	s12 =	smov.u32 s13;
	v3 =	vsel vm15, $0x0, v3  }
0xad: {  	s11 =	sadd.s32 $0x10, s11;
	v20 =	vor.u32 s12, v7;
	v18 =	vor.u32 s13, v24;
	s13 =	sadd.s32 $0x200, s13;
	v10 =	vor.u32 v3, v1  }
0xae: {  	_ = 	snop  }
0xaf: {  	v1 =	vor.u32 s12, v11  }
0xb0: {  	v3 =	vor.u32 s12, v26  }
0xb1: {  	[tilespmem:s11+$0x0] =	vst v10;
	v4 =	vor.u32 s12, v28  }
0xb2: {  	v12 =	vor.u32 s12, v34;
	v5 =	vld.idx.msk [tilespmem:v18+s2+$0x0], $0xffff  }
0xb3: {  	v14 =	vor.u32 s12, v42;
	v8 =	vld.idx.msk [tilespmem:v20+s2+$0x0], $0xffff  }
0xb4: {  	v10 =	vor.u32 s12, v30;
	v1 =	vld.idx.msk [tilespmem:v1+s2+$0x0], $0xffff  }
0xb5: {  	v3 =	vld.idx.msk [tilespmem:v3+s2+$0x0], $0xffff  }
0xb6: {  	v4 =	vld.idx.msk [tilespmem:v4+s2+$0x0], $0xffff  }
0xb7: {  	v9 =	vor.u32 s12, v9;
	v20 =	vor.u32 s12, v48;
	v12 =	vld.idx.msk [tilespmem:v12+s2+$0x0], $0xffff  }
0xb8: {  	[tilespmem:$0x1FF80] =	vst v9;
	v9 =	vimm.s32 $0x0;
	v14 =	vld.idx.msk [tilespmem:v14+s2+$0x0], $0xffff;
	vm0 =	vne.s32 v5, $0x186A0  }
0xb9: {  	vm1 =	veq.s32 v8, $0x186A0;
	v8 =	vld.idx.msk [tilespmem:v10+s2+$0x0], $0xffff;
	v10 =	vsel vm0, $0x1, v9;
	v9 =	vimm.s32 $0x2  }
0xba: {  	v5 =	vor.u32 s12, v54;
	v22 =	vsel vm1, $0x0, v9  }
0xbb: {  	v10 =	vor.u32 v10, v22;
	v22 =	vor.u32 s12, v33  }
0xbc: {  	v20 =	vld.idx.msk [tilespmem:v20+s2+$0x0], $0xffff;
	vm10 =	veq.s32 v1, $0x186A0;
	v1 =	vor.u32 s12, v31;
	vm11 =	veq.s32 v3, $0x186A0  }
0xbd: {  	vm12 =	veq.s32 v4, $0x186A0;
	v4 =	vor.u32 s12, v35;
	vm14 =	veq.s32 v12, $0x186A0  }
0xbe: {  	vm15 =	veq.s32 v14, $0x186A0;
	v3 =	vsel vm10, $0x0, v46;
	vm13 =	veq.s32 v8, $0x186A0  }
0xbf: {  	v8 =	vor.u32 s12, v37;
	v5 =	vld.idx.msk [tilespmem:v5+s2+$0x0], $0xffff;
	v3 =	vor.u32 v3, v10;
	v10 =	vsel vm11, $0x0, v52  }
0xc0: {  	v14 =	vor.u32 s12, v41;
	v3 =	vor.u32 v10, v3;
	v10 =	vsel vm12, $0x0, v58  }
0xc1: {  	vm4 =	veq.s32 v20, $0x186A0;
	v12 =	vsel vm13, $0x0, v40;
	v3 =	vor.u32 v10, v3;
	v22 =	vld.idx.msk [tilespmem:v22+s2+$0x0], $0xffff  }
0xc2: {  	v10 =	vor.u32 s12, v39;
	v1 =	vld.idx.msk [tilespmem:v1+s2+$0x0], $0xffff;
	v3 =	vor.u32 v12, v3;
	v12 =	vsel vm14, $0x0, v23  }
0xc3: {  	v20 =	vor.u32 s12, v43;
	v4 =	vld.idx.msk [tilespmem:v4+s2+$0x0], $0xffff;
	v3 =	vor.u32 v12, v3;
	v12 =	vsel vm15, $0x0, v19  }
0xc4: {  	v8 =	vld.idx.msk [tilespmem:v8+s2+$0x0], $0xffff;
	vm5 =	veq.s32 v5, $0x186A0;
	v5 =	vsel vm4, $0x0, v60;
	v3 =	vor.u32 v12, v3  }
0xc5: {  	v3 =	vor.u32 v5, v3;
	v5 =	vsel vm5, $0x0, v62  }
0xc6: {  	v12 =	vor.u32 s12, v45;
	v3 =	vor.u32 v5, v3;
	vm7 =	veq.s32 v22, $0x186A0  }
0xc7: {  	v10 =	vld.idx.msk [tilespmem:v10+s2+$0x0], $0xffff;
	v22 =	vor.u32 s12, v49;
	vm6 =	veq.s32 v1, $0x186A0;
	v1 =	vor.u32 s12, v47  }
0xc8: {  	v14 =	vld.idx.msk [tilespmem:v14+s2+$0x0], $0xffff;
	vm8 =	veq.s32 v4, $0x186A0;
	v4 =	vsel vm7, $0x0, v56;
	v5 =	vsel vm6, $0x0, v29  }
0xc9: {  	v20 =	vld.idx.msk [tilespmem:v20+s2+$0x0], $0xffff;
	vm9 =	veq.s32 v8, $0x186A0;
	v8 =	vor.u32 s12, v53;
	v3 =	vor.u32 v5, v3  }
0xca: {  	v5 =	vor.u32 s12, v51;
	v3 =	vor.u32 v4, v3;
	v4 =	vsel vm8, $0x0, v27  }
0xcb: {  	v18 =	vor.u32 s12, v59;
	v12 =	vld.idx.msk [tilespmem:v12+s2+$0x0], $0xffff;
	v3 =	vor.u32 v4, v3  }
0xcc: {  	v4 =	vsel vm9, $0x0, v50;
	vm10 =	veq.s32 v10, $0x186A0;
	v10 =	vor.u32 s12, v55;
	v1 =	vld.idx.msk [tilespmem:v1+s2+$0x0], $0xffff  }
0xcd: {  	vm11 =	veq.s32 v14, $0x186A0;
	v22 =	vld.idx.msk [tilespmem:v22+s2+$0x0], $0xffff;
	v3 =	vor.u32 v4, v3;
	v14 =	vsel vm10, $0x0, v25  }
0xce: {  	vm12 =	veq.s32 v20, $0x186A0;
	v3 =	vor.u32 v14, v3;
	v14 =	vsel vm11, $0x0, v44;
	v8 =	vld.idx.msk [tilespmem:v8+s2+$0x0], $0xffff  }
0xcf: {  	v20 =	vor.u32 s12, v61;
	v4 =	vor.u32 s12, v57;
	v5 =	vld.idx.msk [tilespmem:v5+s2+$0x0], $0xffff;
	v3 =	vor.u32 v14, v3  }
0xd0: {  	v14 =	vsel vm12, $0x0, v36;
	vm13 =	veq.s32 v12, $0x186A0;
	v12 =	vor.u32 s12, v63  }
0xd1: {  	v3 =	vor.u32 v14, v3;
	v10 =	vld.idx.msk [tilespmem:v10+s2+$0x0], $0xffff;
	vm14 =	veq.s32 v1, $0x186A0;
	v1 =	vsel vm13, $0x0, v38  }
0xd2: {  	v18 =	vld.idx.msk [tilespmem:v18+s2+$0x0], $0xffff;
	vm15 =	veq.s32 v22, $0x186A0;
	v22 =	vor.u32 s12, v6;
	v1 =	vor.u32 v1, v3  }
0xd3: {  	v9 =	vld [tilespmem:$0x1FFF0];
	v3 =	vsel vm14, $0x0, v21;
	vm5 =	veq.s32 v8, $0x186A0;
	v8 =	vimm.s32 $0x100000  }
0xd4: {  	v6 =	vld [tilespmem:$0x1FFA0];
	v1 =	vor.u32 v3, v1;
	v3 =	vsel vm15, $0x0, v32;
	vm4 =	veq.s32 v5, $0x186A0  }
0xd5: {  	v14 =	vor.u32 s12, v13;
	v4 =	vld.idx.msk [tilespmem:v4+s2+$0x0], $0xffff;
	v1 =	vor.u32 v3, v1;
	v8 =	vsel vm4, $0x0, v8  }
0xd6: {  	v5 =	vld.idx.msk [tilespmem:v20+s2+$0x0], $0xffff;
	v1 =	vor.u32 v8, v1;
	vm6 =	veq.s32 v10, $0x186A0;
	v10 =	vsel vm5, $0x0, v15  }
0xd7: {  	v1 =	vor.u32 v10, v1;
	v10 =	vld [tilespmem:$0x1FF80]  }
0xd8: {  	v3 =	vor.u32 s12, v9  }
0xd9: {  	v6 =	vor.u32 s12, v6  }
0xda: {  	v12 =	vld.idx.msk [tilespmem:v12+s2+$0x0], $0xffff;
	vm7 =	veq.s32 v4, $0x186A0;
	v4 =	vsel vm6, $0x0, v17  }
0xdb: {  	vm8 =	veq.s32 v18, $0x186A0;
	v8 =	vld.idx.msk [tilespmem:v14+s2+$0x0], $0xffff;
	v14 =	vimm.s32 $0x800000;
	v1 =	vor.u32 v4, v1  }
0xdc: {  	v4 =	vld.idx.msk [tilespmem:v22+s2+$0x0], $0xffff;
	v14 =	vsel vm7, $0x0, v14;
	vm9 =	veq.s32 v5, $0x186A0;
	v5 =	vimm.s32 $0x1000000  }
0xdd: {  	v1 =	vor.u32 v14, v1;
	v3 =	vld.idx.msk [tilespmem:v3+s2+$0x0], $0xffff;
	v5 =	vsel vm8, $0x0, v5  }
0xde: {  	v1 =	vor.u32 v5, v1;
	v5 =	vld.idx.msk [tilespmem:v6+s2+$0x0], $0xffff  }
0xdf: {  	v6 =	vimm.s32 $0x2000000;
	v10 =	vld.idx.msk [tilespmem:v10+s2+$0x0], $0xffff  }
0xe0: {  	v6 =	vsel vm9, $0x0, v6  }
0xe1: {  	vm10 =	veq.s32 v12, $0x186A0;
	v1 =	vor.u32 v6, v1;
	v6 =	vimm.s32 $0x4000000  }
0xe2: {  	vm11 =	veq.s32 v8, $0x186A0;
	vm13 =	veq.s32 v4, $0x186A0;
	v6 =	vsel vm10, $0x0, v6  }
0xe3: {  	v4 =	vimm.s32 $0x10000000;
	v1 =	vor.u32 v6, v1;
	v6 =	vimm.s32 $0x8000000  }
0xe4: {  	vm14 =	veq.s32 v3, $0x186A0;
	v6 =	vsel vm11, $0x0, v6;
	vm12 =	veq.s32 v10, $0x186A0  }
0xe5: {  	v3 =	vimm.s32 $0x20000000;
	v1 =	vor.u32 v6, v1;
	v4 =	vsel vm12, $0x0, v4  }
0xe6: {  	v3 =	vsel vm13, $0x0, v3;
	v1 =	vor.u32 v4, v1  }
0xe7: {  	v1 =	vor.u32 v3, v1;
	v3 =	vimm.s32 $0x40000000  }
0xe8: {  	v3 =	vsel vm14, $0x0, v3  }
0xe9: {  	vm15 =	veq.s32 v5, $0x186A0;
	v1 =	vor.u32 v3, v1;
	v3 =	vimm.s32 $0x80000000  }
0xea: {  	v3 =	vsel vm15, $0x0, v3  }
0xeb: {  	s31 =	sadd.s32 $0x10, s11;
	v1 =	vor.u32 v3, v1  }
0xec: {  	[tilespmem:s31+$0x0] =	vst v1  }
0xed: {  	[hbm4b:s4+s2] =	stream.linear.scatter [tilespmem:s2], [sflag:$0x1], $0x10000, $0x38;
	[tilespmem:$0x11010] =	vst v63  }
0xee: {  	s10 =	sadd.s32 $0x1, s10;
	_ =	swait.ge [sflag:s8], $0x10000  }
0xef: {  	p0 =	sne.s32 s10, s6;
	[sflag:s8] =	ssyncset.done $0x0  }
.Ltmp4:
0xf0: {  	[sflag:s8] =	ssyncadd.s32 $0xFFFF0000;
	(pc) =	sbr.rel @p0 .LBB2_1-.Ltmp4, $4  }
0xf1: {  	[hbm4b:s5+s2] =	stream.linear.scatter [tilespmem:s9], [sflag:$0x1], $0x800, $0x38;
	[tilespmem:$0x11010] =	vst v63  }
0xf2: {  	_ =	swait.ge [sflag:s8], $0x800  }
0xf3: {  	v59 =	vmov v61;
	v8 =	vmov v31;
	v31 =	vimm.s32 $0x100000;
	[sflag:s8] =	ssyncset.done $0x0  }
0xf4: {  	v22 =	vmovc v13;
	v5 =	vmovc v63;
	v4 =	vimm.s32 $0x2;
	v3 =	vimm.s32 $0x0;
	v1 =	vimm.s32 $0x186A0;
	[sflag:s8] =	ssyncadd.s32 $0xFFFFF800  }
0xf5: {  	_ =	sfence.sel $0x180000  }
0xf6: {  	[bflag:$0x0] =	sbarrier.arrive $0xFFFF  }
0xf7: {  	p0 =	sne.s32 s0, $0x0;
	_ =	strace $0x90000047  }
0xf8: {  	s0 =	sadd.s32 @!p0 $0x100000, s1;
	[bflag:$0x2] =	sbarrier.arrive $0xFFFF  }
0xf9: {  	[sflag:s0] =	ssyncadd.tile.s32 @!p0 $0x1;
	_ =	shalt  }
.Lfunc_end2:
_tile_overlayer_lowered:
.L_overlay_start_2:
0xfa: {  	(tag) =	ssettag $0x2  }
0xfb: {  	s0 =	rddreg [dreg:$0x0];
	s2 =	stileid.u32  }
0xfc: {  	s1 =	rddreg [dreg:$0x1];
	p0 =	sne.s32 s2, $0x0  }
0xfd: {  	s3 =	rddreg [dreg:$0x2];
	[bflag:$0x3] =	sbarrier.arrive $0xFFFF;
	s2 =	simm.s32 @!p0 $0x1C01  }
0xfe: {  	[timem:s3], [sflag:s2] =	dma.local @!p0 [hbm:s0], s1  }
0xff: {  	s0 =	simm.s32 @!p0 $0x1  }
0x100: {  	_ =	swait.ge @!p0 [sflag:s0], s1  }
0x101: {  	s1 =	ssub.s32 @!p0 $0x0, s1;
	[sflag:s0] =	ssyncset.done @!p0 $0x0  }
0x102: {  	[sflag:s0] =	ssyncadd.s32 @!p0 s1  }
0x103: {  	[bflag:$0x3] =	sbarrier.arrive $0xFFFF  }
0x104: {  	_ =	shalt  }

// kernel: kernel.8.cloned.1.call-start
scs
__scs_entry_jumppad:
0x0: {  	(pc) =	sbr.rel $0x88, $3  }
0x1: {  	(tag) =	ssettag $0x0;
	lr =	simm.s32 $0x1  }
0x2: {  	[smem:$0x3F9D] =	sst lr;
	_ =	strace $0xD0000000  }
0x3: {  	_ = 	snop  }
0x4: {  	_ = 	snop  }
0x5: {  	_ = 	snop  }
0x6: {  	_ = 	snop  }
0x7: {  	_ = 	snop  }
__scs_overlays_trampoline_lowered:
0x8: {  	[smem:$0x3FAC] =	sst s0  }
0x9: {  	[smem:$0x3FAD] =	sst s1  }
0xa: {  	[smem:$0x3FAE] =	sst s2  }
0xb: {  	[smem:$0x3FAF] =	sst s3  }
0xc: {  	[smem:$0x3FB0] =	sst s4  }
0xd: {  	[smem:$0x3FB1] =	sst s5  }
0xe: {  	[smem:$0x3FB2] =	sst s6  }
0xf: {  	[smem:$0x3FB3] =	sst s7  }
0x10: {  	[smem:$0x3FB4] =	sst s8  }
0x11: {  	[smem:$0x3FB5] =	sst s9;
	s0 =	simm.s32 @!p0 $0x0  }
0x12: {  	s1 =	sld [smem:$0x3F9B];
	s0 =	simm.s32 @p0 $0x1  }
0x13: {  	[smem:$0x3FB6] =	sst s0;
	s0 =	simm.s32 @!p1 $0x0  }
0x14: {  	s2 =	sld [smem:$0x3F9A];
	s0 =	simm.s32 @p1 $0x1  }
0x15: {  	[smem:$0x3FB7] =	sst s0;
	s0 =	simm.s32 @!p2 $0x0  }
0x16: {  	s3 =	sld [smem:$0x3FDB];
	s0 =	simm.s32 @p2 $0x1  }
0x17: {  	s4 =	simm.s32 $0x1BF5;
	[smem:$0x3FB9] =	sst s0  }
0x18: {  	s0 =	sld [smem:$0x3F9C];
	_ =	swait.ge [sflag:s4], $0x0  }
0x19: {  	s7 =	sld [smem:$0x3F9D]  }
0x1a: {  	s8 =	sadd.s32 $0xFFFFE003, lr  }
0x1b: {  	s9 =	sadd.s32 $0xFFFFFEF7, lr;
	s5 =	simm.s32 $0xFFFFFFFF;
	p2 =	slt.u32 s8, $0xFFFFF086  }
0x1c: {  	p1 =	slt.u32 s9, $0xF7A;
	s5 =	simm.s32 @!p2 $0x0  }
0x1d: {  	s5 =	simm.s32 @p1 $0x1;
	p0 =	seq.s32 s7, s2  }
0x1e: {  	s7 =	smul.u32 @!p0 $0xF7A, s2;
	p2 =	seq.s32 @!p0 s5, $0x0  }
0x1f: {  	s9 =	smul.u32 $0xF7A, s1;
	s8 =	simm.s32 @!p0 $0x1BF5;
	p2 =	por !p2, p0  }
0x20: {  	[sflag:s8] =	ssyncset.s32 @!p0 $0xFFFFF086;
	s6 =	sadd.s32 @!p0 s3, s7;
	s7 =	simm.s32 @!p0 $0x108  }
0x21: {  	s3 =	sadd.s32 s3, s9;
	s6 =	sadd.s32 @!p0 $0x88, s6;
	s7 =	simm.s32 @p2 $0x1082  }
0x22: {  	[simem:s7], [sflag:s8] =	dma.local @!p0 [hbm:s6], $0xF7A  }
0x23: {  	s9 =	sor.u32 $0xD0000000, s2;
	s6 =	simm.s32 $0x108;
	_ =	swait.ge @!p0 [sflag:s8], $0x0  }
0x24: {  	s3 =	sadd.s32 $0x88, s3;
	s6 =	simm.s32 @!p1 $0x1082;
	[sflag:s4] =	ssyncset.s32 $0xFFFFF086  }
0x25: {  	[simem:s6], [sflag:s4] =	dma.local [hbm:s3], $0xF7A  }
0x26: {  	[smem:$0x3F9D] =	sst s1;
	(tag) =	ssettag s2;
	_ =	strace s9  }
0x27: {  	s1 =	sld [smem:$0x3FAD]  }
0x28: {  	s2 =	sld [smem:$0x3FAE]  }
0x29: {  	s4 =	sld [smem:$0x3FB0]  }
0x2a: {  	p0 =	seq.s32 s5, $0x0;
	s5 =	sld [smem:$0x3FB1]  }
0x2b: {  	s6 =	sld [smem:$0x3FB2]  }
0x2c: {  	s7 =	sld [smem:$0x3FB3]  }
0x2d: {  	s3 =	simm.s32 $0x108;
	s8 =	sld [smem:$0x3FB4]  }
0x2e: {  	s3 =	simm.s32 @!p0 $0x1082;
	s9 =	sld [smem:$0x3FB5]  }
0x2f: {  	lr =	sadd.s32 s0, s3;
	s0 =	sld [smem:$0x3FAC]  }
0x30: {  	s3 =	sld [smem:$0x3FAF]  }
0x31: {  	[smem:$0x3FB8] =	sst s10  }
0x32: {  	s10 =	sld [smem:$0x3FB6];
	_ =	sdelay $0x3  }
0x33: {  	p0 =	seq.s32 s10, $0x1;
	s10 =	sld [smem:$0x3FB8];
	_ =	sdelay $0x3  }
0x34: {  	[smem:$0x3FB8] =	sst s10  }
0x35: {  	s10 =	sld [smem:$0x3FB7];
	_ =	sdelay $0x3  }
0x36: {  	p1 =	seq.s32 s10, $0x1;
	s10 =	sld [smem:$0x3FB8];
	_ =	sdelay $0x3  }
0x37: {  	[smem:$0x3FB8] =	sst s10  }
0x38: {  	s10 =	sld [smem:$0x3FB9]  }
0x39: {  	_ = 	snop;
	(pc) =	sbr.ind lr, $3  }
0x3a: {  	_ = 	snop  }
0x3b: {  	_ = 	snop  }
0x3c: {  	p2 =	seq.s32 s10, $0x1;
	s10 =	sld [smem:$0x3FB8]  }
0x3d: {  	_ =	shalt  }
0x3e: {  	_ =	shalt  }
0x3f: {  	_ =	shalt  }
0x40: {  	_ =	shalt  }
0x41: {  	_ =	shalt  }
0x42: {  	_ =	shalt  }
0x43: {  	_ =	shalt  }
0x44: {  	_ =	shalt  }
0x45: {  	_ =	shalt  }
0x46: {  	_ =	shalt  }
0x47: {  	_ =	shalt  }
0x48: {  	_ =	shalt  }
0x49: {  	_ =	shalt  }
0x4a: {  	_ =	shalt  }
0x4b: {  	_ =	shalt  }
0x4c: {  	_ =	shalt  }
0x4d: {  	_ =	shalt  }
0x4e: {  	_ =	shalt  }
0x4f: {  	_ =	shalt  }
0x50: {  	_ =	shalt  }
0x51: {  	_ =	shalt  }
0x52: {  	_ =	shalt  }
0x53: {  	_ =	shalt  }
0x54: {  	_ =	shalt  }
0x55: {  	_ =	shalt  }
0x56: {  	_ =	shalt  }
0x57: {  	_ =	shalt  }
0x58: {  	_ =	shalt  }
0x59: {  	_ =	shalt  }
0x5a: {  	_ =	shalt  }
0x5b: {  	_ =	shalt  }
0x5c: {  	_ =	shalt  }
0x5d: {  	_ =	shalt  }
0x5e: {  	_ =	shalt  }
0x5f: {  	_ =	shalt  }
0x60: {  	_ =	shalt  }
0x61: {  	_ =	shalt  }
0x62: {  	_ =	shalt  }
0x63: {  	_ =	shalt  }
0x64: {  	_ =	shalt  }
0x65: {  	_ =	shalt  }
0x66: {  	_ =	shalt  }
0x67: {  	_ =	shalt  }
0x68: {  	_ =	shalt  }
0x69: {  	_ =	shalt  }
0x6a: {  	_ =	shalt  }
0x6b: {  	_ =	shalt  }
0x6c: {  	_ =	shalt  }
0x6d: {  	_ =	shalt  }
0x6e: {  	_ =	shalt  }
0x6f: {  	_ =	shalt  }
0x70: {  	_ =	shalt  }
0x71: {  	_ =	shalt  }
0x72: {  	_ =	shalt  }
0x73: {  	_ =	shalt  }
0x74: {  	_ =	shalt  }
0x75: {  	_ =	shalt  }
0x76: {  	_ =	shalt  }
0x77: {  	_ =	shalt  }
0x78: {  	_ =	shalt  }
0x79: {  	_ =	shalt  }
0x7a: {  	_ =	shalt  }
0x7b: {  	_ =	shalt  }
0x7c: {  	_ =	shalt  }
0x7d: {  	_ =	shalt  }
0x7e: {  	_ =	shalt  }
0x7f: {  	_ =	shalt  }
0x80: {  	_ =	shalt  }
0x81: {  	_ =	shalt  }
0x82: {  	_ =	shalt  }
0x83: {  	_ =	shalt  }
0x84: {  	_ =	shalt  }
0x85: {  	_ =	shalt  }
0x86: {  	_ =	shalt  }
0x87: {  	_ =	shalt  }
.Lfunc_end0:
.L_simem_size_0:
called_computation.1_lowered:
.L_overlay_start_0:
0x88: {  	s2 =	sld [smem:$0x3FD9]  }
0x89: {  	s3 =	sld [smem:$0x3FFE];
	_ =	sdelay $0x1  }
0x8a: {  	s1 =	srdreg.scid  }
0x8b: {  	s0 =	sand.u32 $0x1, s1  }
0x8c: {  	s17 =	sshll.u32 s0, $0xA;
	s2 =	sadd.s32 s3, s2  }
0x8d: {  	s2 =	sadd.s32 s2, s17  }
0x8e: {  	[smem:$0x3FC4] =	sst s2  }
0x8f: {  	_ = 	snop  }
0x90: {  	s2 =	sld [smem:$0x3FD0];
	(tm) =	ssettm $0x1  }
0x91: {  	s18 =	sld [smem:$0x3FFB];
	_ =	sdelay $0x3  }
0x92: {  	_ =	strace s18  }
0x93: {  	s3 =	sld [smem:$0x3FFC];
	_ =	sdelay $0x3  }
0x94: {  	_ =	strace s3  }
0x95: {  	s3 =	sld [smem:$0x3FFD];
	_ =	sdelay $0x3  }
0x96: {  	_ =	strace s3  }
0x97: {  	_ =	strace $0x8FFFFFFF  }
0x98: {  	s19 =	sld [smem:$0x3FDB];
	_ =	sdelay $0x1  }
0x99: {  	s4 =	simm.s32 $_scs_section_size  }
0x9a: {  	s5 =	simm.s32 $_size__tile_overlayer_lowered;
	s6 =	simm.s32 $_tile_overlayer_lowered  }
0x9b: {  	s22 =	simm.s32 $0x1BFF;
	s21 =	sshll.u32 s6, $0x1;
	s3 =	sadd.s32 s4, s19  }
0x9c: {  	s7 =	simm.s32 $0x0;
	s20 =	sshll.u32 s5, $0x1;
	s5 =	sadd.s32 s21, s3  }
0x9d: {  	[timem:s7], [sflag:s22] =	dma.local [hbm:s5], s20  }
0x9e: {  	_ =	swait.ge [sflag:s22], s20  }
0x9f: {  	s4 =	ssub.s32 $0x0, s20;
	[sflag:s22] =	ssyncset.done $0x0  }
0xa0: {  	[sflag:s22] =	ssyncadd.s32 s4;
	_ =	sdelay $0x1  }
0xa1: {  	s23 =	simm.s32 $0x1B8B  }
0xa2: {  	_ =	swait.ge [sflag:s23], $0x1  }
0xa3: {  	[sflag:s23] =	ssyncset.done $0x0  }
0xa4: {  	s25 =	simm.s32 $0x1B8E;
	s24 =	sld [smem:$0x3FFE];
	[sflag:s23] =	ssyncadd.s32 $0xFFFFFFFF  }
0xa5: {  	s26 =	simm.s32 $execute0_lowered;
	[smem:$0x3FD2] =	sst s25  }
0xa6: {  	s5 =	sshll.u32 s26, $0x1;
	_ =	strace $0x80000049;
	[dreg:$0x1] =	wrdreg $0xFFFFFFFF  }
0xa7: {  	s28 =	simm.s32 $_size_execute0_lowered;
	s3 =	sadd.s32 s3, s5;
	[dreg:$0x0] =	wrdreg $0x0  }
0xa8: {  	s5 =	sshll.u32 s28, $0x1;
	[dreg:$0x2] =	wrdreg s3  }
0xa9: {  	[dreg:$0x3] =	wrdreg s5  }
0xaa: {  	[dreg:$0x4] =	wrdreg $0xC0  }
0xab: {  	_ =	task [dreg:s7], $0x5FFFF  }
0xac: {  	[dreg:$0x1] =	wrdreg $0xFFFFFFFF  }
0xad: {  	[dreg:$0x0] =	wrdreg $0x60  }
0xae: {  	[dreg:$0x2] =	wrdreg s24  }
0xaf: {  	[dreg:$0x3] =	wrdreg s2  }
0xb0: {  	[dreg:$0x4] =	wrdreg $0x9  }
0xb1: {  	_ =	task.clear_ibuf [dreg:s7], $0x5FFFF;
	_ =	strace $0x90000049  }
0xb2: {  	s29 =	simm.s32 $0x9;
	_ =	strace $0x8000004B  }
0xb3: {  	_ =	swait.ge [sflag:s29], $0x1  }
0xb4: {  	[sflag:s29] =	ssyncadd.s32 $0xFFFFFFFF  }
0xb5: {  	_ =	strace $0x9000004B  }
0xb6: {  	_ =	sfence  }
0xb7: {  	s30 =	sld [smem:$0x0];
	_ =	sdelay $0x2  }
0xb8: {  	s31 =	sshll.u32 s1, $0xD;
	s1 =	sshrl.u32 s1, $0x2  }
0xb9: {  	s3 =	sand.u32 $0x4000, s31;
	s1 =	sadd.s32 s1, s30  }
0xba: {  	s0 =	sor.u32 s3, s0;
	s1 =	sshll.u32 s1, $0x11  }
0xbb: {  	s0 =	sor.u32 s1, s0  }
0xbc: {  	s0 =	sadd.s32 $0x8F2B, s0  }
0xbd: {  	[sflag:s0] =	ssyncadd.remote.s32 $0x1  }
0xbe: {  	_ =	sfence.sel $0xFFFF  }
0xbf: {  	[dreg:$0x0] =	wrdreg $0xFFFFFFFF;
	(pc) =	sbr.abs _section_cstart, $3  }
0xc0: {  	[dreg:$0x1] =	wrdreg $0xFFFFFFFF  }
0xc1: {  	_ =	task.clear_ibuf [dreg:s7], $0x2FFFF;
	_ =	strace $0x9FFFFFFF  }
0xc2: {  	(tm) =	ssettm $0x7FFFFFFF  }
0xc3: {  	_ =	shalt  }
tec
execute0_lowered:
.L_overlay_start_1:
0x0: {  	(tag) =	ssettag $0x1  }
0x1: {  	s0 =	srdreg.scid;
	s1 =	rddreg [dreg:$0x0]  }
0x2: {  	s2 =	stileid.u32;
	s12 =	rddreg [dreg:$0x1];
	s3 =	simm.s32 $0x0  }
0x3: {  	s14 =	simm.s32 $0x2;
	s15 =	simm.s32 $0xC80;
	s16 =	simm.s32 $0x10C80  }
0x4: {  	s17 =	simm.s32 $0x11A10;
	s18 =	simm.s32 $0x1;
	s19 =	simm.s32 $0x13820  }
0x5: {  	s21 =	simm.s32 $0x127B0;
	s28 =	simm.s32 $0x12810;
	s29 =	simm.s32 $0x12820  }
0x6: {  	s30 =	simm.s32 $0x12A20;
	s31 =	simm.s32 $0x12C20;
	s11 =	simm.s32 $0x13420  }
0x7: {  	s13 =	simm.s32 $0x13620;
	s0 =	sand.u32 $0x1, s0;
	s2 =	sshll.u32 s2, $0x1  }
0x8: {  	[smem:$0x7FF] =	sst s3;
	s6 =	sadd.s32 $0x44200, s1;
	s7 =	sadd.s32 $0x46200, s1  }
0x9: {  	s22 =	sadd.s32 $0xFF000, s1;
	_ =	strace $0x8000004A;
	[dreg:$0x3] =	wrdreg s6  }
0xa: {  	s2 =	sor.u32 s0, s2;
	s6 =	sadd.s32 $0xFDCC00, s1;
	[dreg:$0x4] =	wrdreg s7  }
0xb: {  	[dreg:$0x5] =	wrdreg s22;
	s0 =	ssub.s32 $0x2, s0;
	s4 =	smul.u32 $0x190, s2  }
0xc: {  	s22 =	simm.s32 $0x127C0;
	s23 =	sshrl.u32 s0, $0x1;
	s24 =	smul.u32 $0x15310, s2  }
0xd: {  	s7 =	simm.s32 $0x0;
	s26 =	smul.u32 $0x19000, s2;
	s0 =	ssub.s32 s0, s23  }
0xe: {  	s23 =	simm.s32 $0x127D0;
	s5 =	sadd.s32 s4, s1;
	s4 =	sadd.s32 $0x4200, s1  }
.Ltmp0:
0xf: {  	s1 =	sadd.s32 $0xAA200, s1;
	[dreg:$0x7] =	wrdreg s24;
	(pc) =	sbr.rel .LBB2_1-.Ltmp0, $4  }
0x10: {  	[dreg:$0x9] =	wrdreg s26;
	s0 =	smax.u32 s0, $0x1;
	s24 =	simm.s32 $0x127E0  }
0x11: {  	s26 =	simm.s32 $0x12800;
	[dreg:$0x6] =	wrdreg s1;
	s25 =	sadd.s32 $0x1000, s5  }
0x12: {  	v0 =	vlaneseq.u32;
	[dreg:$0xa] =	wrdreg s0;
	s1 =	simm.s32 $0x12E20;
	s0 =	simm.s32 $0x13020  }
0x13: {  	v2 =	vimm.s32 $0x0;
	v3 =	vimm.s32 $0x1000;
	v1 =	vmul.u32 $0x20, v0;
	s5 =	simm.s32 $0x13220;
	[dreg:$0x8] =	wrdreg s25;
	s25 =	simm.s32 $0x127F0  }
.LBB2_11:
0x14: {  	s7 =	rddreg [dreg:$0xb]  }
0x15: {  	s2 =	rddreg [dreg:$0xa];
	s7 =	sadd.s32 $0x1, s7  }
0x16: {  	p0 =	sne.s32 s7, s2  }
.Ltmp1:
0x17: {  	_ = 	snop;
	(pc) =	sbr.rel @!p0 .LBB2_12-.Ltmp1, $1  }
0x18: {  	_ =	sdelay $0x3  }
.LBB2_1:
0x19: {  	[dreg:$0xb] =	wrdreg s7  }
0x1a: {  	s2 =	rddreg [dreg:$0x8]  }
0x1b: {  	[tilespmem:s3], [sflag:$0x2] =	stream.linear.gather [hbm4b:s2+s3], $0xC80, $0x38;
	[tilespmem:$0x14840] =	vst v63  }
0x1c: {  	_ =	swait.ge [sflag:s14], $0xC80  }
0x1d: {  	[sflag:s14] =	ssyncset.done $0x0  }
0x1e: {  	s20 =	rddreg [dreg:$0x3];
	[sflag:s14] =	ssyncadd.s32 $0xFFFFF380  }
0x1f: {  	[tilespmem:s15], [sflag:$0x2] =	stream.linear.gather [hbm4b:s20+s3], $0x10000, $0x38;
	[tilespmem:$0x14840] =	vst v63  }
0x20: {  	_ =	swait.ge [sflag:s14], $0x10000  }
0x21: {  	[sflag:s14] =	ssyncset.done $0x0  }
0x22: {  	s7 =	simm.s32 $0x0;
	s8 =	simm.s32 $0x0;
	[sflag:s14] =	ssyncadd.s32 $0xFFFF0000  }
.LBB2_2:
0x23: {  	v7 =	vimm.s32 $0x0;
	s2 =	simm.s32 $0x0;
	s9 =	smov.u32 s7  }
.LBB2_3:
0x24: {  	v4 =	vld [tilespmem:s9+$0x0];
	_ =	sdelay $0x4  }
0x25: {  	v5 =	vshrl.u32 v4, $0x7  }
0x26: {  	v8 =	vand.u32 $0x7F, v4;
	v9 =	vand.u32 $0x7F, v5  }
0x27: {  	v6 =	vshra.s32 v4, $0xE;
	vm1 =	vne.s32 v8, $0x0;
	vm3 =	vne.s32 v9, $0x0  }
0x28: {  	vm8 =	vgt.s32 v6, $0x0;
	vm5 =	vmand vm1, vm3  }
0x29: {  	v5 =	vadd.s32 $0xFFFFBF7F, v4;
	vm0 =	vmand vm8, vm5  }
0x2a: {  	v5 =	vnsel vm0, $0x0, v5  }
0x2b: {  	v10 =	vshra.s32 v5, $0x5;
	_ =	sdelay $0x4  }
0x2c: {  	v10 =	vld.idx.msk [tilespmem:v10+s15+$0x0], $0xffff;
	_ =	sdelay $0x3  }
0x2d: {  	v11 =	vand.u32 $0x1F, v5  }
0x2e: {  	v10 =	vshrl.u32 v10, v11  }
0x2f: {  	v10 =	vand.u32 $0x1, v10  }
0x30: {  	vm2 =	veq.s32 v10, $0x1  }
0x31: {  	vm0 =	vmand vm0, vm2  }
0x32: {  	v29 =	vsel vm0, $0x1, v2  }
0x33: {  	(xrf0) =	vadd.scan.msk.s32 $0xffff, v29;
	_ =	sdelay $0x5  }
0x34: {  	v10, _, _ =	vpop (xrf0)  }
0x35: {  	v10 =	vadd.s32 v10, v7  }
0x36: {  	v10 =	vadd.s32 $0xFFFFFFFF, v10  }
0x37: {  	v30 =	vadd.s32 $0xFFFFBF80, v4;
	vm9 =	vmand vm8, vm3;
	v10 =	vnsel vm0, $0xD80, v10  }
0x38: {  	v11 =	vnsel vm9, $0x0, v30  }
0x39: {  	v12 =	vshra.s32 v11, $0x5  }
0x3a: {  	v13 =	vmov s2  }
0x3b: {  	v13 =	vshll.u32 v13, $0x5  }
0x3c: {  	[tilespmem:v10+s16+$0x0] =	vst.idx.msk $0xffff, v5;
	v5 =	vor.u32 v1, v13  }
0x3d: {  	[tilespmem:v10+s17+$0x0] =	vst.idx.msk $0xffff, v5  }
0x3e: {  	v10 =	vld.idx.msk [tilespmem:v12+s15+$0x0], $0xffff;
	_ =	sdelay $0x3  }
0x3f: {  	v31 =	vand.u32 $0x1F, v11  }
0x40: {  	v10 =	vshrl.u32 v10, v31  }
0x41: {  	v10 =	vand.u32 $0x1, v10  }
0x42: {  	vm4 =	veq.s32 v10, $0x1  }
0x43: {  	vm2 =	vmand vm9, vm4  }
0x44: {  	v32 =	vsel vm2, $0x1, v2  }
0x45: {  	(xrf0) =	vadd.scan.msk.s32 $0xffff, v32;
	_ =	sdelay $0x3  }
0x46: {  	v33 =	vmpcnt.ones.xlane vm0;
	_ =	sdelay $0x1  }
0x47: {  	v7 =	vadd.s32 v7, v33;
	v34, _, _ =	vpop (xrf0)  }
0x48: {  	vm0 =	vne.s32 v8, $0x7F;
	v8 =	vadd.s32 v34, v7  }
0x49: {  	vm4 =	vmand vm0, vm3;
	v8 =	vadd.s32 $0xFFFFFFFF, v8  }
0x4a: {  	v35 =	vadd.s32 $0xFFFFBF81, v4;
	vm6 =	vmand vm8, vm4;
	v8 =	vnsel vm2, $0xD80, v8  }
0x4b: {  	v10 =	vnsel vm6, $0x0, v35  }
0x4c: {  	v36 =	vshra.s32 v10, $0x5;
	_ =	sdelay $0x2  }
0x4d: {  	v37 =	vor.u32 $0x1, v5;
	[tilespmem:v8+s16+$0x0] =	vst.idx.msk $0xffff, v11  }
0x4e: {  	[tilespmem:v8+s17+$0x0] =	vst.idx.msk $0xffff, v37  }
0x4f: {  	v8 =	vld.idx.msk [tilespmem:v36+s15+$0x0], $0xffff;
	_ =	sdelay $0x3  }
0x50: {  	v38 =	vand.u32 $0x1F, v10  }
0x51: {  	v8 =	vshrl.u32 v8, v38  }
0x52: {  	v8 =	vand.u32 $0x1, v8  }
0x53: {  	vm7 =	veq.s32 v8, $0x1  }
0x54: {  	vm6 =	vmand vm6, vm7  }
0x55: {  	v8 =	vsel vm6, $0x1, v2  }
0x56: {  	(xrf0) =	vadd.scan.msk.s32 $0xffff, v8;
	_ =	sdelay $0x1  }
0x57: {  	v8 =	vmpcnt.ones.xlane vm2;
	_ =	sdelay $0x3  }
0x58: {  	v7 =	vadd.s32 v7, v8;
	v8, _, _ =	vpop (xrf0)  }
0x59: {  	v8 =	vadd.s32 v8, v7  }
0x5a: {  	v8 =	vadd.s32 $0xFFFFFFFF, v8  }
0x5b: {  	v39 =	vadd.s32 $0xFFFFBFFF, v4;
	vm10 =	vmand vm1, vm8;
	v8 =	vnsel vm6, $0xD80, v8  }
0x5c: {  	v11 =	vnsel vm10, $0x0, v39  }
0x5d: {  	v40 =	vshra.s32 v11, $0x5;
	_ =	sdelay $0x2  }
0x5e: {  	v41 =	vor.u32 $0x2, v5;
	[tilespmem:v8+s16+$0x0] =	vst.idx.msk $0xffff, v10  }
0x5f: {  	[tilespmem:v8+s17+$0x0] =	vst.idx.msk $0xffff, v41  }
0x60: {  	v8 =	vld.idx.msk [tilespmem:v40+s15+$0x0], $0xffff;
	_ =	sdelay $0x3  }
0x61: {  	v42 =	vand.u32 $0x1F, v11  }
0x62: {  	v8 =	vshrl.u32 v8, v42  }
0x63: {  	v8 =	vand.u32 $0x1, v8  }
0x64: {  	vm11 =	veq.s32 v8, $0x1  }
0x65: {  	vm2 =	vmand vm10, vm11  }
0x66: {  	v8 =	vsel vm2, $0x1, v2  }
0x67: {  	(xrf0) =	vadd.scan.msk.s32 $0xffff, v8;
	_ =	sdelay $0x1  }
0x68: {  	v8 =	vmpcnt.ones.xlane vm6;
	_ =	sdelay $0x3  }
0x69: {  	v7 =	vadd.s32 v7, v8;
	v8, _, _ =	vpop (xrf0)  }
0x6a: {  	v8 =	vadd.s32 v8, v7  }
0x6b: {  	v8 =	vadd.s32 $0xFFFFFFFF, v8  }
0x6c: {  	v43 =	vadd.s32 $0xFFFFC000, v4;
	v8 =	vnsel vm2, $0xD80, v8  }
0x6d: {  	v10 =	vnsel vm8, $0x0, v43  }
0x6e: {  	v44 =	vshra.s32 v10, $0x5;
	_ =	sdelay $0x2  }
0x6f: {  	v45 =	vor.u32 $0x3, v5;
	[tilespmem:v8+s16+$0x0] =	vst.idx.msk $0xffff, v11  }
0x70: {  	[tilespmem:v8+s17+$0x0] =	vst.idx.msk $0xffff, v45  }
0x71: {  	v8 =	vld.idx.msk [tilespmem:v44+s15+$0x0], $0xffff;
	_ =	sdelay $0x3  }
0x72: {  	v46 =	vand.u32 $0x1F, v10  }
0x73: {  	v8 =	vshrl.u32 v8, v46  }
0x74: {  	v8 =	vand.u32 $0x1, v8  }
0x75: {  	vm12 =	veq.s32 v8, $0x1  }
0x76: {  	vm6 =	vmand vm8, vm12  }
0x77: {  	v8 =	vsel vm6, $0x1, v2  }
0x78: {  	(xrf0) =	vadd.scan.msk.s32 $0xffff, v8;
	_ =	sdelay $0x1  }
0x79: {  	v8 =	vmpcnt.ones.xlane vm2;
	_ =	sdelay $0x3  }
0x7a: {  	v7 =	vadd.s32 v7, v8;
	v8, _, _ =	vpop (xrf0)  }
0x7b: {  	v8 =	vadd.s32 v8, v7  }
0x7c: {  	v8 =	vadd.s32 $0xFFFFFFFF, v8  }
0x7d: {  	v47 =	vadd.s32 $0xFFFFC001, v4;
	vm13 =	vmand vm0, vm8;
	v8 =	vnsel vm6, $0xD80, v8  }
0x7e: {  	v11 =	vnsel vm13, $0x0, v47  }
0x7f: {  	v48 =	vshra.s32 v11, $0x5;
	_ =	sdelay $0x2  }
0x80: {  	v49 =	vor.u32 $0x4, v5;
	[tilespmem:v8+s16+$0x0] =	vst.idx.msk $0xffff, v10  }
0x81: {  	[tilespmem:v8+s17+$0x0] =	vst.idx.msk $0xffff, v49  }
0x82: {  	v8 =	vld.idx.msk [tilespmem:v48+s15+$0x0], $0xffff;
	_ =	sdelay $0x3  }
0x83: {  	v50 =	vand.u32 $0x1F, v11  }
0x84: {  	v8 =	vshrl.u32 v8, v50  }
0x85: {  	v8 =	vand.u32 $0x1, v8  }
0x86: {  	vm14 =	veq.s32 v8, $0x1  }
0x87: {  	vm7 =	vmand vm13, vm14  }
0x88: {  	v8 =	vsel vm7, $0x1, v2  }
0x89: {  	(xrf0) =	vadd.scan.msk.s32 $0xffff, v8;
	_ =	sdelay $0x1  }
0x8a: {  	v8 =	vmpcnt.ones.xlane vm6;
	_ =	sdelay $0x3  }
0x8b: {  	v7 =	vadd.s32 v7, v8;
	v8, _, _ =	vpop (xrf0)  }
0x8c: {  	vm2 =	vne.s32 v9, $0x7F;
	v8 =	vadd.s32 v8, v7  }
0x8d: {  	vm6 =	vmand vm1, vm2;
	v8 =	vadd.s32 $0xFFFFFFFF, v8  }
0x8e: {  	v51 =	vadd.s32 $0xFFFFC07F, v4;
	vm9 =	vmand vm8, vm6;
	v8 =	vnsel vm7, $0xD80, v8  }
0x8f: {  	v9 =	vnsel vm9, $0x0, v51  }
0x90: {  	v52 =	vshra.s32 v9, $0x5;
	_ =	sdelay $0x2  }
0x91: {  	v53 =	vor.u32 $0x5, v5;
	[tilespmem:v8+s16+$0x0] =	vst.idx.msk $0xffff, v11  }
0x92: {  	[tilespmem:v8+s17+$0x0] =	vst.idx.msk $0xffff, v53  }
0x93: {  	v8 =	vld.idx.msk [tilespmem:v52+s15+$0x0], $0xffff;
	_ =	sdelay $0x3  }
0x94: {  	v54 =	vand.u32 $0x1F, v9  }
0x95: {  	v8 =	vshrl.u32 v8, v54  }
0x96: {  	v8 =	vand.u32 $0x1, v8  }
0x97: {  	vm10 =	veq.s32 v8, $0x1  }
0x98: {  	vm9 =	vmand vm9, vm10  }
0x99: {  	v8 =	vsel vm9, $0x1, v2  }
0x9a: {  	(xrf0) =	vadd.scan.msk.s32 $0xffff, v8;
	_ =	sdelay $0x1  }
0x9b: {  	v8 =	vmpcnt.ones.xlane vm7;
	_ =	sdelay $0x3  }
0x9c: {  	v7 =	vadd.s32 v7, v8;
	v8, _, _ =	vpop (xrf0)  }
0x9d: {  	v8 =	vadd.s32 v8, v7  }
0x9e: {  	v8 =	vadd.s32 $0xFFFFFFFF, v8  }
0x9f: {  	v55 =	vadd.s32 $0xFFFFC080, v4;
	vm15 =	vmand vm8, vm2;
	v8 =	vnsel vm9, $0xD80, v8  }
0xa0: {  	v10 =	vnsel vm15, $0x0, v55  }
0xa1: {  	v56 =	vshra.s32 v10, $0x5;
	_ =	sdelay $0x2  }
0xa2: {  	v57 =	vor.u32 $0x6, v5;
	[tilespmem:v8+s16+$0x0] =	vst.idx.msk $0xffff, v9  }
0xa3: {  	[tilespmem:v8+s17+$0x0] =	vst.idx.msk $0xffff, v57  }
0xa4: {  	v8 =	vld.idx.msk [tilespmem:v56+s15+$0x0], $0xffff;
	_ =	sdelay $0x3  }
0xa5: {  	v58 =	vand.u32 $0x1F, v10  }
0xa6: {  	v8 =	vshrl.u32 v8, v58  }
0xa7: {  	v8 =	vand.u32 $0x1, v8  }
0xa8: {  	vm12 =	veq.s32 v8, $0x1  }
0xa9: {  	vm10 =	vmand vm15, vm12  }
0xaa: {  	v8 =	vsel vm10, $0x1, v2  }
0xab: {  	(xrf0) =	vadd.scan.msk.s32 $0xffff, v8;
	_ =	sdelay $0x1  }
0xac: {  	v8 =	vmpcnt.ones.xlane vm9;
	_ =	sdelay $0x3  }
0xad: {  	v7 =	vadd.s32 v7, v8;
	v8, _, _ =	vpop (xrf0)  }
0xae: {  	v8 =	vadd.s32 v8, v7  }
0xaf: {  	vm7 =	vmand vm0, vm2;
	v8 =	vadd.s32 $0xFFFFFFFF, v8  }
0xb0: {  	v59 =	vadd.s32 $0xFFFFC081, v4;
	vm8 =	vmand vm8, vm7;
	v8 =	vnsel vm10, $0xD80, v8  }
0xb1: {  	v9 =	vnsel vm8, $0x0, v59  }
0xb2: {  	v60 =	vshra.s32 v9, $0x5;
	_ =	sdelay $0x2  }
0xb3: {  	v61 =	vor.u32 $0x7, v5;
	[tilespmem:v8+s16+$0x0] =	vst.idx.msk $0xffff, v10  }
0xb4: {  	[tilespmem:v8+s17+$0x0] =	vst.idx.msk $0xffff, v61  }
0xb5: {  	v8 =	vld.idx.msk [tilespmem:v60+s15+$0x0], $0xffff;
	_ =	sdelay $0x3  }
0xb6: {  	v62 =	vand.u32 $0x1F, v9  }
0xb7: {  	v8 =	vshrl.u32 v8, v62  }
0xb8: {  	v8 =	vand.u32 $0x1, v8  }
0xb9: {  	vm13 =	veq.s32 v8, $0x1  }
0xba: {  	vm8 =	vmand vm8, vm13  }
0xbb: {  	v8 =	vsel vm8, $0x1, v2  }
0xbc: {  	(xrf0) =	vadd.scan.msk.s32 $0xffff, v8;
	_ =	sdelay $0x1  }
0xbd: {  	v8 =	vmpcnt.ones.xlane vm10;
	_ =	sdelay $0x3  }
0xbe: {  	v7 =	vadd.s32 v7, v8;
	v8, _, _ =	vpop (xrf0)  }
0xbf: {  	v8 =	vadd.s32 v8, v7  }
0xc0: {  	v8 =	vadd.s32 $0xFFFFFFFF, v8  }
0xc1: {  	v63 =	vadd.s32 $0xFFFFFF7F, v4;
	v8 =	vnsel vm8, $0xD80, v8  }
0xc2: {  	v10 =	vnsel vm5, $0x0, v63  }
0xc3: {  	v12 =	vshra.s32 v10, $0x5;
	_ =	sdelay $0x2  }
0xc4: {  	v13 =	vor.u32 $0x8, v5;
	[tilespmem:v8+s16+$0x0] =	vst.idx.msk $0xffff, v9  }
0xc5: {  	[tilespmem:v8+s17+$0x0] =	vst.idx.msk $0xffff, v13  }
0xc6: {  	v8 =	vld.idx.msk [tilespmem:v12+s15+$0x0], $0xffff;
	_ =	sdelay $0x3  }
0xc7: {  	v14 =	vand.u32 $0x1F, v10  }
0xc8: {  	v8 =	vshrl.u32 v8, v14  }
0xc9: {  	v8 =	vand.u32 $0x1, v8  }
0xca: {  	vm14 =	veq.s32 v8, $0x1  }
0xcb: {  	vm9 =	vmand vm5, vm14  }
0xcc: {  	v8 =	vsel vm9, $0x1, v2  }
0xcd: {  	(xrf0) =	vadd.scan.msk.s32 $0xffff, v8;
	_ =	sdelay $0x1  }
0xce: {  	v8 =	vmpcnt.ones.xlane vm8;
	_ =	sdelay $0x3  }
0xcf: {  	v7 =	vadd.s32 v7, v8;
	v8, _, _ =	vpop (xrf0)  }
0xd0: {  	v8 =	vadd.s32 v8, v7  }
0xd1: {  	v8 =	vadd.s32 $0xFFFFFFFF, v8  }
0xd2: {  	v15 =	vadd.s32 $0xFFFFFF80, v4;
	v8 =	vnsel vm9, $0xD80, v8  }
0xd3: {  	v9 =	vnsel vm3, $0x0, v15  }
0xd4: {  	v16 =	vshra.s32 v9, $0x5;
	_ =	sdelay $0x2  }
0xd5: {  	v17 =	vor.u32 $0x9, v5;
	[tilespmem:v8+s16+$0x0] =	vst.idx.msk $0xffff, v10  }
0xd6: {  	[tilespmem:v8+s17+$0x0] =	vst.idx.msk $0xffff, v17  }
0xd7: {  	v8 =	vld.idx.msk [tilespmem:v16+s15+$0x0], $0xffff;
	_ =	sdelay $0x3  }
0xd8: {  	v18 =	vand.u32 $0x1F, v9  }
0xd9: {  	v8 =	vshrl.u32 v8, v18  }
0xda: {  	v8 =	vand.u32 $0x1, v8  }
0xdb: {  	vm15 =	veq.s32 v8, $0x1  }
0xdc: {  	vm8 =	vmand vm3, vm15  }
0xdd: {  	v8 =	vsel vm8, $0x1, v2  }
0xde: {  	(xrf0) =	vadd.scan.msk.s32 $0xffff, v8;
	_ =	sdelay $0x1  }
0xdf: {  	v8 =	vmpcnt.ones.xlane vm9;
	_ =	sdelay $0x3  }
0xe0: {  	v7 =	vadd.s32 v7, v8;
	v8, _, _ =	vpop (xrf0)  }
0xe1: {  	v8 =	vadd.s32 v8, v7  }
0xe2: {  	v8 =	vadd.s32 $0xFFFFFFFF, v8  }
0xe3: {  	v19 =	vadd.s32 $0xFFFFFF81, v4;
	v8 =	vnsel vm8, $0xD80, v8  }
0xe4: {  	v10 =	vnsel vm4, $0x0, v19  }
0xe5: {  	v20 =	vshra.s32 v10, $0x5;
	_ =	sdelay $0x2  }
0xe6: {  	v21 =	vor.u32 $0xA, v5;
	[tilespmem:v8+s16+$0x0] =	vst.idx.msk $0xffff, v9  }
0xe7: {  	[tilespmem:v8+s17+$0x0] =	vst.idx.msk $0xffff, v21  }
0xe8: {  	v8 =	vld.idx.msk [tilespmem:v20+s15+$0x0], $0xffff;
	_ =	sdelay $0x3  }
0xe9: {  	v22 =	vand.u32 $0x1F, v10  }
0xea: {  	v8 =	vshrl.u32 v8, v22  }
0xeb: {  	v8 =	vand.u32 $0x1, v8  }
0xec: {  	vm12 =	veq.s32 v8, $0x1  }
0xed: {  	vm9 =	vmand vm4, vm12  }
0xee: {  	v8 =	vsel vm9, $0x1, v2  }
0xef: {  	(xrf0) =	vadd.scan.msk.s32 $0xffff, v8;
	_ =	sdelay $0x1  }
0xf0: {  	v8 =	vmpcnt.ones.xlane vm8;
	_ =	sdelay $0x3  }
0xf1: {  	v7 =	vadd.s32 v7, v8;
	v8, _, _ =	vpop (xrf0)  }
0xf2: {  	v8 =	vadd.s32 v8, v7  }
0xf3: {  	v8 =	vadd.s32 $0xFFFFFFFF, v8  }
0xf4: {  	v23 =	vadd.s32 $0xFFFFFFFF, v4;
	v8 =	vnsel vm9, $0xD80, v8  }
0xf5: {  	v9 =	vnsel vm1, $0x0, v23  }
0xf6: {  	v24 =	vshra.s32 v9, $0x5;
	_ =	sdelay $0x2  }
0xf7: {  	v25 =	vor.u32 $0xB, v5;
	[tilespmem:v8+s16+$0x0] =	vst.idx.msk $0xffff, v10  }
0xf8: {  	[tilespmem:v8+s17+$0x0] =	vst.idx.msk $0xffff, v25  }
0xf9: {  	v8 =	vld.idx.msk [tilespmem:v24+s15+$0x0], $0xffff;
	_ =	sdelay $0x3  }
0xfa: {  	v26 =	vand.u32 $0x1F, v9  }
0xfb: {  	v8 =	vshrl.u32 v8, v26  }
0xfc: {  	v8 =	vand.u32 $0x1, v8  }
0xfd: {  	vm13 =	veq.s32 v8, $0x1  }
0xfe: {  	vm8 =	vmand vm1, vm13  }
0xff: {  	v8 =	vsel vm8, $0x1, v2  }
0x100: {  	(xrf0) =	vadd.scan.msk.s32 $0xffff, v8;
	_ =	sdelay $0x1  }
0x101: {  	v8 =	vmpcnt.ones.xlane vm9;
	_ =	sdelay $0x3  }
0x102: {  	v7 =	vadd.s32 v7, v8;
	v8, _, _ =	vpop (xrf0)  }
0x103: {  	v8 =	vadd.s32 v8, v7  }
0x104: {  	v8 =	vadd.s32 $0xFFFFFFFF, v8  }
0x105: {  	v27 =	vadd.s32 $0x1, v4;
	v8 =	vnsel vm8, $0xD80, v8  }
0x106: {  	v10 =	vnsel vm0, $0x0, v27  }
0x107: {  	v28 =	vshra.s32 v10, $0x5;
	_ =	sdelay $0x2  }
0x108: {  	v29 =	vor.u32 $0xC, v5;
	[tilespmem:v8+s16+$0x0] =	vst.idx.msk $0xffff, v9  }
0x109: {  	[tilespmem:v8+s17+$0x0] =	vst.idx.msk $0xffff, v29  }
0x10a: {  	v8 =	vld.idx.msk [tilespmem:v28+s15+$0x0], $0xffff;
	_ =	sdelay $0x3  }
0x10b: {  	v30 =	vand.u32 $0x1F, v10  }
0x10c: {  	v8 =	vshrl.u32 v8, v30  }
0x10d: {  	v8 =	vand.u32 $0x1, v8  }
0x10e: {  	vm14 =	veq.s32 v8, $0x1  }
0x10f: {  	vm9 =	vmand vm0, vm14  }
0x110: {  	v8 =	vsel vm9, $0x1, v2  }
0x111: {  	(xrf0) =	vadd.scan.msk.s32 $0xffff, v8;
	_ =	sdelay $0x1  }
0x112: {  	v8 =	vmpcnt.ones.xlane vm8;
	_ =	sdelay $0x3  }
0x113: {  	v7 =	vadd.s32 v7, v8;
	v8, _, _ =	vpop (xrf0)  }
0x114: {  	v8 =	vadd.s32 v8, v7  }
0x115: {  	v8 =	vadd.s32 $0xFFFFFFFF, v8  }
0x116: {  	v31 =	vadd.s32 $0x7F, v4;
	v8 =	vnsel vm9, $0xD80, v8  }
0x117: {  	v9 =	vnsel vm6, $0x0, v31  }
0x118: {  	v32 =	vshra.s32 v9, $0x5;
	_ =	sdelay $0x2  }
0x119: {  	v33 =	vor.u32 $0xE, v5;
	[tilespmem:v8+s16+$0x0] =	vst.idx.msk $0xffff, v10  }
0x11a: {  	[tilespmem:v8+s17+$0x0] =	vst.idx.msk $0xffff, v33  }
0x11b: {  	v8 =	vld.idx.msk [tilespmem:v32+s15+$0x0], $0xffff;
	_ =	sdelay $0x3  }
0x11c: {  	v34 =	vand.u32 $0x1F, v9  }
0x11d: {  	v8 =	vshrl.u32 v8, v34  }
0x11e: {  	v8 =	vand.u32 $0x1, v8  }
0x11f: {  	vm15 =	veq.s32 v8, $0x1  }
0x120: {  	vm8 =	vmand vm6, vm15  }
0x121: {  	v8 =	vsel vm8, $0x1, v2  }
0x122: {  	(xrf0) =	vadd.scan.msk.s32 $0xffff, v8;
	_ =	sdelay $0x1  }
0x123: {  	v8 =	vmpcnt.ones.xlane vm9;
	_ =	sdelay $0x3  }
0x124: {  	v7 =	vadd.s32 v7, v8;
	v8, _, _ =	vpop (xrf0)  }
0x125: {  	v8 =	vadd.s32 v8, v7  }
0x126: {  	v8 =	vadd.s32 $0xFFFFFFFF, v8  }
0x127: {  	v35 =	vadd.s32 $0x80, v4;
	v8 =	vnsel vm8, $0xD80, v8  }
0x128: {  	v10 =	vnsel vm2, $0x0, v35  }
0x129: {  	v36 =	vshra.s32 v10, $0x5;
	_ =	sdelay $0x2  }
0x12a: {  	v37 =	vor.u32 $0xF, v5;
	[tilespmem:v8+s16+$0x0] =	vst.idx.msk $0xffff, v9  }
0x12b: {  	[tilespmem:v8+s17+$0x0] =	vst.idx.msk $0xffff, v37  }
0x12c: {  	v8 =	vld.idx.msk [tilespmem:v36+s15+$0x0], $0xffff;
	_ =	sdelay $0x3  }
0x12d: {  	v38 =	vand.u32 $0x1F, v10  }
0x12e: {  	v8 =	vshrl.u32 v8, v38  }
0x12f: {  	v8 =	vand.u32 $0x1, v8  }
0x130: {  	vm12 =	veq.s32 v8, $0x1  }
0x131: {  	vm9 =	vmand vm2, vm12  }
0x132: {  	v8 =	vsel vm9, $0x1, v2  }
0x133: {  	(xrf0) =	vadd.scan.msk.s32 $0xffff, v8;
	_ =	sdelay $0x1  }
0x134: {  	v8 =	vmpcnt.ones.xlane vm8;
	_ =	sdelay $0x3  }
0x135: {  	v7 =	vadd.s32 v7, v8;
	v8, _, _ =	vpop (xrf0)  }
0x136: {  	v8 =	vadd.s32 v8, v7  }
0x137: {  	v8 =	vadd.s32 $0xFFFFFFFF, v8  }
0x138: {  	v39 =	vadd.s32 $0x81, v4;
	v8 =	vnsel vm9, $0xD80, v8  }
0x139: {  	v9 =	vnsel vm7, $0x0, v39  }
0x13a: {  	v40 =	vshra.s32 v9, $0x5;
	_ =	sdelay $0x2  }
0x13b: {  	v41 =	vor.u32 $0x10, v5;
	[tilespmem:v8+s16+$0x0] =	vst.idx.msk $0xffff, v10  }
0x13c: {  	[tilespmem:v8+s17+$0x0] =	vst.idx.msk $0xffff, v41  }
0x13d: {  	v8 =	vld.idx.msk [tilespmem:v40+s15+$0x0], $0xffff;
	_ =	sdelay $0x3  }
0x13e: {  	v42 =	vand.u32 $0x1F, v9  }
0x13f: {  	v8 =	vshrl.u32 v8, v42  }
0x140: {  	v8 =	vand.u32 $0x1, v8  }
0x141: {  	vm13 =	veq.s32 v8, $0x1  }
0x142: {  	vm14 =	vmand vm7, vm13  }
0x143: {  	v8 =	vsel vm14, $0x1, v2  }
0x144: {  	(xrf0) =	vadd.scan.msk.s32 $0xffff, v8;
	_ =	sdelay $0x1  }
0x145: {  	v8 =	vmpcnt.ones.xlane vm9;
	_ =	sdelay $0x3  }
0x146: {  	v7 =	vadd.s32 v7, v8;
	v8, _, _ =	vpop (xrf0)  }
0x147: {  	v8 =	vadd.s32 v8, v7  }
0x148: {  	vm8 =	vlt.s32 v6, $0x7F;
	v6 =	vadd.s32 $0xFFFFFFFF, v8  }
0x149: {  	vm5 =	vmand vm8, vm5;
	v8 =	vadd.s32 $0x3F7F, v4;
	v6 =	vnsel vm14, $0xD80, v6  }
0x14a: {  	v8 =	vnsel vm5, $0x0, v8  }
0x14b: {  	v43 =	vshra.s32 v8, $0x5;
	_ =	sdelay $0x2  }
0x14c: {  	v44 =	vor.u32 $0x11, v5;
	[tilespmem:v6+s16+$0x0] =	vst.idx.msk $0xffff, v9  }
0x14d: {  	[tilespmem:v6+s17+$0x0] =	vst.idx.msk $0xffff, v44  }
0x14e: {  	v6 =	vld.idx.msk [tilespmem:v43+s15+$0x0], $0xffff;
	_ =	sdelay $0x3  }
0x14f: {  	v45 =	vand.u32 $0x1F, v8  }
0x150: {  	v6 =	vshrl.u32 v6, v45  }
0x151: {  	v6 =	vand.u32 $0x1, v6  }
0x152: {  	vm15 =	veq.s32 v6, $0x1  }
0x153: {  	vm5 =	vmand vm5, vm15  }
0x154: {  	v6 =	vsel vm5, $0x1, v2  }
0x155: {  	(xrf0) =	vadd.scan.msk.s32 $0xffff, v6;
	_ =	sdelay $0x3  }
0x156: {  	v6 =	vmpcnt.ones.xlane vm14;
	_ =	sdelay $0x1  }
0x157: {  	v6 =	vadd.s32 v7, v6;
	v7, _, _ =	vpop (xrf0)  }
0x158: {  	v7 =	vadd.s32 v7, v6  }
0x159: {  	v7 =	vadd.s32 $0xFFFFFFFF, v7  }
0x15a: {  	v46 =	vadd.s32 $0x3F80, v4;
	vm3 =	vmand vm8, vm3;
	v7 =	vnsel vm5, $0xD80, v7  }
0x15b: {  	v9 =	vnsel vm3, $0x0, v46  }
0x15c: {  	v47 =	vshra.s32 v9, $0x5;
	_ =	sdelay $0x2  }
0x15d: {  	[tilespmem:v7+s16+$0x0] =	vst.idx.msk $0xffff, v8;
	v8 =	vor.u32 $0x12, v5  }
0x15e: {  	[tilespmem:v7+s17+$0x0] =	vst.idx.msk $0xffff, v8  }
0x15f: {  	v7 =	vld.idx.msk [tilespmem:v47+s15+$0x0], $0xffff;
	_ =	sdelay $0x3  }
0x160: {  	v8 =	vand.u32 $0x1F, v9  }
0x161: {  	v7 =	vshrl.u32 v7, v8  }
0x162: {  	v7 =	vand.u32 $0x1, v7  }
0x163: {  	vm12 =	veq.s32 v7, $0x1  }
0x164: {  	vm3 =	vmand vm3, vm12  }
0x165: {  	v7 =	vsel vm3, $0x1, v2  }
0x166: {  	(xrf0) =	vadd.scan.msk.s32 $0xffff, v7;
	_ =	sdelay $0x1  }
0x167: {  	v7 =	vmpcnt.ones.xlane vm5;
	_ =	sdelay $0x3  }
0x168: {  	v6 =	vadd.s32 v6, v7;
	v7, _, _ =	vpop (xrf0)  }
0x169: {  	v7 =	vadd.s32 v7, v6  }
0x16a: {  	v7 =	vadd.s32 $0xFFFFFFFF, v7  }
0x16b: {  	vm4 =	vmand vm8, vm4;
	v8 =	vadd.s32 $0x3F81, v4;
	v7 =	vnsel vm3, $0xD80, v7  }
0x16c: {  	v8 =	vnsel vm4, $0x0, v8  }
0x16d: {  	v48 =	vshra.s32 v8, $0x5;
	_ =	sdelay $0x2  }
0x16e: {  	v49 =	vor.u32 $0x13, v5;
	[tilespmem:v7+s16+$0x0] =	vst.idx.msk $0xffff, v9  }
0x16f: {  	[tilespmem:v7+s17+$0x0] =	vst.idx.msk $0xffff, v49  }
0x170: {  	v7 =	vld.idx.msk [tilespmem:v48+s15+$0x0], $0xffff;
	_ =	sdelay $0x3  }
0x171: {  	v50 =	vand.u32 $0x1F, v8  }
0x172: {  	v7 =	vshrl.u32 v7, v50  }
0x173: {  	v7 =	vand.u32 $0x1, v7  }
0x174: {  	vm13 =	veq.s32 v7, $0x1  }
0x175: {  	vm4 =	vmand vm4, vm13  }
0x176: {  	v7 =	vsel vm4, $0x1, v2  }
0x177: {  	(xrf0) =	vadd.scan.msk.s32 $0xffff, v7;
	_ =	sdelay $0x1  }
0x178: {  	v7 =	vmpcnt.ones.xlane vm3;
	_ =	sdelay $0x3  }
0x179: {  	v6 =	vadd.s32 v6, v7;
	v7, _, _ =	vpop (xrf0)  }
0x17a: {  	v7 =	vadd.s32 v7, v6  }
0x17b: {  	v7 =	vadd.s32 $0xFFFFFFFF, v7  }
0x17c: {  	v51 =	vadd.s32 $0x3FFF, v4;
	vm1 =	vmand vm1, vm8;
	v7 =	vnsel vm4, $0xD80, v7  }
0x17d: {  	v9 =	vnsel vm1, $0x0, v51  }
0x17e: {  	v52 =	vshra.s32 v9, $0x5;
	_ =	sdelay $0x2  }
0x17f: {  	[tilespmem:v7+s16+$0x0] =	vst.idx.msk $0xffff, v8;
	v8 =	vor.u32 $0x14, v5  }
0x180: {  	[tilespmem:v7+s17+$0x0] =	vst.idx.msk $0xffff, v8  }
0x181: {  	v7 =	vld.idx.msk [tilespmem:v52+s15+$0x0], $0xffff;
	_ =	sdelay $0x3  }
0x182: {  	v8 =	vand.u32 $0x1F, v9  }
0x183: {  	v7 =	vshrl.u32 v7, v8  }
0x184: {  	v7 =	vand.u32 $0x1, v7  }
0x185: {  	vm14 =	veq.s32 v7, $0x1  }
0x186: {  	vm1 =	vmand vm1, vm14  }
0x187: {  	v7 =	vsel vm1, $0x1, v2  }
0x188: {  	(xrf0) =	vadd.scan.msk.s32 $0xffff, v7;
	_ =	sdelay $0x1  }
0x189: {  	v7 =	vmpcnt.ones.xlane vm4;
	_ =	sdelay $0x3  }
0x18a: {  	v6 =	vadd.s32 v6, v7;
	v7, _, _ =	vpop (xrf0)  }
0x18b: {  	v7 =	vadd.s32 v7, v6  }
0x18c: {  	v7 =	vadd.s32 $0xFFFFFFFF, v7  }
0x18d: {  	v8 =	vadd.s32 $0x4000, v4;
	v7 =	vnsel vm1, $0xD80, v7  }
0x18e: {  	v8 =	vnsel vm8, $0x0, v8  }
0x18f: {  	v53 =	vshra.s32 v8, $0x5;
	_ =	sdelay $0x2  }
0x190: {  	v54 =	vor.u32 $0x15, v5;
	[tilespmem:v7+s16+$0x0] =	vst.idx.msk $0xffff, v9  }
0x191: {  	[tilespmem:v7+s17+$0x0] =	vst.idx.msk $0xffff, v54  }
0x192: {  	v7 =	vld.idx.msk [tilespmem:v53+s15+$0x0], $0xffff;
	_ =	sdelay $0x3  }
0x193: {  	v55 =	vand.u32 $0x1F, v8  }
0x194: {  	v7 =	vshrl.u32 v7, v55  }
0x195: {  	v7 =	vand.u32 $0x1, v7  }
0x196: {  	vm15 =	veq.s32 v7, $0x1  }
0x197: {  	vm3 =	vmand vm8, vm15  }
0x198: {  	v7 =	vsel vm3, $0x1, v2  }
0x199: {  	(xrf0) =	vadd.scan.msk.s32 $0xffff, v7;
	_ =	sdelay $0x1  }
0x19a: {  	v7 =	vmpcnt.ones.xlane vm1;
	_ =	sdelay $0x3  }
0x19b: {  	v6 =	vadd.s32 v6, v7;
	v7, _, _ =	vpop (xrf0)  }
0x19c: {  	v7 =	vadd.s32 v7, v6  }
0x19d: {  	v7 =	vadd.s32 $0xFFFFFFFF, v7  }
0x19e: {  	v56 =	vadd.s32 $0x4001, v4;
	vm0 =	vmand vm0, vm8;
	v7 =	vnsel vm3, $0xD80, v7  }
0x19f: {  	v9 =	vnsel vm0, $0x0, v56  }
0x1a0: {  	v57 =	vshra.s32 v9, $0x5;
	_ =	sdelay $0x2  }
0x1a1: {  	[tilespmem:v7+s16+$0x0] =	vst.idx.msk $0xffff, v8;
	v8 =	vor.u32 $0x16, v5  }
0x1a2: {  	[tilespmem:v7+s17+$0x0] =	vst.idx.msk $0xffff, v8  }
0x1a3: {  	v7 =	vld.idx.msk [tilespmem:v57+s15+$0x0], $0xffff;
	_ =	sdelay $0x3  }
0x1a4: {  	v8 =	vand.u32 $0x1F, v9  }
0x1a5: {  	v7 =	vshrl.u32 v7, v8  }
0x1a6: {  	v7 =	vand.u32 $0x1, v7  }
0x1a7: {  	vm9 =	veq.s32 v7, $0x1  }
0x1a8: {  	vm0 =	vmand vm0, vm9  }
0x1a9: {  	v7 =	vsel vm0, $0x1, v2  }
0x1aa: {  	(xrf0) =	vadd.scan.msk.s32 $0xffff, v7;
	_ =	sdelay $0x1  }
0x1ab: {  	v7 =	vmpcnt.ones.xlane vm3;
	_ =	sdelay $0x3  }
0x1ac: {  	v6 =	vadd.s32 v6, v7;
	v7, _, _ =	vpop (xrf0)  }
0x1ad: {  	v7 =	vadd.s32 v7, v6  }
0x1ae: {  	v7 =	vadd.s32 $0xFFFFFFFF, v7  }
0x1af: {  	vm10 =	vmand vm8, vm6;
	v8 =	vadd.s32 $0x407F, v4;
	v7 =	vnsel vm0, $0xD80, v7  }
0x1b0: {  	v8 =	vnsel vm10, $0x0, v8  }
0x1b1: {  	v58 =	vshra.s32 v8, $0x5;
	_ =	sdelay $0x2  }
0x1b2: {  	v59 =	vor.u32 $0x17, v5;
	[tilespmem:v7+s16+$0x0] =	vst.idx.msk $0xffff, v9  }
0x1b3: {  	[tilespmem:v7+s17+$0x0] =	vst.idx.msk $0xffff, v59  }
0x1b4: {  	v7 =	vld.idx.msk [tilespmem:v58+s15+$0x0], $0xffff;
	_ =	sdelay $0x3  }
0x1b5: {  	v60 =	vand.u32 $0x1F, v8  }
0x1b6: {  	v7 =	vshrl.u32 v7, v60  }
0x1b7: {  	v7 =	vand.u32 $0x1, v7  }
0x1b8: {  	vm11 =	veq.s32 v7, $0x1  }
0x1b9: {  	vm1 =	vmand vm10, vm11  }
0x1ba: {  	v7 =	vsel vm1, $0x1, v2  }
0x1bb: {  	(xrf0) =	vadd.scan.msk.s32 $0xffff, v7;
	_ =	sdelay $0x1  }
0x1bc: {  	v7 =	vmpcnt.ones.xlane vm0;
	_ =	sdelay $0x3  }
0x1bd: {  	v6 =	vadd.s32 v6, v7;
	v7, _, _ =	vpop (xrf0)  }
0x1be: {  	v7 =	vadd.s32 v7, v6  }
0x1bf: {  	v7 =	vadd.s32 $0xFFFFFFFF, v7  }
0x1c0: {  	v61 =	vadd.s32 $0x4080, v4;
	vm12 =	vmand vm8, vm2;
	v7 =	vnsel vm1, $0xD80, v7  }
0x1c1: {  	v9 =	vnsel vm12, $0x0, v61  }
0x1c2: {  	v62 =	vshra.s32 v9, $0x5;
	_ =	sdelay $0x2  }
0x1c3: {  	[tilespmem:v7+s16+$0x0] =	vst.idx.msk $0xffff, v8;
	v8 =	vor.u32 $0x18, v5  }
0x1c4: {  	[tilespmem:v7+s17+$0x0] =	vst.idx.msk $0xffff, v8  }
0x1c5: {  	v7 =	vld.idx.msk [tilespmem:v62+s15+$0x0], $0xffff;
	_ =	sdelay $0x3  }
0x1c6: {  	v8 =	vand.u32 $0x1F, v9  }
0x1c7: {  	v7 =	vshrl.u32 v7, v8  }
0x1c8: {  	v7 =	vand.u32 $0x1, v7  }
0x1c9: {  	vm13 =	veq.s32 v7, $0x1  }
0x1ca: {  	vm0 =	vmand vm12, vm13  }
0x1cb: {  	v7 =	vsel vm0, $0x1, v2  }
0x1cc: {  	(xrf0) =	vadd.scan.msk.s32 $0xffff, v7;
	_ =	sdelay $0x1  }
0x1cd: {  	v7 =	vmpcnt.ones.xlane vm1;
	_ =	sdelay $0x3  }
0x1ce: {  	v6 =	vadd.s32 v6, v7;
	v7, _, _ =	vpop (xrf0)  }
0x1cf: {  	v7 =	vadd.s32 v7, v6  }
0x1d0: {  	v7 =	vadd.s32 $0xFFFFFFFF, v7  }
0x1d1: {  	vm14 =	vmand vm8, vm7;
	v4 =	vadd.s32 $0x4081, v4;
	v7 =	vnsel vm0, $0xD80, v7  }
0x1d2: {  	v4 =	vnsel vm14, $0x0, v4  }
0x1d3: {  	v8 =	vshra.s32 v4, $0x5;
	_ =	sdelay $0x2  }
0x1d4: {  	v63 =	vor.u32 $0x19, v5;
	[tilespmem:v7+s16+$0x0] =	vst.idx.msk $0xffff, v9  }
0x1d5: {  	[tilespmem:v7+s17+$0x0] =	vst.idx.msk $0xffff, v63  }
0x1d6: {  	v7 =	vld.idx.msk [tilespmem:v8+s15+$0x0], $0xffff;
	_ =	sdelay $0x3  }
0x1d7: {  	v8 =	vand.u32 $0x1F, v4  }
0x1d8: {  	v7 =	vshrl.u32 v7, v8  }
0x1d9: {  	v7 =	vand.u32 $0x1, v7  }
0x1da: {  	vm15 =	veq.s32 v7, $0x1  }
0x1db: {  	vm1 =	vmand vm14, vm15  }
0x1dc: {  	v7 =	vsel vm1, $0x1, v2  }
0x1dd: {  	(xrf0) =	vadd.scan.msk.s32 $0xffff, v7;
	_ =	sdelay $0x1  }
0x1de: {  	v7 =	vmpcnt.ones.xlane vm0;
	_ =	sdelay $0x3  }
0x1df: {  	v6 =	vadd.s32 v6, v7;
	v7, _, _ =	vpop (xrf0)  }
0x1e0: {  	v7 =	vadd.s32 v7, v6  }
0x1e1: {  	v7 =	vadd.s32 $0xFFFFFFFF, v7  }
0x1e2: {  	v7 =	vnsel vm1, $0xD80, v7  }
0x1e3: {  	p0 =	sne.s32 s2, $0x70  }
.Ltmp2:
0x1e4: {  	_ = 	snop;
	(pc) =	sbr.rel @p0 .LBB2_3-.Ltmp2, $4  }
0x1e5: {  	_ = 	snop  }
0x1e6: {  	v8 =	vmpcnt.ones.xlane vm1  }
0x1e7: {  	[tilespmem:v7+s16+$0x0] =	vst.idx.msk $0xffff, v4;
	v4 =	vor.u32 $0x1A, v5  }
0x1e8: {  	s9 =	sadd.s32 $0x10, s9;
	s2 =	sadd.s32 $0x10, s2;
	[tilespmem:v7+s17+$0x0] =	vst.idx.msk $0xffff, v4;
	v7 =	vadd.s32 v6, v8  }
0x1e9: {  	v4 =	vxor.u32 $0x80000000, v7  }
0x1ea: {  	(xrf0) =	vmax.scan.msk.u32 $0xffff, v4;
	_ =	sdelay $0x5  }
0x1eb: {  	v4, _, _ =	vpop (xrf0)  }
0x1ec: {  	(v2sf) =	vpush v4, $0xF;
	_ =	sdelay $0xe  }
0x1ed: {  	s2 =	spop (v2sf)  }
0x1ee: {  	s9 =	sxor.u32 $0x80000000, s2  }
0x1ef: {  	v4 =	vadd.s32 s9, v0  }
0x1f0: {  	s10 =	sadd.s32 $0x80000010, s2  }
0x1f1: {  	v5 =	vadd.s32 s10, v0  }
0x1f2: {  	s20 =	sadd.s32 $0x80000020, s2  }
0x1f3: {  	v6 =	vadd.s32 s20, v0  }
0x1f4: {  	s10 =	sadd.s32 $0x80000030, s2;
	[tilespmem:v4+s16+$0x0] =	vst.idx.msk $0xffff, v2  }
0x1f5: {  	[tilespmem:v4+s17+$0x0] =	vst.idx.msk $0xffff, v3;
	v4 =	vadd.s32 s10, v0  }
0x1f6: {  	s20 =	sadd.s32 $0x80000040, s2;
	[tilespmem:v5+s16+$0x0] =	vst.idx.msk $0xffff, v2  }
0x1f7: {  	[tilespmem:v5+s17+$0x0] =	vst.idx.msk $0xffff, v3;
	v5 =	vadd.s32 s20, v0  }
0x1f8: {  	s10 =	sadd.s32 $0x80000050, s2;
	[tilespmem:v6+s16+$0x0] =	vst.idx.msk $0xffff, v2  }
0x1f9: {  	v63 =	vadd.s32 s10, v0;
	[tilespmem:v6+s17+$0x0] =	vst.idx.msk $0xffff, v3  }
0x1fa: {  	s20 =	sadd.s32 $0x80000060, s2;
	[tilespmem:v4+s16+$0x0] =	vst.idx.msk $0xffff, v2  }
0x1fb: {  	[tilespmem:v4+s17+$0x0] =	vst.idx.msk $0xffff, v3;
	v4 =	vadd.s32 s20, v0  }
0x1fc: {  	s10 =	sadd.s32 $0x80000070, s2;
	s2 =	sadd.s32 $0x8000007F, s2;
	[tilespmem:v5+s16+$0x0] =	vst.idx.msk $0xffff, v2  }
0x1fd: {  	s9 =	simm.s32 $0x1;
	s20 =	sand.u32 $0x7F, s2;
	[tilespmem:v5+s17+$0x0] =	vst.idx.msk $0xffff, v3;
	v5 =	vadd.s32 s10, v0  }
0x1fe: {  	p0 =	slt.s32 s2, $0x1;
	p1 =	sne.s32 s20, $0x0;
	s10 =	sshra.s32 s2, $0x1F;
	[tilespmem:v63+s16+$0x0] =	vst.idx.msk $0xffff, v2  }
0x1ff: {  	p0 =	por !p0, !p1;
	s20 =	sshrl.u32 s10, $0x19;
	s10 =	smul.u32 $0xD90, s8;
	[tilespmem:v63+s17+$0x0] =	vst.idx.msk $0xffff, v3  }
0x200: {  	p0 =	por !p0, !p0;
	s2 =	sadd.s32 s20, s2;
	s20 =	rddreg [dreg:$0x7];
	[tilespmem:v4+s16+$0x0] =	vst.idx.msk $0xffff, v2  }
0x201: {  	s9 =	simm.s32 @!p0 $0x0;
	s2 =	sshra.s32 s2, $0x7;
	s10 =	sadd.s32 s20, s10;
	[tilespmem:v4+s17+$0x0] =	vst.idx.msk $0xffff, v3  }
0x202: {  	s2 =	ssub.s32 s2, s9;
	s9 =	sshrl.u32 s10, $0x3;
	[tilespmem:v5+s16+$0x0] =	vst.idx.msk $0xffff, v2  }
0x203: {  	[smem:s8] =	sst s2;
	s10 =	sadd.s32 s12, s9;
	s2 =	simm.s32 $0x0;
	[tilespmem:v5+s17+$0x0] =	vst.idx.msk $0xffff, v3  }
0x204: {  	[hbm4b:s10+s2] =	stream.linear.scatter [tilespmem:s16], [sflag:$0x2], $0xD90, $0x38;
	[tilespmem:$0x14840] =	vst v63  }
0x205: {  	s8 =	sadd.s32 $0x1, s8;
	_ =	swait.ge [sflag:s14], $0xD90  }
0x206: {  	p0 =	sne.s32 s8, $0x19;
	[sflag:s14] =	ssyncset.done $0x0;
	s20 =	rddreg [dreg:$0x6]  }
.Ltmp3:
0x207: {  	[sflag:s14] =	ssyncadd.s32 $0xFFFFF270;
	s9 =	sadd.s32 s20, s9;
	(pc) =	sbr.rel @p0 .LBB2_2-.Ltmp3, $4  }
0x208: {  	[hbm4b:s9+s2] =	stream.linear.scatter [tilespmem:s17], [sflag:$0x2], $0xD90, $0x38;
	[tilespmem:$0x14840] =	vst v63  }
0x209: {  	_ =	swait.ge [sflag:s14], $0xD90  }
0x20a: {  	[sflag:s14] =	ssyncset.done $0x0  }
0x20b: {  	s7 =	sadd.s32 $0x80, s7;
	[sflag:s14] =	ssyncadd.s32 $0xFFFFF270  }
.Ltmp4:
0x20c: {  	(pc) =	sbr.rel .LBB2_6-.Ltmp4, $2  }
0x20d: {  	_ =	sdelay $0x2  }
0x20e: {  	s7 =	simm.s32 $0x0  }
.LBB2_10:
0x20f: {  	s8 =	rddreg [dreg:$0x5]  }
0x210: {  	s9 =	rddreg [dreg:$0xc];
	s7 =	sadd.s32 $0x1, s7  }
0x211: {  	s8 =	sadd.s32 s8, s9;
	p0 =	sne.s32 s7, $0x19  }
0x212: {  	[hbm4b:s8+s3] =	stream.linear.scatter [tilespmem:s19], [sflag:$0x2], $0x1000, $0x38;
	[tilespmem:$0x14840] =	vst v63  }
.Ltmp5:
0x213: {  	_ = 	snop;
	(pc) =	sbr.rel @!p0 .LBB2_11-.Ltmp5, $4  }
0x214: {  	_ =	swait.ge [sflag:s14], $0x1000  }
0x215: {  	[sflag:s14] =	ssyncset.done $0x0  }
0x216: {  	[sflag:s14] =	ssyncadd.s32 $0xFFFFF000  }
0x217: {  	s12 =	rddreg [dreg:$0x1]  }
.LBB2_6:
0x218: {  	s8 =	sshll.u32 s7, $0xC;
	s9 =	rddreg [dreg:$0x9]  }
0x219: {  	s8 =	sadd.s32 s9, s8  }
0x21a: {  	s10 =	rddreg [dreg:$0x4];
	s9 =	sshrl.u32 s8, $0x3  }
0x21b: {  	[dreg:$0xc] =	wrdreg s9;
	s8 =	sadd.s32 s10, s9  }
0x21c: {  	[tilespmem:s19], [sflag:$0x2] =	stream.linear.gather [hbm4b:s8+s2], $0x1000, $0x38;
	[tilespmem:$0x14840] =	vst v63  }
0x21d: {  	s20 =	smul.u32 $0xD90, s7;
	_ =	swait.ge [sflag:s14], $0x1000  }
0x21e: {  	s10 =	rddreg [dreg:$0x7]  }
0x21f: {  	s8 =	sadd.s32 s10, s20  }
0x220: {  	[sflag:s14] =	ssyncset.done $0x0;
	s8 =	sshrl.u32 s8, $0x3  }
0x221: {  	[sflag:s14] =	ssyncadd.s32 $0xFFFFF000;
	s12 =	sadd.s32 s12, s8  }
0x222: {  	[tilespmem:s16], [sflag:$0x2] =	stream.linear.gather [hbm4b:s12+s2], $0xD90, $0x38;
	[tilespmem:$0x14840] =	vst v63  }
0x223: {  	_ =	swait.ge [sflag:s14], $0xD90  }
0x224: {  	[sflag:s14] =	ssyncset.done $0x0;
	s20 =	rddreg [dreg:$0x6]  }
0x225: {  	[sflag:s14] =	ssyncadd.s32 $0xFFFFF270;
	s8 =	sadd.s32 s20, s8  }
0x226: {  	[tilespmem:s17], [sflag:$0x2] =	stream.linear.gather [hbm4b:s8+s2], $0xD90, $0x38;
	[tilespmem:$0x14840] =	vst v63  }
.Ltmp6:
0x227: {  	_ = 	snop;
	(pc) =	sbr.rel .LBB2_7-.Ltmp6, $4  }
0x228: {  	_ =	swait.ge [sflag:s14], $0xD90  }
0x229: {  	[sflag:s14] =	ssyncset.done $0x0  }
0x22a: {  	s9 =	simm.s32 $0x11A50;
	[sflag:s14] =	ssyncadd.s32 $0xFFFFF270  }
0x22b: {  	s10 =	simm.s32 $0x10CC0;
	s8 =	simm.s32 $0x0;
	s12 =	sld [smem:s7+$0x0]  }
.LBB2_9:
0x22c: {  	s8 =	sadd.s32 $0x1, s8  }
0x22d: {  	p0 =	sne.s32 s8, $0x1A  }
.Ltmp7:
0x22e: {  	_ = 	snop;
	(pc) =	sbr.rel @!p0 .LBB2_10-.Ltmp7, $2  }
0x22f: {  	_ =	sdelay $0x2  }
0x230: {  	s9 =	sadd.s32 $0x80, s9;
	s10 =	sadd.s32 $0x80, s10  }
.LBB2_7:
0x231: {  	_ =	sdelay $0x1  }
0x232: {  	p0 =	sge.s32 s8, s12  }
.Ltmp8:
0x233: {  	_ = 	snop;
	(pc) =	sbr.rel @p0 .LBB2_9-.Ltmp8, $1  }
0x234: {  	_ =	sdelay $0x3  }
0x235: {  	v4 =	vld [tilespmem:s10+$0xFFFFFFC0];
	_ =	sdelay $0x6  }
0x236: {  	vm0 =	vmmov $0xffff;
	s20 =	simm.s32 $0x127A0  }
0x237: {  	[tilespmem:s20], [sflag:$0x1] =	stream.indirect_vreg.gather [hbm4b:s4+s3], $0x1, v4, vm0, $0xb8;
	[tilespmem:$0x14840] =	vst v63  }
0x238: {  	v4 =	vld [tilespmem:s10+$0xFFFFFFD0];
	_ =	sdelay $0x7  }
0x239: {  	[tilespmem:s21], [sflag:$0x1] =	stream.indirect_vreg.gather [hbm4b:s4+s3], $0x1, v4, vm0, $0xb8;
	[tilespmem:$0x14840] =	vst v63  }
0x23a: {  	v4 =	vld [tilespmem:s10+$0xFFFFFFE0];
	_ =	sdelay $0x7  }
0x23b: {  	[tilespmem:s22], [sflag:$0x1] =	stream.indirect_vreg.gather [hbm4b:s4+s3], $0x1, v4, vm0, $0xb8;
	[tilespmem:$0x14840] =	vst v63  }
0x23c: {  	v4 =	vld [tilespmem:s10+$0xFFFFFFF0];
	_ =	sdelay $0x7  }
0x23d: {  	[tilespmem:s23], [sflag:$0x1] =	stream.indirect_vreg.gather [hbm4b:s4+s3], $0x1, v4, vm0, $0xb8;
	[tilespmem:$0x14840] =	vst v63  }
0x23e: {  	v4 =	vld [tilespmem:s10+$0x0];
	_ =	sdelay $0x7  }
0x23f: {  	[tilespmem:s24], [sflag:$0x1] =	stream.indirect_vreg.gather [hbm4b:s4+s3], $0x1, v4, vm0, $0xb8;
	[tilespmem:$0x14840] =	vst v63  }
0x240: {  	v4 =	vld [tilespmem:s10+$0x10];
	_ =	sdelay $0x7  }
0x241: {  	[tilespmem:s25], [sflag:$0x1] =	stream.indirect_vreg.gather [hbm4b:s4+s3], $0x1, v4, vm0, $0xb8;
	[tilespmem:$0x14840] =	vst v63  }
0x242: {  	v4 =	vld [tilespmem:s10+$0x20];
	_ =	sdelay $0x7  }
0x243: {  	[tilespmem:s26], [sflag:$0x1] =	stream.indirect_vreg.gather [hbm4b:s4+s3], $0x1, v4, vm0, $0xb8;
	[tilespmem:$0x14840] =	vst v63  }
0x244: {  	v4 =	vld [tilespmem:s10+$0x30];
	_ =	sdelay $0x7  }
0x245: {  	[tilespmem:s28], [sflag:$0x1] =	stream.indirect_vreg.gather [hbm4b:s4+s3], $0x1, v4, vm0, $0xb8;
	[tilespmem:$0x14840] =	vst v63  }
0x246: {  	_ =	swait.ge [sflag:s18], $0x10  }
0x247: {  	[sflag:s18] =	ssyncset.done $0x0  }
0x248: {  	[sflag:s18] =	ssyncadd.s32 $0xFFFFFFF0  }
0x249: {  	_ =	swait.ge [sflag:s18], $0x10  }
0x24a: {  	[sflag:s18] =	ssyncset.done $0x0  }
0x24b: {  	[sflag:s18] =	ssyncadd.s32 $0xFFFFFFF0  }
0x24c: {  	_ =	swait.ge [sflag:s18], $0x10  }
0x24d: {  	[sflag:s18] =	ssyncset.done $0x0  }
0x24e: {  	[sflag:s18] =	ssyncadd.s32 $0xFFFFFFF0  }
0x24f: {  	_ =	swait.ge [sflag:s18], $0x10  }
0x250: {  	[sflag:s18] =	ssyncset.done $0x0  }
0x251: {  	[sflag:s18] =	ssyncadd.s32 $0xFFFFFFF0  }
0x252: {  	_ =	swait.ge [sflag:s18], $0x10  }
0x253: {  	[sflag:s18] =	ssyncset.done $0x0  }
0x254: {  	[sflag:s18] =	ssyncadd.s32 $0xFFFFFFF0  }
0x255: {  	_ =	swait.ge [sflag:s18], $0x10  }
0x256: {  	[sflag:s18] =	ssyncset.done $0x0  }
0x257: {  	[sflag:s18] =	ssyncadd.s32 $0xFFFFFFF0  }
0x258: {  	_ =	swait.ge [sflag:s18], $0x10  }
0x259: {  	[sflag:s18] =	ssyncset.done $0x0  }
0x25a: {  	[sflag:s18] =	ssyncadd.s32 $0xFFFFFFF0  }
0x25b: {  	_ =	swait.ge [sflag:s18], $0x10  }
0x25c: {  	[sflag:s18] =	ssyncset.done $0x0  }
0x25d: {  	[sflag:s18] =	ssyncadd.s32 $0xFFFFFFF0  }
0x25e: {  	v4 =	vld [tilespmem:$0x127A0]  }
0x25f: {  	v5 =	vld [tilespmem:s9+$0xFFFFFFC0];
	_ =	sdelay $0x3  }
0x260: {  	v4 =	vmul.u32 $0x1B, v4  }
0x261: {  	v5 =	vand.u32 $0x1F, v5  }
0x262: {  	v4 =	vadd.s32 v4, v5;
	_ =	sdelay $0x4  }
0x263: {  	[tilespmem:s29], [sflag:$0x1] =	stream.indirect_vreg.gather [hbm4b:s6+s3], $0x20, v4, vm0, $0xb8;
	[tilespmem:$0x14840] =	vst v63  }
0x264: {  	v4 =	vld [tilespmem:$0x127B0]  }
0x265: {  	v5 =	vld [tilespmem:s9+$0xFFFFFFD0];
	_ =	sdelay $0x3  }
0x266: {  	v4 =	vmul.u32 $0x1B, v4  }
0x267: {  	v5 =	vand.u32 $0x1F, v5  }
0x268: {  	v4 =	vadd.s32 v4, v5;
	_ =	sdelay $0x4  }
0x269: {  	[tilespmem:s30], [sflag:$0x1] =	stream.indirect_vreg.gather [hbm4b:s6+s3], $0x20, v4, vm0, $0xb8;
	[tilespmem:$0x14840] =	vst v63  }
0x26a: {  	v4 =	vld [tilespmem:$0x127C0]  }
0x26b: {  	v5 =	vld [tilespmem:s9+$0xFFFFFFE0];
	_ =	sdelay $0x3  }
0x26c: {  	v4 =	vmul.u32 $0x1B, v4  }
0x26d: {  	v5 =	vand.u32 $0x1F, v5  }
0x26e: {  	v4 =	vadd.s32 v4, v5;
	_ =	sdelay $0x4  }
0x26f: {  	[tilespmem:s31], [sflag:$0x1] =	stream.indirect_vreg.gather [hbm4b:s6+s3], $0x20, v4, vm0, $0xb8;
	[tilespmem:$0x14840] =	vst v63  }
0x270: {  	v4 =	vld [tilespmem:$0x127D0]  }
0x271: {  	v5 =	vld [tilespmem:s9+$0xFFFFFFF0];
	_ =	sdelay $0x3  }
0x272: {  	v4 =	vmul.u32 $0x1B, v4  }
0x273: {  	v5 =	vand.u32 $0x1F, v5  }
0x274: {  	v4 =	vadd.s32 v4, v5;
	_ =	sdelay $0x4  }
0x275: {  	[tilespmem:s1], [sflag:$0x1] =	stream.indirect_vreg.gather [hbm4b:s6+s3], $0x20, v4, vm0, $0xb8;
	[tilespmem:$0x14840] =	vst v63  }
0x276: {  	v4 =	vld [tilespmem:$0x127E0]  }
0x277: {  	v5 =	vld [tilespmem:s9+$0x0];
	_ =	sdelay $0x3  }
0x278: {  	v4 =	vmul.u32 $0x1B, v4  }
0x279: {  	v5 =	vand.u32 $0x1F, v5  }
0x27a: {  	v4 =	vadd.s32 v4, v5;
	_ =	sdelay $0x4  }
0x27b: {  	[tilespmem:s0], [sflag:$0x1] =	stream.indirect_vreg.gather [hbm4b:s6+s3], $0x20, v4, vm0, $0xb8;
	[tilespmem:$0x14840] =	vst v63  }
0x27c: {  	v4 =	vld [tilespmem:$0x127F0]  }
0x27d: {  	v5 =	vld [tilespmem:s9+$0x10];
	_ =	sdelay $0x3  }
0x27e: {  	v4 =	vmul.u32 $0x1B, v4  }
0x27f: {  	v5 =	vand.u32 $0x1F, v5  }
0x280: {  	v4 =	vadd.s32 v4, v5;
	_ =	sdelay $0x4  }
0x281: {  	[tilespmem:s5], [sflag:$0x1] =	stream.indirect_vreg.gather [hbm4b:s6+s3], $0x20, v4, vm0, $0xb8;
	[tilespmem:$0x14840] =	vst v63  }
0x282: {  	v4 =	vld [tilespmem:$0x12800]  }
0x283: {  	v5 =	vld [tilespmem:s9+$0x20];
	_ =	sdelay $0x3  }
0x284: {  	v4 =	vmul.u32 $0x1B, v4  }
0x285: {  	v5 =	vand.u32 $0x1F, v5  }
0x286: {  	v4 =	vadd.s32 v4, v5;
	_ =	sdelay $0x4  }
0x287: {  	[tilespmem:s11], [sflag:$0x1] =	stream.indirect_vreg.gather [hbm4b:s6+s3], $0x20, v4, vm0, $0xb8;
	[tilespmem:$0x14840] =	vst v63  }
0x288: {  	v4 =	vld [tilespmem:$0x12810]  }
0x289: {  	v5 =	vld [tilespmem:s9+$0x30];
	_ =	sdelay $0x3  }
0x28a: {  	v4 =	vmul.u32 $0x1B, v4  }
0x28b: {  	v5 =	vand.u32 $0x1F, v5  }
0x28c: {  	v4 =	vadd.s32 v4, v5;
	_ =	sdelay $0x4  }
0x28d: {  	[tilespmem:s13], [sflag:$0x1] =	stream.indirect_vreg.gather [hbm4b:s6+s3], $0x20, v4, vm0, $0xb8;
	[tilespmem:$0x14840] =	vst v63  }
0x28e: {  	_ =	swait.ge [sflag:s18], $0x200  }
0x28f: {  	[sflag:s18] =	ssyncset.done $0x0  }
0x290: {  	[sflag:s18] =	ssyncadd.s32 $0xFFFFFE00  }
0x291: {  	_ =	swait.ge [sflag:s18], $0x200  }
0x292: {  	[sflag:s18] =	ssyncset.done $0x0  }
0x293: {  	[sflag:s18] =	ssyncadd.s32 $0xFFFFFE00  }
0x294: {  	_ =	swait.ge [sflag:s18], $0x200  }
0x295: {  	[sflag:s18] =	ssyncset.done $0x0  }
0x296: {  	[sflag:s18] =	ssyncadd.s32 $0xFFFFFE00  }
0x297: {  	_ =	swait.ge [sflag:s18], $0x200  }
0x298: {  	[sflag:s18] =	ssyncset.done $0x0  }
0x299: {  	[sflag:s18] =	ssyncadd.s32 $0xFFFFFE00  }
0x29a: {  	_ =	swait.ge [sflag:s18], $0x200  }
0x29b: {  	[sflag:s18] =	ssyncset.done $0x0  }
0x29c: {  	[sflag:s18] =	ssyncadd.s32 $0xFFFFFE00  }
0x29d: {  	_ =	swait.ge [sflag:s18], $0x200  }
0x29e: {  	[sflag:s18] =	ssyncset.done $0x0  }
0x29f: {  	[sflag:s18] =	ssyncadd.s32 $0xFFFFFE00  }
0x2a0: {  	_ =	swait.ge [sflag:s18], $0x200  }
0x2a1: {  	[sflag:s18] =	ssyncset.done $0x0  }
0x2a2: {  	[sflag:s18] =	ssyncadd.s32 $0xFFFFFE00  }
0x2a3: {  	_ =	swait.ge [sflag:s18], $0x200  }
0x2a4: {  	[sflag:s18] =	ssyncset.done $0x0  }
0x2a5: {  	[sflag:s18] =	ssyncadd.s32 $0xFFFFFE00  }
0x2a6: {  	v4 =	vld [tilespmem:s9+$0xFFFFFFC0];
	_ =	sdelay $0x4  }
0x2a7: {  	v6 =	vld.idx.msk [tilespmem:v1+s29+$0x0], $0xffff;
	v5 =	vand.u32 $0xFFFFFFE0, v4  }
0x2a8: {  	v7 =	vor.u32 $0x1, v1;
	_ =	sdelay $0x3  }
0x2a9: {  	[tilespmem:v5+s19+$0x0] =	vst.idx.add.f32.msk $0xffff, v6  }
0x2aa: {  	v54 =	vor.u32 $0x1, v5;
	v6 =	vld.idx.msk [tilespmem:v7+s29+$0x0], $0xffff  }
0x2ab: {  	v8 =	vor.u32 $0x2, v1;
	_ =	sdelay $0x3  }
0x2ac: {  	[tilespmem:v54+s19+$0x0] =	vst.idx.add.f32.msk $0xffff, v6  }
0x2ad: {  	v55 =	vor.u32 $0x2, v5;
	v6 =	vld.idx.msk [tilespmem:v8+s29+$0x0], $0xffff  }
0x2ae: {  	v56 =	vor.u32 $0x3, v1;
	_ =	sdelay $0x3  }
0x2af: {  	[tilespmem:v55+s19+$0x0] =	vst.idx.add.f32.msk $0xffff, v6  }
0x2b0: {  	v57 =	vor.u32 $0x3, v5;
	v6 =	vld.idx.msk [tilespmem:v56+s29+$0x0], $0xffff  }
0x2b1: {  	v58 =	vor.u32 $0x4, v1;
	_ =	sdelay $0x3  }
0x2b2: {  	[tilespmem:v57+s19+$0x0] =	vst.idx.add.f32.msk $0xffff, v6  }
0x2b3: {  	v59 =	vor.u32 $0x4, v5;
	v6 =	vld.idx.msk [tilespmem:v58+s29+$0x0], $0xffff  }
0x2b4: {  	v60 =	vor.u32 $0x5, v1;
	_ =	sdelay $0x3  }
0x2b5: {  	[tilespmem:v59+s19+$0x0] =	vst.idx.add.f32.msk $0xffff, v6  }
0x2b6: {  	v61 =	vor.u32 $0x5, v5;
	v6 =	vld.idx.msk [tilespmem:v60+s29+$0x0], $0xffff  }
0x2b7: {  	v62 =	vor.u32 $0x6, v1;
	_ =	sdelay $0x3  }
0x2b8: {  	[tilespmem:v61+s19+$0x0] =	vst.idx.add.f32.msk $0xffff, v6  }
0x2b9: {  	v63 =	vor.u32 $0x6, v5;
	v6 =	vld.idx.msk [tilespmem:v62+s29+$0x0], $0xffff  }
0x2ba: {  	v12 =	vor.u32 $0x7, v1;
	_ =	sdelay $0x3  }
0x2bb: {  	[tilespmem:v63+s19+$0x0] =	vst.idx.add.f32.msk $0xffff, v6  }
0x2bc: {  	v13 =	vor.u32 $0x7, v5;
	v6 =	vld.idx.msk [tilespmem:v12+s29+$0x0], $0xffff  }
0x2bd: {  	v14 =	vor.u32 $0x8, v1;
	_ =	sdelay $0x3  }
0x2be: {  	[tilespmem:v13+s19+$0x0] =	vst.idx.add.f32.msk $0xffff, v6  }
0x2bf: {  	v15 =	vor.u32 $0x8, v5;
	v6 =	vld.idx.msk [tilespmem:v14+s29+$0x0], $0xffff  }
0x2c0: {  	v16 =	vor.u32 $0x9, v1;
	_ =	sdelay $0x3  }
0x2c1: {  	[tilespmem:v15+s19+$0x0] =	vst.idx.add.f32.msk $0xffff, v6  }
0x2c2: {  	v17 =	vor.u32 $0x9, v5;
	v6 =	vld.idx.msk [tilespmem:v16+s29+$0x0], $0xffff  }
0x2c3: {  	v18 =	vor.u32 $0xA, v1;
	_ =	sdelay $0x3  }
0x2c4: {  	[tilespmem:v17+s19+$0x0] =	vst.idx.add.f32.msk $0xffff, v6  }
0x2c5: {  	v19 =	vor.u32 $0xA, v5;
	v6 =	vld.idx.msk [tilespmem:v18+s29+$0x0], $0xffff  }
0x2c6: {  	v20 =	vor.u32 $0xB, v1;
	_ =	sdelay $0x3  }
0x2c7: {  	[tilespmem:v19+s19+$0x0] =	vst.idx.add.f32.msk $0xffff, v6  }
0x2c8: {  	v21 =	vor.u32 $0xB, v5;
	v6 =	vld.idx.msk [tilespmem:v20+s29+$0x0], $0xffff  }
0x2c9: {  	v22 =	vor.u32 $0xC, v1;
	_ =	sdelay $0x3  }
0x2ca: {  	[tilespmem:v21+s19+$0x0] =	vst.idx.add.f32.msk $0xffff, v6  }
0x2cb: {  	v23 =	vor.u32 $0xC, v5;
	v6 =	vld.idx.msk [tilespmem:v22+s29+$0x0], $0xffff  }
0x2cc: {  	v24 =	vor.u32 $0xD, v1;
	_ =	sdelay $0x3  }
0x2cd: {  	[tilespmem:v23+s19+$0x0] =	vst.idx.add.f32.msk $0xffff, v6  }
0x2ce: {  	v25 =	vor.u32 $0xD, v5;
	v6 =	vld.idx.msk [tilespmem:v24+s29+$0x0], $0xffff  }
0x2cf: {  	v26 =	vor.u32 $0xE, v1;
	_ =	sdelay $0x3  }
0x2d0: {  	[tilespmem:v25+s19+$0x0] =	vst.idx.add.f32.msk $0xffff, v6  }
0x2d1: {  	v27 =	vor.u32 $0xE, v5;
	v6 =	vld.idx.msk [tilespmem:v26+s29+$0x0], $0xffff  }
0x2d2: {  	v28 =	vor.u32 $0xF, v1;
	_ =	sdelay $0x3  }
0x2d3: {  	[tilespmem:v27+s19+$0x0] =	vst.idx.add.f32.msk $0xffff, v6  }
0x2d4: {  	v29 =	vor.u32 $0xF, v5;
	v6 =	vld.idx.msk [tilespmem:v28+s29+$0x0], $0xffff  }
0x2d5: {  	v30 =	vor.u32 $0x10, v1;
	_ =	sdelay $0x3  }
0x2d6: {  	[tilespmem:v29+s19+$0x0] =	vst.idx.add.f32.msk $0xffff, v6  }
0x2d7: {  	v31 =	vor.u32 $0x10, v5;
	v6 =	vld.idx.msk [tilespmem:v30+s29+$0x0], $0xffff  }
0x2d8: {  	v32 =	vor.u32 $0x11, v1;
	_ =	sdelay $0x3  }
0x2d9: {  	[tilespmem:v31+s19+$0x0] =	vst.idx.add.f32.msk $0xffff, v6  }
0x2da: {  	v33 =	vor.u32 $0x11, v5;
	v6 =	vld.idx.msk [tilespmem:v32+s29+$0x0], $0xffff  }
0x2db: {  	v34 =	vor.u32 $0x12, v1;
	_ =	sdelay $0x3  }
0x2dc: {  	[tilespmem:v33+s19+$0x0] =	vst.idx.add.f32.msk $0xffff, v6  }
0x2dd: {  	v35 =	vor.u32 $0x12, v5;
	v6 =	vld.idx.msk [tilespmem:v34+s29+$0x0], $0xffff  }
0x2de: {  	v36 =	vor.u32 $0x13, v1;
	_ =	sdelay $0x3  }
0x2df: {  	[tilespmem:v35+s19+$0x0] =	vst.idx.add.f32.msk $0xffff, v6  }
0x2e0: {  	v37 =	vor.u32 $0x13, v5;
	v6 =	vld.idx.msk [tilespmem:v36+s29+$0x0], $0xffff  }
0x2e1: {  	v38 =	vor.u32 $0x14, v1;
	_ =	sdelay $0x3  }
0x2e2: {  	[tilespmem:v37+s19+$0x0] =	vst.idx.add.f32.msk $0xffff, v6  }
0x2e3: {  	v39 =	vor.u32 $0x14, v5;
	v6 =	vld.idx.msk [tilespmem:v38+s29+$0x0], $0xffff  }
0x2e4: {  	v40 =	vor.u32 $0x15, v1;
	_ =	sdelay $0x3  }
0x2e5: {  	[tilespmem:v39+s19+$0x0] =	vst.idx.add.f32.msk $0xffff, v6  }
0x2e6: {  	v41 =	vor.u32 $0x15, v5;
	v6 =	vld.idx.msk [tilespmem:v40+s29+$0x0], $0xffff  }
0x2e7: {  	v42 =	vor.u32 $0x16, v1;
	_ =	sdelay $0x3  }
0x2e8: {  	[tilespmem:v41+s19+$0x0] =	vst.idx.add.f32.msk $0xffff, v6  }
0x2e9: {  	v43 =	vor.u32 $0x16, v5;
	v6 =	vld.idx.msk [tilespmem:v42+s29+$0x0], $0xffff  }
0x2ea: {  	v44 =	vor.u32 $0x17, v1;
	_ =	sdelay $0x3  }
0x2eb: {  	[tilespmem:v43+s19+$0x0] =	vst.idx.add.f32.msk $0xffff, v6  }
0x2ec: {  	v45 =	vor.u32 $0x17, v5;
	v6 =	vld.idx.msk [tilespmem:v44+s29+$0x0], $0xffff  }
0x2ed: {  	v46 =	vor.u32 $0x18, v1;
	_ =	sdelay $0x3  }
0x2ee: {  	[tilespmem:v45+s19+$0x0] =	vst.idx.add.f32.msk $0xffff, v6  }
0x2ef: {  	v47 =	vor.u32 $0x18, v5;
	v6 =	vld.idx.msk [tilespmem:v46+s29+$0x0], $0xffff  }
0x2f0: {  	v48 =	vor.u32 $0x19, v1;
	_ =	sdelay $0x3  }
0x2f1: {  	[tilespmem:v47+s19+$0x0] =	vst.idx.add.f32.msk $0xffff, v6  }
0x2f2: {  	v49 =	vor.u32 $0x19, v5;
	v6 =	vld.idx.msk [tilespmem:v48+s29+$0x0], $0xffff  }
0x2f3: {  	v50 =	vor.u32 $0x1A, v1;
	_ =	sdelay $0x3  }
0x2f4: {  	[tilespmem:v49+s19+$0x0] =	vst.idx.add.f32.msk $0xffff, v6  }
0x2f5: {  	v51 =	vor.u32 $0x1A, v5;
	v6 =	vld.idx.msk [tilespmem:v50+s29+$0x0], $0xffff  }
0x2f6: {  	v52 =	vor.u32 $0x1B, v1;
	_ =	sdelay $0x3  }
0x2f7: {  	[tilespmem:v51+s19+$0x0] =	vst.idx.add.f32.msk $0xffff, v6  }
0x2f8: {  	v53 =	vor.u32 $0x1B, v5;
	v6 =	vld.idx.msk [tilespmem:v52+s29+$0x0], $0xffff  }
0x2f9: {  	v54 =	vor.u32 $0x1C, v1;
	_ =	sdelay $0x3  }
0x2fa: {  	[tilespmem:v53+s19+$0x0] =	vst.idx.add.f32.msk $0xffff, v6  }
0x2fb: {  	v55 =	vor.u32 $0x1C, v5;
	v6 =	vld.idx.msk [tilespmem:v54+s29+$0x0], $0xffff  }
0x2fc: {  	v56 =	vor.u32 $0x1D, v1;
	_ =	sdelay $0x3  }
0x2fd: {  	[tilespmem:v55+s19+$0x0] =	vst.idx.add.f32.msk $0xffff, v6  }
0x2fe: {  	v57 =	vor.u32 $0x1D, v5;
	v6 =	vld.idx.msk [tilespmem:v56+s29+$0x0], $0xffff  }
0x2ff: {  	v58 =	vor.u32 $0x1E, v1;
	_ =	sdelay $0x3  }
0x300: {  	[tilespmem:v57+s19+$0x0] =	vst.idx.add.f32.msk $0xffff, v6  }
0x301: {  	v5 =	vor.u32 $0x1E, v5;
	v6 =	vld.idx.msk [tilespmem:v58+s29+$0x0], $0xffff  }
0x302: {  	v59 =	vor.u32 $0x1F, v1;
	_ =	sdelay $0x3  }
0x303: {  	[tilespmem:v5+s19+$0x0] =	vst.idx.add.f32.msk $0xffff, v6  }
0x304: {  	v4 =	vor.u32 $0x1F, v4;
	v5 =	vld.idx.msk [tilespmem:v59+s29+$0x0], $0xffff;
	_ =	sdelay $0x4  }
0x305: {  	[tilespmem:v4+s19+$0x0] =	vst.idx.add.f32.msk $0xffff, v5  }
0x306: {  	v5 =	vor.u32 $0x200, v1;
	v4 =	vld [tilespmem:s9+$0xFFFFFFD0];
	_ =	sdelay $0x4  }
0x307: {  	v5 =	vld.idx.msk [tilespmem:v5+s29+$0x0], $0xffff;
	v6 =	vand.u32 $0xFFFFFFE0, v4  }
0x308: {  	v60 =	vor.u32 $0x201, v1;
	_ =	sdelay $0x3  }
0x309: {  	[tilespmem:v6+s19+$0x0] =	vst.idx.add.f32.msk $0xffff, v5  }
0x30a: {  	v61 =	vor.u32 $0x1, v6;
	v5 =	vld.idx.msk [tilespmem:v60+s29+$0x0], $0xffff  }
0x30b: {  	v62 =	vor.u32 $0x202, v1;
	_ =	sdelay $0x3  }
0x30c: {  	[tilespmem:v61+s19+$0x0] =	vst.idx.add.f32.msk $0xffff, v5  }
0x30d: {  	v63 =	vor.u32 $0x2, v6;
	v5 =	vld.idx.msk [tilespmem:v62+s29+$0x0], $0xffff  }
0x30e: {  	v12 =	vor.u32 $0x203, v1;
	_ =	sdelay $0x3  }
0x30f: {  	[tilespmem:v63+s19+$0x0] =	vst.idx.add.f32.msk $0xffff, v5  }
0x310: {  	v13 =	vor.u32 $0x3, v6;
	v5 =	vld.idx.msk [tilespmem:v12+s29+$0x0], $0xffff  }
0x311: {  	v14 =	vor.u32 $0x204, v1;
	_ =	sdelay $0x3  }
0x312: {  	[tilespmem:v13+s19+$0x0] =	vst.idx.add.f32.msk $0xffff, v5  }
0x313: {  	v15 =	vor.u32 $0x4, v6;
	v5 =	vld.idx.msk [tilespmem:v14+s29+$0x0], $0xffff  }
0x314: {  	v16 =	vor.u32 $0x205, v1;
	_ =	sdelay $0x3  }
0x315: {  	[tilespmem:v15+s19+$0x0] =	vst.idx.add.f32.msk $0xffff, v5  }
0x316: {  	v17 =	vor.u32 $0x5, v6;
	v5 =	vld.idx.msk [tilespmem:v16+s29+$0x0], $0xffff  }
0x317: {  	v18 =	vor.u32 $0x206, v1;
	_ =	sdelay $0x3  }
0x318: {  	[tilespmem:v17+s19+$0x0] =	vst.idx.add.f32.msk $0xffff, v5  }
0x319: {  	v19 =	vor.u32 $0x6, v6;
	v5 =	vld.idx.msk [tilespmem:v18+s29+$0x0], $0xffff  }
0x31a: {  	v20 =	vor.u32 $0x207, v1;
	_ =	sdelay $0x3  }
0x31b: {  	[tilespmem:v19+s19+$0x0] =	vst.idx.add.f32.msk $0xffff, v5  }
0x31c: {  	v21 =	vor.u32 $0x7, v6;
	v5 =	vld.idx.msk [tilespmem:v20+s29+$0x0], $0xffff  }
0x31d: {  	v22 =	vor.u32 $0x208, v1;
	_ =	sdelay $0x3  }
0x31e: {  	[tilespmem:v21+s19+$0x0] =	vst.idx.add.f32.msk $0xffff, v5  }
0x31f: {  	v23 =	vor.u32 $0x8, v6;
	v5 =	vld.idx.msk [tilespmem:v22+s29+$0x0], $0xffff  }
0x320: {  	v24 =	vor.u32 $0x209, v1;
	_ =	sdelay $0x3  }
0x321: {  	[tilespmem:v23+s19+$0x0] =	vst.idx.add.f32.msk $0xffff, v5  }
0x322: {  	v25 =	vor.u32 $0x9, v6;
	v5 =	vld.idx.msk [tilespmem:v24+s29+$0x0], $0xffff  }
0x323: {  	v26 =	vor.u32 $0x20A, v1;
	_ =	sdelay $0x3  }
0x324: {  	[tilespmem:v25+s19+$0x0] =	vst.idx.add.f32.msk $0xffff, v5  }
0x325: {  	v27 =	vor.u32 $0xA, v6;
	v5 =	vld.idx.msk [tilespmem:v26+s29+$0x0], $0xffff  }
0x326: {  	v28 =	vor.u32 $0x20B, v1;
	_ =	sdelay $0x3  }
0x327: {  	[tilespmem:v27+s19+$0x0] =	vst.idx.add.f32.msk $0xffff, v5  }
0x328: {  	v29 =	vor.u32 $0xB, v6;
	v5 =	vld.idx.msk [tilespmem:v28+s29+$0x0], $0xffff  }
0x329: {  	v30 =	vor.u32 $0x20C, v1;
	_ =	sdelay $0x3  }
0x32a: {  	[tilespmem:v29+s19+$0x0] =	vst.idx.add.f32.msk $0xffff, v5  }
0x32b: {  	v31 =	vor.u32 $0xC, v6;
	v5 =	vld.idx.msk [tilespmem:v30+s29+$0x0], $0xffff  }
0x32c: {  	v32 =	vor.u32 $0x20D, v1;
	_ =	sdelay $0x3  }
0x32d: {  	[tilespmem:v31+s19+$0x0] =	vst.idx.add.f32.msk $0xffff, v5  }
0x32e: {  	v33 =	vor.u32 $0xD, v6;
	v5 =	vld.idx.msk [tilespmem:v32+s29+$0x0], $0xffff  }
0x32f: {  	v34 =	vor.u32 $0x20E, v1;
	_ =	sdelay $0x3  }
0x330: {  	[tilespmem:v33+s19+$0x0] =	vst.idx.add.f32.msk $0xffff, v5  }
0x331: {  	v35 =	vor.u32 $0xE, v6;
	v5 =	vld.idx.msk [tilespmem:v34+s29+$0x0], $0xffff  }
0x332: {  	v36 =	vor.u32 $0x20F, v1;
	_ =	sdelay $0x3  }
0x333: {  	[tilespmem:v35+s19+$0x0] =	vst.idx.add.f32.msk $0xffff, v5  }
0x334: {  	v37 =	vor.u32 $0xF, v6;
	v5 =	vld.idx.msk [tilespmem:v36+s29+$0x0], $0xffff  }
0x335: {  	v38 =	vor.u32 $0x210, v1;
	_ =	sdelay $0x3  }
0x336: {  	[tilespmem:v37+s19+$0x0] =	vst.idx.add.f32.msk $0xffff, v5  }
0x337: {  	v39 =	vor.u32 $0x10, v6;
	v5 =	vld.idx.msk [tilespmem:v38+s29+$0x0], $0xffff  }
0x338: {  	v40 =	vor.u32 $0x211, v1;
	_ =	sdelay $0x3  }
0x339: {  	[tilespmem:v39+s19+$0x0] =	vst.idx.add.f32.msk $0xffff, v5  }
0x33a: {  	v41 =	vor.u32 $0x11, v6;
	v5 =	vld.idx.msk [tilespmem:v40+s29+$0x0], $0xffff  }
0x33b: {  	v42 =	vor.u32 $0x212, v1;
	_ =	sdelay $0x3  }
0x33c: {  	[tilespmem:v41+s19+$0x0] =	vst.idx.add.f32.msk $0xffff, v5  }
0x33d: {  	v43 =	vor.u32 $0x12, v6;
	v5 =	vld.idx.msk [tilespmem:v42+s29+$0x0], $0xffff  }
0x33e: {  	v44 =	vor.u32 $0x213, v1;
	_ =	sdelay $0x3  }
0x33f: {  	[tilespmem:v43+s19+$0x0] =	vst.idx.add.f32.msk $0xffff, v5  }
0x340: {  	v45 =	vor.u32 $0x13, v6;
	v5 =	vld.idx.msk [tilespmem:v44+s29+$0x0], $0xffff  }
0x341: {  	v46 =	vor.u32 $0x214, v1;
	_ =	sdelay $0x3  }
0x342: {  	[tilespmem:v45+s19+$0x0] =	vst.idx.add.f32.msk $0xffff, v5  }
0x343: {  	v47 =	vor.u32 $0x14, v6;
	v5 =	vld.idx.msk [tilespmem:v46+s29+$0x0], $0xffff  }
0x344: {  	v48 =	vor.u32 $0x215, v1;
	_ =	sdelay $0x3  }
0x345: {  	[tilespmem:v47+s19+$0x0] =	vst.idx.add.f32.msk $0xffff, v5  }
0x346: {  	v49 =	vor.u32 $0x15, v6;
	v5 =	vld.idx.msk [tilespmem:v48+s29+$0x0], $0xffff  }
0x347: {  	v50 =	vor.u32 $0x216, v1;
	_ =	sdelay $0x3  }
0x348: {  	[tilespmem:v49+s19+$0x0] =	vst.idx.add.f32.msk $0xffff, v5  }
0x349: {  	v51 =	vor.u32 $0x16, v6;
	v5 =	vld.idx.msk [tilespmem:v50+s29+$0x0], $0xffff  }
0x34a: {  	v52 =	vor.u32 $0x217, v1;
	_ =	sdelay $0x3  }
0x34b: {  	[tilespmem:v51+s19+$0x0] =	vst.idx.add.f32.msk $0xffff, v5  }
0x34c: {  	v53 =	vor.u32 $0x17, v6;
	v5 =	vld.idx.msk [tilespmem:v52+s29+$0x0], $0xffff  }
0x34d: {  	v54 =	vor.u32 $0x218, v1;
	_ =	sdelay $0x3  }
0x34e: {  	[tilespmem:v53+s19+$0x0] =	vst.idx.add.f32.msk $0xffff, v5  }
0x34f: {  	v55 =	vor.u32 $0x18, v6;
	v5 =	vld.idx.msk [tilespmem:v54+s29+$0x0], $0xffff  }
0x350: {  	v56 =	vor.u32 $0x219, v1;
	_ =	sdelay $0x3  }
0x351: {  	[tilespmem:v55+s19+$0x0] =	vst.idx.add.f32.msk $0xffff, v5  }
0x352: {  	v57 =	vor.u32 $0x19, v6;
	v5 =	vld.idx.msk [tilespmem:v56+s29+$0x0], $0xffff  }
0x353: {  	v58 =	vor.u32 $0x21A, v1;
	_ =	sdelay $0x3  }
0x354: {  	[tilespmem:v57+s19+$0x0] =	vst.idx.add.f32.msk $0xffff, v5  }
0x355: {  	v59 =	vor.u32 $0x1A, v6;
	v5 =	vld.idx.msk [tilespmem:v58+s29+$0x0], $0xffff  }
0x356: {  	v60 =	vor.u32 $0x21B, v1;
	_ =	sdelay $0x3  }
0x357: {  	[tilespmem:v59+s19+$0x0] =	vst.idx.add.f32.msk $0xffff, v5  }
0x358: {  	v61 =	vor.u32 $0x1B, v6;
	v5 =	vld.idx.msk [tilespmem:v60+s29+$0x0], $0xffff  }
0x359: {  	v62 =	vor.u32 $0x21C, v1;
	_ =	sdelay $0x3  }
0x35a: {  	[tilespmem:v61+s19+$0x0] =	vst.idx.add.f32.msk $0xffff, v5  }
0x35b: {  	v63 =	vor.u32 $0x1C, v6;
	v5 =	vld.idx.msk [tilespmem:v62+s29+$0x0], $0xffff  }
0x35c: {  	v12 =	vor.u32 $0x21D, v1;
	_ =	sdelay $0x3  }
0x35d: {  	[tilespmem:v63+s19+$0x0] =	vst.idx.add.f32.msk $0xffff, v5  }
0x35e: {  	v13 =	vor.u32 $0x1D, v6;
	v5 =	vld.idx.msk [tilespmem:v12+s29+$0x0], $0xffff  }
0x35f: {  	v14 =	vor.u32 $0x21E, v1;
	_ =	sdelay $0x3  }
0x360: {  	[tilespmem:v13+s19+$0x0] =	vst.idx.add.f32.msk $0xffff, v5  }
0x361: {  	v6 =	vor.u32 $0x1E, v6;
	v5 =	vld.idx.msk [tilespmem:v14+s29+$0x0], $0xffff  }
0x362: {  	v15 =	vor.u32 $0x21F, v1;
	_ =	sdelay $0x3  }
0x363: {  	[tilespmem:v6+s19+$0x0] =	vst.idx.add.f32.msk $0xffff, v5  }
0x364: {  	v4 =	vor.u32 $0x1F, v4;
	v5 =	vld.idx.msk [tilespmem:v15+s29+$0x0], $0xffff;
	_ =	sdelay $0x4  }
0x365: {  	[tilespmem:v4+s19+$0x0] =	vst.idx.add.f32.msk $0xffff, v5  }
0x366: {  	v5 =	vor.u32 $0x400, v1;
	v4 =	vld [tilespmem:s9+$0xFFFFFFE0];
	_ =	sdelay $0x4  }
0x367: {  	v5 =	vld.idx.msk [tilespmem:v5+s29+$0x0], $0xffff;
	v6 =	vand.u32 $0xFFFFFFE0, v4  }
0x368: {  	v16 =	vor.u32 $0x401, v1;
	_ =	sdelay $0x3  }
0x369: {  	[tilespmem:v6+s19+$0x0] =	vst.idx.add.f32.msk $0xffff, v5  }
0x36a: {  	v17 =	vor.u32 $0x1, v6;
	v5 =	vld.idx.msk [tilespmem:v16+s29+$0x0], $0xffff  }
0x36b: {  	v18 =	vor.u32 $0x402, v1;
	_ =	sdelay $0x3  }
0x36c: {  	[tilespmem:v17+s19+$0x0] =	vst.idx.add.f32.msk $0xffff, v5  }
0x36d: {  	v19 =	vor.u32 $0x2, v6;
	v5 =	vld.idx.msk [tilespmem:v18+s29+$0x0], $0xffff  }
0x36e: {  	v20 =	vor.u32 $0x403, v1;
	_ =	sdelay $0x3  }
0x36f: {  	[tilespmem:v19+s19+$0x0] =	vst.idx.add.f32.msk $0xffff, v5  }
0x370: {  	v21 =	vor.u32 $0x3, v6;
	v5 =	vld.idx.msk [tilespmem:v20+s29+$0x0], $0xffff  }
0x371: {  	v22 =	vor.u32 $0x404, v1;
	_ =	sdelay $0x3  }
0x372: {  	[tilespmem:v21+s19+$0x0] =	vst.idx.add.f32.msk $0xffff, v5  }
0x373: {  	v23 =	vor.u32 $0x4, v6;
	v5 =	vld.idx.msk [tilespmem:v22+s29+$0x0], $0xffff  }
0x374: {  	v24 =	vor.u32 $0x405, v1;
	_ =	sdelay $0x3  }
0x375: {  	[tilespmem:v23+s19+$0x0] =	vst.idx.add.f32.msk $0xffff, v5  }
0x376: {  	v25 =	vor.u32 $0x5, v6;
	v5 =	vld.idx.msk [tilespmem:v24+s29+$0x0], $0xffff  }
0x377: {  	v26 =	vor.u32 $0x406, v1;
	_ =	sdelay $0x3  }
0x378: {  	[tilespmem:v25+s19+$0x0] =	vst.idx.add.f32.msk $0xffff, v5  }
0x379: {  	v27 =	vor.u32 $0x6, v6;
	v5 =	vld.idx.msk [tilespmem:v26+s29+$0x0], $0xffff  }
0x37a: {  	v28 =	vor.u32 $0x407, v1;
	_ =	sdelay $0x3  }
0x37b: {  	[tilespmem:v27+s19+$0x0] =	vst.idx.add.f32.msk $0xffff, v5  }
0x37c: {  	v29 =	vor.u32 $0x7, v6;
	v5 =	vld.idx.msk [tilespmem:v28+s29+$0x0], $0xffff  }
0x37d: {  	v30 =	vor.u32 $0x408, v1;
	_ =	sdelay $0x3  }
0x37e: {  	[tilespmem:v29+s19+$0x0] =	vst.idx.add.f32.msk $0xffff, v5  }
0x37f: {  	v31 =	vor.u32 $0x8, v6;
	v5 =	vld.idx.msk [tilespmem:v30+s29+$0x0], $0xffff  }
0x380: {  	v32 =	vor.u32 $0x409, v1;
	_ =	sdelay $0x3  }
0x381: {  	[tilespmem:v31+s19+$0x0] =	vst.idx.add.f32.msk $0xffff, v5  }
0x382: {  	v33 =	vor.u32 $0x9, v6;
	v5 =	vld.idx.msk [tilespmem:v32+s29+$0x0], $0xffff  }
0x383: {  	v34 =	vor.u32 $0x40A, v1;
	_ =	sdelay $0x3  }
0x384: {  	[tilespmem:v33+s19+$0x0] =	vst.idx.add.f32.msk $0xffff, v5  }
0x385: {  	v35 =	vor.u32 $0xA, v6;
	v5 =	vld.idx.msk [tilespmem:v34+s29+$0x0], $0xffff  }
0x386: {  	v36 =	vor.u32 $0x40B, v1;
	_ =	sdelay $0x3  }
0x387: {  	[tilespmem:v35+s19+$0x0] =	vst.idx.add.f32.msk $0xffff, v5  }
0x388: {  	v37 =	vor.u32 $0xB, v6;
	v5 =	vld.idx.msk [tilespmem:v36+s29+$0x0], $0xffff  }
0x389: {  	v38 =	vor.u32 $0x40C, v1;
	_ =	sdelay $0x3  }
0x38a: {  	[tilespmem:v37+s19+$0x0] =	vst.idx.add.f32.msk $0xffff, v5  }
0x38b: {  	v39 =	vor.u32 $0xC, v6;
	v5 =	vld.idx.msk [tilespmem:v38+s29+$0x0], $0xffff  }
0x38c: {  	v40 =	vor.u32 $0x40D, v1;
	_ =	sdelay $0x3  }
0x38d: {  	[tilespmem:v39+s19+$0x0] =	vst.idx.add.f32.msk $0xffff, v5  }
0x38e: {  	v41 =	vor.u32 $0xD, v6;
	v5 =	vld.idx.msk [tilespmem:v40+s29+$0x0], $0xffff  }
0x38f: {  	v42 =	vor.u32 $0x40E, v1;
	_ =	sdelay $0x3  }
0x390: {  	[tilespmem:v41+s19+$0x0] =	vst.idx.add.f32.msk $0xffff, v5  }
0x391: {  	v43 =	vor.u32 $0xE, v6;
	v5 =	vld.idx.msk [tilespmem:v42+s29+$0x0], $0xffff  }
0x392: {  	v44 =	vor.u32 $0x40F, v1;
	_ =	sdelay $0x3  }
0x393: {  	[tilespmem:v43+s19+$0x0] =	vst.idx.add.f32.msk $0xffff, v5  }
0x394: {  	v45 =	vor.u32 $0xF, v6;
	v5 =	vld.idx.msk [tilespmem:v44+s29+$0x0], $0xffff  }
0x395: {  	v46 =	vor.u32 $0x410, v1;
	_ =	sdelay $0x3  }
0x396: {  	[tilespmem:v45+s19+$0x0] =	vst.idx.add.f32.msk $0xffff, v5  }
0x397: {  	v47 =	vor.u32 $0x10, v6;
	v5 =	vld.idx.msk [tilespmem:v46+s29+$0x0], $0xffff  }
0x398: {  	v48 =	vor.u32 $0x411, v1;
	_ =	sdelay $0x3  }
0x399: {  	[tilespmem:v47+s19+$0x0] =	vst.idx.add.f32.msk $0xffff, v5  }
0x39a: {  	v49 =	vor.u32 $0x11, v6;
	v5 =	vld.idx.msk [tilespmem:v48+s29+$0x0], $0xffff  }
0x39b: {  	v50 =	vor.u32 $0x412, v1;
	_ =	sdelay $0x3  }
0x39c: {  	[tilespmem:v49+s19+$0x0] =	vst.idx.add.f32.msk $0xffff, v5  }
0x39d: {  	v51 =	vor.u32 $0x12, v6;
	v5 =	vld.idx.msk [tilespmem:v50+s29+$0x0], $0xffff  }
0x39e: {  	v52 =	vor.u32 $0x413, v1;
	_ =	sdelay $0x3  }
0x39f: {  	[tilespmem:v51+s19+$0x0] =	vst.idx.add.f32.msk $0xffff, v5  }
0x3a0: {  	v53 =	vor.u32 $0x13, v6;
	v5 =	vld.idx.msk [tilespmem:v52+s29+$0x0], $0xffff  }
0x3a1: {  	v54 =	vor.u32 $0x414, v1;
	_ =	sdelay $0x3  }
0x3a2: {  	[tilespmem:v53+s19+$0x0] =	vst.idx.add.f32.msk $0xffff, v5  }
0x3a3: {  	v55 =	vor.u32 $0x14, v6;
	v5 =	vld.idx.msk [tilespmem:v54+s29+$0x0], $0xffff  }
0x3a4: {  	v56 =	vor.u32 $0x415, v1;
	_ =	sdelay $0x3  }
0x3a5: {  	[tilespmem:v55+s19+$0x0] =	vst.idx.add.f32.msk $0xffff, v5  }
0x3a6: {  	v57 =	vor.u32 $0x15, v6;
	v5 =	vld.idx.msk [tilespmem:v56+s29+$0x0], $0xffff  }
0x3a7: {  	v58 =	vor.u32 $0x416, v1;
	_ =	sdelay $0x3  }
0x3a8: {  	[tilespmem:v57+s19+$0x0] =	vst.idx.add.f32.msk $0xffff, v5  }
0x3a9: {  	v59 =	vor.u32 $0x16, v6;
	v5 =	vld.idx.msk [tilespmem:v58+s29+$0x0], $0xffff  }
0x3aa: {  	v60 =	vor.u32 $0x417, v1;
	_ =	sdelay $0x3  }
0x3ab: {  	[tilespmem:v59+s19+$0x0] =	vst.idx.add.f32.msk $0xffff, v5  }
0x3ac: {  	v61 =	vor.u32 $0x17, v6;
	v5 =	vld.idx.msk [tilespmem:v60+s29+$0x0], $0xffff  }
0x3ad: {  	v62 =	vor.u32 $0x418, v1;
	_ =	sdelay $0x3  }
0x3ae: {  	[tilespmem:v61+s19+$0x0] =	vst.idx.add.f32.msk $0xffff, v5  }
0x3af: {  	v63 =	vor.u32 $0x18, v6;
	v5 =	vld.idx.msk [tilespmem:v62+s29+$0x0], $0xffff  }
0x3b0: {  	v12 =	vor.u32 $0x419, v1;
	_ =	sdelay $0x3  }
0x3b1: {  	[tilespmem:v63+s19+$0x0] =	vst.idx.add.f32.msk $0xffff, v5  }
0x3b2: {  	v13 =	vor.u32 $0x19, v6;
	v5 =	vld.idx.msk [tilespmem:v12+s29+$0x0], $0xffff  }
0x3b3: {  	v14 =	vor.u32 $0x41A, v1;
	_ =	sdelay $0x3  }
0x3b4: {  	[tilespmem:v13+s19+$0x0] =	vst.idx.add.f32.msk $0xffff, v5  }
0x3b5: {  	v15 =	vor.u32 $0x1A, v6;
	v5 =	vld.idx.msk [tilespmem:v14+s29+$0x0], $0xffff  }
0x3b6: {  	v16 =	vor.u32 $0x41B, v1;
	_ =	sdelay $0x3  }
0x3b7: {  	[tilespmem:v15+s19+$0x0] =	vst.idx.add.f32.msk $0xffff, v5  }
0x3b8: {  	v17 =	vor.u32 $0x1B, v6;
	v5 =	vld.idx.msk [tilespmem:v16+s29+$0x0], $0xffff  }
0x3b9: {  	v18 =	vor.u32 $0x41C, v1;
	_ =	sdelay $0x3  }
0x3ba: {  	[tilespmem:v17+s19+$0x0] =	vst.idx.add.f32.msk $0xffff, v5  }
0x3bb: {  	v19 =	vor.u32 $0x1C, v6;
	v5 =	vld.idx.msk [tilespmem:v18+s29+$0x0], $0xffff  }
0x3bc: {  	v20 =	vor.u32 $0x41D, v1;
	_ =	sdelay $0x3  }
0x3bd: {  	[tilespmem:v19+s19+$0x0] =	vst.idx.add.f32.msk $0xffff, v5  }
0x3be: {  	v21 =	vor.u32 $0x1D, v6;
	v5 =	vld.idx.msk [tilespmem:v20+s29+$0x0], $0xffff  }
0x3bf: {  	v22 =	vor.u32 $0x41E, v1;
	_ =	sdelay $0x3  }
0x3c0: {  	[tilespmem:v21+s19+$0x0] =	vst.idx.add.f32.msk $0xffff, v5  }
0x3c1: {  	v6 =	vor.u32 $0x1E, v6;
	v5 =	vld.idx.msk [tilespmem:v22+s29+$0x0], $0xffff  }
0x3c2: {  	v23 =	vor.u32 $0x41F, v1;
	_ =	sdelay $0x3  }
0x3c3: {  	[tilespmem:v6+s19+$0x0] =	vst.idx.add.f32.msk $0xffff, v5  }
0x3c4: {  	v4 =	vor.u32 $0x1F, v4;
	v5 =	vld.idx.msk [tilespmem:v23+s29+$0x0], $0xffff;
	_ =	sdelay $0x4  }
0x3c5: {  	[tilespmem:v4+s19+$0x0] =	vst.idx.add.f32.msk $0xffff, v5  }
0x3c6: {  	v5 =	vor.u32 $0x600, v1;
	v4 =	vld [tilespmem:s9+$0xFFFFFFF0];
	_ =	sdelay $0x4  }
0x3c7: {  	v5 =	vld.idx.msk [tilespmem:v5+s29+$0x0], $0xffff;
	v6 =	vand.u32 $0xFFFFFFE0, v4  }
0x3c8: {  	v24 =	vor.u32 $0x601, v1;
	_ =	sdelay $0x3  }
0x3c9: {  	[tilespmem:v6+s19+$0x0] =	vst.idx.add.f32.msk $0xffff, v5  }
0x3ca: {  	v25 =	vor.u32 $0x1, v6;
	v5 =	vld.idx.msk [tilespmem:v24+s29+$0x0], $0xffff  }
0x3cb: {  	v26 =	vor.u32 $0x602, v1;
	_ =	sdelay $0x3  }
0x3cc: {  	[tilespmem:v25+s19+$0x0] =	vst.idx.add.f32.msk $0xffff, v5  }
0x3cd: {  	v27 =	vor.u32 $0x2, v6;
	v5 =	vld.idx.msk [tilespmem:v26+s29+$0x0], $0xffff  }
0x3ce: {  	v28 =	vor.u32 $0x603, v1;
	_ =	sdelay $0x3  }
0x3cf: {  	[tilespmem:v27+s19+$0x0] =	vst.idx.add.f32.msk $0xffff, v5  }
0x3d0: {  	v29 =	vor.u32 $0x3, v6;
	v5 =	vld.idx.msk [tilespmem:v28+s29+$0x0], $0xffff  }
0x3d1: {  	v30 =	vor.u32 $0x604, v1;
	_ =	sdelay $0x3  }
0x3d2: {  	[tilespmem:v29+s19+$0x0] =	vst.idx.add.f32.msk $0xffff, v5  }
0x3d3: {  	v31 =	vor.u32 $0x4, v6;
	v5 =	vld.idx.msk [tilespmem:v30+s29+$0x0], $0xffff  }
0x3d4: {  	v32 =	vor.u32 $0x605, v1;
	_ =	sdelay $0x3  }
0x3d5: {  	[tilespmem:v31+s19+$0x0] =	vst.idx.add.f32.msk $0xffff, v5  }
0x3d6: {  	v33 =	vor.u32 $0x5, v6;
	v5 =	vld.idx.msk [tilespmem:v32+s29+$0x0], $0xffff  }
0x3d7: {  	v34 =	vor.u32 $0x606, v1;
	_ =	sdelay $0x3  }
0x3d8: {  	[tilespmem:v33+s19+$0x0] =	vst.idx.add.f32.msk $0xffff, v5  }
0x3d9: {  	v35 =	vor.u32 $0x6, v6;
	v5 =	vld.idx.msk [tilespmem:v34+s29+$0x0], $0xffff  }
0x3da: {  	v36 =	vor.u32 $0x607, v1;
	_ =	sdelay $0x3  }
0x3db: {  	[tilespmem:v35+s19+$0x0] =	vst.idx.add.f32.msk $0xffff, v5  }
0x3dc: {  	v37 =	vor.u32 $0x7, v6;
	v5 =	vld.idx.msk [tilespmem:v36+s29+$0x0], $0xffff  }
0x3dd: {  	v38 =	vor.u32 $0x608, v1;
	_ =	sdelay $0x3  }
0x3de: {  	[tilespmem:v37+s19+$0x0] =	vst.idx.add.f32.msk $0xffff, v5  }
0x3df: {  	v39 =	vor.u32 $0x8, v6;
	v5 =	vld.idx.msk [tilespmem:v38+s29+$0x0], $0xffff  }
0x3e0: {  	v40 =	vor.u32 $0x609, v1;
	_ =	sdelay $0x3  }
0x3e1: {  	[tilespmem:v39+s19+$0x0] =	vst.idx.add.f32.msk $0xffff, v5  }
0x3e2: {  	v41 =	vor.u32 $0x9, v6;
	v5 =	vld.idx.msk [tilespmem:v40+s29+$0x0], $0xffff  }
0x3e3: {  	v42 =	vor.u32 $0x60A, v1;
	_ =	sdelay $0x3  }
0x3e4: {  	[tilespmem:v41+s19+$0x0] =	vst.idx.add.f32.msk $0xffff, v5  }
0x3e5: {  	v43 =	vor.u32 $0xA, v6;
	v5 =	vld.idx.msk [tilespmem:v42+s29+$0x0], $0xffff  }
0x3e6: {  	v44 =	vor.u32 $0x60B, v1;
	_ =	sdelay $0x3  }
0x3e7: {  	[tilespmem:v43+s19+$0x0] =	vst.idx.add.f32.msk $0xffff, v5  }
0x3e8: {  	v45 =	vor.u32 $0xB, v6;
	v5 =	vld.idx.msk [tilespmem:v44+s29+$0x0], $0xffff  }
0x3e9: {  	v46 =	vor.u32 $0x60C, v1;
	_ =	sdelay $0x3  }
0x3ea: {  	[tilespmem:v45+s19+$0x0] =	vst.idx.add.f32.msk $0xffff, v5  }
0x3eb: {  	v47 =	vor.u32 $0xC, v6;
	v5 =	vld.idx.msk [tilespmem:v46+s29+$0x0], $0xffff  }
0x3ec: {  	v48 =	vor.u32 $0x60D, v1;
	_ =	sdelay $0x3  }
0x3ed: {  	[tilespmem:v47+s19+$0x0] =	vst.idx.add.f32.msk $0xffff, v5  }
0x3ee: {  	v49 =	vor.u32 $0xD, v6;
	v5 =	vld.idx.msk [tilespmem:v48+s29+$0x0], $0xffff  }
0x3ef: {  	v50 =	vor.u32 $0x60E, v1;
	_ =	sdelay $0x3  }
0x3f0: {  	[tilespmem:v49+s19+$0x0] =	vst.idx.add.f32.msk $0xffff, v5  }
0x3f1: {  	v51 =	vor.u32 $0xE, v6;
	v5 =	vld.idx.msk [tilespmem:v50+s29+$0x0], $0xffff  }
0x3f2: {  	v52 =	vor.u32 $0x60F, v1;
	_ =	sdelay $0x3  }
0x3f3: {  	[tilespmem:v51+s19+$0x0] =	vst.idx.add.f32.msk $0xffff, v5  }
0x3f4: {  	v53 =	vor.u32 $0xF, v6;
	v5 =	vld.idx.msk [tilespmem:v52+s29+$0x0], $0xffff  }
0x3f5: {  	v54 =	vor.u32 $0x610, v1;
	_ =	sdelay $0x3  }
0x3f6: {  	[tilespmem:v53+s19+$0x0] =	vst.idx.add.f32.msk $0xffff, v5  }
0x3f7: {  	v55 =	vor.u32 $0x10, v6;
	v5 =	vld.idx.msk [tilespmem:v54+s29+$0x0], $0xffff  }
0x3f8: {  	v56 =	vor.u32 $0x611, v1;
	_ =	sdelay $0x3  }
0x3f9: {  	[tilespmem:v55+s19+$0x0] =	vst.idx.add.f32.msk $0xffff, v5  }
0x3fa: {  	v57 =	vor.u32 $0x11, v6;
	v5 =	vld.idx.msk [tilespmem:v56+s29+$0x0], $0xffff  }
0x3fb: {  	v58 =	vor.u32 $0x612, v1;
	_ =	sdelay $0x3  }
0x3fc: {  	[tilespmem:v57+s19+$0x0] =	vst.idx.add.f32.msk $0xffff, v5  }
0x3fd: {  	v59 =	vor.u32 $0x12, v6;
	v5 =	vld.idx.msk [tilespmem:v58+s29+$0x0], $0xffff  }
0x3fe: {  	v60 =	vor.u32 $0x613, v1;
	_ =	sdelay $0x3  }
0x3ff: {  	[tilespmem:v59+s19+$0x0] =	vst.idx.add.f32.msk $0xffff, v5  }
0x400: {  	v61 =	vor.u32 $0x13, v6;
	v5 =	vld.idx.msk [tilespmem:v60+s29+$0x0], $0xffff  }
0x401: {  	v62 =	vor.u32 $0x614, v1;
	_ =	sdelay $0x3  }
0x402: {  	[tilespmem:v61+s19+$0x0] =	vst.idx.add.f32.msk $0xffff, v5  }
0x403: {  	v63 =	vor.u32 $0x14, v6;
	v5 =	vld.idx.msk [tilespmem:v62+s29+$0x0], $0xffff  }
0x404: {  	v12 =	vor.u32 $0x615, v1;
	_ =	sdelay $0x3  }
0x405: {  	[tilespmem:v63+s19+$0x0] =	vst.idx.add.f32.msk $0xffff, v5  }
0x406: {  	v13 =	vor.u32 $0x15, v6;
	v5 =	vld.idx.msk [tilespmem:v12+s29+$0x0], $0xffff  }
0x407: {  	v14 =	vor.u32 $0x616, v1;
	_ =	sdelay $0x3  }
0x408: {  	[tilespmem:v13+s19+$0x0] =	vst.idx.add.f32.msk $0xffff, v5  }
0x409: {  	v15 =	vor.u32 $0x16, v6;
	v5 =	vld.idx.msk [tilespmem:v14+s29+$0x0], $0xffff  }
0x40a: {  	v16 =	vor.u32 $0x617, v1;
	_ =	sdelay $0x3  }
0x40b: {  	[tilespmem:v15+s19+$0x0] =	vst.idx.add.f32.msk $0xffff, v5  }
0x40c: {  	v17 =	vor.u32 $0x17, v6;
	v5 =	vld.idx.msk [tilespmem:v16+s29+$0x0], $0xffff  }
0x40d: {  	v18 =	vor.u32 $0x618, v1;
	_ =	sdelay $0x3  }
0x40e: {  	[tilespmem:v17+s19+$0x0] =	vst.idx.add.f32.msk $0xffff, v5  }
0x40f: {  	v19 =	vor.u32 $0x18, v6;
	v5 =	vld.idx.msk [tilespmem:v18+s29+$0x0], $0xffff  }
0x410: {  	v20 =	vor.u32 $0x619, v1;
	_ =	sdelay $0x3  }
0x411: {  	[tilespmem:v19+s19+$0x0] =	vst.idx.add.f32.msk $0xffff, v5  }
0x412: {  	v21 =	vor.u32 $0x19, v6;
	v5 =	vld.idx.msk [tilespmem:v20+s29+$0x0], $0xffff  }
0x413: {  	v22 =	vor.u32 $0x61A, v1;
	_ =	sdelay $0x3  }
0x414: {  	[tilespmem:v21+s19+$0x0] =	vst.idx.add.f32.msk $0xffff, v5  }
0x415: {  	v23 =	vor.u32 $0x1A, v6;
	v5 =	vld.idx.msk [tilespmem:v22+s29+$0x0], $0xffff  }
0x416: {  	v24 =	vor.u32 $0x61B, v1;
	_ =	sdelay $0x3  }
0x417: {  	[tilespmem:v23+s19+$0x0] =	vst.idx.add.f32.msk $0xffff, v5  }
0x418: {  	v25 =	vor.u32 $0x1B, v6;
	v5 =	vld.idx.msk [tilespmem:v24+s29+$0x0], $0xffff  }
0x419: {  	v26 =	vor.u32 $0x61C, v1;
	_ =	sdelay $0x3  }
0x41a: {  	[tilespmem:v25+s19+$0x0] =	vst.idx.add.f32.msk $0xffff, v5  }
0x41b: {  	v27 =	vor.u32 $0x1C, v6;
	v5 =	vld.idx.msk [tilespmem:v26+s29+$0x0], $0xffff  }
0x41c: {  	v28 =	vor.u32 $0x61D, v1;
	_ =	sdelay $0x3  }
0x41d: {  	[tilespmem:v27+s19+$0x0] =	vst.idx.add.f32.msk $0xffff, v5  }
0x41e: {  	v29 =	vor.u32 $0x1D, v6;
	v5 =	vld.idx.msk [tilespmem:v28+s29+$0x0], $0xffff  }
0x41f: {  	v30 =	vor.u32 $0x61E, v1;
	_ =	sdelay $0x3  }
0x420: {  	[tilespmem:v29+s19+$0x0] =	vst.idx.add.f32.msk $0xffff, v5  }
0x421: {  	v6 =	vor.u32 $0x1E, v6;
	v5 =	vld.idx.msk [tilespmem:v30+s29+$0x0], $0xffff  }
0x422: {  	v31 =	vor.u32 $0x61F, v1;
	_ =	sdelay $0x3  }
0x423: {  	[tilespmem:v6+s19+$0x0] =	vst.idx.add.f32.msk $0xffff, v5  }
0x424: {  	v4 =	vor.u32 $0x1F, v4;
	v5 =	vld.idx.msk [tilespmem:v31+s29+$0x0], $0xffff;
	_ =	sdelay $0x4  }
0x425: {  	[tilespmem:v4+s19+$0x0] =	vst.idx.add.f32.msk $0xffff, v5  }
0x426: {  	v5 =	vor.u32 $0x800, v1;
	v4 =	vld [tilespmem:s9+$0x0];
	_ =	sdelay $0x4  }
0x427: {  	v5 =	vld.idx.msk [tilespmem:v5+s29+$0x0], $0xffff;
	v6 =	vand.u32 $0xFFFFFFE0, v4  }
0x428: {  	v32 =	vor.u32 $0x801, v1;
	_ =	sdelay $0x3  }
0x429: {  	[tilespmem:v6+s19+$0x0] =	vst.idx.add.f32.msk $0xffff, v5  }
0x42a: {  	v33 =	vor.u32 $0x1, v6;
	v5 =	vld.idx.msk [tilespmem:v32+s29+$0x0], $0xffff  }
0x42b: {  	v34 =	vor.u32 $0x802, v1;
	_ =	sdelay $0x3  }
0x42c: {  	[tilespmem:v33+s19+$0x0] =	vst.idx.add.f32.msk $0xffff, v5  }
0x42d: {  	v35 =	vor.u32 $0x2, v6;
	v5 =	vld.idx.msk [tilespmem:v34+s29+$0x0], $0xffff  }
0x42e: {  	v36 =	vor.u32 $0x803, v1;
	_ =	sdelay $0x3  }
0x42f: {  	[tilespmem:v35+s19+$0x0] =	vst.idx.add.f32.msk $0xffff, v5  }
0x430: {  	v37 =	vor.u32 $0x3, v6;
	v5 =	vld.idx.msk [tilespmem:v36+s29+$0x0], $0xffff  }
0x431: {  	v38 =	vor.u32 $0x804, v1;
	_ =	sdelay $0x3  }
0x432: {  	[tilespmem:v37+s19+$0x0] =	vst.idx.add.f32.msk $0xffff, v5  }
0x433: {  	v39 =	vor.u32 $0x4, v6;
	v5 =	vld.idx.msk [tilespmem:v38+s29+$0x0], $0xffff  }
0x434: {  	v40 =	vor.u32 $0x805, v1;
	_ =	sdelay $0x3  }
0x435: {  	[tilespmem:v39+s19+$0x0] =	vst.idx.add.f32.msk $0xffff, v5  }
0x436: {  	v41 =	vor.u32 $0x5, v6;
	v5 =	vld.idx.msk [tilespmem:v40+s29+$0x0], $0xffff  }
0x437: {  	v42 =	vor.u32 $0x806, v1;
	_ =	sdelay $0x3  }
0x438: {  	[tilespmem:v41+s19+$0x0] =	vst.idx.add.f32.msk $0xffff, v5  }
0x439: {  	v43 =	vor.u32 $0x6, v6;
	v5 =	vld.idx.msk [tilespmem:v42+s29+$0x0], $0xffff  }
0x43a: {  	v44 =	vor.u32 $0x807, v1;
	_ =	sdelay $0x3  }
0x43b: {  	[tilespmem:v43+s19+$0x0] =	vst.idx.add.f32.msk $0xffff, v5  }
0x43c: {  	v45 =	vor.u32 $0x7, v6;
	v5 =	vld.idx.msk [tilespmem:v44+s29+$0x0], $0xffff  }
0x43d: {  	v46 =	vor.u32 $0x808, v1;
	_ =	sdelay $0x3  }
0x43e: {  	[tilespmem:v45+s19+$0x0] =	vst.idx.add.f32.msk $0xffff, v5  }
0x43f: {  	v47 =	vor.u32 $0x8, v6;
	v5 =	vld.idx.msk [tilespmem:v46+s29+$0x0], $0xffff  }
0x440: {  	v48 =	vor.u32 $0x809, v1;
	_ =	sdelay $0x3  }
0x441: {  	[tilespmem:v47+s19+$0x0] =	vst.idx.add.f32.msk $0xffff, v5  }
0x442: {  	v49 =	vor.u32 $0x9, v6;
	v5 =	vld.idx.msk [tilespmem:v48+s29+$0x0], $0xffff  }
0x443: {  	v50 =	vor.u32 $0x80A, v1;
	_ =	sdelay $0x3  }
0x444: {  	[tilespmem:v49+s19+$0x0] =	vst.idx.add.f32.msk $0xffff, v5  }
0x445: {  	v51 =	vor.u32 $0xA, v6;
	v5 =	vld.idx.msk [tilespmem:v50+s29+$0x0], $0xffff  }
0x446: {  	v52 =	vor.u32 $0x80B, v1;
	_ =	sdelay $0x3  }
0x447: {  	[tilespmem:v51+s19+$0x0] =	vst.idx.add.f32.msk $0xffff, v5  }
0x448: {  	v53 =	vor.u32 $0xB, v6;
	v5 =	vld.idx.msk [tilespmem:v52+s29+$0x0], $0xffff  }
0x449: {  	v54 =	vor.u32 $0x80C, v1;
	_ =	sdelay $0x3  }
0x44a: {  	[tilespmem:v53+s19+$0x0] =	vst.idx.add.f32.msk $0xffff, v5  }
0x44b: {  	v55 =	vor.u32 $0xC, v6;
	v5 =	vld.idx.msk [tilespmem:v54+s29+$0x0], $0xffff  }
0x44c: {  	v56 =	vor.u32 $0x80D, v1;
	_ =	sdelay $0x3  }
0x44d: {  	[tilespmem:v55+s19+$0x0] =	vst.idx.add.f32.msk $0xffff, v5  }
0x44e: {  	v57 =	vor.u32 $0xD, v6;
	v5 =	vld.idx.msk [tilespmem:v56+s29+$0x0], $0xffff  }
0x44f: {  	v58 =	vor.u32 $0x80E, v1;
	_ =	sdelay $0x3  }
0x450: {  	[tilespmem:v57+s19+$0x0] =	vst.idx.add.f32.msk $0xffff, v5  }
0x451: {  	v59 =	vor.u32 $0xE, v6;
	v5 =	vld.idx.msk [tilespmem:v58+s29+$0x0], $0xffff  }
0x452: {  	v60 =	vor.u32 $0x80F, v1;
	_ =	sdelay $0x3  }
0x453: {  	[tilespmem:v59+s19+$0x0] =	vst.idx.add.f32.msk $0xffff, v5  }
0x454: {  	v61 =	vor.u32 $0xF, v6;
	v5 =	vld.idx.msk [tilespmem:v60+s29+$0x0], $0xffff  }
0x455: {  	v62 =	vor.u32 $0x810, v1;
	_ =	sdelay $0x3  }
0x456: {  	[tilespmem:v61+s19+$0x0] =	vst.idx.add.f32.msk $0xffff, v5  }
0x457: {  	v63 =	vor.u32 $0x10, v6;
	v5 =	vld.idx.msk [tilespmem:v62+s29+$0x0], $0xffff  }
0x458: {  	v12 =	vor.u32 $0x811, v1;
	_ =	sdelay $0x3  }
0x459: {  	[tilespmem:v63+s19+$0x0] =	vst.idx.add.f32.msk $0xffff, v5  }
0x45a: {  	v13 =	vor.u32 $0x11, v6;
	v5 =	vld.idx.msk [tilespmem:v12+s29+$0x0], $0xffff  }
0x45b: {  	v14 =	vor.u32 $0x812, v1;
	_ =	sdelay $0x3  }
0x45c: {  	[tilespmem:v13+s19+$0x0] =	vst.idx.add.f32.msk $0xffff, v5  }
0x45d: {  	v15 =	vor.u32 $0x12, v6;
	v5 =	vld.idx.msk [tilespmem:v14+s29+$0x0], $0xffff  }
0x45e: {  	v16 =	vor.u32 $0x813, v1;
	_ =	sdelay $0x3  }
0x45f: {  	[tilespmem:v15+s19+$0x0] =	vst.idx.add.f32.msk $0xffff, v5  }
0x460: {  	v17 =	vor.u32 $0x13, v6;
	v5 =	vld.idx.msk [tilespmem:v16+s29+$0x0], $0xffff  }
0x461: {  	v18 =	vor.u32 $0x814, v1;
	_ =	sdelay $0x3  }
0x462: {  	[tilespmem:v17+s19+$0x0] =	vst.idx.add.f32.msk $0xffff, v5  }
0x463: {  	v19 =	vor.u32 $0x14, v6;
	v5 =	vld.idx.msk [tilespmem:v18+s29+$0x0], $0xffff  }
0x464: {  	v20 =	vor.u32 $0x815, v1;
	_ =	sdelay $0x3  }
0x465: {  	[tilespmem:v19+s19+$0x0] =	vst.idx.add.f32.msk $0xffff, v5  }
0x466: {  	v21 =	vor.u32 $0x15, v6;
	v5 =	vld.idx.msk [tilespmem:v20+s29+$0x0], $0xffff  }
0x467: {  	v22 =	vor.u32 $0x816, v1;
	_ =	sdelay $0x3  }
0x468: {  	[tilespmem:v21+s19+$0x0] =	vst.idx.add.f32.msk $0xffff, v5  }
0x469: {  	v23 =	vor.u32 $0x16, v6;
	v5 =	vld.idx.msk [tilespmem:v22+s29+$0x0], $0xffff  }
0x46a: {  	v24 =	vor.u32 $0x817, v1;
	_ =	sdelay $0x3  }
0x46b: {  	[tilespmem:v23+s19+$0x0] =	vst.idx.add.f32.msk $0xffff, v5  }
0x46c: {  	v25 =	vor.u32 $0x17, v6;
	v5 =	vld.idx.msk [tilespmem:v24+s29+$0x0], $0xffff  }
0x46d: {  	v26 =	vor.u32 $0x818, v1;
	_ =	sdelay $0x3  }
0x46e: {  	[tilespmem:v25+s19+$0x0] =	vst.idx.add.f32.msk $0xffff, v5  }
0x46f: {  	v27 =	vor.u32 $0x18, v6;
	v5 =	vld.idx.msk [tilespmem:v26+s29+$0x0], $0xffff  }
0x470: {  	v28 =	vor.u32 $0x819, v1;
	_ =	sdelay $0x3  }
0x471: {  	[tilespmem:v27+s19+$0x0] =	vst.idx.add.f32.msk $0xffff, v5  }
0x472: {  	v29 =	vor.u32 $0x19, v6;
	v5 =	vld.idx.msk [tilespmem:v28+s29+$0x0], $0xffff  }
0x473: {  	v30 =	vor.u32 $0x81A, v1;
	_ =	sdelay $0x3  }
0x474: {  	[tilespmem:v29+s19+$0x0] =	vst.idx.add.f32.msk $0xffff, v5  }
0x475: {  	v31 =	vor.u32 $0x1A, v6;
	v5 =	vld.idx.msk [tilespmem:v30+s29+$0x0], $0xffff  }
0x476: {  	v32 =	vor.u32 $0x81B, v1;
	_ =	sdelay $0x3  }
0x477: {  	[tilespmem:v31+s19+$0x0] =	vst.idx.add.f32.msk $0xffff, v5  }
0x478: {  	v33 =	vor.u32 $0x1B, v6;
	v5 =	vld.idx.msk [tilespmem:v32+s29+$0x0], $0xffff  }
0x479: {  	v34 =	vor.u32 $0x81C, v1;
	_ =	sdelay $0x3  }
0x47a: {  	[tilespmem:v33+s19+$0x0] =	vst.idx.add.f32.msk $0xffff, v5  }
0x47b: {  	v35 =	vor.u32 $0x1C, v6;
	v5 =	vld.idx.msk [tilespmem:v34+s29+$0x0], $0xffff  }
0x47c: {  	v36 =	vor.u32 $0x81D, v1;
	_ =	sdelay $0x3  }
0x47d: {  	[tilespmem:v35+s19+$0x0] =	vst.idx.add.f32.msk $0xffff, v5  }
0x47e: {  	v37 =	vor.u32 $0x1D, v6;
	v5 =	vld.idx.msk [tilespmem:v36+s29+$0x0], $0xffff  }
0x47f: {  	v38 =	vor.u32 $0x81E, v1;
	_ =	sdelay $0x3  }
0x480: {  	[tilespmem:v37+s19+$0x0] =	vst.idx.add.f32.msk $0xffff, v5  }
0x481: {  	v6 =	vor.u32 $0x1E, v6;
	v5 =	vld.idx.msk [tilespmem:v38+s29+$0x0], $0xffff  }
0x482: {  	v39 =	vor.u32 $0x81F, v1;
	_ =	sdelay $0x3  }
0x483: {  	[tilespmem:v6+s19+$0x0] =	vst.idx.add.f32.msk $0xffff, v5  }
0x484: {  	v4 =	vor.u32 $0x1F, v4;
	v5 =	vld.idx.msk [tilespmem:v39+s29+$0x0], $0xffff;
	_ =	sdelay $0x4  }
0x485: {  	[tilespmem:v4+s19+$0x0] =	vst.idx.add.f32.msk $0xffff, v5  }
0x486: {  	v5 =	vor.u32 $0xA00, v1;
	v4 =	vld [tilespmem:s9+$0x10];
	_ =	sdelay $0x4  }
0x487: {  	v5 =	vld.idx.msk [tilespmem:v5+s29+$0x0], $0xffff;
	v6 =	vand.u32 $0xFFFFFFE0, v4  }
0x488: {  	v40 =	vor.u32 $0xA01, v1;
	_ =	sdelay $0x3  }
0x489: {  	[tilespmem:v6+s19+$0x0] =	vst.idx.add.f32.msk $0xffff, v5  }
0x48a: {  	v41 =	vor.u32 $0x1, v6;
	v5 =	vld.idx.msk [tilespmem:v40+s29+$0x0], $0xffff  }
0x48b: {  	v42 =	vor.u32 $0xA02, v1;
	_ =	sdelay $0x3  }
0x48c: {  	[tilespmem:v41+s19+$0x0] =	vst.idx.add.f32.msk $0xffff, v5  }
0x48d: {  	v43 =	vor.u32 $0x2, v6;
	v5 =	vld.idx.msk [tilespmem:v42+s29+$0x0], $0xffff  }
0x48e: {  	v44 =	vor.u32 $0xA03, v1;
	_ =	sdelay $0x3  }
0x48f: {  	[tilespmem:v43+s19+$0x0] =	vst.idx.add.f32.msk $0xffff, v5  }
0x490: {  	v45 =	vor.u32 $0x3, v6;
	v5 =	vld.idx.msk [tilespmem:v44+s29+$0x0], $0xffff  }
0x491: {  	v46 =	vor.u32 $0xA04, v1;
	_ =	sdelay $0x3  }
0x492: {  	[tilespmem:v45+s19+$0x0] =	vst.idx.add.f32.msk $0xffff, v5  }
0x493: {  	v47 =	vor.u32 $0x4, v6;
	v5 =	vld.idx.msk [tilespmem:v46+s29+$0x0], $0xffff  }
0x494: {  	v48 =	vor.u32 $0xA05, v1;
	_ =	sdelay $0x3  }
0x495: {  	[tilespmem:v47+s19+$0x0] =	vst.idx.add.f32.msk $0xffff, v5  }
0x496: {  	v49 =	vor.u32 $0x5, v6;
	v5 =	vld.idx.msk [tilespmem:v48+s29+$0x0], $0xffff  }
0x497: {  	v50 =	vor.u32 $0xA06, v1;
	_ =	sdelay $0x3  }
0x498: {  	[tilespmem:v49+s19+$0x0] =	vst.idx.add.f32.msk $0xffff, v5  }
0x499: {  	v51 =	vor.u32 $0x6, v6;
	v5 =	vld.idx.msk [tilespmem:v50+s29+$0x0], $0xffff  }
0x49a: {  	v52 =	vor.u32 $0xA07, v1;
	_ =	sdelay $0x3  }
0x49b: {  	[tilespmem:v51+s19+$0x0] =	vst.idx.add.f32.msk $0xffff, v5  }
0x49c: {  	v53 =	vor.u32 $0x7, v6;
	v5 =	vld.idx.msk [tilespmem:v52+s29+$0x0], $0xffff  }
0x49d: {  	v54 =	vor.u32 $0xA08, v1;
	_ =	sdelay $0x3  }
0x49e: {  	[tilespmem:v53+s19+$0x0] =	vst.idx.add.f32.msk $0xffff, v5  }
0x49f: {  	v55 =	vor.u32 $0x8, v6;
	v5 =	vld.idx.msk [tilespmem:v54+s29+$0x0], $0xffff  }
0x4a0: {  	v56 =	vor.u32 $0xA09, v1;
	_ =	sdelay $0x3  }
0x4a1: {  	[tilespmem:v55+s19+$0x0] =	vst.idx.add.f32.msk $0xffff, v5  }
0x4a2: {  	v57 =	vor.u32 $0x9, v6;
	v5 =	vld.idx.msk [tilespmem:v56+s29+$0x0], $0xffff  }
0x4a3: {  	v58 =	vor.u32 $0xA0A, v1;
	_ =	sdelay $0x3  }
0x4a4: {  	[tilespmem:v57+s19+$0x0] =	vst.idx.add.f32.msk $0xffff, v5  }
0x4a5: {  	v59 =	vor.u32 $0xA, v6;
	v5 =	vld.idx.msk [tilespmem:v58+s29+$0x0], $0xffff  }
0x4a6: {  	v60 =	vor.u32 $0xA0B, v1;
	_ =	sdelay $0x3  }
0x4a7: {  	[tilespmem:v59+s19+$0x0] =	vst.idx.add.f32.msk $0xffff, v5  }
0x4a8: {  	v61 =	vor.u32 $0xB, v6;
	v5 =	vld.idx.msk [tilespmem:v60+s29+$0x0], $0xffff  }
0x4a9: {  	v62 =	vor.u32 $0xA0C, v1;
	_ =	sdelay $0x3  }
0x4aa: {  	[tilespmem:v61+s19+$0x0] =	vst.idx.add.f32.msk $0xffff, v5  }
0x4ab: {  	v63 =	vor.u32 $0xC, v6;
	v5 =	vld.idx.msk [tilespmem:v62+s29+$0x0], $0xffff  }
0x4ac: {  	v12 =	vor.u32 $0xA0D, v1;
	_ =	sdelay $0x3  }
0x4ad: {  	[tilespmem:v63+s19+$0x0] =	vst.idx.add.f32.msk $0xffff, v5  }
0x4ae: {  	v13 =	vor.u32 $0xD, v6;
	v5 =	vld.idx.msk [tilespmem:v12+s29+$0x0], $0xffff  }
0x4af: {  	v14 =	vor.u32 $0xA0E, v1;
	_ =	sdelay $0x3  }
0x4b0: {  	[tilespmem:v13+s19+$0x0] =	vst.idx.add.f32.msk $0xffff, v5  }
0x4b1: {  	v15 =	vor.u32 $0xE, v6;
	v5 =	vld.idx.msk [tilespmem:v14+s29+$0x0], $0xffff  }
0x4b2: {  	v16 =	vor.u32 $0xA0F, v1;
	_ =	sdelay $0x3  }
0x4b3: {  	[tilespmem:v15+s19+$0x0] =	vst.idx.add.f32.msk $0xffff, v5  }
0x4b4: {  	v17 =	vor.u32 $0xF, v6;
	v5 =	vld.idx.msk [tilespmem:v16+s29+$0x0], $0xffff  }
0x4b5: {  	v18 =	vor.u32 $0xA10, v1;
	_ =	sdelay $0x3  }
0x4b6: {  	[tilespmem:v17+s19+$0x0] =	vst.idx.add.f32.msk $0xffff, v5  }
0x4b7: {  	v19 =	vor.u32 $0x10, v6;
	v5 =	vld.idx.msk [tilespmem:v18+s29+$0x0], $0xffff  }
0x4b8: {  	v20 =	vor.u32 $0xA11, v1;
	_ =	sdelay $0x3  }
0x4b9: {  	[tilespmem:v19+s19+$0x0] =	vst.idx.add.f32.msk $0xffff, v5  }
0x4ba: {  	v21 =	vor.u32 $0x11, v6;
	v5 =	vld.idx.msk [tilespmem:v20+s29+$0x0], $0xffff  }
0x4bb: {  	v22 =	vor.u32 $0xA12, v1;
	_ =	sdelay $0x3  }
0x4bc: {  	[tilespmem:v21+s19+$0x0] =	vst.idx.add.f32.msk $0xffff, v5  }
0x4bd: {  	v23 =	vor.u32 $0x12, v6;
	v5 =	vld.idx.msk [tilespmem:v22+s29+$0x0], $0xffff  }
0x4be: {  	v24 =	vor.u32 $0xA13, v1;
	_ =	sdelay $0x3  }
0x4bf: {  	[tilespmem:v23+s19+$0x0] =	vst.idx.add.f32.msk $0xffff, v5  }
0x4c0: {  	v25 =	vor.u32 $0x13, v6;
	v5 =	vld.idx.msk [tilespmem:v24+s29+$0x0], $0xffff  }
0x4c1: {  	v26 =	vor.u32 $0xA14, v1;
	_ =	sdelay $0x3  }
0x4c2: {  	[tilespmem:v25+s19+$0x0] =	vst.idx.add.f32.msk $0xffff, v5  }
0x4c3: {  	v27 =	vor.u32 $0x14, v6;
	v5 =	vld.idx.msk [tilespmem:v26+s29+$0x0], $0xffff  }
0x4c4: {  	v28 =	vor.u32 $0xA15, v1;
	_ =	sdelay $0x3  }
0x4c5: {  	[tilespmem:v27+s19+$0x0] =	vst.idx.add.f32.msk $0xffff, v5  }
0x4c6: {  	v29 =	vor.u32 $0x15, v6;
	v5 =	vld.idx.msk [tilespmem:v28+s29+$0x0], $0xffff  }
0x4c7: {  	v30 =	vor.u32 $0xA16, v1;
	_ =	sdelay $0x3  }
0x4c8: {  	[tilespmem:v29+s19+$0x0] =	vst.idx.add.f32.msk $0xffff, v5  }
0x4c9: {  	v31 =	vor.u32 $0x16, v6;
	v5 =	vld.idx.msk [tilespmem:v30+s29+$0x0], $0xffff  }
0x4ca: {  	v32 =	vor.u32 $0xA17, v1;
	_ =	sdelay $0x3  }
0x4cb: {  	[tilespmem:v31+s19+$0x0] =	vst.idx.add.f32.msk $0xffff, v5  }
0x4cc: {  	v33 =	vor.u32 $0x17, v6;
	v5 =	vld.idx.msk [tilespmem:v32+s29+$0x0], $0xffff  }
0x4cd: {  	v34 =	vor.u32 $0xA18, v1;
	_ =	sdelay $0x3  }
0x4ce: {  	[tilespmem:v33+s19+$0x0] =	vst.idx.add.f32.msk $0xffff, v5  }
0x4cf: {  	v35 =	vor.u32 $0x18, v6;
	v5 =	vld.idx.msk [tilespmem:v34+s29+$0x0], $0xffff  }
0x4d0: {  	v36 =	vor.u32 $0xA19, v1;
	_ =	sdelay $0x3  }
0x4d1: {  	[tilespmem:v35+s19+$0x0] =	vst.idx.add.f32.msk $0xffff, v5  }
0x4d2: {  	v37 =	vor.u32 $0x19, v6;
	v5 =	vld.idx.msk [tilespmem:v36+s29+$0x0], $0xffff  }
0x4d3: {  	v38 =	vor.u32 $0xA1A, v1;
	_ =	sdelay $0x3  }
0x4d4: {  	[tilespmem:v37+s19+$0x0] =	vst.idx.add.f32.msk $0xffff, v5  }
0x4d5: {  	v39 =	vor.u32 $0x1A, v6;
	v5 =	vld.idx.msk [tilespmem:v38+s29+$0x0], $0xffff  }
0x4d6: {  	v40 =	vor.u32 $0xA1B, v1;
	_ =	sdelay $0x3  }
0x4d7: {  	[tilespmem:v39+s19+$0x0] =	vst.idx.add.f32.msk $0xffff, v5  }
0x4d8: {  	v41 =	vor.u32 $0x1B, v6;
	v5 =	vld.idx.msk [tilespmem:v40+s29+$0x0], $0xffff  }
0x4d9: {  	v42 =	vor.u32 $0xA1C, v1;
	_ =	sdelay $0x3  }
0x4da: {  	[tilespmem:v41+s19+$0x0] =	vst.idx.add.f32.msk $0xffff, v5  }
0x4db: {  	v43 =	vor.u32 $0x1C, v6;
	v5 =	vld.idx.msk [tilespmem:v42+s29+$0x0], $0xffff  }
0x4dc: {  	v44 =	vor.u32 $0xA1D, v1;
	_ =	sdelay $0x3  }
0x4dd: {  	[tilespmem:v43+s19+$0x0] =	vst.idx.add.f32.msk $0xffff, v5  }
0x4de: {  	v45 =	vor.u32 $0x1D, v6;
	v5 =	vld.idx.msk [tilespmem:v44+s29+$0x0], $0xffff  }
0x4df: {  	v46 =	vor.u32 $0xA1E, v1;
	_ =	sdelay $0x3  }
0x4e0: {  	[tilespmem:v45+s19+$0x0] =	vst.idx.add.f32.msk $0xffff, v5  }
0x4e1: {  	v6 =	vor.u32 $0x1E, v6;
	v5 =	vld.idx.msk [tilespmem:v46+s29+$0x0], $0xffff  }
0x4e2: {  	v47 =	vor.u32 $0xA1F, v1;
	_ =	sdelay $0x3  }
0x4e3: {  	[tilespmem:v6+s19+$0x0] =	vst.idx.add.f32.msk $0xffff, v5  }
0x4e4: {  	v4 =	vor.u32 $0x1F, v4;
	v5 =	vld.idx.msk [tilespmem:v47+s29+$0x0], $0xffff;
	_ =	sdelay $0x4  }
0x4e5: {  	[tilespmem:v4+s19+$0x0] =	vst.idx.add.f32.msk $0xffff, v5  }
0x4e6: {  	v5 =	vor.u32 $0xC00, v1;
	v4 =	vld [tilespmem:s9+$0x20];
	_ =	sdelay $0x4  }
0x4e7: {  	v5 =	vld.idx.msk [tilespmem:v5+s29+$0x0], $0xffff;
	v6 =	vand.u32 $0xFFFFFFE0, v4  }
0x4e8: {  	v48 =	vor.u32 $0xC01, v1;
	_ =	sdelay $0x3  }
0x4e9: {  	[tilespmem:v6+s19+$0x0] =	vst.idx.add.f32.msk $0xffff, v5  }
0x4ea: {  	v49 =	vor.u32 $0x1, v6;
	v5 =	vld.idx.msk [tilespmem:v48+s29+$0x0], $0xffff  }
0x4eb: {  	v50 =	vor.u32 $0xC02, v1;
	_ =	sdelay $0x3  }
0x4ec: {  	[tilespmem:v49+s19+$0x0] =	vst.idx.add.f32.msk $0xffff, v5  }
0x4ed: {  	v51 =	vor.u32 $0x2, v6;
	v5 =	vld.idx.msk [tilespmem:v50+s29+$0x0], $0xffff  }
0x4ee: {  	v52 =	vor.u32 $0xC03, v1;
	_ =	sdelay $0x3  }
0x4ef: {  	[tilespmem:v51+s19+$0x0] =	vst.idx.add.f32.msk $0xffff, v5  }
0x4f0: {  	v53 =	vor.u32 $0x3, v6;
	v5 =	vld.idx.msk [tilespmem:v52+s29+$0x0], $0xffff  }
0x4f1: {  	v54 =	vor.u32 $0xC04, v1;
	_ =	sdelay $0x3  }
0x4f2: {  	[tilespmem:v53+s19+$0x0] =	vst.idx.add.f32.msk $0xffff, v5  }
0x4f3: {  	v55 =	vor.u32 $0x4, v6;
	v5 =	vld.idx.msk [tilespmem:v54+s29+$0x0], $0xffff  }
0x4f4: {  	v56 =	vor.u32 $0xC05, v1;
	_ =	sdelay $0x3  }
0x4f5: {  	[tilespmem:v55+s19+$0x0] =	vst.idx.add.f32.msk $0xffff, v5  }
0x4f6: {  	v57 =	vor.u32 $0x5, v6;
	v5 =	vld.idx.msk [tilespmem:v56+s29+$0x0], $0xffff  }
0x4f7: {  	v58 =	vor.u32 $0xC06, v1;
	_ =	sdelay $0x3  }
0x4f8: {  	[tilespmem:v57+s19+$0x0] =	vst.idx.add.f32.msk $0xffff, v5  }
0x4f9: {  	v59 =	vor.u32 $0x6, v6;
	v5 =	vld.idx.msk [tilespmem:v58+s29+$0x0], $0xffff  }
0x4fa: {  	v60 =	vor.u32 $0xC07, v1;
	_ =	sdelay $0x3  }
0x4fb: {  	[tilespmem:v59+s19+$0x0] =	vst.idx.add.f32.msk $0xffff, v5  }
0x4fc: {  	v61 =	vor.u32 $0x7, v6;
	v5 =	vld.idx.msk [tilespmem:v60+s29+$0x0], $0xffff  }
0x4fd: {  	v62 =	vor.u32 $0xC08, v1;
	_ =	sdelay $0x3  }
0x4fe: {  	[tilespmem:v61+s19+$0x0] =	vst.idx.add.f32.msk $0xffff, v5  }
0x4ff: {  	v63 =	vor.u32 $0x8, v6;
	v5 =	vld.idx.msk [tilespmem:v62+s29+$0x0], $0xffff  }
0x500: {  	v12 =	vor.u32 $0xC09, v1;
	_ =	sdelay $0x3  }
0x501: {  	[tilespmem:v63+s19+$0x0] =	vst.idx.add.f32.msk $0xffff, v5  }
0x502: {  	v13 =	vor.u32 $0x9, v6;
	v5 =	vld.idx.msk [tilespmem:v12+s29+$0x0], $0xffff  }
0x503: {  	v14 =	vor.u32 $0xC0A, v1;
	_ =	sdelay $0x3  }
0x504: {  	[tilespmem:v13+s19+$0x0] =	vst.idx.add.f32.msk $0xffff, v5  }
0x505: {  	v15 =	vor.u32 $0xA, v6;
	v5 =	vld.idx.msk [tilespmem:v14+s29+$0x0], $0xffff  }
0x506: {  	v16 =	vor.u32 $0xC0B, v1;
	_ =	sdelay $0x3  }
0x507: {  	[tilespmem:v15+s19+$0x0] =	vst.idx.add.f32.msk $0xffff, v5  }
0x508: {  	v17 =	vor.u32 $0xB, v6;
	v5 =	vld.idx.msk [tilespmem:v16+s29+$0x0], $0xffff  }
0x509: {  	v18 =	vor.u32 $0xC0C, v1;
	_ =	sdelay $0x3  }
0x50a: {  	[tilespmem:v17+s19+$0x0] =	vst.idx.add.f32.msk $0xffff, v5  }
0x50b: {  	v19 =	vor.u32 $0xC, v6;
	v5 =	vld.idx.msk [tilespmem:v18+s29+$0x0], $0xffff  }
0x50c: {  	v20 =	vor.u32 $0xC0D, v1;
	_ =	sdelay $0x3  }
0x50d: {  	[tilespmem:v19+s19+$0x0] =	vst.idx.add.f32.msk $0xffff, v5  }
0x50e: {  	v21 =	vor.u32 $0xD, v6;
	v5 =	vld.idx.msk [tilespmem:v20+s29+$0x0], $0xffff  }
0x50f: {  	v22 =	vor.u32 $0xC0E, v1;
	_ =	sdelay $0x3  }
0x510: {  	[tilespmem:v21+s19+$0x0] =	vst.idx.add.f32.msk $0xffff, v5  }
0x511: {  	v23 =	vor.u32 $0xE, v6;
	v5 =	vld.idx.msk [tilespmem:v22+s29+$0x0], $0xffff  }
0x512: {  	v24 =	vor.u32 $0xC0F, v1;
	_ =	sdelay $0x3  }
0x513: {  	[tilespmem:v23+s19+$0x0] =	vst.idx.add.f32.msk $0xffff, v5  }
0x514: {  	v25 =	vor.u32 $0xF, v6;
	v5 =	vld.idx.msk [tilespmem:v24+s29+$0x0], $0xffff  }
0x515: {  	v26 =	vor.u32 $0xC10, v1;
	_ =	sdelay $0x3  }
0x516: {  	[tilespmem:v25+s19+$0x0] =	vst.idx.add.f32.msk $0xffff, v5  }
0x517: {  	v27 =	vor.u32 $0x10, v6;
	v5 =	vld.idx.msk [tilespmem:v26+s29+$0x0], $0xffff  }
0x518: {  	v28 =	vor.u32 $0xC11, v1;
	_ =	sdelay $0x3  }
0x519: {  	[tilespmem:v27+s19+$0x0] =	vst.idx.add.f32.msk $0xffff, v5  }
0x51a: {  	v29 =	vor.u32 $0x11, v6;
	v5 =	vld.idx.msk [tilespmem:v28+s29+$0x0], $0xffff  }
0x51b: {  	v30 =	vor.u32 $0xC12, v1;
	_ =	sdelay $0x3  }
0x51c: {  	[tilespmem:v29+s19+$0x0] =	vst.idx.add.f32.msk $0xffff, v5  }
0x51d: {  	v31 =	vor.u32 $0x12, v6;
	v5 =	vld.idx.msk [tilespmem:v30+s29+$0x0], $0xffff  }
0x51e: {  	v32 =	vor.u32 $0xC13, v1;
	_ =	sdelay $0x3  }
0x51f: {  	[tilespmem:v31+s19+$0x0] =	vst.idx.add.f32.msk $0xffff, v5  }
0x520: {  	v33 =	vor.u32 $0x13, v6;
	v5 =	vld.idx.msk [tilespmem:v32+s29+$0x0], $0xffff  }
0x521: {  	v34 =	vor.u32 $0xC14, v1;
	_ =	sdelay $0x3  }
0x522: {  	[tilespmem:v33+s19+$0x0] =	vst.idx.add.f32.msk $0xffff, v5  }
0x523: {  	v35 =	vor.u32 $0x14, v6;
	v5 =	vld.idx.msk [tilespmem:v34+s29+$0x0], $0xffff  }
0x524: {  	v36 =	vor.u32 $0xC15, v1;
	_ =	sdelay $0x3  }
0x525: {  	[tilespmem:v35+s19+$0x0] =	vst.idx.add.f32.msk $0xffff, v5  }
0x526: {  	v37 =	vor.u32 $0x15, v6;
	v5 =	vld.idx.msk [tilespmem:v36+s29+$0x0], $0xffff  }
0x527: {  	v38 =	vor.u32 $0xC16, v1;
	_ =	sdelay $0x3  }
0x528: {  	[tilespmem:v37+s19+$0x0] =	vst.idx.add.f32.msk $0xffff, v5  }
0x529: {  	v39 =	vor.u32 $0x16, v6;
	v5 =	vld.idx.msk [tilespmem:v38+s29+$0x0], $0xffff  }
0x52a: {  	v40 =	vor.u32 $0xC17, v1;
	_ =	sdelay $0x3  }
0x52b: {  	[tilespmem:v39+s19+$0x0] =	vst.idx.add.f32.msk $0xffff, v5  }
0x52c: {  	v41 =	vor.u32 $0x17, v6;
	v5 =	vld.idx.msk [tilespmem:v40+s29+$0x0], $0xffff  }
0x52d: {  	v42 =	vor.u32 $0xC18, v1;
	_ =	sdelay $0x3  }
0x52e: {  	[tilespmem:v41+s19+$0x0] =	vst.idx.add.f32.msk $0xffff, v5  }
0x52f: {  	v43 =	vor.u32 $0x18, v6;
	v5 =	vld.idx.msk [tilespmem:v42+s29+$0x0], $0xffff  }
0x530: {  	v44 =	vor.u32 $0xC19, v1;
	_ =	sdelay $0x3  }
0x531: {  	[tilespmem:v43+s19+$0x0] =	vst.idx.add.f32.msk $0xffff, v5  }
0x532: {  	v45 =	vor.u32 $0x19, v6;
	v5 =	vld.idx.msk [tilespmem:v44+s29+$0x0], $0xffff  }
0x533: {  	v46 =	vor.u32 $0xC1A, v1;
	_ =	sdelay $0x3  }
0x534: {  	[tilespmem:v45+s19+$0x0] =	vst.idx.add.f32.msk $0xffff, v5  }
0x535: {  	v47 =	vor.u32 $0x1A, v6;
	v5 =	vld.idx.msk [tilespmem:v46+s29+$0x0], $0xffff  }
0x536: {  	v48 =	vor.u32 $0xC1B, v1;
	_ =	sdelay $0x3  }
0x537: {  	[tilespmem:v47+s19+$0x0] =	vst.idx.add.f32.msk $0xffff, v5  }
0x538: {  	v49 =	vor.u32 $0x1B, v6;
	v5 =	vld.idx.msk [tilespmem:v48+s29+$0x0], $0xffff  }
0x539: {  	v50 =	vor.u32 $0xC1C, v1;
	_ =	sdelay $0x3  }
0x53a: {  	[tilespmem:v49+s19+$0x0] =	vst.idx.add.f32.msk $0xffff, v5  }
0x53b: {  	v51 =	vor.u32 $0x1C, v6;
	v5 =	vld.idx.msk [tilespmem:v50+s29+$0x0], $0xffff  }
0x53c: {  	v52 =	vor.u32 $0xC1D, v1;
	_ =	sdelay $0x3  }
0x53d: {  	[tilespmem:v51+s19+$0x0] =	vst.idx.add.f32.msk $0xffff, v5  }
0x53e: {  	v53 =	vor.u32 $0x1D, v6;
	v5 =	vld.idx.msk [tilespmem:v52+s29+$0x0], $0xffff  }
0x53f: {  	v54 =	vor.u32 $0xC1E, v1;
	_ =	sdelay $0x3  }
0x540: {  	[tilespmem:v53+s19+$0x0] =	vst.idx.add.f32.msk $0xffff, v5  }
0x541: {  	v6 =	vor.u32 $0x1E, v6;
	v5 =	vld.idx.msk [tilespmem:v54+s29+$0x0], $0xffff  }
0x542: {  	v55 =	vor.u32 $0xC1F, v1;
	_ =	sdelay $0x3  }
0x543: {  	[tilespmem:v6+s19+$0x0] =	vst.idx.add.f32.msk $0xffff, v5  }
0x544: {  	v4 =	vor.u32 $0x1F, v4;
	v5 =	vld.idx.msk [tilespmem:v55+s29+$0x0], $0xffff;
	_ =	sdelay $0x4  }
0x545: {  	[tilespmem:v4+s19+$0x0] =	vst.idx.add.f32.msk $0xffff, v5  }
0x546: {  	v5 =	vor.u32 $0xE00, v1;
	v4 =	vld [tilespmem:s9+$0x30];
	_ =	sdelay $0x4  }
0x547: {  	v5 =	vld.idx.msk [tilespmem:v5+s29+$0x0], $0xffff;
	v6 =	vand.u32 $0xFFFFFFE0, v4  }
0x548: {  	v56 =	vor.u32 $0xE01, v1;
	_ =	sdelay $0x3  }
0x549: {  	[tilespmem:v6+s19+$0x0] =	vst.idx.add.f32.msk $0xffff, v5  }
0x54a: {  	v57 =	vor.u32 $0x1, v6;
	v5 =	vld.idx.msk [tilespmem:v56+s29+$0x0], $0xffff  }
0x54b: {  	v58 =	vor.u32 $0xE02, v1;
	_ =	sdelay $0x3  }
0x54c: {  	[tilespmem:v57+s19+$0x0] =	vst.idx.add.f32.msk $0xffff, v5  }
0x54d: {  	v59 =	vor.u32 $0x2, v6;
	v5 =	vld.idx.msk [tilespmem:v58+s29+$0x0], $0xffff  }
0x54e: {  	v60 =	vor.u32 $0xE03, v1;
	_ =	sdelay $0x3  }
0x54f: {  	[tilespmem:v59+s19+$0x0] =	vst.idx.add.f32.msk $0xffff, v5  }
0x550: {  	v61 =	vor.u32 $0x3, v6;
	v5 =	vld.idx.msk [tilespmem:v60+s29+$0x0], $0xffff  }
0x551: {  	v62 =	vor.u32 $0xE04, v1;
	_ =	sdelay $0x3  }
0x552: {  	[tilespmem:v61+s19+$0x0] =	vst.idx.add.f32.msk $0xffff, v5  }
0x553: {  	v63 =	vor.u32 $0x4, v6;
	v5 =	vld.idx.msk [tilespmem:v62+s29+$0x0], $0xffff  }
0x554: {  	v12 =	vor.u32 $0xE05, v1;
	_ =	sdelay $0x3  }
0x555: {  	[tilespmem:v63+s19+$0x0] =	vst.idx.add.f32.msk $0xffff, v5  }
0x556: {  	v13 =	vor.u32 $0x5, v6;
	v5 =	vld.idx.msk [tilespmem:v12+s29+$0x0], $0xffff  }
0x557: {  	v14 =	vor.u32 $0xE06, v1;
	_ =	sdelay $0x3  }
0x558: {  	[tilespmem:v13+s19+$0x0] =	vst.idx.add.f32.msk $0xffff, v5  }
0x559: {  	v15 =	vor.u32 $0x6, v6;
	v5 =	vld.idx.msk [tilespmem:v14+s29+$0x0], $0xffff  }
0x55a: {  	v16 =	vor.u32 $0xE07, v1;
	_ =	sdelay $0x3  }
0x55b: {  	[tilespmem:v15+s19+$0x0] =	vst.idx.add.f32.msk $0xffff, v5  }
0x55c: {  	v17 =	vor.u32 $0x7, v6;
	v5 =	vld.idx.msk [tilespmem:v16+s29+$0x0], $0xffff  }
0x55d: {  	v18 =	vor.u32 $0xE08, v1;
	_ =	sdelay $0x3  }
0x55e: {  	[tilespmem:v17+s19+$0x0] =	vst.idx.add.f32.msk $0xffff, v5  }
0x55f: {  	v19 =	vor.u32 $0x8, v6;
	v5 =	vld.idx.msk [tilespmem:v18+s29+$0x0], $0xffff  }
0x560: {  	v20 =	vor.u32 $0xE09, v1;
	_ =	sdelay $0x3  }
0x561: {  	[tilespmem:v19+s19+$0x0] =	vst.idx.add.f32.msk $0xffff, v5  }
0x562: {  	v21 =	vor.u32 $0x9, v6;
	v5 =	vld.idx.msk [tilespmem:v20+s29+$0x0], $0xffff  }
0x563: {  	v22 =	vor.u32 $0xE0A, v1;
	_ =	sdelay $0x3  }
0x564: {  	[tilespmem:v21+s19+$0x0] =	vst.idx.add.f32.msk $0xffff, v5  }
0x565: {  	v23 =	vor.u32 $0xA, v6;
	v5 =	vld.idx.msk [tilespmem:v22+s29+$0x0], $0xffff  }
0x566: {  	v24 =	vor.u32 $0xE0B, v1;
	_ =	sdelay $0x3  }
0x567: {  	[tilespmem:v23+s19+$0x0] =	vst.idx.add.f32.msk $0xffff, v5  }
0x568: {  	v25 =	vor.u32 $0xB, v6;
	v5 =	vld.idx.msk [tilespmem:v24+s29+$0x0], $0xffff  }
0x569: {  	v26 =	vor.u32 $0xE0C, v1;
	_ =	sdelay $0x3  }
0x56a: {  	[tilespmem:v25+s19+$0x0] =	vst.idx.add.f32.msk $0xffff, v5  }
0x56b: {  	v27 =	vor.u32 $0xC, v6;
	v5 =	vld.idx.msk [tilespmem:v26+s29+$0x0], $0xffff  }
0x56c: {  	v28 =	vor.u32 $0xE0D, v1;
	_ =	sdelay $0x3  }
0x56d: {  	[tilespmem:v27+s19+$0x0] =	vst.idx.add.f32.msk $0xffff, v5  }
0x56e: {  	v29 =	vor.u32 $0xD, v6;
	v5 =	vld.idx.msk [tilespmem:v28+s29+$0x0], $0xffff  }
0x56f: {  	v30 =	vor.u32 $0xE0E, v1;
	_ =	sdelay $0x3  }
0x570: {  	[tilespmem:v29+s19+$0x0] =	vst.idx.add.f32.msk $0xffff, v5  }
0x571: {  	v31 =	vor.u32 $0xE, v6;
	v5 =	vld.idx.msk [tilespmem:v30+s29+$0x0], $0xffff  }
0x572: {  	v32 =	vor.u32 $0xE0F, v1;
	_ =	sdelay $0x3  }
0x573: {  	[tilespmem:v31+s19+$0x0] =	vst.idx.add.f32.msk $0xffff, v5  }
0x574: {  	v33 =	vor.u32 $0xF, v6;
	v5 =	vld.idx.msk [tilespmem:v32+s29+$0x0], $0xffff  }
0x575: {  	v34 =	vor.u32 $0xE10, v1;
	_ =	sdelay $0x3  }
0x576: {  	[tilespmem:v33+s19+$0x0] =	vst.idx.add.f32.msk $0xffff, v5  }
0x577: {  	v35 =	vor.u32 $0x10, v6;
	v5 =	vld.idx.msk [tilespmem:v34+s29+$0x0], $0xffff  }
0x578: {  	v36 =	vor.u32 $0xE11, v1;
	_ =	sdelay $0x3  }
0x579: {  	[tilespmem:v35+s19+$0x0] =	vst.idx.add.f32.msk $0xffff, v5  }
0x57a: {  	v37 =	vor.u32 $0x11, v6;
	v5 =	vld.idx.msk [tilespmem:v36+s29+$0x0], $0xffff  }
0x57b: {  	v38 =	vor.u32 $0xE12, v1;
	_ =	sdelay $0x3  }
0x57c: {  	[tilespmem:v37+s19+$0x0] =	vst.idx.add.f32.msk $0xffff, v5  }
0x57d: {  	v39 =	vor.u32 $0x12, v6;
	v5 =	vld.idx.msk [tilespmem:v38+s29+$0x0], $0xffff  }
0x57e: {  	v40 =	vor.u32 $0xE13, v1;
	_ =	sdelay $0x3  }
0x57f: {  	[tilespmem:v39+s19+$0x0] =	vst.idx.add.f32.msk $0xffff, v5  }
0x580: {  	v41 =	vor.u32 $0x13, v6;
	v5 =	vld.idx.msk [tilespmem:v40+s29+$0x0], $0xffff  }
0x581: {  	v42 =	vor.u32 $0xE14, v1;
	_ =	sdelay $0x3  }
0x582: {  	[tilespmem:v41+s19+$0x0] =	vst.idx.add.f32.msk $0xffff, v5  }
0x583: {  	v43 =	vor.u32 $0x14, v6;
	v5 =	vld.idx.msk [tilespmem:v42+s29+$0x0], $0xffff  }
0x584: {  	v44 =	vor.u32 $0xE15, v1;
	_ =	sdelay $0x3  }
0x585: {  	[tilespmem:v43+s19+$0x0] =	vst.idx.add.f32.msk $0xffff, v5  }
0x586: {  	v45 =	vor.u32 $0x15, v6;
	v5 =	vld.idx.msk [tilespmem:v44+s29+$0x0], $0xffff  }
0x587: {  	v46 =	vor.u32 $0xE16, v1;
	_ =	sdelay $0x3  }
0x588: {  	[tilespmem:v45+s19+$0x0] =	vst.idx.add.f32.msk $0xffff, v5  }
0x589: {  	v47 =	vor.u32 $0x16, v6;
	v5 =	vld.idx.msk [tilespmem:v46+s29+$0x0], $0xffff  }
0x58a: {  	v48 =	vor.u32 $0xE17, v1;
	_ =	sdelay $0x3  }
0x58b: {  	[tilespmem:v47+s19+$0x0] =	vst.idx.add.f32.msk $0xffff, v5  }
0x58c: {  	v49 =	vor.u32 $0x17, v6;
	v5 =	vld.idx.msk [tilespmem:v48+s29+$0x0], $0xffff  }
0x58d: {  	v50 =	vor.u32 $0xE18, v1;
	_ =	sdelay $0x3  }
0x58e: {  	[tilespmem:v49+s19+$0x0] =	vst.idx.add.f32.msk $0xffff, v5  }
0x58f: {  	v51 =	vor.u32 $0x18, v6;
	v5 =	vld.idx.msk [tilespmem:v50+s29+$0x0], $0xffff  }
0x590: {  	v52 =	vor.u32 $0xE19, v1;
	_ =	sdelay $0x3  }
0x591: {  	[tilespmem:v51+s19+$0x0] =	vst.idx.add.f32.msk $0xffff, v5  }
0x592: {  	v53 =	vor.u32 $0x19, v6;
	v5 =	vld.idx.msk [tilespmem:v52+s29+$0x0], $0xffff  }
0x593: {  	v54 =	vor.u32 $0xE1A, v1;
	_ =	sdelay $0x3  }
0x594: {  	[tilespmem:v53+s19+$0x0] =	vst.idx.add.f32.msk $0xffff, v5  }
0x595: {  	v55 =	vor.u32 $0x1A, v6;
	v5 =	vld.idx.msk [tilespmem:v54+s29+$0x0], $0xffff  }
0x596: {  	v56 =	vor.u32 $0xE1B, v1;
	_ =	sdelay $0x3  }
0x597: {  	[tilespmem:v55+s19+$0x0] =	vst.idx.add.f32.msk $0xffff, v5  }
0x598: {  	v57 =	vor.u32 $0x1B, v6;
	v5 =	vld.idx.msk [tilespmem:v56+s29+$0x0], $0xffff  }
0x599: {  	v58 =	vor.u32 $0xE1C, v1;
	_ =	sdelay $0x3  }
0x59a: {  	[tilespmem:v57+s19+$0x0] =	vst.idx.add.f32.msk $0xffff, v5  }
0x59b: {  	v59 =	vor.u32 $0x1C, v6;
	v5 =	vld.idx.msk [tilespmem:v58+s29+$0x0], $0xffff  }
0x59c: {  	v60 =	vor.u32 $0xE1D, v1;
	_ =	sdelay $0x3  }
0x59d: {  	[tilespmem:v59+s19+$0x0] =	vst.idx.add.f32.msk $0xffff, v5  }
0x59e: {  	v61 =	vor.u32 $0x1D, v6;
	v5 =	vld.idx.msk [tilespmem:v60+s29+$0x0], $0xffff  }
0x59f: {  	v62 =	vor.u32 $0xE1E, v1;
	_ =	sdelay $0x3  }
0x5a0: {  	[tilespmem:v61+s19+$0x0] =	vst.idx.add.f32.msk $0xffff, v5  }
0x5a1: {  	v6 =	vor.u32 $0x1E, v6;
	v5 =	vld.idx.msk [tilespmem:v62+s29+$0x0], $0xffff  }
0x5a2: {  	v63 =	vor.u32 $0xE1F, v1;
	_ =	sdelay $0x3  }
0x5a3: {  	[tilespmem:v6+s19+$0x0] =	vst.idx.add.f32.msk $0xffff, v5  }
0x5a4: {  	v4 =	vor.u32 $0x1F, v4;
	v5 =	vld.idx.msk [tilespmem:v63+s29+$0x0], $0xffff  }
.Ltmp9:
0x5a5: {  	_ = 	snop;
	(pc) =	sbr.rel .LBB2_9-.Ltmp9, $2  }
0x5a6: {  	_ =	sdelay $0x2  }
0x5a7: {  	[tilespmem:v4+s19+$0x0] =	vst.idx.add.f32.msk $0xffff, v5  }
.LBB2_12:
0x5a8: {  	_ =	sfence.sel $0x180000  }
0x5a9: {  	[bflag:$0x0] =	sbarrier.arrive $0xFFFF  }
0x5aa: {  	_ =	strace $0x9000004A  }
0x5ab: {  	s0 =	stileid.u32;
	[bflag:$0x2] =	sbarrier.arrive $0xFFFF  }
0x5ac: {  	p0 =	sne.s32 s0, $0x0;
	s0 =	rddreg [dreg:$0x2]  }
0x5ad: {  	s0 =	sadd.s32 @!p0 $0x100000, s0  }
0x5ae: {  	[sflag:s0] =	ssyncadd.tile.s32 @!p0 $0x1;
	_ =	shalt  }
.Lfunc_end2:
_tile_overlayer_lowered:
.L_overlay_start_2:
0x5af: {  	(tag) =	ssettag $0x2  }
0x5b0: {  	s0 =	rddreg [dreg:$0x0];
	s2 =	stileid.u32  }
0x5b1: {  	s1 =	rddreg [dreg:$0x1];
	p0 =	sne.s32 s2, $0x0  }
0x5b2: {  	s3 =	rddreg [dreg:$0x2];
	[bflag:$0x3] =	sbarrier.arrive $0xFFFF;
	s2 =	simm.s32 @!p0 $0x1C02  }
0x5b3: {  	[timem:s3], [sflag:s2] =	dma.local @!p0 [hbm:s0], s1  }
0x5b4: {  	s0 =	simm.s32 @!p0 $0x2  }
0x5b5: {  	_ =	swait.ge @!p0 [sflag:s0], s1  }
0x5b6: {  	s1 =	ssub.s32 @!p0 $0x0, s1;
	[sflag:s0] =	ssyncset.done @!p0 $0x0  }
0x5b7: {  	[sflag:s0] =	ssyncadd.s32 @!p0 s1  }
0x5b8: {  	[bflag:$0x3] =	sbarrier.arrive $0xFFFF  }
0x5b9: {  	_ =	shalt  }

</sc_bundles>
